<compile_context>
chip_gen: v7x
topology: tpu7x:2x2x1
jax: 0.10.2.dev20260603
libtpu: 0.0.44.dev20260713+nightly
codegen_flags: <defaults>
</compile_context>

<pallas_src>
import functools

import jax
import jax.numpy as jnp
from jax import lax
from jax.experimental import pallas as pl
from jax.experimental.pallas import tpu as pltpu
from jax.experimental.pallas import tpu_sc as plsc

_N = 10000
_E = 320000
_H = 128
_G = 64

_LANES = 128
_TILES = 32
_EPAD = 327680
_ROWS = _EPAD // _LANES
_RPT = _ROWS // _TILES
_PHASES = 2
_RPP = _RPT // _PHASES
_JUNK = 112
_NACC = _N + _JUNK
_ZROWS = _NACC // 16
_NDEG = 10240
_DPT = _NDEG // 16
_BN = 2000
_GRID = _N // _BN


def _nr_rsqrt(y):
  r = lax.rsqrt(y)
  r = 0.5 * r * (3.0 - y * r * r)
  return 0.5 * r * (3.0 - y * r * r)


def _nr_recip(y):
  r = _nr_rsqrt(y)
  return r * r

def _sc_mesh():
  return plsc.VectorSubcoreMesh(core_axis_name="c", subcore_axis_name="s")


def _deg_partials(dst2d, zeros1d):

  @functools.partial(
      pl.kernel,
      out_type=jax.ShapeDtypeStruct((2 * _NDEG,), jnp.float32),
      mesh=_sc_mesh(),
      scratch_types=[
          pltpu.VMEM((_RPT, _LANES), jnp.int32),
          pltpu.VMEM((_LANES,), jnp.float32),
          pltpu.VMEM_SHARED((_NDEG,), jnp.float32),
          pltpu.SemaphoreType.DMA,
      ],
  )
  def k(dst_hbm, z_hbm, out_hbm, idx_v, ones_v, deg_sh, sem):
    c = lax.axis_index("c")
    s = lax.axis_index("s")
    t = c * 16 + s
    pltpu.sync_copy(z_hbm, deg_sh.at[pl.ds(s * _DPT, _DPT)])
    for j in range(_LANES // 16):
      ones_v[pl.ds(j * 16, 16)] = jnp.full((16,), 1.0, jnp.float32)
    pltpu.sync_copy(dst_hbm.at[pl.ds(t * _RPT, _RPT)], idx_v)
    plsc.subcore_barrier()

    pltpu.async_copy(ones_v, deg_sh.at[idx_v.at[0]], sem, add=True)

    def body(g, carry):
      pltpu.async_copy(ones_v, deg_sh.at[idx_v.at[g + 1]], sem, add=True)
      pltpu.make_async_copy(ones_v, deg_sh.at[idx_v.at[g]], sem).wait()
      return carry

    lax.fori_loop(0, _RPT - 1, body, 0)
    pltpu.make_async_copy(ones_v, deg_sh.at[idx_v.at[_RPT - 1]], sem).wait()
    plsc.subcore_barrier()
    pltpu.sync_copy(
        deg_sh.at[pl.ds(s * _DPT, _DPT)],
        out_hbm.at[pl.ds(c * _NDEG + s * _DPT, _DPT)],
    )

  return k(dst2d, zeros1d)


def _msg_partials(h, src2d, dst2d, zeros2d):

  @functools.partial(
      pl.kernel,
      out_type=jax.ShapeDtypeStruct((2, _NACC, _H), jnp.float32),
      mesh=_sc_mesh(),
      scratch_types=[
          pltpu.VMEM((_RPP, _LANES), jnp.int32),
          pltpu.VMEM((_RPP, _LANES), jnp.int32),
          pltpu.VMEM((2, _LANES, _H), jnp.float32),
          pltpu.VMEM_SHARED((_NACC, _H), jnp.float32),
          pltpu.SemaphoreType.DMA,
          pltpu.SemaphoreType.DMA,
          pltpu.SemaphoreType.DMA,
      ],
  )
  def k(h_hbm, src_hbm, dst_hbm, z_hbm, out_hbm, src_v, dst_v, rows_v, acc_sh,
        sem0, sem1, semz):
    c = lax.axis_index("c")
    s = lax.axis_index("s")
    t = c * 16 + s
    zdesc = pltpu.async_copy(
        z_hbm.at[pl.ds(0, _ZROWS)], acc_sh.at[pl.ds(s * _ZROWS, _ZROWS)], semz
    )

    r0 = rows_v.at[0]
    r1 = rows_v.at[1]

    def gather(g, r, sem):
      return pltpu.async_copy(h_hbm.at[src_v.at[g]], r, sem)

    def gwait(g, r, sem):
      pltpu.make_async_copy(h_hbm.at[src_v.at[g]], r, sem).wait()

    def scatter(g, r):
      pltpu.sync_copy(r, acc_sh.at[dst_v.at[g]], add=True)

    for ph in range(_PHASES):
      base = t * _RPT + ph * _RPP
      pltpu.sync_copy(src_hbm.at[pl.ds(base, _RPP)], src_v)
      pltpu.sync_copy(dst_hbm.at[pl.ds(base, _RPP)], dst_v)
      gather(0, r0, sem0)
      gather(1, r1, sem1)
      if ph == 0:
        zdesc.wait()
        plsc.subcore_barrier()

      def body(j, carry):
        g = 2 * j
        gwait(g, r0, sem0)
        scatter(g, r0)
        gather(g + 2, r0, sem0)
        gwait(g + 1, r1, sem1)
        scatter(g + 1, r1)
        gather(g + 3, r1, sem1)
        return carry

      lax.fori_loop(0, _RPP // 2 - 1, body, 0)
      gL = _RPP - 2
      gwait(gL, r0, sem0)
      scatter(gL, r0)
      gwait(gL + 1, r1, sem1)
      scatter(gL + 1, r1)
    plsc.subcore_barrier()
    pltpu.sync_copy(
        acc_sh.at[pl.ds(s * _ZROWS, _ZROWS)],
        out_hbm.at[c, pl.ds(s * _ZROWS, _ZROWS)],
    )

  return k(h, src2d, dst2d, zeros2d)


def _tc_first(degp0, degp1, x, W1):

  def body(d0_ref, d1_ref, x_ref, w_ref, dinv_ref, h_ref):
    dinv = _nr_rsqrt(d0_ref[...] + d1_ref[...] + 1.0)
    dinv_ref[...] = dinv
    h_ref[...] = dinv * jnp.dot(
        x_ref[...], w_ref[...], preferred_element_type=jnp.float32
    )

  return pl.pallas_call(
      body,
      grid=(_GRID,),
      in_specs=[
          pl.BlockSpec((_BN, 1), lambda i: (i, 0)),
          pl.BlockSpec((_BN, 1), lambda i: (i, 0)),
          pl.BlockSpec((_BN, _H), lambda i: (i, 0)),
          pl.BlockSpec((_H, _H), lambda i: (0, 0)),
      ],
      out_specs=[
          pl.BlockSpec((_BN, 1), lambda i: (i, 0)),
          pl.BlockSpec((_BN, _H), lambda i: (i, 0)),
      ],
      out_shape=[
          jax.ShapeDtypeStruct((_N, 1), jnp.float32),
          jax.ShapeDtypeStruct((_N, _H), jnp.float32),
      ],
  )(degp0, degp1, x, W1)


def _tc_layer(p, h, dinv, b2d, Wn):

  def body(p_ref, h_ref, dinv_ref, b_ref, w_ref, o_ref):
    acc = p_ref[0] + p_ref[1] + h_ref[...]
    xl = jnp.maximum(dinv_ref[...] * acc + b_ref[...], 0.0)
    o_ref[...] = dinv_ref[...] * jnp.dot(
        xl, w_ref[...], preferred_element_type=jnp.float32
    )

  return pl.pallas_call(
      body,
      grid=(_GRID,),
      in_specs=[
          pl.BlockSpec((2, _BN, _H), lambda i: (0, i, 0)),
          pl.BlockSpec((_BN, _H), lambda i: (i, 0)),
          pl.BlockSpec((_BN, 1), lambda i: (i, 0)),
          pl.BlockSpec((1, _H), lambda i: (0, 0)),
          pl.BlockSpec((_H, _H), lambda i: (0, 0)),
      ],
      out_specs=pl.BlockSpec((_BN, _H), lambda i: (i, 0)),
      out_shape=jax.ShapeDtypeStruct((_N, _H), jnp.float32),
  )(p, h, dinv, b2d, Wn)


def _tc_final(p, h, dinv, b2d, batch3, gm, gb, mu, var, w1, b1, w2, b2):

  def body(p_ref, h_ref, dinv_ref, b_ref, batch_ref, gm_ref, gb_ref, mu_ref,
           var_ref, w1_ref, b1_ref, w2_ref, b2_ref, xb_ref, out_ref, sums,
           counts):
    i = pl.program_id(0)

    @pl.when(i == 0)
    def _():
      sums[...] = jnp.zeros_like(sums)
      counts[...] = jnp.zeros_like(counts)

    h3 = jnp.maximum(
        dinv_ref[...] * (p_ref[0] + p_ref[1] + h_ref[...]) + b_ref[...], 0.0
    )
    g = batch_ref[0, 0, :]
    onehot = (
        g[None, :] == lax.broadcasted_iota(jnp.int32, (_G, _BN), 0)
    ).astype(jnp.float32)
    sums[...] += jnp.dot(onehot, h3, preferred_element_type=jnp.float32, precision=lax.Precision.HIGHEST)
    counts[...] += jnp.sum(onehot, axis=1, keepdims=True)

    @pl.when(i == _GRID - 1)
    def _():
      pooled = sums[...] * _nr_recip(jnp.maximum(counts[...], 1.0))
      xb = (pooled - mu_ref[...]) * _nr_rsqrt(var_ref[...] + 1e-5) * gm_ref[
          ...
      ] + gb_ref[...]
      xb_ref[...] = xb
      t1 = jnp.maximum(
          jnp.dot(xb, w1_ref[...], preferred_element_type=jnp.float32)
          + b1_ref[...],
          0.0,
      )
      out_ref[...] = jnp.maximum(
          jnp.dot(t1, w2_ref[...], preferred_element_type=jnp.float32)
          + b2_ref[...],
          0.0,
      )

  return pl.pallas_call(
      body,
      grid=(_GRID,),
      in_specs=[
          pl.BlockSpec((2, _BN, _H), lambda i: (0, i, 0)),
          pl.BlockSpec((_BN, _H), lambda i: (i, 0)),
          pl.BlockSpec((_BN, 1), lambda i: (i, 0)),
          pl.BlockSpec((1, _H), lambda i: (0, 0)),
          pl.BlockSpec((1, 1, _BN), lambda i: (i, 0, 0)),
          pl.BlockSpec((1, _H), lambda i: (0, 0)),
          pl.BlockSpec((1, _H), lambda i: (0, 0)),
          pl.BlockSpec((1, _H), lambda i: (0, 0)),
          pl.BlockSpec((1, _H), lambda i: (0, 0)),
          pl.BlockSpec((_H, _H // 2), lambda i: (0, 0)),
          pl.BlockSpec((1, _H // 2), lambda i: (0, 0)),
          pl.BlockSpec((_H // 2, 2), lambda i: (0, 0)),
          pl.BlockSpec((1, 2), lambda i: (0, 0)),
      ],
      out_specs=[
          pl.BlockSpec((_G, _H), lambda i: (0, 0)),
          pl.BlockSpec((_G, 2), lambda i: (0, 0)),
      ],
      out_shape=[
          jax.ShapeDtypeStruct((_G, _H), jnp.float32),
          jax.ShapeDtypeStruct((_G, 2), jnp.float32),
      ],
      scratch_shapes=[
          pltpu.VMEM((_G, _H), jnp.float32),
          pltpu.VMEM((_G, 1), jnp.float32),
      ],
  )(p, h, dinv, b2d, batch3, gm, gb, mu, var, w1, b1, w2, b2)


def kernel(x, edge_index, _, batch, W1, b1, W2, b2, W3, b3, bn_gamma, bn_beta,
           bn_mean, bn_var, lin1_W, lin1_b, lin2_W, lin2_b):
  src = edge_index[0]
  dst = edge_index[1]
  pad = _EPAD - _E
  ar = jnp.arange(pad, dtype=jnp.int32)
  pad_src = (ar * 613) % _N
  pad_dst = _N + (ar % _JUNK)
  src2d = jnp.concatenate([src, pad_src]).reshape(_ROWS, _LANES)
  dst2d = jnp.concatenate([dst, pad_dst]).reshape(_ROWS, _LANES)
  zeros1d = jnp.zeros((_DPT,), jnp.float32)
  zeros2d = jnp.zeros((_ZROWS, _H), jnp.float32)

  degp = _deg_partials(dst2d, zeros1d)
  dinv, h1 = _tc_first(
      degp[:_N, None], degp[_NDEG : _NDEG + _N, None], x, W1
  )
  p1 = _msg_partials(h1, src2d, dst2d, zeros2d)
  h2 = _tc_layer(p1, h1, dinv, b1[None, :], W2)
  p2 = _msg_partials(h2, src2d, dst2d, zeros2d)
  h3 = _tc_layer(p2, h2, dinv, b2[None, :], W3)
  p3 = _msg_partials(h3, src2d, dst2d, zeros2d)
  xb, out = _tc_final(
      p3, h3, dinv, b3[None, :],
      batch.reshape(_GRID, 1, _BN),
      bn_gamma[None, :], bn_beta[None, :], bn_mean[None, :], bn_var[None, :],
      lin1_W, lin1_b[None, :], lin2_W, lin2_b[None, :],
  )
  return (xb, out)

# --- scband reference (transcript-rebuilt; emitter-appended) ---
"""Pipeline reference for scband-gcn-40793599377791 (READ-ONLY COPY).

The authoritative reference and input builder live on the scoring server;
editing this copy changes nothing except your own understanding.
"""

import jax, jax.numpy as jnp
import numpy as np

N = 10000
E = 320000
F_IN = 128
H = 128
G = 64


def setup_inputs(seed: int = 0) -> dict:
    key = jax.random.key(seed)
    ks = jax.random.split(key, 16)
    x = jax.random.normal(ks[0], (N, F_IN), dtype=jnp.float32)
    edge_index = jax.random.randint(ks[1], (2, E), 0, N, dtype=jnp.int32)
    underscore = jnp.zeros((1,), dtype=jnp.float32)
    batch = jnp.sort(jax.random.randint(ks[2], (N,), 0, G, dtype=jnp.int32))
    # learned parameters (glorot-ish init, matching module sizes)
    W1 = jax.random.normal(ks[3], (F_IN, H), dtype=jnp.float32) / np.sqrt(F_IN)
    b1 = jnp.zeros((H,), dtype=jnp.float32)
    W2 = jax.random.normal(ks[4], (H, H), dtype=jnp.float32) / np.sqrt(H)
    b2 = jnp.zeros((H,), dtype=jnp.float32)
    W3 = jax.random.normal(ks[5], (H, H), dtype=jnp.float32) / np.sqrt(H)
    b3 = jnp.zeros((H,), dtype=jnp.float32)
    bn_gamma = jnp.ones((H,), dtype=jnp.float32)
    bn_beta = jnp.zeros((H,), dtype=jnp.float32)
    bn_mean = jnp.zeros((H,), dtype=jnp.float32)
    bn_var = jnp.ones((H,), dtype=jnp.float32)
    lin1_W = jax.random.normal(ks[6], (H, H // 2), dtype=jnp.float32) / np.sqrt(H)
    lin1_b = jnp.zeros((H // 2,), dtype=jnp.float32)
    lin2_W = jax.random.normal(ks[7], (H // 2, 2), dtype=jnp.float32) / np.sqrt(H // 2)
    lin2_b = jnp.zeros((2,), dtype=jnp.float32)
    return {"x": x, "edge_index": edge_index, "_": underscore, "batch": batch,
            "W1": W1, "b1": b1, "W2": W2, "b2": b2, "W3": W3, "b3": b3,
            "bn_gamma": bn_gamma, "bn_beta": bn_beta, "bn_mean": bn_mean, "bn_var": bn_var,
            "lin1_W": lin1_W, "lin1_b": lin1_b, "lin2_W": lin2_W, "lin2_b": lin2_b}


def _gcn_conv(x, W, b, src, dst, n):
    # PyG GCNConv: linear transform, add self-loops, symmetric normalization, scatter-add
    h = x @ W
    loop = jnp.arange(n, dtype=src.dtype)
    src_f = jnp.concatenate([src, loop])
    dst_f = jnp.concatenate([dst, loop])
    deg = jax.ops.segment_sum(jnp.ones_like(dst_f, dtype=h.dtype), dst_f, num_segments=n)
    dinv = jnp.where(deg > 0, jax.lax.rsqrt(jnp.maximum(deg, 1e-12)), 0.0)
    norm = dinv[src_f] * dinv[dst_f]
    msg = h[src_f] * norm[:, None]
    out = jax.ops.segment_sum(msg, dst_f, num_segments=n)
    return out + b


def reference(x, edge_index, _, batch, W1, b1, W2, b2, W3, b3,
              bn_gamma, bn_beta, bn_mean, bn_var, lin1_W, lin1_b, lin2_W, lin2_b):
    src = edge_index[0]
    dst = edge_index[1]
    n = x.shape[0]
    h = jax.nn.relu(_gcn_conv(x, W1, b1, src, dst, n))
    h = jax.nn.relu(_gcn_conv(h, W2, b2, src, dst, n))
    h = jax.nn.relu(_gcn_conv(h, W3, b3, src, dst, n))
    # global_mean_pool over graph ids
    counts = jax.ops.segment_sum(jnp.ones((n,), dtype=h.dtype), batch, num_segments=G)
    sums = jax.ops.segment_sum(h, batch, num_segments=G)
    pooled = sums / jnp.maximum(counts, 1.0)[:, None]
    # BatchNorm1d in eval mode (running stats)
    xb = (pooled - bn_mean) / jnp.sqrt(bn_var + 1e-5) * bn_gamma + bn_beta
    out = jax.nn.relu(xb @ lin1_W + lin1_b)
    # dropout p=0.6 is identity in eval mode
    out = jax.nn.relu(out @ lin2_W + lin2_b)
    return (xb, out)

if __name__ == "__main__":
    import jax
    _d = setup_inputs()
    print(jax.jit(kernel)(*tuple(_d.values())))

</pallas_src>

<mosaic_0001>
#map = affine_map<(d0, d1) -> (0, 0)>
#map1 = affine_map<(d0, d1) -> (0, 0, 0)>
module attributes {stable_mosaic.version = 14 : i64} {
  func.func @k(%arg0: i32, %arg1: i32, %arg2: memref<10000x128xf32, #tpu.memory_space<hbm>>, %arg3: memref<2560x128xi32, #tpu.memory_space<hbm>>, %arg4: memref<2560x128xi32, #tpu.memory_space<hbm>>, %arg5: memref<632x128xf32, #tpu.memory_space<hbm>>, %arg6: memref<2x10112x128xf32, #tpu.memory_space<hbm>>, %arg7: memref<40x128xi32, #tpu.memory_space<vmem>>, %arg8: memref<40x128xi32, #tpu.memory_space<vmem>>, %arg9: memref<2x128x128xf32, #tpu.memory_space<vmem>>, %arg10: memref<10112x128xf32, #tpu.memory_space<vmem_shared>>, %arg11: memref<!tpu.dma_semaphore, #tpu.memory_space<semaphore_mem>>, %arg12: memref<!tpu.dma_semaphore, #tpu.memory_space<semaphore_mem>>, %arg13: memref<!tpu.dma_semaphore, #tpu.memory_space<semaphore_mem>>) attributes {dimension_semantics = [#tpu.dimension_semantics<core_parallel>, #tpu.dimension_semantics<subcore_parallel>], iteration_bounds = array<i64: 2, 16>, scalar_prefetch = 0 : i64, scratch_operands = 7 : i64, tpu.core_type = #tpu.core_type<sc_vector_subcore>, window_params = [{transform_indices = #map}, {transform_indices = #map}, {transform_indices = #map}, {transform_indices = #map}, {transform_indices = #map1}]} {
    %mul3A = arith.constant 16 : i32
    %mul3A_0 = arith.muli %arg0, %mul3A : i32
    %add3A = arith.addi %mul3A_0, %arg1 : i32
    %mul3A_1 = arith.constant 632 : i32
    %mul3A_2 = arith.muli %arg1, %mul3A_1 : i32
    %dma_start3A = arith.constant 0 : i32
    %dma_start3A_3 = tpu.memref_slice %arg10[%mul3A_2, %dma_start3A] : memref<10112x128xf32, #tpu.memory_space<vmem_shared>> -> memref<632x128xf32, #tpu.memory_space<vmem_shared>>
    %dma_start3A_4 = arith.constant 0 : i32
    %dma_start3A_5 = arith.constant 0 : i32
    %dma_start3A_6 = tpu.memref_slice %arg5[%dma_start3A_4, %dma_start3A_5] : memref<632x128xf32, #tpu.memory_space<hbm>> -> memref<632x128xf32, #tpu.memory_space<hbm>>
    tpu.enqueue_dma source(%dma_start3A_6 : memref<632x128xf32, #tpu.memory_space<hbm>>) target(%dma_start3A_3 : memref<632x128xf32, #tpu.memory_space<vmem_shared>>) target_semaphore(%arg13 : memref<!tpu.dma_semaphore, #tpu.memory_space<semaphore_mem>>)
    %mul3A_7 = arith.constant 80 : i32
    %mul3A_8 = arith.muli %add3A, %mul3A_7 : i32
    %add3A_9 = arith.constant 0 : i32
    %add3A_10 = arith.addi %mul3A_8, %add3A_9 : i32
    "tpu.region"() ({
      %run_scoped3A_142 = tpu.sem_alloc : memref<!tpu.dma_semaphore, #tpu.memory_space<semaphore_mem>>
      %dma_start3A_143 = arith.constant 0 : i32
      %dma_start3A_144 = tpu.memref_slice %arg3[%add3A_10, %dma_start3A_143] : memref<2560x128xi32, #tpu.memory_space<hbm>> -> memref<40x128xi32, #tpu.memory_space<hbm>>
      %dma_start3A_145 = arith.constant 0 : i32
      %dma_start3A_146 = tpu.memref_slice %arg3[%add3A_10, %dma_start3A_145] : memref<2560x128xi32, #tpu.memory_space<hbm>> -> memref<40x128xi32, #tpu.memory_space<hbm>>
      tpu.enqueue_dma source(%dma_start3A_146 : memref<40x128xi32, #tpu.memory_space<hbm>>) target(%arg7 : memref<40x128xi32, #tpu.memory_space<vmem>>) target_semaphore(%run_scoped3A_142 : memref<!tpu.dma_semaphore, #tpu.memory_space<semaphore_mem>>)
      %dma_wait3A_147 = arith.constant 0 : i32
      %dma_wait3A_148 = tpu.memref_slice %arg3[%add3A_10, %dma_wait3A_147] : memref<2560x128xi32, #tpu.memory_space<hbm>> -> memref<40x128xi32, #tpu.memory_space<hbm>>
      %dma_wait3A_149 = arith.constant 0 : i32
      %dma_wait3A_150 = tpu.memref_slice %arg3[%add3A_10, %dma_wait3A_149] : memref<2560x128xi32, #tpu.memory_space<hbm>> -> memref<40x128xi32, #tpu.memory_space<hbm>>
      tpu.wait_dma2 semaphore(%run_scoped3A_142 : memref<!tpu.dma_semaphore, #tpu.memory_space<semaphore_mem>>) src(%dma_wait3A_150 : memref<40x128xi32, #tpu.memory_space<hbm>>) dst(%arg7 : memref<40x128xi32, #tpu.memory_space<vmem>>)
      tpu.yield
    }) : () -> ()
    "tpu.region"() ({
      %run_scoped3A_142 = tpu.sem_alloc : memref<!tpu.dma_semaphore, #tpu.memory_space<semaphore_mem>>
      %dma_start3A_143 = arith.constant 0 : i32
      %dma_start3A_144 = tpu.memref_slice %arg4[%add3A_10, %dma_start3A_143] : memref<2560x128xi32, #tpu.memory_space<hbm>> -> memref<40x128xi32, #tpu.memory_space<hbm>>
      %dma_start3A_145 = arith.constant 0 : i32
      %dma_start3A_146 = tpu.memref_slice %arg4[%add3A_10, %dma_start3A_145] : memref<2560x128xi32, #tpu.memory_space<hbm>> -> memref<40x128xi32, #tpu.memory_space<hbm>>
      tpu.enqueue_dma source(%dma_start3A_146 : memref<40x128xi32, #tpu.memory_space<hbm>>) target(%arg8 : memref<40x128xi32, #tpu.memory_space<vmem>>) target_semaphore(%run_scoped3A_142 : memref<!tpu.dma_semaphore, #tpu.memory_space<semaphore_mem>>)
      %dma_wait3A_147 = arith.constant 0 : i32
      %dma_wait3A_148 = tpu.memref_slice %arg4[%add3A_10, %dma_wait3A_147] : memref<2560x128xi32, #tpu.memory_space<hbm>> -> memref<40x128xi32, #tpu.memory_space<hbm>>
      %dma_wait3A_149 = arith.constant 0 : i32
      %dma_wait3A_150 = tpu.memref_slice %arg4[%add3A_10, %dma_wait3A_149] : memref<2560x128xi32, #tpu.memory_space<hbm>> -> memref<40x128xi32, #tpu.memory_space<hbm>>
      tpu.wait_dma2 semaphore(%run_scoped3A_142 : memref<!tpu.dma_semaphore, #tpu.memory_space<semaphore_mem>>) src(%dma_wait3A_150 : memref<40x128xi32, #tpu.memory_space<hbm>>) dst(%arg8 : memref<40x128xi32, #tpu.memory_space<vmem>>)
      tpu.yield
    }) : () -> ()
    %dma_start3A_11 = arith.constant 0 : i32
    %dma_start3A_12 = arith.constant 0 : i32
    %dma_start3A_13 = arith.constant 0 : i32
    %dma_start3A_14 = arith.constant 0 : i32
    %dma_start3A_15 = tpu.memref_slice %arg9[%dma_start3A_12, %dma_start3A_13, %dma_start3A_14] : memref<2x128x128xf32, #tpu.memory_space<vmem>> -> memref<1x128x128xf32, #tpu.memory_space<vmem>>
    %dma_start3A_16 = tpu.memref_squeeze %dma_start3A_15 : memref<1x128x128xf32, #tpu.memory_space<vmem>> -> memref<128x128xf32, #tpu.memory_space<vmem>>
    %dma_start3A_17 = arith.constant 0 : i32
    %dma_start3A_18 = tpu.memref_slice %arg7[%dma_start3A_11, %dma_start3A_17] : memref<40x128xi32, #tpu.memory_space<vmem>> -> memref<1x128xi32, #tpu.memory_space<vmem>>
    %dma_start3A_19 = tpu.memref_squeeze %dma_start3A_18 : memref<1x128xi32, #tpu.memory_space<vmem>> -> memref<128xi32, #tpu.memory_space<vmem>>
    %dma_start3A_20 = arith.constant 0 : i32
    %dma_start3A_21 = arith.constant 0 : i32
    %dma_start3A_22 = tpu.memref_slice %arg2[%dma_start3A_20, %dma_start3A_21] : memref<10000x128xf32, #tpu.memory_space<hbm>> -> memref<10000x128xf32, #tpu.memory_space<hbm>>
    tpu.enqueue_indirect_dma source(%dma_start3A_22 : memref<10000x128xf32, #tpu.memory_space<hbm>>) target(%dma_start3A_16 : memref<128x128xf32, #tpu.memory_space<vmem>>) offsets(%dma_start3A_19 : memref<128xi32, #tpu.memory_space<vmem>>) semaphore(%arg11 : memref<!tpu.dma_semaphore, #tpu.memory_space<semaphore_mem>>)
    %dma_start3A_23 = arith.constant 1 : i32
    %dma_start3A_24 = arith.constant 1 : i32
    %dma_start3A_25 = arith.constant 0 : i32
    %dma_start3A_26 = arith.constant 0 : i32
    %dma_start3A_27 = tpu.memref_slice %arg9[%dma_start3A_24, %dma_start3A_25, %dma_start3A_26] : memref<2x128x128xf32, #tpu.memory_space<vmem>> -> memref<1x128x128xf32, #tpu.memory_space<vmem>>
    %dma_start3A_28 = tpu.memref_squeeze %dma_start3A_27 : memref<1x128x128xf32, #tpu.memory_space<vmem>> -> memref<128x128xf32, #tpu.memory_space<vmem>>
    %dma_start3A_29 = arith.constant 0 : i32
    %dma_start3A_30 = tpu.memref_slice %arg7[%dma_start3A_23, %dma_start3A_29] : memref<40x128xi32, #tpu.memory_space<vmem>> -> memref<1x128xi32, #tpu.memory_space<vmem>>
    %dma_start3A_31 = tpu.memref_squeeze %dma_start3A_30 : memref<1x128xi32, #tpu.memory_space<vmem>> -> memref<128xi32, #tpu.memory_space<vmem>>
    %dma_start3A_32 = arith.constant 0 : i32
    %dma_start3A_33 = arith.constant 0 : i32
    %dma_start3A_34 = tpu.memref_slice %arg2[%dma_start3A_32, %dma_start3A_33] : memref<10000x128xf32, #tpu.memory_space<hbm>> -> memref<10000x128xf32, #tpu.memory_space<hbm>>
    tpu.enqueue_indirect_dma source(%dma_start3A_34 : memref<10000x128xf32, #tpu.memory_space<hbm>>) target(%dma_start3A_28 : memref<128x128xf32, #tpu.memory_space<vmem>>) offsets(%dma_start3A_31 : memref<128xi32, #tpu.memory_space<vmem>>) semaphore(%arg12 : memref<!tpu.dma_semaphore, #tpu.memory_space<semaphore_mem>>)
    %dma_wait3A = arith.constant 0 : i32
    %dma_wait3A_35 = tpu.memref_slice %arg10[%mul3A_2, %dma_wait3A] : memref<10112x128xf32, #tpu.memory_space<vmem_shared>> -> memref<632x128xf32, #tpu.memory_space<vmem_shared>>
    %dma_wait3A_36 = arith.constant 0 : i32
    %dma_wait3A_37 = arith.constant 0 : i32
    %dma_wait3A_38 = tpu.memref_slice %arg5[%dma_wait3A_36, %dma_wait3A_37] : memref<632x128xf32, #tpu.memory_space<hbm>> -> memref<632x128xf32, #tpu.memory_space<hbm>>
    tpu.wait_dma2 semaphore(%arg13 : memref<!tpu.dma_semaphore, #tpu.memory_space<semaphore_mem>>) src(%dma_wait3A_38 : memref<632x128xf32, #tpu.memory_space<hbm>>) dst(%dma_wait3A_35 : memref<632x128xf32, #tpu.memory_space<vmem_shared>>)
    %barrier3A = arith.constant 0 : index
    tpu.barrier barrier_id(%barrier3A)
    %scan3A = arith.constant 0 : i32
    %scan3A_39 = arith.constant 0 : i32
    %scan3A_40 = arith.constant 1 : i32
    %scan3A_41 = arith.constant 0 : i32
    %scan3A_42 = arith.constant 19 : i32
    %scan3A_43 = arith.addi %scan3A_41, %scan3A_42 : i32
    %scan3A_44 = arith.constant 1 : i32
    scf.for %scan3A_142 = %scan3A_41 to %scan3A_43 step %scan3A_44  : i32 {
      %mul3A_143 = arith.constant 2 : i32
      %mul3A_144 = arith.muli %mul3A_143, %scan3A_142 : i32
      %dma_wait3A_145 = arith.constant 0 : i32
      %dma_wait3A_146 = arith.constant 0 : i32
      %dma_wait3A_147 = tpu.memref_slice %arg9[%scan3A_39, %dma_wait3A_145, %dma_wait3A_146] : memref<2x128x128xf32, #tpu.memory_space<vmem>> -> memref<1x128x128xf32, #tpu.memory_space<vmem>>
      %dma_wait3A_148 = tpu.memref_squeeze %dma_wait3A_147 : memref<1x128x128xf32, #tpu.memory_space<vmem>> -> memref<128x128xf32, #tpu.memory_space<vmem>>
      %dma_wait3A_149 = arith.constant 0 : i32
      %dma_wait3A_150 = tpu.memref_slice %arg7[%mul3A_144, %dma_wait3A_149] : memref<40x128xi32, #tpu.memory_space<vmem>> -> memref<1x128xi32, #tpu.memory_space<vmem>>
      %dma_wait3A_151 = tpu.memref_squeeze %dma_wait3A_150 : memref<1x128xi32, #tpu.memory_space<vmem>> -> memref<128xi32, #tpu.memory_space<vmem>>
      %dma_wait3A_152 = arith.constant 0 : i32
      %dma_wait3A_153 = arith.constant 0 : i32
      %dma_wait3A_154 = tpu.memref_slice %arg2[%dma_wait3A_152, %dma_wait3A_153] : memref<10000x128xf32, #tpu.memory_space<hbm>> -> memref<10000x128xf32, #tpu.memory_space<hbm>>
      tpu.wait_indirect_dma semaphore(%arg11 : memref<!tpu.dma_semaphore, #tpu.memory_space<semaphore_mem>>) src(%dma_wait3A_154 : memref<10000x128xf32, #tpu.memory_space<hbm>>) dst(%dma_wait3A_148 : memref<128x128xf32, #tpu.memory_space<vmem>>)
      "tpu.region"() ({
        %run_scoped3A_193 = tpu.sem_alloc : memref<!tpu.dma_semaphore, #tpu.memory_space<semaphore_mem>>
        %dma_start3A_194 = arith.constant 0 : i32
        %dma_start3A_195 = arith.constant 0 : i32
        %dma_start3A_196 = tpu.memref_slice %arg9[%scan3A_39, %dma_start3A_194, %dma_start3A_195] : memref<2x128x128xf32, #tpu.memory_space<vmem>> -> memref<1x128x128xf32, #tpu.memory_space<vmem>>
        %dma_start3A_197 = tpu.memref_squeeze %dma_start3A_196 : memref<1x128x128xf32, #tpu.memory_space<vmem>> -> memref<128x128xf32, #tpu.memory_space<vmem>>
        %dma_start3A_198 = arith.constant 0 : i32
        %dma_start3A_199 = tpu.memref_slice %arg8[%mul3A_144, %dma_start3A_198] : memref<40x128xi32, #tpu.memory_space<vmem>> -> memref<1x128xi32, #tpu.memory_space<vmem>>
        %dma_start3A_200 = tpu.memref_squeeze %dma_start3A_199 : memref<1x128xi32, #tpu.memory_space<vmem>> -> memref<128xi32, #tpu.memory_space<vmem>>
        %dma_start3A_201 = arith.constant 0 : i32
        %dma_start3A_202 = arith.constant 0 : i32
        %dma_start3A_203 = tpu.memref_slice %arg10[%dma_start3A_201, %dma_start3A_202] : memref<10112x128xf32, #tpu.memory_space<vmem_shared>> -> memref<10112x128xf32, #tpu.memory_space<vmem_shared>>
        tpu.enqueue_indirect_dma source(%dma_start3A_197 : memref<128x128xf32, #tpu.memory_space<vmem>>) target(%dma_start3A_203 : memref<10112x128xf32, #tpu.memory_space<vmem_shared>>) offsets(%dma_start3A_200 : memref<128xi32, #tpu.memory_space<vmem>>) semaphore(%run_scoped3A_193 : memref<!tpu.dma_semaphore, #tpu.memory_space<semaphore_mem>>) {add = true}
        %dma_wait3A_204 = arith.constant 0 : i32
        %dma_wait3A_205 = arith.constant 0 : i32
        %dma_wait3A_206 = tpu.memref_slice %arg9[%scan3A_39, %dma_wait3A_204, %dma_wait3A_205] : memref<2x128x128xf32, #tpu.memory_space<vmem>> -> memref<1x128x128xf32, #tpu.memory_space<vmem>>
        %dma_wait3A_207 = tpu.memref_squeeze %dma_wait3A_206 : memref<1x128x128xf32, #tpu.memory_space<vmem>> -> memref<128x128xf32, #tpu.memory_space<vmem>>
        %dma_wait3A_208 = arith.constant 0 : i32
        %dma_wait3A_209 = tpu.memref_slice %arg8[%mul3A_144, %dma_wait3A_208] : memref<40x128xi32, #tpu.memory_space<vmem>> -> memref<1x128xi32, #tpu.memory_space<vmem>>
        %dma_wait3A_210 = tpu.memref_squeeze %dma_wait3A_209 : memref<1x128xi32, #tpu.memory_space<vmem>> -> memref<128xi32, #tpu.memory_space<vmem>>
        %dma_wait3A_211 = arith.constant 0 : i32
        %dma_wait3A_212 = arith.constant 0 : i32
        %dma_wait3A_213 = tpu.memref_slice %arg10[%dma_wait3A_211, %dma_wait3A_212] : memref<10112x128xf32, #tpu.memory_space<vmem_shared>> -> memref<10112x128xf32, #tpu.memory_space<vmem_shared>>
        tpu.wait_indirect_dma semaphore(%run_scoped3A_193 : memref<!tpu.dma_semaphore, #tpu.memory_space<semaphore_mem>>) src(%dma_wait3A_207 : memref<128x128xf32, #tpu.memory_space<vmem>>) dst(%dma_wait3A_213 : memref<10112x128xf32, #tpu.memory_space<vmem_shared>>)
        tpu.yield
      }) : () -> ()
      %add3A_155 = arith.constant 2 : i32
      %add3A_156 = arith.addi %mul3A_144, %add3A_155 : i32
      %dma_start3A_157 = arith.constant 0 : i32
      %dma_start3A_158 = arith.constant 0 : i32
      %dma_start3A_159 = tpu.memref_slice %arg9[%scan3A_39, %dma_start3A_157, %dma_start3A_158] : memref<2x128x128xf32, #tpu.memory_space<vmem>> -> memref<1x128x128xf32, #tpu.memory_space<vmem>>
      %dma_start3A_160 = tpu.memref_squeeze %dma_start3A_159 : memref<1x128x128xf32, #tpu.memory_space<vmem>> -> memref<128x128xf32, #tpu.memory_space<vmem>>
      %dma_start3A_161 = arith.constant 0 : i32
      %dma_start3A_162 = tpu.memref_slice %arg7[%add3A_156, %dma_start3A_161] : memref<40x128xi32, #tpu.memory_space<vmem>> -> memref<1x128xi32, #tpu.memory_space<vmem>>
      %dma_start3A_163 = tpu.memref_squeeze %dma_start3A_162 : memref<1x128xi32, #tpu.memory_space<vmem>> -> memref<128xi32, #tpu.memory_space<vmem>>
      %dma_start3A_164 = arith.constant 0 : i32
      %dma_start3A_165 = arith.constant 0 : i32
      %dma_start3A_166 = tpu.memref_slice %arg2[%dma_start3A_164, %dma_start3A_165] : memref<10000x128xf32, #tpu.memory_space<hbm>> -> memref<10000x128xf32, #tpu.memory_space<hbm>>
      tpu.enqueue_indirect_dma source(%dma_start3A_166 : memref<10000x128xf32, #tpu.memory_space<hbm>>) target(%dma_start3A_160 : memref<128x128xf32, #tpu.memory_space<vmem>>) offsets(%dma_start3A_163 : memref<128xi32, #tpu.memory_space<vmem>>) semaphore(%arg11 : memref<!tpu.dma_semaphore, #tpu.memory_space<semaphore_mem>>)
      %add3A_167 = arith.constant 1 : i32
      %add3A_168 = arith.addi %mul3A_144, %add3A_167 : i32
      %dma_wait3A_169 = arith.constant 0 : i32
      %dma_wait3A_170 = arith.constant 0 : i32
      %dma_wait3A_171 = tpu.memref_slice %arg9[%scan3A_40, %dma_wait3A_169, %dma_wait3A_170] : memref<2x128x128xf32, #tpu.memory_space<vmem>> -> memref<1x128x128xf32, #tpu.memory_space<vmem>>
      %dma_wait3A_172 = tpu.memref_squeeze %dma_wait3A_171 : memref<1x128x128xf32, #tpu.memory_space<vmem>> -> memref<128x128xf32, #tpu.memory_space<vmem>>
      %dma_wait3A_173 = arith.constant 0 : i32
      %dma_wait3A_174 = tpu.memref_slice %arg7[%add3A_168, %dma_wait3A_173] : memref<40x128xi32, #tpu.memory_space<vmem>> -> memref<1x128xi32, #tpu.memory_space<vmem>>
      %dma_wait3A_175 = tpu.memref_squeeze %dma_wait3A_174 : memref<1x128xi32, #tpu.memory_space<vmem>> -> memref<128xi32, #tpu.memory_space<vmem>>
      %dma_wait3A_176 = arith.constant 0 : i32
      %dma_wait3A_177 = arith.constant 0 : i32
      %dma_wait3A_178 = tpu.memref_slice %arg2[%dma_wait3A_176, %dma_wait3A_177] : memref<10000x128xf32, #tpu.memory_space<hbm>> -> memref<10000x128xf32, #tpu.memory_space<hbm>>
      tpu.wait_indirect_dma semaphore(%arg12 : memref<!tpu.dma_semaphore, #tpu.memory_space<semaphore_mem>>) src(%dma_wait3A_178 : memref<10000x128xf32, #tpu.memory_space<hbm>>) dst(%dma_wait3A_172 : memref<128x128xf32, #tpu.memory_space<vmem>>)
      %add3A_179 = arith.constant 1 : i32
      %add3A_180 = arith.addi %mul3A_144, %add3A_179 : i32
      "tpu.region"() ({
        %run_scoped3A_193 = tpu.sem_alloc : memref<!tpu.dma_semaphore, #tpu.memory_space<semaphore_mem>>
        %dma_start3A_194 = arith.constant 0 : i32
        %dma_start3A_195 = arith.constant 0 : i32
        %dma_start3A_196 = tpu.memref_slice %arg9[%scan3A_40, %dma_start3A_194, %dma_start3A_195] : memref<2x128x128xf32, #tpu.memory_space<vmem>> -> memref<1x128x128xf32, #tpu.memory_space<vmem>>
        %dma_start3A_197 = tpu.memref_squeeze %dma_start3A_196 : memref<1x128x128xf32, #tpu.memory_space<vmem>> -> memref<128x128xf32, #tpu.memory_space<vmem>>
        %dma_start3A_198 = arith.constant 0 : i32
        %dma_start3A_199 = tpu.memref_slice %arg8[%add3A_180, %dma_start3A_198] : memref<40x128xi32, #tpu.memory_space<vmem>> -> memref<1x128xi32, #tpu.memory_space<vmem>>
        %dma_start3A_200 = tpu.memref_squeeze %dma_start3A_199 : memref<1x128xi32, #tpu.memory_space<vmem>> -> memref<128xi32, #tpu.memory_space<vmem>>
        %dma_start3A_201 = arith.constant 0 : i32
        %dma_start3A_202 = arith.constant 0 : i32
        %dma_start3A_203 = tpu.memref_slice %arg10[%dma_start3A_201, %dma_start3A_202] : memref<10112x128xf32, #tpu.memory_space<vmem_shared>> -> memref<10112x128xf32, #tpu.memory_space<vmem_shared>>
        tpu.enqueue_indirect_dma source(%dma_start3A_197 : memref<128x128xf32, #tpu.memory_space<vmem>>) target(%dma_start3A_203 : memref<10112x128xf32, #tpu.memory_space<vmem_shared>>) offsets(%dma_start3A_200 : memref<128xi32, #tpu.memory_space<vmem>>) semaphore(%run_scoped3A_193 : memref<!tpu.dma_semaphore, #tpu.memory_space<semaphore_mem>>) {add = true}
        %dma_wait3A_204 = arith.constant 0 : i32
        %dma_wait3A_205 = arith.constant 0 : i32
        %dma_wait3A_206 = tpu.memref_slice %arg9[%scan3A_40, %dma_wait3A_204, %dma_wait3A_205] : memref<2x128x128xf32, #tpu.memory_space<vmem>> -> memref<1x128x128xf32, #tpu.memory_space<vmem>>
        %dma_wait3A_207 = tpu.memref_squeeze %dma_wait3A_206 : memref<1x128x128xf32, #tpu.memory_space<vmem>> -> memref<128x128xf32, #tpu.memory_space<vmem>>
        %dma_wait3A_208 = arith.constant 0 : i32
        %dma_wait3A_209 = tpu.memref_slice %arg8[%add3A_180, %dma_wait3A_208] : memref<40x128xi32, #tpu.memory_space<vmem>> -> memref<1x128xi32, #tpu.memory_space<vmem>>
        %dma_wait3A_210 = tpu.memref_squeeze %dma_wait3A_209 : memref<1x128xi32, #tpu.memory_space<vmem>> -> memref<128xi32, #tpu.memory_space<vmem>>
        %dma_wait3A_211 = arith.constant 0 : i32
        %dma_wait3A_212 = arith.constant 0 : i32
        %dma_wait3A_213 = tpu.memref_slice %arg10[%dma_wait3A_211, %dma_wait3A_212] : memref<10112x128xf32, #tpu.memory_space<vmem_shared>> -> memref<10112x128xf32, #tpu.memory_space<vmem_shared>>
        tpu.wait_indirect_dma semaphore(%run_scoped3A_193 : memref<!tpu.dma_semaphore, #tpu.memory_space<semaphore_mem>>) src(%dma_wait3A_207 : memref<128x128xf32, #tpu.memory_space<vmem>>) dst(%dma_wait3A_213 : memref<10112x128xf32, #tpu.memory_space<vmem_shared>>)
        tpu.yield
      }) : () -> ()
      %add3A_181 = arith.constant 3 : i32
      %add3A_182 = arith.addi %mul3A_144, %add3A_181 : i32
      %dma_start3A_183 = arith.constant 0 : i32
      %dma_start3A_184 = arith.constant 0 : i32
      %dma_start3A_185 = tpu.memref_slice %arg9[%scan3A_40, %dma_start3A_183, %dma_start3A_184] : memref<2x128x128xf32, #tpu.memory_space<vmem>> -> memref<1x128x128xf32, #tpu.memory_space<vmem>>
      %dma_start3A_186 = tpu.memref_squeeze %dma_start3A_185 : memref<1x128x128xf32, #tpu.memory_space<vmem>> -> memref<128x128xf32, #tpu.memory_space<vmem>>
      %dma_start3A_187 = arith.constant 0 : i32
      %dma_start3A_188 = tpu.memref_slice %arg7[%add3A_182, %dma_start3A_187] : memref<40x128xi32, #tpu.memory_space<vmem>> -> memref<1x128xi32, #tpu.memory_space<vmem>>
      %dma_start3A_189 = tpu.memref_squeeze %dma_start3A_188 : memref<1x128xi32, #tpu.memory_space<vmem>> -> memref<128xi32, #tpu.memory_space<vmem>>
      %dma_start3A_190 = arith.constant 0 : i32
      %dma_start3A_191 = arith.constant 0 : i32
      %dma_start3A_192 = tpu.memref_slice %arg2[%dma_start3A_190, %dma_start3A_191] : memref<10000x128xf32, #tpu.memory_space<hbm>> -> memref<10000x128xf32, #tpu.memory_space<hbm>>
      tpu.enqueue_indirect_dma source(%dma_start3A_192 : memref<10000x128xf32, #tpu.memory_space<hbm>>) target(%dma_start3A_186 : memref<128x128xf32, #tpu.memory_space<vmem>>) offsets(%dma_start3A_189 : memref<128xi32, #tpu.memory_space<vmem>>) semaphore(%arg12 : memref<!tpu.dma_semaphore, #tpu.memory_space<semaphore_mem>>)
    }
    %scan3A_45 = arith.constant 19 : i32
    %dma_wait3A_46 = arith.constant 38 : i32
    %dma_wait3A_47 = arith.constant 0 : i32
    %dma_wait3A_48 = arith.constant 0 : i32
    %dma_wait3A_49 = arith.constant 0 : i32
    %dma_wait3A_50 = tpu.memref_slice %arg9[%dma_wait3A_47, %dma_wait3A_48, %dma_wait3A_49] : memref<2x128x128xf32, #tpu.memory_space<vmem>> -> memref<1x128x128xf32, #tpu.memory_space<vmem>>
    %dma_wait3A_51 = tpu.memref_squeeze %dma_wait3A_50 : memref<1x128x128xf32, #tpu.memory_space<vmem>> -> memref<128x128xf32, #tpu.memory_space<vmem>>
    %dma_wait3A_52 = arith.constant 0 : i32
    %dma_wait3A_53 = tpu.memref_slice %arg7[%dma_wait3A_46, %dma_wait3A_52] : memref<40x128xi32, #tpu.memory_space<vmem>> -> memref<1x128xi32, #tpu.memory_space<vmem>>
    %dma_wait3A_54 = tpu.memref_squeeze %dma_wait3A_53 : memref<1x128xi32, #tpu.memory_space<vmem>> -> memref<128xi32, #tpu.memory_space<vmem>>
    %dma_wait3A_55 = arith.constant 0 : i32
    %dma_wait3A_56 = arith.constant 0 : i32
    %dma_wait3A_57 = tpu.memref_slice %arg2[%dma_wait3A_55, %dma_wait3A_56] : memref<10000x128xf32, #tpu.memory_space<hbm>> -> memref<10000x128xf32, #tpu.memory_space<hbm>>
    tpu.wait_indirect_dma semaphore(%arg11 : memref<!tpu.dma_semaphore, #tpu.memory_space<semaphore_mem>>) src(%dma_wait3A_57 : memref<10000x128xf32, #tpu.memory_space<hbm>>) dst(%dma_wait3A_51 : memref<128x128xf32, #tpu.memory_space<vmem>>)
    %run_scoped3A = arith.constant 0 : i32
    %run_scoped3A_58 = arith.constant 38 : i32
    "tpu.region"() ({
      %run_scoped3A_142 = tpu.sem_alloc : memref<!tpu.dma_semaphore, #tpu.memory_space<semaphore_mem>>
      %dma_start3A_143 = arith.constant 0 : i32
      %dma_start3A_144 = arith.constant 0 : i32
      %dma_start3A_145 = tpu.memref_slice %arg9[%run_scoped3A, %dma_start3A_143, %dma_start3A_144] : memref<2x128x128xf32, #tpu.memory_space<vmem>> -> memref<1x128x128xf32, #tpu.memory_space<vmem>>
      %dma_start3A_146 = tpu.memref_squeeze %dma_start3A_145 : memref<1x128x128xf32, #tpu.memory_space<vmem>> -> memref<128x128xf32, #tpu.memory_space<vmem>>
      %dma_start3A_147 = arith.constant 0 : i32
      %dma_start3A_148 = tpu.memref_slice %arg8[%run_scoped3A_58, %dma_start3A_147] : memref<40x128xi32, #tpu.memory_space<vmem>> -> memref<1x128xi32, #tpu.memory_space<vmem>>
      %dma_start3A_149 = tpu.memref_squeeze %dma_start3A_148 : memref<1x128xi32, #tpu.memory_space<vmem>> -> memref<128xi32, #tpu.memory_space<vmem>>
      %dma_start3A_150 = arith.constant 0 : i32
      %dma_start3A_151 = arith.constant 0 : i32
      %dma_start3A_152 = tpu.memref_slice %arg10[%dma_start3A_150, %dma_start3A_151] : memref<10112x128xf32, #tpu.memory_space<vmem_shared>> -> memref<10112x128xf32, #tpu.memory_space<vmem_shared>>
      tpu.enqueue_indirect_dma source(%dma_start3A_146 : memref<128x128xf32, #tpu.memory_space<vmem>>) target(%dma_start3A_152 : memref<10112x128xf32, #tpu.memory_space<vmem_shared>>) offsets(%dma_start3A_149 : memref<128xi32, #tpu.memory_space<vmem>>) semaphore(%run_scoped3A_142 : memref<!tpu.dma_semaphore, #tpu.memory_space<semaphore_mem>>) {add = true}
      %dma_wait3A_153 = arith.constant 0 : i32
      %dma_wait3A_154 = arith.constant 0 : i32
      %dma_wait3A_155 = tpu.memref_slice %arg9[%run_scoped3A, %dma_wait3A_153, %dma_wait3A_154] : memref<2x128x128xf32, #tpu.memory_space<vmem>> -> memref<1x128x128xf32, #tpu.memory_space<vmem>>
      %dma_wait3A_156 = tpu.memref_squeeze %dma_wait3A_155 : memref<1x128x128xf32, #tpu.memory_space<vmem>> -> memref<128x128xf32, #tpu.memory_space<vmem>>
      %dma_wait3A_157 = arith.constant 0 : i32
      %dma_wait3A_158 = tpu.memref_slice %arg8[%run_scoped3A_58, %dma_wait3A_157] : memref<40x128xi32, #tpu.memory_space<vmem>> -> memref<1x128xi32, #tpu.memory_space<vmem>>
      %dma_wait3A_159 = tpu.memref_squeeze %dma_wait3A_158 : memref<1x128xi32, #tpu.memory_space<vmem>> -> memref<128xi32, #tpu.memory_space<vmem>>
      %dma_wait3A_160 = arith.constant 0 : i32
      %dma_wait3A_161 = arith.constant 0 : i32
      %dma_wait3A_162 = tpu.memref_slice %arg10[%dma_wait3A_160, %dma_wait3A_161] : memref<10112x128xf32, #tpu.memory_space<vmem_shared>> -> memref<10112x128xf32, #tpu.memory_space<vmem_shared>>
      tpu.wait_indirect_dma semaphore(%run_scoped3A_142 : memref<!tpu.dma_semaphore, #tpu.memory_space<semaphore_mem>>) src(%dma_wait3A_156 : memref<128x128xf32, #tpu.memory_space<vmem>>) dst(%dma_wait3A_162 : memref<10112x128xf32, #tpu.memory_space<vmem_shared>>)
      tpu.yield
    }) : () -> ()
    %dma_wait3A_59 = arith.constant 39 : i32
    %dma_wait3A_60 = arith.constant 1 : i32
    %dma_wait3A_61 = arith.constant 0 : i32
    %dma_wait3A_62 = arith.constant 0 : i32
    %dma_wait3A_63 = tpu.memref_slice %arg9[%dma_wait3A_60, %dma_wait3A_61, %dma_wait3A_62] : memref<2x128x128xf32, #tpu.memory_space<vmem>> -> memref<1x128x128xf32, #tpu.memory_space<vmem>>
    %dma_wait3A_64 = tpu.memref_squeeze %dma_wait3A_63 : memref<1x128x128xf32, #tpu.memory_space<vmem>> -> memref<128x128xf32, #tpu.memory_space<vmem>>
    %dma_wait3A_65 = arith.constant 0 : i32
    %dma_wait3A_66 = tpu.memref_slice %arg7[%dma_wait3A_59, %dma_wait3A_65] : memref<40x128xi32, #tpu.memory_space<vmem>> -> memref<1x128xi32, #tpu.memory_space<vmem>>
    %dma_wait3A_67 = tpu.memref_squeeze %dma_wait3A_66 : memref<1x128xi32, #tpu.memory_space<vmem>> -> memref<128xi32, #tpu.memory_space<vmem>>
    %dma_wait3A_68 = arith.constant 0 : i32
    %dma_wait3A_69 = arith.constant 0 : i32
    %dma_wait3A_70 = tpu.memref_slice %arg2[%dma_wait3A_68, %dma_wait3A_69] : memref<10000x128xf32, #tpu.memory_space<hbm>> -> memref<10000x128xf32, #tpu.memory_space<hbm>>
    tpu.wait_indirect_dma semaphore(%arg12 : memref<!tpu.dma_semaphore, #tpu.memory_space<semaphore_mem>>) src(%dma_wait3A_70 : memref<10000x128xf32, #tpu.memory_space<hbm>>) dst(%dma_wait3A_64 : memref<128x128xf32, #tpu.memory_space<vmem>>)
    %run_scoped3A_71 = arith.constant 1 : i32
    %run_scoped3A_72 = arith.constant 39 : i32
    "tpu.region"() ({
      %run_scoped3A_142 = tpu.sem_alloc : memref<!tpu.dma_semaphore, #tpu.memory_space<semaphore_mem>>
      %dma_start3A_143 = arith.constant 0 : i32
      %dma_start3A_144 = arith.constant 0 : i32
      %dma_start3A_145 = tpu.memref_slice %arg9[%run_scoped3A_71, %dma_start3A_143, %dma_start3A_144] : memref<2x128x128xf32, #tpu.memory_space<vmem>> -> memref<1x128x128xf32, #tpu.memory_space<vmem>>
      %dma_start3A_146 = tpu.memref_squeeze %dma_start3A_145 : memref<1x128x128xf32, #tpu.memory_space<vmem>> -> memref<128x128xf32, #tpu.memory_space<vmem>>
      %dma_start3A_147 = arith.constant 0 : i32
      %dma_start3A_148 = tpu.memref_slice %arg8[%run_scoped3A_72, %dma_start3A_147] : memref<40x128xi32, #tpu.memory_space<vmem>> -> memref<1x128xi32, #tpu.memory_space<vmem>>
      %dma_start3A_149 = tpu.memref_squeeze %dma_start3A_148 : memref<1x128xi32, #tpu.memory_space<vmem>> -> memref<128xi32, #tpu.memory_space<vmem>>
      %dma_start3A_150 = arith.constant 0 : i32
      %dma_start3A_151 = arith.constant 0 : i32
      %dma_start3A_152 = tpu.memref_slice %arg10[%dma_start3A_150, %dma_start3A_151] : memref<10112x128xf32, #tpu.memory_space<vmem_shared>> -> memref<10112x128xf32, #tpu.memory_space<vmem_shared>>
      tpu.enqueue_indirect_dma source(%dma_start3A_146 : memref<128x128xf32, #tpu.memory_space<vmem>>) target(%dma_start3A_152 : memref<10112x128xf32, #tpu.memory_space<vmem_shared>>) offsets(%dma_start3A_149 : memref<128xi32, #tpu.memory_space<vmem>>) semaphore(%run_scoped3A_142 : memref<!tpu.dma_semaphore, #tpu.memory_space<semaphore_mem>>) {add = true}
      %dma_wait3A_153 = arith.constant 0 : i32
      %dma_wait3A_154 = arith.constant 0 : i32
      %dma_wait3A_155 = tpu.memref_slice %arg9[%run_scoped3A_71, %dma_wait3A_153, %dma_wait3A_154] : memref<2x128x128xf32, #tpu.memory_space<vmem>> -> memref<1x128x128xf32, #tpu.memory_space<vmem>>
      %dma_wait3A_156 = tpu.memref_squeeze %dma_wait3A_155 : memref<1x128x128xf32, #tpu.memory_space<vmem>> -> memref<128x128xf32, #tpu.memory_space<vmem>>
      %dma_wait3A_157 = arith.constant 0 : i32
      %dma_wait3A_158 = tpu.memref_slice %arg8[%run_scoped3A_72, %dma_wait3A_157] : memref<40x128xi32, #tpu.memory_space<vmem>> -> memref<1x128xi32, #tpu.memory_space<vmem>>
      %dma_wait3A_159 = tpu.memref_squeeze %dma_wait3A_158 : memref<1x128xi32, #tpu.memory_space<vmem>> -> memref<128xi32, #tpu.memory_space<vmem>>
      %dma_wait3A_160 = arith.constant 0 : i32
      %dma_wait3A_161 = arith.constant 0 : i32
      %dma_wait3A_162 = tpu.memref_slice %arg10[%dma_wait3A_160, %dma_wait3A_161] : memref<10112x128xf32, #tpu.memory_space<vmem_shared>> -> memref<10112x128xf32, #tpu.memory_space<vmem_shared>>
      tpu.wait_indirect_dma semaphore(%run_scoped3A_142 : memref<!tpu.dma_semaphore, #tpu.memory_space<semaphore_mem>>) src(%dma_wait3A_156 : memref<128x128xf32, #tpu.memory_space<vmem>>) dst(%dma_wait3A_162 : memref<10112x128xf32, #tpu.memory_space<vmem_shared>>)
      tpu.yield
    }) : () -> ()
    %mul3A_73 = arith.constant 80 : i32
    %mul3A_74 = arith.muli %add3A, %mul3A_73 : i32
    %add3A_75 = arith.constant 40 : i32
    %add3A_76 = arith.addi %mul3A_74, %add3A_75 : i32
    "tpu.region"() ({
      %run_scoped3A_142 = tpu.sem_alloc : memref<!tpu.dma_semaphore, #tpu.memory_space<semaphore_mem>>
      %dma_start3A_143 = arith.constant 0 : i32
      %dma_start3A_144 = tpu.memref_slice %arg3[%add3A_76, %dma_start3A_143] : memref<2560x128xi32, #tpu.memory_space<hbm>> -> memref<40x128xi32, #tpu.memory_space<hbm>>
      %dma_start3A_145 = arith.constant 0 : i32
      %dma_start3A_146 = tpu.memref_slice %arg3[%add3A_76, %dma_start3A_145] : memref<2560x128xi32, #tpu.memory_space<hbm>> -> memref<40x128xi32, #tpu.memory_space<hbm>>
      tpu.enqueue_dma source(%dma_start3A_146 : memref<40x128xi32, #tpu.memory_space<hbm>>) target(%arg7 : memref<40x128xi32, #tpu.memory_space<vmem>>) target_semaphore(%run_scoped3A_142 : memref<!tpu.dma_semaphore, #tpu.memory_space<semaphore_mem>>)
      %dma_wait3A_147 = arith.constant 0 : i32
      %dma_wait3A_148 = tpu.memref_slice %arg3[%add3A_76, %dma_wait3A_147] : memref<2560x128xi32, #tpu.memory_space<hbm>> -> memref<40x128xi32, #tpu.memory_space<hbm>>
      %dma_wait3A_149 = arith.constant 0 : i32
      %dma_wait3A_150 = tpu.memref_slice %arg3[%add3A_76, %dma_wait3A_149] : memref<2560x128xi32, #tpu.memory_space<hbm>> -> memref<40x128xi32, #tpu.memory_space<hbm>>
      tpu.wait_dma2 semaphore(%run_scoped3A_142 : memref<!tpu.dma_semaphore, #tpu.memory_space<semaphore_mem>>) src(%dma_wait3A_150 : memref<40x128xi32, #tpu.memory_space<hbm>>) dst(%arg7 : memref<40x128xi32, #tpu.memory_space<vmem>>)
      tpu.yield
    }) : () -> ()
    "tpu.region"() ({
      %run_scoped3A_142 = tpu.sem_alloc : memref<!tpu.dma_semaphore, #tpu.memory_space<semaphore_mem>>
      %dma_start3A_143 = arith.constant 0 : i32
      %dma_start3A_144 = tpu.memref_slice %arg4[%add3A_76, %dma_start3A_143] : memref<2560x128xi32, #tpu.memory_space<hbm>> -> memref<40x128xi32, #tpu.memory_space<hbm>>
      %dma_start3A_145 = arith.constant 0 : i32
      %dma_start3A_146 = tpu.memref_slice %arg4[%add3A_76, %dma_start3A_145] : memref<2560x128xi32, #tpu.memory_space<hbm>> -> memref<40x128xi32, #tpu.memory_space<hbm>>
      tpu.enqueue_dma source(%dma_start3A_146 : memref<40x128xi32, #tpu.memory_space<hbm>>) target(%arg8 : memref<40x128xi32, #tpu.memory_space<vmem>>) target_semaphore(%run_scoped3A_142 : memref<!tpu.dma_semaphore, #tpu.memory_space<semaphore_mem>>)
      %dma_wait3A_147 = arith.constant 0 : i32
      %dma_wait3A_148 = tpu.memref_slice %arg4[%add3A_76, %dma_wait3A_147] : memref<2560x128xi32, #tpu.memory_space<hbm>> -> memref<40x128xi32, #tpu.memory_space<hbm>>
      %dma_wait3A_149 = arith.constant 0 : i32
      %dma_wait3A_150 = tpu.memref_slice %arg4[%add3A_76, %dma_wait3A_149] : memref<2560x128xi32, #tpu.memory_space<hbm>> -> memref<40x128xi32, #tpu.memory_space<hbm>>
      tpu.wait_dma2 semaphore(%run_scoped3A_142 : memref<!tpu.dma_semaphore, #tpu.memory_space<semaphore_mem>>) src(%dma_wait3A_150 : memref<40x128xi32, #tpu.memory_space<hbm>>) dst(%arg8 : memref<40x128xi32, #tpu.memory_space<vmem>>)
      tpu.yield
    }) : () -> ()
    %dma_start3A_77 = arith.constant 0 : i32
    %dma_start3A_78 = arith.constant 0 : i32
    %dma_start3A_79 = arith.constant 0 : i32
    %dma_start3A_80 = arith.constant 0 : i32
    %dma_start3A_81 = tpu.memref_slice %arg9[%dma_start3A_78, %dma_start3A_79, %dma_start3A_80] : memref<2x128x128xf32, #tpu.memory_space<vmem>> -> memref<1x128x128xf32, #tpu.memory_space<vmem>>
    %dma_start3A_82 = tpu.memref_squeeze %dma_start3A_81 : memref<1x128x128xf32, #tpu.memory_space<vmem>> -> memref<128x128xf32, #tpu.memory_space<vmem>>
    %dma_start3A_83 = arith.constant 0 : i32
    %dma_start3A_84 = tpu.memref_slice %arg7[%dma_start3A_77, %dma_start3A_83] : memref<40x128xi32, #tpu.memory_space<vmem>> -> memref<1x128xi32, #tpu.memory_space<vmem>>
    %dma_start3A_85 = tpu.memref_squeeze %dma_start3A_84 : memref<1x128xi32, #tpu.memory_space<vmem>> -> memref<128xi32, #tpu.memory_space<vmem>>
    %dma_start3A_86 = arith.constant 0 : i32
    %dma_start3A_87 = arith.constant 0 : i32
    %dma_start3A_88 = tpu.memref_slice %arg2[%dma_start3A_86, %dma_start3A_87] : memref<10000x128xf32, #tpu.memory_space<hbm>> -> memref<10000x128xf32, #tpu.memory_space<hbm>>
    tpu.enqueue_indirect_dma source(%dma_start3A_88 : memref<10000x128xf32, #tpu.memory_space<hbm>>) target(%dma_start3A_82 : memref<128x128xf32, #tpu.memory_space<vmem>>) offsets(%dma_start3A_85 : memref<128xi32, #tpu.memory_space<vmem>>) semaphore(%arg11 : memref<!tpu.dma_semaphore, #tpu.memory_space<semaphore_mem>>)
    %dma_start3A_89 = arith.constant 1 : i32
    %dma_start3A_90 = arith.constant 1 : i32
    %dma_start3A_91 = arith.constant 0 : i32
    %dma_start3A_92 = arith.constant 0 : i32
    %dma_start3A_93 = tpu.memref_slice %arg9[%dma_start3A_90, %dma_start3A_91, %dma_start3A_92] : memref<2x128x128xf32, #tpu.memory_space<vmem>> -> memref<1x128x128xf32, #tpu.memory_space<vmem>>
    %dma_start3A_94 = tpu.memref_squeeze %dma_start3A_93 : memref<1x128x128xf32, #tpu.memory_space<vmem>> -> memref<128x128xf32, #tpu.memory_space<vmem>>
    %dma_start3A_95 = arith.constant 0 : i32
    %dma_start3A_96 = tpu.memref_slice %arg7[%dma_start3A_89, %dma_start3A_95] : memref<40x128xi32, #tpu.memory_space<vmem>> -> memref<1x128xi32, #tpu.memory_space<vmem>>
    %dma_start3A_97 = tpu.memref_squeeze %dma_start3A_96 : memref<1x128xi32, #tpu.memory_space<vmem>> -> memref<128xi32, #tpu.memory_space<vmem>>
    %dma_start3A_98 = arith.constant 0 : i32
    %dma_start3A_99 = arith.constant 0 : i32
    %dma_start3A_100 = tpu.memref_slice %arg2[%dma_start3A_98, %dma_start3A_99] : memref<10000x128xf32, #tpu.memory_space<hbm>> -> memref<10000x128xf32, #tpu.memory_space<hbm>>
    tpu.enqueue_indirect_dma source(%dma_start3A_100 : memref<10000x128xf32, #tpu.memory_space<hbm>>) target(%dma_start3A_94 : memref<128x128xf32, #tpu.memory_space<vmem>>) offsets(%dma_start3A_97 : memref<128xi32, #tpu.memory_space<vmem>>) semaphore(%arg12 : memref<!tpu.dma_semaphore, #tpu.memory_space<semaphore_mem>>)
    %scan3A_101 = arith.constant 0 : i32
    %scan3A_102 = arith.constant 0 : i32
    %scan3A_103 = arith.constant 1 : i32
    %scan3A_104 = arith.constant 0 : i32
    %scan3A_105 = arith.constant 19 : i32
    %scan3A_106 = arith.addi %scan3A_104, %scan3A_105 : i32
    %scan3A_107 = arith.constant 1 : i32
    scf.for %scan3A_142 = %scan3A_104 to %scan3A_106 step %scan3A_107  : i32 {
      %mul3A_143 = arith.constant 2 : i32
      %mul3A_144 = arith.muli %mul3A_143, %scan3A_142 : i32
      %dma_wait3A_145 = arith.constant 0 : i32
      %dma_wait3A_146 = arith.constant 0 : i32
      %dma_wait3A_147 = tpu.memref_slice %arg9[%scan3A_102, %dma_wait3A_145, %dma_wait3A_146] : memref<2x128x128xf32, #tpu.memory_space<vmem>> -> memref<1x128x128xf32, #tpu.memory_space<vmem>>
      %dma_wait3A_148 = tpu.memref_squeeze %dma_wait3A_147 : memref<1x128x128xf32, #tpu.memory_space<vmem>> -> memref<128x128xf32, #tpu.memory_space<vmem>>
      %dma_wait3A_149 = arith.constant 0 : i32
      %dma_wait3A_150 = tpu.memref_slice %arg7[%mul3A_144, %dma_wait3A_149] : memref<40x128xi32, #tpu.memory_space<vmem>> -> memref<1x128xi32, #tpu.memory_space<vmem>>
      %dma_wait3A_151 = tpu.memref_squeeze %dma_wait3A_150 : memref<1x128xi32, #tpu.memory_space<vmem>> -> memref<128xi32, #tpu.memory_space<vmem>>
      %dma_wait3A_152 = arith.constant 0 : i32
      %dma_wait3A_153 = arith.constant 0 : i32
      %dma_wait3A_154 = tpu.memref_slice %arg2[%dma_wait3A_152, %dma_wait3A_153] : memref<10000x128xf32, #tpu.memory_space<hbm>> -> memref<10000x128xf32, #tpu.memory_space<hbm>>
      tpu.wait_indirect_dma semaphore(%arg11 : memref<!tpu.dma_semaphore, #tpu.memory_space<semaphore_mem>>) src(%dma_wait3A_154 : memref<10000x128xf32, #tpu.memory_space<hbm>>) dst(%dma_wait3A_148 : memref<128x128xf32, #tpu.memory_space<vmem>>)
      "tpu.region"() ({
        %run_scoped3A_193 = tpu.sem_alloc : memref<!tpu.dma_semaphore, #tpu.memory_space<semaphore_mem>>
        %dma_start3A_194 = arith.constant 0 : i32
        %dma_start3A_195 = arith.constant 0 : i32
        %dma_start3A_196 = tpu.memref_slice %arg9[%scan3A_102, %dma_start3A_194, %dma_start3A_195] : memref<2x128x128xf32, #tpu.memory_space<vmem>> -> memref<1x128x128xf32, #tpu.memory_space<vmem>>
        %dma_start3A_197 = tpu.memref_squeeze %dma_start3A_196 : memref<1x128x128xf32, #tpu.memory_space<vmem>> -> memref<128x128xf32, #tpu.memory_space<vmem>>
        %dma_start3A_198 = arith.constant 0 : i32
        %dma_start3A_199 = tpu.memref_slice %arg8[%mul3A_144, %dma_start3A_198] : memref<40x128xi32, #tpu.memory_space<vmem>> -> memref<1x128xi32, #tpu.memory_space<vmem>>
        %dma_start3A_200 = tpu.memref_squeeze %dma_start3A_199 : memref<1x128xi32, #tpu.memory_space<vmem>> -> memref<128xi32, #tpu.memory_space<vmem>>
        %dma_start3A_201 = arith.constant 0 : i32
        %dma_start3A_202 = arith.constant 0 : i32
        %dma_start3A_203 = tpu.memref_slice %arg10[%dma_start3A_201, %dma_start3A_202] : memref<10112x128xf32, #tpu.memory_space<vmem_shared>> -> memref<10112x128xf32, #tpu.memory_space<vmem_shared>>
        tpu.enqueue_indirect_dma source(%dma_start3A_197 : memref<128x128xf32, #tpu.memory_space<vmem>>) target(%dma_start3A_203 : memref<10112x128xf32, #tpu.memory_space<vmem_shared>>) offsets(%dma_start3A_200 : memref<128xi32, #tpu.memory_space<vmem>>) semaphore(%run_scoped3A_193 : memref<!tpu.dma_semaphore, #tpu.memory_space<semaphore_mem>>) {add = true}
        %dma_wait3A_204 = arith.constant 0 : i32
        %dma_wait3A_205 = arith.constant 0 : i32
        %dma_wait3A_206 = tpu.memref_slice %arg9[%scan3A_102, %dma_wait3A_204, %dma_wait3A_205] : memref<2x128x128xf32, #tpu.memory_space<vmem>> -> memref<1x128x128xf32, #tpu.memory_space<vmem>>
        %dma_wait3A_207 = tpu.memref_squeeze %dma_wait3A_206 : memref<1x128x128xf32, #tpu.memory_space<vmem>> -> memref<128x128xf32, #tpu.memory_space<vmem>>
        %dma_wait3A_208 = arith.constant 0 : i32
        %dma_wait3A_209 = tpu.memref_slice %arg8[%mul3A_144, %dma_wait3A_208] : memref<40x128xi32, #tpu.memory_space<vmem>> -> memref<1x128xi32, #tpu.memory_space<vmem>>
        %dma_wait3A_210 = tpu.memref_squeeze %dma_wait3A_209 : memref<1x128xi32, #tpu.memory_space<vmem>> -> memref<128xi32, #tpu.memory_space<vmem>>
        %dma_wait3A_211 = arith.constant 0 : i32
        %dma_wait3A_212 = arith.constant 0 : i32
        %dma_wait3A_213 = tpu.memref_slice %arg10[%dma_wait3A_211, %dma_wait3A_212] : memref<10112x128xf32, #tpu.memory_space<vmem_shared>> -> memref<10112x128xf32, #tpu.memory_space<vmem_shared>>
        tpu.wait_indirect_dma semaphore(%run_scoped3A_193 : memref<!tpu.dma_semaphore, #tpu.memory_space<semaphore_mem>>) src(%dma_wait3A_207 : memref<128x128xf32, #tpu.memory_space<vmem>>) dst(%dma_wait3A_213 : memref<10112x128xf32, #tpu.memory_space<vmem_shared>>)
        tpu.yield
      }) : () -> ()
      %add3A_155 = arith.constant 2 : i32
      %add3A_156 = arith.addi %mul3A_144, %add3A_155 : i32
      %dma_start3A_157 = arith.constant 0 : i32
      %dma_start3A_158 = arith.constant 0 : i32
      %dma_start3A_159 = tpu.memref_slice %arg9[%scan3A_102, %dma_start3A_157, %dma_start3A_158] : memref<2x128x128xf32, #tpu.memory_space<vmem>> -> memref<1x128x128xf32, #tpu.memory_space<vmem>>
      %dma_start3A_160 = tpu.memref_squeeze %dma_start3A_159 : memref<1x128x128xf32, #tpu.memory_space<vmem>> -> memref<128x128xf32, #tpu.memory_space<vmem>>
      %dma_start3A_161 = arith.constant 0 : i32
      %dma_start3A_162 = tpu.memref_slice %arg7[%add3A_156, %dma_start3A_161] : memref<40x128xi32, #tpu.memory_space<vmem>> -> memref<1x128xi32, #tpu.memory_space<vmem>>
      %dma_start3A_163 = tpu.memref_squeeze %dma_start3A_162 : memref<1x128xi32, #tpu.memory_space<vmem>> -> memref<128xi32, #tpu.memory_space<vmem>>
      %dma_start3A_164 = arith.constant 0 : i32
      %dma_start3A_165 = arith.constant 0 : i32
      %dma_start3A_166 = tpu.memref_slice %arg2[%dma_start3A_164, %dma_start3A_165] : memref<10000x128xf32, #tpu.memory_space<hbm>> -> memref<10000x128xf32, #tpu.memory_space<hbm>>
      tpu.enqueue_indirect_dma source(%dma_start3A_166 : memref<10000x128xf32, #tpu.memory_space<hbm>>) target(%dma_start3A_160 : memref<128x128xf32, #tpu.memory_space<vmem>>) offsets(%dma_start3A_163 : memref<128xi32, #tpu.memory_space<vmem>>) semaphore(%arg11 : memref<!tpu.dma_semaphore, #tpu.memory_space<semaphore_mem>>)
      %add3A_167 = arith.constant 1 : i32
      %add3A_168 = arith.addi %mul3A_144, %add3A_167 : i32
      %dma_wait3A_169 = arith.constant 0 : i32
      %dma_wait3A_170 = arith.constant 0 : i32
      %dma_wait3A_171 = tpu.memref_slice %arg9[%scan3A_103, %dma_wait3A_169, %dma_wait3A_170] : memref<2x128x128xf32, #tpu.memory_space<vmem>> -> memref<1x128x128xf32, #tpu.memory_space<vmem>>
      %dma_wait3A_172 = tpu.memref_squeeze %dma_wait3A_171 : memref<1x128x128xf32, #tpu.memory_space<vmem>> -> memref<128x128xf32, #tpu.memory_space<vmem>>
      %dma_wait3A_173 = arith.constant 0 : i32
      %dma_wait3A_174 = tpu.memref_slice %arg7[%add3A_168, %dma_wait3A_173] : memref<40x128xi32, #tpu.memory_space<vmem>> -> memref<1x128xi32, #tpu.memory_space<vmem>>
      %dma_wait3A_175 = tpu.memref_squeeze %dma_wait3A_174 : memref<1x128xi32, #tpu.memory_space<vmem>> -> memref<128xi32, #tpu.memory_space<vmem>>
      %dma_wait3A_176 = arith.constant 0 : i32
      %dma_wait3A_177 = arith.constant 0 : i32
      %dma_wait3A_178 = tpu.memref_slice %arg2[%dma_wait3A_176, %dma_wait3A_177] : memref<10000x128xf32, #tpu.memory_space<hbm>> -> memref<10000x128xf32, #tpu.memory_space<hbm>>
      tpu.wait_indirect_dma semaphore(%arg12 : memref<!tpu.dma_semaphore, #tpu.memory_space<semaphore_mem>>) src(%dma_wait3A_178 : memref<10000x128xf32, #tpu.memory_space<hbm>>) dst(%dma_wait3A_172 : memref<128x128xf32, #tpu.memory_space<vmem>>)
      %add3A_179 = arith.constant 1 : i32
      %add3A_180 = arith.addi %mul3A_144, %add3A_179 : i32
      "tpu.region"() ({
        %run_scoped3A_193 = tpu.sem_alloc : memref<!tpu.dma_semaphore, #tpu.memory_space<semaphore_mem>>
        %dma_start3A_194 = arith.constant 0 : i32
        %dma_start3A_195 = arith.constant 0 : i32
        %dma_start3A_196 = tpu.memref_slice %arg9[%scan3A_103, %dma_start3A_194, %dma_start3A_195] : memref<2x128x128xf32, #tpu.memory_space<vmem>> -> memref<1x128x128xf32, #tpu.memory_space<vmem>>
        %dma_start3A_197 = tpu.memref_squeeze %dma_start3A_196 : memref<1x128x128xf32, #tpu.memory_space<vmem>> -> memref<128x128xf32, #tpu.memory_space<vmem>>
        %dma_start3A_198 = arith.constant 0 : i32
        %dma_start3A_199 = tpu.memref_slice %arg8[%add3A_180, %dma_start3A_198] : memref<40x128xi32, #tpu.memory_space<vmem>> -> memref<1x128xi32, #tpu.memory_space<vmem>>
        %dma_start3A_200 = tpu.memref_squeeze %dma_start3A_199 : memref<1x128xi32, #tpu.memory_space<vmem>> -> memref<128xi32, #tpu.memory_space<vmem>>
        %dma_start3A_201 = arith.constant 0 : i32
        %dma_start3A_202 = arith.constant 0 : i32
        %dma_start3A_203 = tpu.memref_slice %arg10[%dma_start3A_201, %dma_start3A_202] : memref<10112x128xf32, #tpu.memory_space<vmem_shared>> -> memref<10112x128xf32, #tpu.memory_space<vmem_shared>>
        tpu.enqueue_indirect_dma source(%dma_start3A_197 : memref<128x128xf32, #tpu.memory_space<vmem>>) target(%dma_start3A_203 : memref<10112x128xf32, #tpu.memory_space<vmem_shared>>) offsets(%dma_start3A_200 : memref<128xi32, #tpu.memory_space<vmem>>) semaphore(%run_scoped3A_193 : memref<!tpu.dma_semaphore, #tpu.memory_space<semaphore_mem>>) {add = true}
        %dma_wait3A_204 = arith.constant 0 : i32
        %dma_wait3A_205 = arith.constant 0 : i32
        %dma_wait3A_206 = tpu.memref_slice %arg9[%scan3A_103, %dma_wait3A_204, %dma_wait3A_205] : memref<2x128x128xf32, #tpu.memory_space<vmem>> -> memref<1x128x128xf32, #tpu.memory_space<vmem>>
        %dma_wait3A_207 = tpu.memref_squeeze %dma_wait3A_206 : memref<1x128x128xf32, #tpu.memory_space<vmem>> -> memref<128x128xf32, #tpu.memory_space<vmem>>
        %dma_wait3A_208 = arith.constant 0 : i32
        %dma_wait3A_209 = tpu.memref_slice %arg8[%add3A_180, %dma_wait3A_208] : memref<40x128xi32, #tpu.memory_space<vmem>> -> memref<1x128xi32, #tpu.memory_space<vmem>>
        %dma_wait3A_210 = tpu.memref_squeeze %dma_wait3A_209 : memref<1x128xi32, #tpu.memory_space<vmem>> -> memref<128xi32, #tpu.memory_space<vmem>>
        %dma_wait3A_211 = arith.constant 0 : i32
        %dma_wait3A_212 = arith.constant 0 : i32
        %dma_wait3A_213 = tpu.memref_slice %arg10[%dma_wait3A_211, %dma_wait3A_212] : memref<10112x128xf32, #tpu.memory_space<vmem_shared>> -> memref<10112x128xf32, #tpu.memory_space<vmem_shared>>
        tpu.wait_indirect_dma semaphore(%run_scoped3A_193 : memref<!tpu.dma_semaphore, #tpu.memory_space<semaphore_mem>>) src(%dma_wait3A_207 : memref<128x128xf32, #tpu.memory_space<vmem>>) dst(%dma_wait3A_213 : memref<10112x128xf32, #tpu.memory_space<vmem_shared>>)
        tpu.yield
      }) : () -> ()
      %add3A_181 = arith.constant 3 : i32
      %add3A_182 = arith.addi %mul3A_144, %add3A_181 : i32
      %dma_start3A_183 = arith.constant 0 : i32
      %dma_start3A_184 = arith.constant 0 : i32
      %dma_start3A_185 = tpu.memref_slice %arg9[%scan3A_103, %dma_start3A_183, %dma_start3A_184] : memref<2x128x128xf32, #tpu.memory_space<vmem>> -> memref<1x128x128xf32, #tpu.memory_space<vmem>>
      %dma_start3A_186 = tpu.memref_squeeze %dma_start3A_185 : memref<1x128x128xf32, #tpu.memory_space<vmem>> -> memref<128x128xf32, #tpu.memory_space<vmem>>
      %dma_start3A_187 = arith.constant 0 : i32
      %dma_start3A_188 = tpu.memref_slice %arg7[%add3A_182, %dma_start3A_187] : memref<40x128xi32, #tpu.memory_space<vmem>> -> memref<1x128xi32, #tpu.memory_space<vmem>>
      %dma_start3A_189 = tpu.memref_squeeze %dma_start3A_188 : memref<1x128xi32, #tpu.memory_space<vmem>> -> memref<128xi32, #tpu.memory_space<vmem>>
      %dma_start3A_190 = arith.constant 0 : i32
      %dma_start3A_191 = arith.constant 0 : i32
      %dma_start3A_192 = tpu.memref_slice %arg2[%dma_start3A_190, %dma_start3A_191] : memref<10000x128xf32, #tpu.memory_space<hbm>> -> memref<10000x128xf32, #tpu.memory_space<hbm>>
      tpu.enqueue_indirect_dma source(%dma_start3A_192 : memref<10000x128xf32, #tpu.memory_space<hbm>>) target(%dma_start3A_186 : memref<128x128xf32, #tpu.memory_space<vmem>>) offsets(%dma_start3A_189 : memref<128xi32, #tpu.memory_space<vmem>>) semaphore(%arg12 : memref<!tpu.dma_semaphore, #tpu.memory_space<semaphore_mem>>)
    }
    %scan3A_108 = arith.constant 19 : i32
    %dma_wait3A_109 = arith.constant 38 : i32
    %dma_wait3A_110 = arith.constant 0 : i32
    %dma_wait3A_111 = arith.constant 0 : i32
    %dma_wait3A_112 = arith.constant 0 : i32
    %dma_wait3A_113 = tpu.memref_slice %arg9[%dma_wait3A_110, %dma_wait3A_111, %dma_wait3A_112] : memref<2x128x128xf32, #tpu.memory_space<vmem>> -> memref<1x128x128xf32, #tpu.memory_space<vmem>>
    %dma_wait3A_114 = tpu.memref_squeeze %dma_wait3A_113 : memref<1x128x128xf32, #tpu.memory_space<vmem>> -> memref<128x128xf32, #tpu.memory_space<vmem>>
    %dma_wait3A_115 = arith.constant 0 : i32
    %dma_wait3A_116 = tpu.memref_slice %arg7[%dma_wait3A_109, %dma_wait3A_115] : memref<40x128xi32, #tpu.memory_space<vmem>> -> memref<1x128xi32, #tpu.memory_space<vmem>>
    %dma_wait3A_117 = tpu.memref_squeeze %dma_wait3A_116 : memref<1x128xi32, #tpu.memory_space<vmem>> -> memref<128xi32, #tpu.memory_space<vmem>>
    %dma_wait3A_118 = arith.constant 0 : i32
    %dma_wait3A_119 = arith.constant 0 : i32
    %dma_wait3A_120 = tpu.memref_slice %arg2[%dma_wait3A_118, %dma_wait3A_119] : memref<10000x128xf32, #tpu.memory_space<hbm>> -> memref<10000x128xf32, #tpu.memory_space<hbm>>
    tpu.wait_indirect_dma semaphore(%arg11 : memref<!tpu.dma_semaphore, #tpu.memory_space<semaphore_mem>>) src(%dma_wait3A_120 : memref<10000x128xf32, #tpu.memory_space<hbm>>) dst(%dma_wait3A_114 : memref<128x128xf32, #tpu.memory_space<vmem>>)
    %run_scoped3A_121 = arith.constant 0 : i32
    %run_scoped3A_122 = arith.constant 38 : i32
    "tpu.region"() ({
      %run_scoped3A_142 = tpu.sem_alloc : memref<!tpu.dma_semaphore, #tpu.memory_space<semaphore_mem>>
      %dma_start3A_143 = arith.constant 0 : i32
      %dma_start3A_144 = arith.constant 0 : i32
      %dma_start3A_145 = tpu.memref_slice %arg9[%run_scoped3A_121, %dma_start3A_143, %dma_start3A_144] : memref<2x128x128xf32, #tpu.memory_space<vmem>> -> memref<1x128x128xf32, #tpu.memory_space<vmem>>
      %dma_start3A_146 = tpu.memref_squeeze %dma_start3A_145 : memref<1x128x128xf32, #tpu.memory_space<vmem>> -> memref<128x128xf32, #tpu.memory_space<vmem>>
      %dma_start3A_147 = arith.constant 0 : i32
      %dma_start3A_148 = tpu.memref_slice %arg8[%run_scoped3A_122, %dma_start3A_147] : memref<40x128xi32, #tpu.memory_space<vmem>> -> memref<1x128xi32, #tpu.memory_space<vmem>>
      %dma_start3A_149 = tpu.memref_squeeze %dma_start3A_148 : memref<1x128xi32, #tpu.memory_space<vmem>> -> memref<128xi32, #tpu.memory_space<vmem>>
      %dma_start3A_150 = arith.constant 0 : i32
      %dma_start3A_151 = arith.constant 0 : i32
      %dma_start3A_152 = tpu.memref_slice %arg10[%dma_start3A_150, %dma_start3A_151] : memref<10112x128xf32, #tpu.memory_space<vmem_shared>> -> memref<10112x128xf32, #tpu.memory_space<vmem_shared>>
      tpu.enqueue_indirect_dma source(%dma_start3A_146 : memref<128x128xf32, #tpu.memory_space<vmem>>) target(%dma_start3A_152 : memref<10112x128xf32, #tpu.memory_space<vmem_shared>>) offsets(%dma_start3A_149 : memref<128xi32, #tpu.memory_space<vmem>>) semaphore(%run_scoped3A_142 : memref<!tpu.dma_semaphore, #tpu.memory_space<semaphore_mem>>) {add = true}
      %dma_wait3A_153 = arith.constant 0 : i32
      %dma_wait3A_154 = arith.constant 0 : i32
      %dma_wait3A_155 = tpu.memref_slice %arg9[%run_scoped3A_121, %dma_wait3A_153, %dma_wait3A_154] : memref<2x128x128xf32, #tpu.memory_space<vmem>> -> memref<1x128x128xf32, #tpu.memory_space<vmem>>
      %dma_wait3A_156 = tpu.memref_squeeze %dma_wait3A_155 : memref<1x128x128xf32, #tpu.memory_space<vmem>> -> memref<128x128xf32, #tpu.memory_space<vmem>>
      %dma_wait3A_157 = arith.constant 0 : i32
      %dma_wait3A_158 = tpu.memref_slice %arg8[%run_scoped3A_122, %dma_wait3A_157] : memref<40x128xi32, #tpu.memory_space<vmem>> -> memref<1x128xi32, #tpu.memory_space<vmem>>
      %dma_wait3A_159 = tpu.memref_squeeze %dma_wait3A_158 : memref<1x128xi32, #tpu.memory_space<vmem>> -> memref<128xi32, #tpu.memory_space<vmem>>
      %dma_wait3A_160 = arith.constant 0 : i32
      %dma_wait3A_161 = arith.constant 0 : i32
      %dma_wait3A_162 = tpu.memref_slice %arg10[%dma_wait3A_160, %dma_wait3A_161] : memref<10112x128xf32, #tpu.memory_space<vmem_shared>> -> memref<10112x128xf32, #tpu.memory_space<vmem_shared>>
      tpu.wait_indirect_dma semaphore(%run_scoped3A_142 : memref<!tpu.dma_semaphore, #tpu.memory_space<semaphore_mem>>) src(%dma_wait3A_156 : memref<128x128xf32, #tpu.memory_space<vmem>>) dst(%dma_wait3A_162 : memref<10112x128xf32, #tpu.memory_space<vmem_shared>>)
      tpu.yield
    }) : () -> ()
    %dma_wait3A_123 = arith.constant 39 : i32
    %dma_wait3A_124 = arith.constant 1 : i32
    %dma_wait3A_125 = arith.constant 0 : i32
    %dma_wait3A_126 = arith.constant 0 : i32
    %dma_wait3A_127 = tpu.memref_slice %arg9[%dma_wait3A_124, %dma_wait3A_125, %dma_wait3A_126] : memref<2x128x128xf32, #tpu.memory_space<vmem>> -> memref<1x128x128xf32, #tpu.memory_space<vmem>>
    %dma_wait3A_128 = tpu.memref_squeeze %dma_wait3A_127 : memref<1x128x128xf32, #tpu.memory_space<vmem>> -> memref<128x128xf32, #tpu.memory_space<vmem>>
    %dma_wait3A_129 = arith.constant 0 : i32
    %dma_wait3A_130 = tpu.memref_slice %arg7[%dma_wait3A_123, %dma_wait3A_129] : memref<40x128xi32, #tpu.memory_space<vmem>> -> memref<1x128xi32, #tpu.memory_space<vmem>>
    %dma_wait3A_131 = tpu.memref_squeeze %dma_wait3A_130 : memref<1x128xi32, #tpu.memory_space<vmem>> -> memref<128xi32, #tpu.memory_space<vmem>>
    %dma_wait3A_132 = arith.constant 0 : i32
    %dma_wait3A_133 = arith.constant 0 : i32
    %dma_wait3A_134 = tpu.memref_slice %arg2[%dma_wait3A_132, %dma_wait3A_133] : memref<10000x128xf32, #tpu.memory_space<hbm>> -> memref<10000x128xf32, #tpu.memory_space<hbm>>
    tpu.wait_indirect_dma semaphore(%arg12 : memref<!tpu.dma_semaphore, #tpu.memory_space<semaphore_mem>>) src(%dma_wait3A_134 : memref<10000x128xf32, #tpu.memory_space<hbm>>) dst(%dma_wait3A_128 : memref<128x128xf32, #tpu.memory_space<vmem>>)
    %run_scoped3A_135 = arith.constant 1 : i32
    %run_scoped3A_136 = arith.constant 39 : i32
    "tpu.region"() ({
      %run_scoped3A_142 = tpu.sem_alloc : memref<!tpu.dma_semaphore, #tpu.memory_space<semaphore_mem>>
      %dma_start3A_143 = arith.constant 0 : i32
      %dma_start3A_144 = arith.constant 0 : i32
      %dma_start3A_145 = tpu.memref_slice %arg9[%run_scoped3A_135, %dma_start3A_143, %dma_start3A_144] : memref<2x128x128xf32, #tpu.memory_space<vmem>> -> memref<1x128x128xf32, #tpu.memory_space<vmem>>
      %dma_start3A_146 = tpu.memref_squeeze %dma_start3A_145 : memref<1x128x128xf32, #tpu.memory_space<vmem>> -> memref<128x128xf32, #tpu.memory_space<vmem>>
      %dma_start3A_147 = arith.constant 0 : i32
      %dma_start3A_148 = tpu.memref_slice %arg8[%run_scoped3A_136, %dma_start3A_147] : memref<40x128xi32, #tpu.memory_space<vmem>> -> memref<1x128xi32, #tpu.memory_space<vmem>>
      %dma_start3A_149 = tpu.memref_squeeze %dma_start3A_148 : memref<1x128xi32, #tpu.memory_space<vmem>> -> memref<128xi32, #tpu.memory_space<vmem>>
      %dma_start3A_150 = arith.constant 0 : i32
      %dma_start3A_151 = arith.constant 0 : i32
      %dma_start3A_152 = tpu.memref_slice %arg10[%dma_start3A_150, %dma_start3A_151] : memref<10112x128xf32, #tpu.memory_space<vmem_shared>> -> memref<10112x128xf32, #tpu.memory_space<vmem_shared>>
      tpu.enqueue_indirect_dma source(%dma_start3A_146 : memref<128x128xf32, #tpu.memory_space<vmem>>) target(%dma_start3A_152 : memref<10112x128xf32, #tpu.memory_space<vmem_shared>>) offsets(%dma_start3A_149 : memref<128xi32, #tpu.memory_space<vmem>>) semaphore(%run_scoped3A_142 : memref<!tpu.dma_semaphore, #tpu.memory_space<semaphore_mem>>) {add = true}
      %dma_wait3A_153 = arith.constant 0 : i32
      %dma_wait3A_154 = arith.constant 0 : i32
      %dma_wait3A_155 = tpu.memref_slice %arg9[%run_scoped3A_135, %dma_wait3A_153, %dma_wait3A_154] : memref<2x128x128xf32, #tpu.memory_space<vmem>> -> memref<1x128x128xf32, #tpu.memory_space<vmem>>
      %dma_wait3A_156 = tpu.memref_squeeze %dma_wait3A_155 : memref<1x128x128xf32, #tpu.memory_space<vmem>> -> memref<128x128xf32, #tpu.memory_space<vmem>>
      %dma_wait3A_157 = arith.constant 0 : i32
      %dma_wait3A_158 = tpu.memref_slice %arg8[%run_scoped3A_136, %dma_wait3A_157] : memref<40x128xi32, #tpu.memory_space<vmem>> -> memref<1x128xi32, #tpu.memory_space<vmem>>
      %dma_wait3A_159 = tpu.memref_squeeze %dma_wait3A_158 : memref<1x128xi32, #tpu.memory_space<vmem>> -> memref<128xi32, #tpu.memory_space<vmem>>
      %dma_wait3A_160 = arith.constant 0 : i32
      %dma_wait3A_161 = arith.constant 0 : i32
      %dma_wait3A_162 = tpu.memref_slice %arg10[%dma_wait3A_160, %dma_wait3A_161] : memref<10112x128xf32, #tpu.memory_space<vmem_shared>> -> memref<10112x128xf32, #tpu.memory_space<vmem_shared>>
      tpu.wait_indirect_dma semaphore(%run_scoped3A_142 : memref<!tpu.dma_semaphore, #tpu.memory_space<semaphore_mem>>) src(%dma_wait3A_156 : memref<128x128xf32, #tpu.memory_space<vmem>>) dst(%dma_wait3A_162 : memref<10112x128xf32, #tpu.memory_space<vmem_shared>>)
      tpu.yield
    }) : () -> ()
    %barrier3A_137 = arith.constant 0 : index
    tpu.barrier barrier_id(%barrier3A_137)
    %mul3A_138 = arith.constant 632 : i32
    %mul3A_139 = arith.muli %arg1, %mul3A_138 : i32
    %mul3A_140 = arith.constant 632 : i32
    %mul3A_141 = arith.muli %arg1, %mul3A_140 : i32
    "tpu.region"() ({
      %run_scoped3A_142 = tpu.sem_alloc : memref<!tpu.dma_semaphore, #tpu.memory_space<semaphore_mem>>
      %dma_start3A_143 = arith.constant 0 : i32
      %dma_start3A_144 = tpu.memref_slice %arg6[%arg0, %mul3A_141, %dma_start3A_143] : memref<2x10112x128xf32, #tpu.memory_space<hbm>> -> memref<1x632x128xf32, #tpu.memory_space<hbm>>
      %dma_start3A_145 = tpu.memref_squeeze %dma_start3A_144 : memref<1x632x128xf32, #tpu.memory_space<hbm>> -> memref<632x128xf32, #tpu.memory_space<hbm>>
      %dma_start3A_146 = arith.constant 0 : i32
      %dma_start3A_147 = tpu.memref_slice %arg10[%mul3A_139, %dma_start3A_146] : memref<10112x128xf32, #tpu.memory_space<vmem_shared>> -> memref<632x128xf32, #tpu.memory_space<vmem_shared>>
      tpu.enqueue_dma source(%dma_start3A_147 : memref<632x128xf32, #tpu.memory_space<vmem_shared>>) target(%dma_start3A_145 : memref<632x128xf32, #tpu.memory_space<hbm>>) target_semaphore(%run_scoped3A_142 : memref<!tpu.dma_semaphore, #tpu.memory_space<semaphore_mem>>)
      %dma_wait3A_148 = arith.constant 0 : i32
      %dma_wait3A_149 = tpu.memref_slice %arg6[%arg0, %mul3A_141, %dma_wait3A_148] : memref<2x10112x128xf32, #tpu.memory_space<hbm>> -> memref<1x632x128xf32, #tpu.memory_space<hbm>>
      %dma_wait3A_150 = tpu.memref_squeeze %dma_wait3A_149 : memref<1x632x128xf32, #tpu.memory_space<hbm>> -> memref<632x128xf32, #tpu.memory_space<hbm>>
      %dma_wait3A_151 = arith.constant 0 : i32
      %dma_wait3A_152 = tpu.memref_slice %arg10[%mul3A_139, %dma_wait3A_151] : memref<10112x128xf32, #tpu.memory_space<vmem_shared>> -> memref<632x128xf32, #tpu.memory_space<vmem_shared>>
      tpu.wait_dma2 semaphore(%run_scoped3A_142 : memref<!tpu.dma_semaphore, #tpu.memory_space<semaphore_mem>>) src(%dma_wait3A_152 : memref<632x128xf32, #tpu.memory_space<vmem_shared>>) dst(%dma_wait3A_150 : memref<632x128xf32, #tpu.memory_space<hbm>>)
      tpu.yield
    }) : () -> ()
    return
  }
}

#map = affine_map<(d0, d1) -> (0, 0)>
#map1 = affine_map<(d0, d1) -> (0, 0, 0)>
module attributes {stable_mosaic.version = 14 : i64} {
  func.func @k(%arg0: i32, %arg1: i32, %arg2: memref<10000x128xf32, #tpu.memory_space<hbm>>, %arg3: memref<2560x128xi32, #tpu.memory_space<hbm>>, %arg4: memref<2560x128xi32, #tpu.memory_space<hbm>>, %arg5: memref<632x128xf32, #tpu.memory_space<hbm>>, %arg6: memref<2x10112x128xf32, #tpu.memory_space<hbm>>, %arg7: memref<40x128xi32, #tpu.memory_space<vmem>>, %arg8: memref<40x128xi32, #tpu.memory_space<vmem>>, %arg9: memref<2x128x128xf32, #tpu.memory_space<vmem>>, %arg10: memref<10112x128xf32, #tpu.memory_space<vmem_shared>>, %arg11: memref<!tpu.dma_semaphore, #tpu.memory_space<semaphore_mem>>, %arg12: memref<!tpu.dma_semaphore, #tpu.memory_space<semaphore_mem>>, %arg13: memref<!tpu.dma_semaphore, #tpu.memory_space<semaphore_mem>>) attributes {dimension_semantics = [#tpu.dimension_semantics<core_parallel>, #tpu.dimension_semantics<subcore_parallel>], iteration_bounds = array<i64: 2, 16>, scalar_prefetch = 0 : i64, scratch_operands = 7 : i64, tpu.core_type = #tpu.core_type<sc_vector_subcore>, window_params = [{transform_indices = #map}, {transform_indices = #map}, {transform_indices = #map}, {transform_indices = #map}, {transform_indices = #map1}]} {
    %mul3A = arith.constant 16 : i32
    %mul3A_0 = arith.muli %arg0, %mul3A : i32
    %add3A = arith.addi %mul3A_0, %arg1 : i32
    %mul3A_1 = arith.constant 632 : i32
    %mul3A_2 = arith.muli %arg1, %mul3A_1 : i32
    %dma_start3A = arith.constant 0 : i32
    %dma_start3A_3 = tpu.memref_slice %arg10[%mul3A_2, %dma_start3A] : memref<10112x128xf32, #tpu.memory_space<vmem_shared>> -> memref<632x128xf32, #tpu.memory_space<vmem_shared>>
    %dma_start3A_4 = arith.constant 0 : i32
    %dma_start3A_5 = arith.constant 0 : i32
    %dma_start3A_6 = tpu.memref_slice %arg5[%dma_start3A_4, %dma_start3A_5] : memref<632x128xf32, #tpu.memory_space<hbm>> -> memref<632x128xf32, #tpu.memory_space<hbm>>
    tpu.enqueue_dma source(%dma_start3A_6 : memref<632x128xf32, #tpu.memory_space<hbm>>) target(%dma_start3A_3 : memref<632x128xf32, #tpu.memory_space<vmem_shared>>) target_semaphore(%arg13 : memref<!tpu.dma_semaphore, #tpu.memory_space<semaphore_mem>>)
    %mul3A_7 = arith.constant 80 : i32
    %mul3A_8 = arith.muli %add3A, %mul3A_7 : i32
    %add3A_9 = arith.constant 0 : i32
    %add3A_10 = arith.addi %mul3A_8, %add3A_9 : i32
    "tpu.region"() ({
      %run_scoped3A_142 = tpu.sem_alloc : memref<!tpu.dma_semaphore, #tpu.memory_space<semaphore_mem>>
      %dma_start3A_143 = arith.constant 0 : i32
      %dma_start3A_144 = tpu.memref_slice %arg3[%add3A_10, %dma_start3A_143] : memref<2560x128xi32, #tpu.memory_space<hbm>> -> memref<40x128xi32, #tpu.memory_space<hbm>>
      %dma_start3A_145 = arith.constant 0 : i32
      %dma_start3A_146 = tpu.memref_slice %arg3[%add3A_10, %dma_start3A_145] : memref<2560x128xi32, #tpu.memory_space<hbm>> -> memref<40x128xi32, #tpu.memory_space<hbm>>
      tpu.enqueue_dma source(%dma_start3A_146 : memref<40x128xi32, #tpu.memory_space<hbm>>) target(%arg7 : memref<40x128xi32, #tpu.memory_space<vmem>>) target_semaphore(%run_scoped3A_142 : memref<!tpu.dma_semaphore, #tpu.memory_space<semaphore_mem>>)
      %dma_wait3A_147 = arith.constant 0 : i32
      %dma_wait3A_148 = tpu.memref_slice %arg3[%add3A_10, %dma_wait3A_147] : memref<2560x128xi32, #tpu.memory_space<hbm>> -> memref<40x128xi32, #tpu.memory_space<hbm>>
      %dma_wait3A_149 = arith.constant 0 : i32
      %dma_wait3A_150 = tpu.memref_slice %arg3[%add3A_10, %dma_wait3A_149] : memref<2560x128xi32, #tpu.memory_space<hbm>> -> memref<40x128xi32, #tpu.memory_space<hbm>>
      tpu.wait_dma2 semaphore(%run_scoped3A_142 : memref<!tpu.dma_semaphore, #tpu.memory_space<semaphore_mem>>) src(%dma_wait3A_150 : memref<40x128xi32, #tpu.memory_space<hbm>>) dst(%arg7 : memref<40x128xi32, #tpu.memory_space<vmem>>)
      tpu.yield
    }) : () -> ()
    "tpu.region"() ({
      %run_scoped3A_142 = tpu.sem_alloc : memref<!tpu.dma_semaphore, #tpu.memory_space<semaphore_mem>>
      %dma_start3A_143 = arith.constant 0 : i32
      %dma_start3A_144 = tpu.memref_slice %arg4[%add3A_10, %dma_start3A_143] : memref<2560x128xi32, #tpu.memory_space<hbm>> -> memref<40x128xi32, #tpu.memory_space<hbm>>
      %dma_start3A_145 = arith.constant 0 : i32
      %dma_start3A_146 = tpu.memref_slice %arg4[%add3A_10, %dma_start3A_145] : memref<2560x128xi32, #tpu.memory_space<hbm>> -> memref<40x128xi32, #tpu.memory_space<hbm>>
      tpu.enqueue_dma source(%dma_start3A_146 : memref<40x128xi32, #tpu.memory_space<hbm>>) target(%arg8 : memref<40x128xi32, #tpu.memory_space<vmem>>) target_semaphore(%run_scoped3A_142 : memref<!tpu.dma_semaphore, #tpu.memory_space<semaphore_mem>>)
      %dma_wait3A_147 = arith.constant 0 : i32
      %dma_wait3A_148 = tpu.memref_slice %arg4[%add3A_10, %dma_wait3A_147] : memref<2560x128xi32, #tpu.memory_space<hbm>> -> memref<40x128xi32, #tpu.memory_space<hbm>>
      %dma_wait3A_149 = arith.constant 0 : i32
      %dma_wait3A_150 = tpu.memref_slice %arg4[%add3A_10, %dma_wait3A_149] : memref<2560x128xi32, #tpu.memory_space<hbm>> -> memref<40x128xi32, #tpu.memory_space<hbm>>
      tpu.wait_dma2 semaphore(%run_scoped3A_142 : memref<!tpu.dma_semaphore, #tpu.memory_space<semaphore_mem>>) src(%dma_wait3A_150 : memref<40x128xi32, #tpu.memory_space<hbm>>) dst(%arg8 : memref<40x128xi32, #tpu.memory_space<vmem>>)
      tpu.yield
    }) : () -> ()
    %dma_start3A_11 = arith.constant 0 : i32
    %dma_start3A_12 = arith.constant 0 : i32
    %dma_start3A_13 = arith.constant 0 : i32
    %dma_start3A_14 = arith.constant 0 : i32
    %dma_start3A_15 = tpu.memref_slice %arg9[%dma_start3A_12, %dma_start3A_13, %dma_start3A_14] : memref<2x128x128xf32, #tpu.memory_space<vmem>> -> memref<1x128x128xf32, #tpu.memory_space<vmem>>
    %dma_start3A_16 = tpu.memref_squeeze %dma_start3A_15 : memref<1x128x128xf32, #tpu.memory_space<vmem>> -> memref<128x128xf32, #tpu.memory_space<vmem>>
    %dma_start3A_17 = arith.constant 0 : i32
    %dma_start3A_18 = tpu.memref_slice %arg7[%dma_start3A_11, %dma_start3A_17] : memref<40x128xi32, #tpu.memory_space<vmem>> -> memref<1x128xi32, #tpu.memory_space<vmem>>
    %dma_start3A_19 = tpu.memref_squeeze %dma_start3A_18 : memref<1x128xi32, #tpu.memory_space<vmem>> -> memref<128xi32, #tpu.memory_space<vmem>>
    %dma_start3A_20 = arith.constant 0 : i32
    %dma_start3A_21 = arith.constant 0 : i32
    %dma_start3A_22 = tpu.memref_slice %arg2[%dma_start3A_20, %dma_start3A_21] : memref<10000x128xf32, #tpu.memory_space<hbm>> -> memref<10000x128xf32, #tpu.memory_space<hbm>>
    tpu.enqueue_indirect_dma source(%dma_start3A_22 : memref<10000x128xf32, #tpu.memory_space<hbm>>) target(%dma_start3A_16 : memref<128x128xf32, #tpu.memory_space<vmem>>) offsets(%dma_start3A_19 : memref<128xi32, #tpu.memory_space<vmem>>) semaphore(%arg11 : memref<!tpu.dma_semaphore, #tpu.memory_space<semaphore_mem>>)
    %dma_start3A_23 = arith.constant 1 : i32
    %dma_start3A_24 = arith.constant 1 : i32
    %dma_start3A_25 = arith.constant 0 : i32
    %dma_start3A_26 = arith.constant 0 : i32
    %dma_start3A_27 = tpu.memref_slice %arg9[%dma_start3A_24, %dma_start3A_25, %dma_start3A_26] : memref<2x128x128xf32, #tpu.memory_space<vmem>> -> memref<1x128x128xf32, #tpu.memory_space<vmem>>
    %dma_start3A_28 = tpu.memref_squeeze %dma_start3A_27 : memref<1x128x128xf32, #tpu.memory_space<vmem>> -> memref<128x128xf32, #tpu.memory_space<vmem>>
    %dma_start3A_29 = arith.constant 0 : i32
    %dma_start3A_30 = tpu.memref_slice %arg7[%dma_start3A_23, %dma_start3A_29] : memref<40x128xi32, #tpu.memory_space<vmem>> -> memref<1x128xi32, #tpu.memory_space<vmem>>
    %dma_start3A_31 = tpu.memref_squeeze %dma_start3A_30 : memref<1x128xi32, #tpu.memory_space<vmem>> -> memref<128xi32, #tpu.memory_space<vmem>>
    %dma_start3A_32 = arith.constant 0 : i32
    %dma_start3A_33 = arith.constant 0 : i32
    %dma_start3A_34 = tpu.memref_slice %arg2[%dma_start3A_32, %dma_start3A_33] : memref<10000x128xf32, #tpu.memory_space<hbm>> -> memref<10000x128xf32, #tpu.memory_space<hbm>>
    tpu.enqueue_indirect_dma source(%dma_start3A_34 : memref<10000x128xf32, #tpu.memory_space<hbm>>) target(%dma_start3A_28 : memref<128x128xf32, #tpu.memory_space<vmem>>) offsets(%dma_start3A_31 : memref<128xi32, #tpu.memory_space<vmem>>) semaphore(%arg12 : memref<!tpu.dma_semaphore, #tpu.memory_space<semaphore_mem>>)
    %dma_wait3A = arith.constant 0 : i32
    %dma_wait3A_35 = tpu.memref_slice %arg10[%mul3A_2, %dma_wait3A] : memref<10112x128xf32, #tpu.memory_space<vmem_shared>> -> memref<632x128xf32, #tpu.memory_space<vmem_shared>>
    %dma_wait3A_36 = arith.constant 0 : i32
    %dma_wait3A_37 = arith.constant 0 : i32
    %dma_wait3A_38 = tpu.memref_slice %arg5[%dma_wait3A_36, %dma_wait3A_37] : memref<632x128xf32, #tpu.memory_space<hbm>> -> memref<632x128xf32, #tpu.memory_space<hbm>>
    tpu.wait_dma2 semaphore(%arg13 : memref<!tpu.dma_semaphore, #tpu.memory_space<semaphore_mem>>) src(%dma_wait3A_38 : memref<632x128xf32, #tpu.memory_space<hbm>>) dst(%dma_wait3A_35 : memref<632x128xf32, #tpu.memory_space<vmem_shared>>)
    %barrier3A = arith.constant 0 : index
    tpu.barrier barrier_id(%barrier3A)
    %scan3A = arith.constant 0 : i32
    %scan3A_39 = arith.constant 0 : i32
    %scan3A_40 = arith.constant 1 : i32
    %scan3A_41 = arith.constant 0 : i32
    %scan3A_42 = arith.constant 19 : i32
    %scan3A_43 = arith.addi %scan3A_41, %scan3A_42 : i32
    %scan3A_44 = arith.constant 1 : i32
    scf.for %scan3A_142 = %scan3A_41 to %scan3A_43 step %scan3A_44  : i32 {
      %mul3A_143 = arith.constant 2 : i32
      %mul3A_144 = arith.muli %mul3A_143, %scan3A_142 : i32
      %dma_wait3A_145 = arith.constant 0 : i32
      %dma_wait3A_146 = arith.constant 0 : i32
      %dma_wait3A_147 = tpu.memref_slice %arg9[%scan3A_39, %dma_wait3A_145, %dma_wait3A_146] : memref<2x128x128xf32, #tpu.memory_space<vmem>> -> memref<1x128x128xf32, #tpu.memory_space<vmem>>
      %dma_wait3A_148 = tpu.memref_squeeze %dma_wait3A_147 : memref<1x128x128xf32, #tpu.memory_space<vmem>> -> memref<128x128xf32, #tpu.memory_space<vmem>>
      %dma_wait3A_149 = arith.constant 0 : i32
      %dma_wait3A_150 = tpu.memref_slice %arg7[%mul3A_144, %dma_wait3A_149] : memref<40x128xi32, #tpu.memory_space<vmem>> -> memref<1x128xi32, #tpu.memory_space<vmem>>
      %dma_wait3A_151 = tpu.memref_squeeze %dma_wait3A_150 : memref<1x128xi32, #tpu.memory_space<vmem>> -> memref<128xi32, #tpu.memory_space<vmem>>
      %dma_wait3A_152 = arith.constant 0 : i32
      %dma_wait3A_153 = arith.constant 0 : i32
      %dma_wait3A_154 = tpu.memref_slice %arg2[%dma_wait3A_152, %dma_wait3A_153] : memref<10000x128xf32, #tpu.memory_space<hbm>> -> memref<10000x128xf32, #tpu.memory_space<hbm>>
      tpu.wait_indirect_dma semaphore(%arg11 : memref<!tpu.dma_semaphore, #tpu.memory_space<semaphore_mem>>) src(%dma_wait3A_154 : memref<10000x128xf32, #tpu.memory_space<hbm>>) dst(%dma_wait3A_148 : memref<128x128xf32, #tpu.memory_space<vmem>>)
      "tpu.region"() ({
        %run_scoped3A_193 = tpu.sem_alloc : memref<!tpu.dma_semaphore, #tpu.memory_space<semaphore_mem>>
        %dma_start3A_194 = arith.constant 0 : i32
        %dma_start3A_195 = arith.constant 0 : i32
        %dma_start3A_196 = tpu.memref_slice %arg9[%scan3A_39, %dma_start3A_194, %dma_start3A_195] : memref<2x128x128xf32, #tpu.memory_space<vmem>> -> memref<1x128x128xf32, #tpu.memory_space<vmem>>
        %dma_start3A_197 = tpu.memref_squeeze %dma_start3A_196 : memref<1x128x128xf32, #tpu.memory_space<vmem>> -> memref<128x128xf32, #tpu.memory_space<vmem>>
        %dma_start3A_198 = arith.constant 0 : i32
        %dma_start3A_199 = tpu.memref_slice %arg8[%mul3A_144, %dma_start3A_198] : memref<40x128xi32, #tpu.memory_space<vmem>> -> memref<1x128xi32, #tpu.memory_space<vmem>>
        %dma_start3A_200 = tpu.memref_squeeze %dma_start3A_199 : memref<1x128xi32, #tpu.memory_space<vmem>> -> memref<128xi32, #tpu.memory_space<vmem>>
        %dma_start3A_201 = arith.constant 0 : i32
        %dma_start3A_202 = arith.constant 0 : i32
        %dma_start3A_203 = tpu.memref_slice %arg10[%dma_start3A_201, %dma_start3A_202] : memref<10112x128xf32, #tpu.memory_space<vmem_shared>> -> memref<10112x128xf32, #tpu.memory_space<vmem_shared>>
        tpu.enqueue_indirect_dma source(%dma_start3A_197 : memref<128x128xf32, #tpu.memory_space<vmem>>) target(%dma_start3A_203 : memref<10112x128xf32, #tpu.memory_space<vmem_shared>>) offsets(%dma_start3A_200 : memref<128xi32, #tpu.memory_space<vmem>>) semaphore(%run_scoped3A_193 : memref<!tpu.dma_semaphore, #tpu.memory_space<semaphore_mem>>) {add = true}
        %dma_wait3A_204 = arith.constant 0 : i32
        %dma_wait3A_205 = arith.constant 0 : i32
        %dma_wait3A_206 = tpu.memref_slice %arg9[%scan3A_39, %dma_wait3A_204, %dma_wait3A_205] : memref<2x128x128xf32, #tpu.memory_space<vmem>> -> memref<1x128x128xf32, #tpu.memory_space<vmem>>
        %dma_wait3A_207 = tpu.memref_squeeze %dma_wait3A_206 : memref<1x128x128xf32, #tpu.memory_space<vmem>> -> memref<128x128xf32, #tpu.memory_space<vmem>>
        %dma_wait3A_208 = arith.constant 0 : i32
        %dma_wait3A_209 = tpu.memref_slice %arg8[%mul3A_144, %dma_wait3A_208] : memref<40x128xi32, #tpu.memory_space<vmem>> -> memref<1x128xi32, #tpu.memory_space<vmem>>
        %dma_wait3A_210 = tpu.memref_squeeze %dma_wait3A_209 : memref<1x128xi32, #tpu.memory_space<vmem>> -> memref<128xi32, #tpu.memory_space<vmem>>
        %dma_wait3A_211 = arith.constant 0 : i32
        %dma_wait3A_212 = arith.constant 0 : i32
        %dma_wait3A_213 = tpu.memref_slice %arg10[%dma_wait3A_211, %dma_wait3A_212] : memref<10112x128xf32, #tpu.memory_space<vmem_shared>> -> memref<10112x128xf32, #tpu.memory_space<vmem_shared>>
        tpu.wait_indirect_dma semaphore(%run_scoped3A_193 : memref<!tpu.dma_semaphore, #tpu.memory_space<semaphore_mem>>) src(%dma_wait3A_207 : memref<128x128xf32, #tpu.memory_space<vmem>>) dst(%dma_wait3A_213 : memref<10112x128xf32, #tpu.memory_space<vmem_shared>>)
        tpu.yield
      }) : () -> ()
      %add3A_155 = arith.constant 2 : i32
      %add3A_156 = arith.addi %mul3A_144, %add3A_155 : i32
      %dma_start3A_157 = arith.constant 0 : i32
      %dma_start3A_158 = arith.constant 0 : i32
      %dma_start3A_159 = tpu.memref_slice %arg9[%scan3A_39, %dma_start3A_157, %dma_start3A_158] : memref<2x128x128xf32, #tpu.memory_space<vmem>> -> memref<1x128x128xf32, #tpu.memory_space<vmem>>
      %dma_start3A_160 = tpu.memref_squeeze %dma_start3A_159 : memref<1x128x128xf32, #tpu.memory_space<vmem>> -> memref<128x128xf32, #tpu.memory_space<vmem>>
      %dma_start3A_161 = arith.constant 0 : i32
      %dma_start3A_162 = tpu.memref_slice %arg7[%add3A_156, %dma_start3A_161] : memref<40x128xi32, #tpu.memory_space<vmem>> -> memref<1x128xi32, #tpu.memory_space<vmem>>
      %dma_start3A_163 = tpu.memref_squeeze %dma_start3A_162 : memref<1x128xi32, #tpu.memory_space<vmem>> -> memref<128xi32, #tpu.memory_space<vmem>>
      %dma_start3A_164 = arith.constant 0 : i32
      %dma_start3A_165 = arith.constant 0 : i32
      %dma_start3A_166 = tpu.memref_slice %arg2[%dma_start3A_164, %dma_start3A_165] : memref<10000x128xf32, #tpu.memory_space<hbm>> -> memref<10000x128xf32, #tpu.memory_space<hbm>>
      tpu.enqueue_indirect_dma source(%dma_start3A_166 : memref<10000x128xf32, #tpu.memory_space<hbm>>) target(%dma_start3A_160 : memref<128x128xf32, #tpu.memory_space<vmem>>) offsets(%dma_start3A_163 : memref<128xi32, #tpu.memory_space<vmem>>) semaphore(%arg11 : memref<!tpu.dma_semaphore, #tpu.memory_space<semaphore_mem>>)
      %add3A_167 = arith.constant 1 : i32
      %add3A_168 = arith.addi %mul3A_144, %add3A_167 : i32
      %dma_wait3A_169 = arith.constant 0 : i32
      %dma_wait3A_170 = arith.constant 0 : i32
      %dma_wait3A_171 = tpu.memref_slice %arg9[%scan3A_40, %dma_wait3A_169, %dma_wait3A_170] : memref<2x128x128xf32, #tpu.memory_space<vmem>> -> memref<1x128x128xf32, #tpu.memory_space<vmem>>
      %dma_wait3A_172 = tpu.memref_squeeze %dma_wait3A_171 : memref<1x128x128xf32, #tpu.memory_space<vmem>> -> memref<128x128xf32, #tpu.memory_space<vmem>>
      %dma_wait3A_173 = arith.constant 0 : i32
      %dma_wait3A_174 = tpu.memref_slice %arg7[%add3A_168, %dma_wait3A_173] : memref<40x128xi32, #tpu.memory_space<vmem>> -> memref<1x128xi32, #tpu.memory_space<vmem>>
      %dma_wait3A_175 = tpu.memref_squeeze %dma_wait3A_174 : memref<1x128xi32, #tpu.memory_space<vmem>> -> memref<128xi32, #tpu.memory_space<vmem>>
      %dma_wait3A_176 = arith.constant 0 : i32
      %dma_wait3A_177 = arith.constant 0 : i32
      %dma_wait3A_178 = tpu.memref_slice %arg2[%dma_wait3A_176, %dma_wait3A_177] : memref<10000x128xf32, #tpu.memory_space<hbm>> -> memref<10000x128xf32, #tpu.memory_space<hbm>>
      tpu.wait_indirect_dma semaphore(%arg12 : memref<!tpu.dma_semaphore, #tpu.memory_space<semaphore_mem>>) src(%dma_wait3A_178 : memref<10000x128xf32, #tpu.memory_space<hbm>>) dst(%dma_wait3A_172 : memref<128x128xf32, #tpu.memory_space<vmem>>)
      %add3A_179 = arith.constant 1 : i32
      %add3A_180 = arith.addi %mul3A_144, %add3A_179 : i32
      "tpu.region"() ({
        %run_scoped3A_193 = tpu.sem_alloc : memref<!tpu.dma_semaphore, #tpu.memory_space<semaphore_mem>>
        %dma_start3A_194 = arith.constant 0 : i32
        %dma_start3A_195 = arith.constant 0 : i32
        %dma_start3A_196 = tpu.memref_slice %arg9[%scan3A_40, %dma_start3A_194, %dma_start3A_195] : memref<2x128x128xf32, #tpu.memory_space<vmem>> -> memref<1x128x128xf32, #tpu.memory_space<vmem>>
        %dma_start3A_197 = tpu.memref_squeeze %dma_start3A_196 : memref<1x128x128xf32, #tpu.memory_space<vmem>> -> memref<128x128xf32, #tpu.memory_space<vmem>>
        %dma_start3A_198 = arith.constant 0 : i32
        %dma_start3A_199 = tpu.memref_slice %arg8[%add3A_180, %dma_start3A_198] : memref<40x128xi32, #tpu.memory_space<vmem>> -> memref<1x128xi32, #tpu.memory_space<vmem>>
        %dma_start3A_200 = tpu.memref_squeeze %dma_start3A_199 : memref<1x128xi32, #tpu.memory_space<vmem>> -> memref<128xi32, #tpu.memory_space<vmem>>
        %dma_start3A_201 = arith.constant 0 : i32
        %dma_start3A_202 = arith.constant 0 : i32
        %dma_start3A_203 = tpu.memref_slice %arg10[%dma_start3A_201, %dma_start3A_202] : memref<10112x128xf32, #tpu.memory_space<vmem_shared>> -> memref<10112x128xf32, #tpu.memory_space<vmem_shared>>
        tpu.enqueue_indirect_dma source(%dma_start3A_197 : memref<128x128xf32, #tpu.memory_space<vmem>>) target(%dma_start3A_203 : memref<10112x128xf32, #tpu.memory_space<vmem_shared>>) offsets(%dma_start3A_200 : memref<128xi32, #tpu.memory_space<vmem>>) semaphore(%run_scoped3A_193 : memref<!tpu.dma_semaphore, #tpu.memory_space<semaphore_mem>>) {add = true}
        %dma_wait3A_204 = arith.constant 0 : i32
        %dma_wait3A_205 = arith.constant 0 : i32
        %dma_wait3A_206 = tpu.memref_slice %arg9[%scan3A_40, %dma_wait3A_204, %dma_wait3A_205] : memref<2x128x128xf32, #tpu.memory_space<vmem>> -> memref<1x128x128xf32, #tpu.memory_space<vmem>>
        %dma_wait3A_207 = tpu.memref_squeeze %dma_wait3A_206 : memref<1x128x128xf32, #tpu.memory_space<vmem>> -> memref<128x128xf32, #tpu.memory_space<vmem>>
        %dma_wait3A_208 = arith.constant 0 : i32
        %dma_wait3A_209 = tpu.memref_slice %arg8[%add3A_180, %dma_wait3A_208] : memref<40x128xi32, #tpu.memory_space<vmem>> -> memref<1x128xi32, #tpu.memory_space<vmem>>
        %dma_wait3A_210 = tpu.memref_squeeze %dma_wait3A_209 : memref<1x128xi32, #tpu.memory_space<vmem>> -> memref<128xi32, #tpu.memory_space<vmem>>
        %dma_wait3A_211 = arith.constant 0 : i32
        %dma_wait3A_212 = arith.constant 0 : i32
        %dma_wait3A_213 = tpu.memref_slice %arg10[%dma_wait3A_211, %dma_wait3A_212] : memref<10112x128xf32, #tpu.memory_space<vmem_shared>> -> memref<10112x128xf32, #tpu.memory_space<vmem_shared>>
        tpu.wait_indirect_dma semaphore(%run_scoped3A_193 : memref<!tpu.dma_semaphore, #tpu.memory_space<semaphore_mem>>) src(%dma_wait3A_207 : memref<128x128xf32, #tpu.memory_space<vmem>>) dst(%dma_wait3A_213 : memref<10112x128xf32, #tpu.memory_space<vmem_shared>>)
        tpu.yield
      }) : () -> ()
      %add3A_181 = arith.constant 3 : i32
      %add3A_182 = arith.addi %mul3A_144, %add3A_181 : i32
      %dma_start3A_183 = arith.constant 0 : i32
      %dma_start3A_184 = arith.constant 0 : i32
      %dma_start3A_185 = tpu.memref_slice %arg9[%scan3A_40, %dma_start3A_183, %dma_start3A_184] : memref<2x128x128xf32, #tpu.memory_space<vmem>> -> memref<1x128x128xf32, #tpu.memory_space<vmem>>
      %dma_start3A_186 = tpu.memref_squeeze %dma_start3A_185 : memref<1x128x128xf32, #tpu.memory_space<vmem>> -> memref<128x128xf32, #tpu.memory_space<vmem>>
      %dma_start3A_187 = arith.constant 0 : i32
      %dma_start3A_188 = tpu.memref_slice %arg7[%add3A_182, %dma_start3A_187] : memref<40x128xi32, #tpu.memory_space<vmem>> -> memref<1x128xi32, #tpu.memory_space<vmem>>
      %dma_start3A_189 = tpu.memref_squeeze %dma_start3A_188 : memref<1x128xi32, #tpu.memory_space<vmem>> -> memref<128xi32, #tpu.memory_space<vmem>>
      %dma_start3A_190 = arith.constant 0 : i32
      %dma_start3A_191 = arith.constant 0 : i32
      %dma_start3A_192 = tpu.memref_slice %arg2[%dma_start3A_190, %dma_start3A_191] : memref<10000x128xf32, #tpu.memory_space<hbm>> -> memref<10000x128xf32, #tpu.memory_space<hbm>>
      tpu.enqueue_indirect_dma source(%dma_start3A_192 : memref<10000x128xf32, #tpu.memory_space<hbm>>) target(%dma_start3A_186 : memref<128x128xf32, #tpu.memory_space<vmem>>) offsets(%dma_start3A_189 : memref<128xi32, #tpu.memory_space<vmem>>) semaphore(%arg12 : memref<!tpu.dma_semaphore, #tpu.memory_space<semaphore_mem>>)
    }
    %scan3A_45 = arith.constant 19 : i32
    %dma_wait3A_46 = arith.constant 38 : i32
    %dma_wait3A_47 = arith.constant 0 : i32
    %dma_wait3A_48 = arith.constant 0 : i32
    %dma_wait3A_49 = arith.constant 0 : i32
    %dma_wait3A_50 = tpu.memref_slice %arg9[%dma_wait3A_47, %dma_wait3A_48, %dma_wait3A_49] : memref<2x128x128xf32, #tpu.memory_space<vmem>> -> memref<1x128x128xf32, #tpu.memory_space<vmem>>
    %dma_wait3A_51 = tpu.memref_squeeze %dma_wait3A_50 : memref<1x128x128xf32, #tpu.memory_space<vmem>> -> memref<128x128xf32, #tpu.memory_space<vmem>>
    %dma_wait3A_52 = arith.constant 0 : i32
    %dma_wait3A_53 = tpu.memref_slice %arg7[%dma_wait3A_46, %dma_wait3A_52] : memref<40x128xi32, #tpu.memory_space<vmem>> -> memref<1x128xi32, #tpu.memory_space<vmem>>
    %dma_wait3A_54 = tpu.memref_squeeze %dma_wait3A_53 : memref<1x128xi32, #tpu.memory_space<vmem>> -> memref<128xi32, #tpu.memory_space<vmem>>
    %dma_wait3A_55 = arith.constant 0 : i32
    %dma_wait3A_56 = arith.constant 0 : i32
    %dma_wait3A_57 = tpu.memref_slice %arg2[%dma_wait3A_55, %dma_wait3A_56] : memref<10000x128xf32, #tpu.memory_space<hbm>> -> memref<10000x128xf32, #tpu.memory_space<hbm>>
    tpu.wait_indirect_dma semaphore(%arg11 : memref<!tpu.dma_semaphore, #tpu.memory_space<semaphore_mem>>) src(%dma_wait3A_57 : memref<10000x128xf32, #tpu.memory_space<hbm>>) dst(%dma_wait3A_51 : memref<128x128xf32, #tpu.memory_space<vmem>>)
    %run_scoped3A = arith.constant 0 : i32
    %run_scoped3A_58 = arith.constant 38 : i32
    "tpu.region"() ({
      %run_scoped3A_142 = tpu.sem_alloc : memref<!tpu.dma_semaphore, #tpu.memory_space<semaphore_mem>>
      %dma_start3A_143 = arith.constant 0 : i32
      %dma_start3A_144 = arith.constant 0 : i32
      %dma_start3A_145 = tpu.memref_slice %arg9[%run_scoped3A, %dma_start3A_143, %dma_start3A_144] : memref<2x128x128xf32, #tpu.memory_space<vmem>> -> memref<1x128x128xf32, #tpu.memory_space<vmem>>
      %dma_start3A_146 = tpu.memref_squeeze %dma_start3A_145 : memref<1x128x128xf32, #tpu.memory_space<vmem>> -> memref<128x128xf32, #tpu.memory_space<vmem>>
      %dma_start3A_147 = arith.constant 0 : i32
      %dma_start3A_148 = tpu.memref_slice %arg8[%run_scoped3A_58, %dma_start3A_147] : memref<40x128xi32, #tpu.memory_space<vmem>> -> memref<1x128xi32, #tpu.memory_space<vmem>>
      %dma_start3A_149 = tpu.memref_squeeze %dma_start3A_148 : memref<1x128xi32, #tpu.memory_space<vmem>> -> memref<128xi32, #tpu.memory_space<vmem>>
      %dma_start3A_150 = arith.constant 0 : i32
      %dma_start3A_151 = arith.constant 0 : i32
      %dma_start3A_152 = tpu.memref_slice %arg10[%dma_start3A_150, %dma_start3A_151] : memref<10112x128xf32, #tpu.memory_space<vmem_shared>> -> memref<10112x128xf32, #tpu.memory_space<vmem_shared>>
      tpu.enqueue_indirect_dma source(%dma_start3A_146 : memref<128x128xf32, #tpu.memory_space<vmem>>) target(%dma_start3A_152 : memref<10112x128xf32, #tpu.memory_space<vmem_shared>>) offsets(%dma_start3A_149 : memref<128xi32, #tpu.memory_space<vmem>>) semaphore(%run_scoped3A_142 : memref<!tpu.dma_semaphore, #tpu.memory_space<semaphore_mem>>) {add = true}
      %dma_wait3A_153 = arith.constant 0 : i32
      %dma_wait3A_154 = arith.constant 0 : i32
      %dma_wait3A_155 = tpu.memref_slice %arg9[%run_scoped3A, %dma_wait3A_153, %dma_wait3A_154] : memref<2x128x128xf32, #tpu.memory_space<vmem>> -> memref<1x128x128xf32, #tpu.memory_space<vmem>>
      %dma_wait3A_156 = tpu.memref_squeeze %dma_wait3A_155 : memref<1x128x128xf32, #tpu.memory_space<vmem>> -> memref<128x128xf32, #tpu.memory_space<vmem>>
      %dma_wait3A_157 = arith.constant 0 : i32
      %dma_wait3A_158 = tpu.memref_slice %arg8[%run_scoped3A_58, %dma_wait3A_157] : memref<40x128xi32, #tpu.memory_space<vmem>> -> memref<1x128xi32, #tpu.memory_space<vmem>>
      %dma_wait3A_159 = tpu.memref_squeeze %dma_wait3A_158 : memref<1x128xi32, #tpu.memory_space<vmem>> -> memref<128xi32, #tpu.memory_space<vmem>>
      %dma_wait3A_160 = arith.constant 0 : i32
      %dma_wait3A_161 = arith.constant 0 : i32
      %dma_wait3A_162 = tpu.memref_slice %arg10[%dma_wait3A_160, %dma_wait3A_161] : memref<10112x128xf32, #tpu.memory_space<vmem_shared>> -> memref<10112x128xf32, #tpu.memory_space<vmem_shared>>
      tpu.wait_indirect_dma semaphore(%run_scoped3A_142 : memref<!tpu.dma_semaphore, #tpu.memory_space<semaphore_mem>>) src(%dma_wait3A_156 : memref<128x128xf32, #tpu.memory_space<vmem>>) dst(%dma_wait3A_162 : memref<10112x128xf32, #tpu.memory_space<vmem_shared>>)
      tpu.yield
    }) : () -> ()
    %dma_wait3A_59 = arith.constant 39 : i32
    %dma_wait3A_60 = arith.constant 1 : i32
    %dma_wait3A_61 = arith.constant 0 : i32
    %dma_wait3A_62 = arith.constant 0 : i32
    %dma_wait3A_63 = tpu.memref_slice %arg9[%dma_wait3A_60, %dma_wait3A_61, %dma_wait3A_62] : memref<2x128x128xf32, #tpu.memory_space<vmem>> -> memref<1x128x128xf32, #tpu.memory_space<vmem>>
    %dma_wait3A_64 = tpu.memref_squeeze %dma_wait3A_63 : memref<1x128x128xf32, #tpu.memory_space<vmem>> -> memref<128x128xf32, #tpu.memory_space<vmem>>
    %dma_wait3A_65 = arith.constant 0 : i32
    %dma_wait3A_66 = tpu.memref_slice %arg7[%dma_wait3A_59, %dma_wait3A_65] : memref<40x128xi32, #tpu.memory_space<vmem>> -> memref<1x128xi32, #tpu.memory_space<vmem>>
    %dma_wait3A_67 = tpu.memref_squeeze %dma_wait3A_66 : memref<1x128xi32, #tpu.memory_space<vmem>> -> memref<128xi32, #tpu.memory_space<vmem>>
    %dma_wait3A_68 = arith.constant 0 : i32
    %dma_wait3A_69 = arith.constant 0 : i32
    %dma_wait3A_70 = tpu.memref_slice %arg2[%dma_wait3A_68, %dma_wait3A_69] : memref<10000x128xf32, #tpu.memory_space<hbm>> -> memref<10000x128xf32, #tpu.memory_space<hbm>>
    tpu.wait_indirect_dma semaphore(%arg12 : memref<!tpu.dma_semaphore, #tpu.memory_space<semaphore_mem>>) src(%dma_wait3A_70 : memref<10000x128xf32, #tpu.memory_space<hbm>>) dst(%dma_wait3A_64 : memref<128x128xf32, #tpu.memory_space<vmem>>)
    %run_scoped3A_71 = arith.constant 1 : i32
    %run_scoped3A_72 = arith.constant 39 : i32
    "tpu.region"() ({
      %run_scoped3A_142 = tpu.sem_alloc : memref<!tpu.dma_semaphore, #tpu.memory_space<semaphore_mem>>
      %dma_start3A_143 = arith.constant 0 : i32
      %dma_start3A_144 = arith.constant 0 : i32
      %dma_start3A_145 = tpu.memref_slice %arg9[%run_scoped3A_71, %dma_start3A_143, %dma_start3A_144] : memref<2x128x128xf32, #tpu.memory_space<vmem>> -> memref<1x128x128xf32, #tpu.memory_space<vmem>>
      %dma_start3A_146 = tpu.memref_squeeze %dma_start3A_145 : memref<1x128x128xf32, #tpu.memory_space<vmem>> -> memref<128x128xf32, #tpu.memory_space<vmem>>
      %dma_start3A_147 = arith.constant 0 : i32
      %dma_start3A_148 = tpu.memref_slice %arg8[%run_scoped3A_72, %dma_start3A_147] : memref<40x128xi32, #tpu.memory_space<vmem>> -> memref<1x128xi32, #tpu.memory_space<vmem>>
      %dma_start3A_149 = tpu.memref_squeeze %dma_start3A_148 : memref<1x128xi32, #tpu.memory_space<vmem>> -> memref<128xi32, #tpu.memory_space<vmem>>
      %dma_start3A_150 = arith.constant 0 : i32
      %dma_start3A_151 = arith.constant 0 : i32
      %dma_start3A_152 = tpu.memref_slice %arg10[%dma_start3A_150, %dma_start3A_151] : memref<10112x128xf32, #tpu.memory_space<vmem_shared>> -> memref<10112x128xf32, #tpu.memory_space<vmem_shared>>
      tpu.enqueue_indirect_dma source(%dma_start3A_146 : memref<128x128xf32, #tpu.memory_space<vmem>>) target(%dma_start3A_152 : memref<10112x128xf32, #tpu.memory_space<vmem_shared>>) offsets(%dma_start3A_149 : memref<128xi32, #tpu.memory_space<vmem>>) semaphore(%run_scoped3A_142 : memref<!tpu.dma_semaphore, #tpu.memory_space<semaphore_mem>>) {add = true}
      %dma_wait3A_153 = arith.constant 0 : i32
      %dma_wait3A_154 = arith.constant 0 : i32
      %dma_wait3A_155 = tpu.memref_slice %arg9[%run_scoped3A_71, %dma_wait3A_153, %dma_wait3A_154] : memref<2x128x128xf32, #tpu.memory_space<vmem>> -> memref<1x128x128xf32, #tpu.memory_space<vmem>>
      %dma_wait3A_156 = tpu.memref_squeeze %dma_wait3A_155 : memref<1x128x128xf32, #tpu.memory_space<vmem>> -> memref<128x128xf32, #tpu.memory_space<vmem>>
      %dma_wait3A_157 = arith.constant 0 : i32
      %dma_wait3A_158 = tpu.memref_slice %arg8[%run_scoped3A_72, %dma_wait3A_157] : memref<40x128xi32, #tpu.memory_space<vmem>> -> memref<1x128xi32, #tpu.memory_space<vmem>>
      %dma_wait3A_159 = tpu.memref_squeeze %dma_wait3A_158 : memref<1x128xi32, #tpu.memory_space<vmem>> -> memref<128xi32, #tpu.memory_space<vmem>>
      %dma_wait3A_160 = arith.constant 0 : i32
      %dma_wait3A_161 = arith.constant 0 : i32
      %dma_wait3A_162 = tpu.memref_slice %arg10[%dma_wait3A_160, %dma_wait3A_161] : memref<10112x128xf32, #tpu.memory_space<vmem_shared>> -> memref<10112x128xf32, #tpu.memory_space<vmem_shared>>
      tpu.wait_indirect_dma semaphore(%run_scoped3A_142 : memref<!tpu.dma_semaphore, #tpu.memory_space<semaphore_mem>>) src(%dma_wait3A_156 : memref<128x128xf32, #tpu.memory_space<vmem>>) dst(%dma_wait3A_162 : memref<10112x128xf32, #tpu.memory_space<vmem_shared>>)
      tpu.yield
    }) : () -> ()
    %mul3A_73 = arith.constant 80 : i32
    %mul3A_74 = arith.muli %add3A, %mul3A_73 : i32
    %add3A_75 = arith.constant 40 : i32
    %add3A_76 = arith.addi %mul3A_74, %add3A_75 : i32
    "tpu.region"() ({
      %run_scoped3A_142 = tpu.sem_alloc : memref<!tpu.dma_semaphore, #tpu.memory_space<semaphore_mem>>
      %dma_start3A_143 = arith.constant 0 : i32
      %dma_start3A_144 = tpu.memref_slice %arg3[%add3A_76, %dma_start3A_143] : memref<2560x128xi32, #tpu.memory_space<hbm>> -> memref<40x128xi32, #tpu.memory_space<hbm>>
      %dma_start3A_145 = arith.constant 0 : i32
      %dma_start3A_146 = tpu.memref_slice %arg3[%add3A_76, %dma_start3A_145] : memref<2560x128xi32, #tpu.memory_space<hbm>> -> memref<40x128xi32, #tpu.memory_space<hbm>>
      tpu.enqueue_dma source(%dma_start3A_146 : memref<40x128xi32, #tpu.memory_space<hbm>>) target(%arg7 : memref<40x128xi32, #tpu.memory_space<vmem>>) target_semaphore(%run_scoped3A_142 : memref<!tpu.dma_semaphore, #tpu.memory_space<semaphore_mem>>)
      %dma_wait3A_147 = arith.constant 0 : i32
      %dma_wait3A_148 = tpu.memref_slice %arg3[%add3A_76, %dma_wait3A_147] : memref<2560x128xi32, #tpu.memory_space<hbm>> -> memref<40x128xi32, #tpu.memory_space<hbm>>
      %dma_wait3A_149 = arith.constant 0 : i32
      %dma_wait3A_150 = tpu.memref_slice %arg3[%add3A_76, %dma_wait3A_149] : memref<2560x128xi32, #tpu.memory_space<hbm>> -> memref<40x128xi32, #tpu.memory_space<hbm>>
      tpu.wait_dma2 semaphore(%run_scoped3A_142 : memref<!tpu.dma_semaphore, #tpu.memory_space<semaphore_mem>>) src(%dma_wait3A_150 : memref<40x128xi32, #tpu.memory_space<hbm>>) dst(%arg7 : memref<40x128xi32, #tpu.memory_space<vmem>>)
      tpu.yield
    }) : () -> ()
    "tpu.region"() ({
      %run_scoped3A_142 = tpu.sem_alloc : memref<!tpu.dma_semaphore, #tpu.memory_space<semaphore_mem>>
      %dma_start3A_143 = arith.constant 0 : i32
      %dma_start3A_144 = tpu.memref_slice %arg4[%add3A_76, %dma_start3A_143] : memref<2560x128xi32, #tpu.memory_space<hbm>> -> memref<40x128xi32, #tpu.memory_space<hbm>>
      %dma_start3A_145 = arith.constant 0 : i32
      %dma_start3A_146 = tpu.memref_slice %arg4[%add3A_76, %dma_start3A_145] : memref<2560x128xi32, #tpu.memory_space<hbm>> -> memref<40x128xi32, #tpu.memory_space<hbm>>
      tpu.enqueue_dma source(%dma_start3A_146 : memref<40x128xi32, #tpu.memory_space<hbm>>) target(%arg8 : memref<40x128xi32, #tpu.memory_space<vmem>>) target_semaphore(%run_scoped3A_142 : memref<!tpu.dma_semaphore, #tpu.memory_space<semaphore_mem>>)
      %dma_wait3A_147 = arith.constant 0 : i32
      %dma_wait3A_148 = tpu.memref_slice %arg4[%add3A_76, %dma_wait3A_147] : memref<2560x128xi32, #tpu.memory_space<hbm>> -> memref<40x128xi32, #tpu.memory_space<hbm>>
      %dma_wait3A_149 = arith.constant 0 : i32
      %dma_wait3A_150 = tpu.memref_slice %arg4[%add3A_76, %dma_wait3A_149] : memref<2560x128xi32, #tpu.memory_space<hbm>> -> memref<40x128xi32, #tpu.memory_space<hbm>>
      tpu.wait_dma2 semaphore(%run_scoped3A_142 : memref<!tpu.dma_semaphore, #tpu.memory_space<semaphore_mem>>) src(%dma_wait3A_150 : memref<40x128xi32, #tpu.memory_space<hbm>>) dst(%arg8 : memref<40x128xi32, #tpu.memory_space<vmem>>)
      tpu.yield
    }) : () -> ()
    %dma_start3A_77 = arith.constant 0 : i32
    %dma_start3A_78 = arith.constant 0 : i32
    %dma_start3A_79 = arith.constant 0 : i32
    %dma_start3A_80 = arith.constant 0 : i32
    %dma_start3A_81 = tpu.memref_slice %arg9[%dma_start3A_78, %dma_start3A_79, %dma_start3A_80] : memref<2x128x128xf32, #tpu.memory_space<vmem>> -> memref<1x128x128xf32, #tpu.memory_space<vmem>>
    %dma_start3A_82 = tpu.memref_squeeze %dma_start3A_81 : memref<1x128x128xf32, #tpu.memory_space<vmem>> -> memref<128x128xf32, #tpu.memory_space<vmem>>
    %dma_start3A_83 = arith.constant 0 : i32
    %dma_start3A_84 = tpu.memref_slice %arg7[%dma_start3A_77, %dma_start3A_83] : memref<40x128xi32, #tpu.memory_space<vmem>> -> memref<1x128xi32, #tpu.memory_space<vmem>>
    %dma_start3A_85 = tpu.memref_squeeze %dma_start3A_84 : memref<1x128xi32, #tpu.memory_space<vmem>> -> memref<128xi32, #tpu.memory_space<vmem>>
    %dma_start3A_86 = arith.constant 0 : i32
    %dma_start3A_87 = arith.constant 0 : i32
    %dma_start3A_88 = tpu.memref_slice %arg2[%dma_start3A_86, %dma_start3A_87] : memref<10000x128xf32, #tpu.memory_space<hbm>> -> memref<10000x128xf32, #tpu.memory_space<hbm>>
    tpu.enqueue_indirect_dma source(%dma_start3A_88 : memref<10000x128xf32, #tpu.memory_space<hbm>>) target(%dma_start3A_82 : memref<128x128xf32, #tpu.memory_space<vmem>>) offsets(%dma_start3A_85 : memref<128xi32, #tpu.memory_space<vmem>>) semaphore(%arg11 : memref<!tpu.dma_semaphore, #tpu.memory_space<semaphore_mem>>)
    %dma_start3A_89 = arith.constant 1 : i32
    %dma_start3A_90 = arith.constant 1 : i32
    %dma_start3A_91 = arith.constant 0 : i32
    %dma_start3A_92 = arith.constant 0 : i32
    %dma_start3A_93 = tpu.memref_slice %arg9[%dma_start3A_90, %dma_start3A_91, %dma_start3A_92] : memref<2x128x128xf32, #tpu.memory_space<vmem>> -> memref<1x128x128xf32, #tpu.memory_space<vmem>>
    %dma_start3A_94 = tpu.memref_squeeze %dma_start3A_93 : memref<1x128x128xf32, #tpu.memory_space<vmem>> -> memref<128x128xf32, #tpu.memory_space<vmem>>
    %dma_start3A_95 = arith.constant 0 : i32
    %dma_start3A_96 = tpu.memref_slice %arg7[%dma_start3A_89, %dma_start3A_95] : memref<40x128xi32, #tpu.memory_space<vmem>> -> memref<1x128xi32, #tpu.memory_space<vmem>>
    %dma_start3A_97 = tpu.memref_squeeze %dma_start3A_96 : memref<1x128xi32, #tpu.memory_space<vmem>> -> memref<128xi32, #tpu.memory_space<vmem>>
    %dma_start3A_98 = arith.constant 0 : i32
    %dma_start3A_99 = arith.constant 0 : i32
    %dma_start3A_100 = tpu.memref_slice %arg2[%dma_start3A_98, %dma_start3A_99] : memref<10000x128xf32, #tpu.memory_space<hbm>> -> memref<10000x128xf32, #tpu.memory_space<hbm>>
    tpu.enqueue_indirect_dma source(%dma_start3A_100 : memref<10000x128xf32, #tpu.memory_space<hbm>>) target(%dma_start3A_94 : memref<128x128xf32, #tpu.memory_space<vmem>>) offsets(%dma_start3A_97 : memref<128xi32, #tpu.memory_space<vmem>>) semaphore(%arg12 : memref<!tpu.dma_semaphore, #tpu.memory_space<semaphore_mem>>)
    %scan3A_101 = arith.constant 0 : i32
    %scan3A_102 = arith.constant 0 : i32
    %scan3A_103 = arith.constant 1 : i32
    %scan3A_104 = arith.constant 0 : i32
    %scan3A_105 = arith.constant 19 : i32
    %scan3A_106 = arith.addi %scan3A_104, %scan3A_105 : i32
    %scan3A_107 = arith.constant 1 : i32
    scf.for %scan3A_142 = %scan3A_104 to %scan3A_106 step %scan3A_107  : i32 {
      %mul3A_143 = arith.constant 2 : i32
      %mul3A_144 = arith.muli %mul3A_143, %scan3A_142 : i32
      %dma_wait3A_145 = arith.constant 0 : i32
      %dma_wait3A_146 = arith.constant 0 : i32
      %dma_wait3A_147 = tpu.memref_slice %arg9[%scan3A_102, %dma_wait3A_145, %dma_wait3A_146] : memref<2x128x128xf32, #tpu.memory_space<vmem>> -> memref<1x128x128xf32, #tpu.memory_space<vmem>>
      %dma_wait3A_148 = tpu.memref_squeeze %dma_wait3A_147 : memref<1x128x128xf32, #tpu.memory_space<vmem>> -> memref<128x128xf32, #tpu.memory_space<vmem>>
      %dma_wait3A_149 = arith.constant 0 : i32
      %dma_wait3A_150 = tpu.memref_slice %arg7[%mul3A_144, %dma_wait3A_149] : memref<40x128xi32, #tpu.memory_space<vmem>> -> memref<1x128xi32, #tpu.memory_space<vmem>>
      %dma_wait3A_151 = tpu.memref_squeeze %dma_wait3A_150 : memref<1x128xi32, #tpu.memory_space<vmem>> -> memref<128xi32, #tpu.memory_space<vmem>>
      %dma_wait3A_152 = arith.constant 0 : i32
      %dma_wait3A_153 = arith.constant 0 : i32
      %dma_wait3A_154 = tpu.memref_slice %arg2[%dma_wait3A_152, %dma_wait3A_153] : memref<10000x128xf32, #tpu.memory_space<hbm>> -> memref<10000x128xf32, #tpu.memory_space<hbm>>
      tpu.wait_indirect_dma semaphore(%arg11 : memref<!tpu.dma_semaphore, #tpu.memory_space<semaphore_mem>>) src(%dma_wait3A_154 : memref<10000x128xf32, #tpu.memory_space<hbm>>) dst(%dma_wait3A_148 : memref<128x128xf32, #tpu.memory_space<vmem>>)
      "tpu.region"() ({
        %run_scoped3A_193 = tpu.sem_alloc : memref<!tpu.dma_semaphore, #tpu.memory_space<semaphore_mem>>
        %dma_start3A_194 = arith.constant 0 : i32
        %dma_start3A_195 = arith.constant 0 : i32
        %dma_start3A_196 = tpu.memref_slice %arg9[%scan3A_102, %dma_start3A_194, %dma_start3A_195] : memref<2x128x128xf32, #tpu.memory_space<vmem>> -> memref<1x128x128xf32, #tpu.memory_space<vmem>>
        %dma_start3A_197 = tpu.memref_squeeze %dma_start3A_196 : memref<1x128x128xf32, #tpu.memory_space<vmem>> -> memref<128x128xf32, #tpu.memory_space<vmem>>
        %dma_start3A_198 = arith.constant 0 : i32
        %dma_start3A_199 = tpu.memref_slice %arg8[%mul3A_144, %dma_start3A_198] : memref<40x128xi32, #tpu.memory_space<vmem>> -> memref<1x128xi32, #tpu.memory_space<vmem>>
        %dma_start3A_200 = tpu.memref_squeeze %dma_start3A_199 : memref<1x128xi32, #tpu.memory_space<vmem>> -> memref<128xi32, #tpu.memory_space<vmem>>
        %dma_start3A_201 = arith.constant 0 : i32
        %dma_start3A_202 = arith.constant 0 : i32
        %dma_start3A_203 = tpu.memref_slice %arg10[%dma_start3A_201, %dma_start3A_202] : memref<10112x128xf32, #tpu.memory_space<vmem_shared>> -> memref<10112x128xf32, #tpu.memory_space<vmem_shared>>
        tpu.enqueue_indirect_dma source(%dma_start3A_197 : memref<128x128xf32, #tpu.memory_space<vmem>>) target(%dma_start3A_203 : memref<10112x128xf32, #tpu.memory_space<vmem_shared>>) offsets(%dma_start3A_200 : memref<128xi32, #tpu.memory_space<vmem>>) semaphore(%run_scoped3A_193 : memref<!tpu.dma_semaphore, #tpu.memory_space<semaphore_mem>>) {add = true}
        %dma_wait3A_204 = arith.constant 0 : i32
        %dma_wait3A_205 = arith.constant 0 : i32
        %dma_wait3A_206 = tpu.memref_slice %arg9[%scan3A_102, %dma_wait3A_204, %dma_wait3A_205] : memref<2x128x128xf32, #tpu.memory_space<vmem>> -> memref<1x128x128xf32, #tpu.memory_space<vmem>>
        %dma_wait3A_207 = tpu.memref_squeeze %dma_wait3A_206 : memref<1x128x128xf32, #tpu.memory_space<vmem>> -> memref<128x128xf32, #tpu.memory_space<vmem>>
        %dma_wait3A_208 = arith.constant 0 : i32
        %dma_wait3A_209 = tpu.memref_slice %arg8[%mul3A_144, %dma_wait3A_208] : memref<40x128xi32, #tpu.memory_space<vmem>> -> memref<1x128xi32, #tpu.memory_space<vmem>>
        %dma_wait3A_210 = tpu.memref_squeeze %dma_wait3A_209 : memref<1x128xi32, #tpu.memory_space<vmem>> -> memref<128xi32, #tpu.memory_space<vmem>>
        %dma_wait3A_211 = arith.constant 0 : i32
        %dma_wait3A_212 = arith.constant 0 : i32
        %dma_wait3A_213 = tpu.memref_slice %arg10[%dma_wait3A_211, %dma_wait3A_212] : memref<10112x128xf32, #tpu.memory_space<vmem_shared>> -> memref<10112x128xf32, #tpu.memory_space<vmem_shared>>
        tpu.wait_indirect_dma semaphore(%run_scoped3A_193 : memref<!tpu.dma_semaphore, #tpu.memory_space<semaphore_mem>>) src(%dma_wait3A_207 : memref<128x128xf32, #tpu.memory_space<vmem>>) dst(%dma_wait3A_213 : memref<10112x128xf32, #tpu.memory_space<vmem_shared>>)
        tpu.yield
      }) : () -> ()
      %add3A_155 = arith.constant 2 : i32
      %add3A_156 = arith.addi %mul3A_144, %add3A_155 : i32
      %dma_start3A_157 = arith.constant 0 : i32
      %dma_start3A_158 = arith.constant 0 : i32
      %dma_start3A_159 = tpu.memref_slice %arg9[%scan3A_102, %dma_start3A_157, %dma_start3A_158] : memref<2x128x128xf32, #tpu.memory_space<vmem>> -> memref<1x128x128xf32, #tpu.memory_space<vmem>>
      %dma_start3A_160 = tpu.memref_squeeze %dma_start3A_159 : memref<1x128x128xf32, #tpu.memory_space<vmem>> -> memref<128x128xf32, #tpu.memory_space<vmem>>
      %dma_start3A_161 = arith.constant 0 : i32
      %dma_start3A_162 = tpu.memref_slice %arg7[%add3A_156, %dma_start3A_161] : memref<40x128xi32, #tpu.memory_space<vmem>> -> memref<1x128xi32, #tpu.memory_space<vmem>>
      %dma_start3A_163 = tpu.memref_squeeze %dma_start3A_162 : memref<1x128xi32, #tpu.memory_space<vmem>> -> memref<128xi32, #tpu.memory_space<vmem>>
      %dma_start3A_164 = arith.constant 0 : i32
      %dma_start3A_165 = arith.constant 0 : i32
      %dma_start3A_166 = tpu.memref_slice %arg2[%dma_start3A_164, %dma_start3A_165] : memref<10000x128xf32, #tpu.memory_space<hbm>> -> memref<10000x128xf32, #tpu.memory_space<hbm>>
      tpu.enqueue_indirect_dma source(%dma_start3A_166 : memref<10000x128xf32, #tpu.memory_space<hbm>>) target(%dma_start3A_160 : memref<128x128xf32, #tpu.memory_space<vmem>>) offsets(%dma_start3A_163 : memref<128xi32, #tpu.memory_space<vmem>>) semaphore(%arg11 : memref<!tpu.dma_semaphore, #tpu.memory_space<semaphore_mem>>)
      %add3A_167 = arith.constant 1 : i32
      %add3A_168 = arith.addi %mul3A_144, %add3A_167 : i32
      %dma_wait3A_169 = arith.constant 0 : i32
      %dma_wait3A_170 = arith.constant 0 : i32
      %dma_wait3A_171 = tpu.memref_slice %arg9[%scan3A_103, %dma_wait3A_169, %dma_wait3A_170] : memref<2x128x128xf32, #tpu.memory_space<vmem>> -> memref<1x128x128xf32, #tpu.memory_space<vmem>>
      %dma_wait3A_172 = tpu.memref_squeeze %dma_wait3A_171 : memref<1x128x128xf32, #tpu.memory_space<vmem>> -> memref<128x128xf32, #tpu.memory_space<vmem>>
      %dma_wait3A_173 = arith.constant 0 : i32
      %dma_wait3A_174 = tpu.memref_slice %arg7[%add3A_168, %dma_wait3A_173] : memref<40x128xi32, #tpu.memory_space<vmem>> -> memref<1x128xi32, #tpu.memory_space<vmem>>
      %dma_wait3A_175 = tpu.memref_squeeze %dma_wait3A_174 : memref<1x128xi32, #tpu.memory_space<vmem>> -> memref<128xi32, #tpu.memory_space<vmem>>
      %dma_wait3A_176 = arith.constant 0 : i32
      %dma_wait3A_177 = arith.constant 0 : i32
      %dma_wait3A_178 = tpu.memref_slice %arg2[%dma_wait3A_176, %dma_wait3A_177] : memref<10000x128xf32, #tpu.memory_space<hbm>> -> memref<10000x128xf32, #tpu.memory_space<hbm>>
      tpu.wait_indirect_dma semaphore(%arg12 : memref<!tpu.dma_semaphore, #tpu.memory_space<semaphore_mem>>) src(%dma_wait3A_178 : memref<10000x128xf32, #tpu.memory_space<hbm>>) dst(%dma_wait3A_172 : memref<128x128xf32, #tpu.memory_space<vmem>>)
      %add3A_179 = arith.constant 1 : i32
      %add3A_180 = arith.addi %mul3A_144, %add3A_179 : i32
      "tpu.region"() ({
        %run_scoped3A_193 = tpu.sem_alloc : memref<!tpu.dma_semaphore, #tpu.memory_space<semaphore_mem>>
        %dma_start3A_194 = arith.constant 0 : i32
        %dma_start3A_195 = arith.constant 0 : i32
        %dma_start3A_196 = tpu.memref_slice %arg9[%scan3A_103, %dma_start3A_194, %dma_start3A_195] : memref<2x128x128xf32, #tpu.memory_space<vmem>> -> memref<1x128x128xf32, #tpu.memory_space<vmem>>
        %dma_start3A_197 = tpu.memref_squeeze %dma_start3A_196 : memref<1x128x128xf32, #tpu.memory_space<vmem>> -> memref<128x128xf32, #tpu.memory_space<vmem>>
        %dma_start3A_198 = arith.constant 0 : i32
        %dma_start3A_199 = tpu.memref_slice %arg8[%add3A_180, %dma_start3A_198] : memref<40x128xi32, #tpu.memory_space<vmem>> -> memref<1x128xi32, #tpu.memory_space<vmem>>
        %dma_start3A_200 = tpu.memref_squeeze %dma_start3A_199 : memref<1x128xi32, #tpu.memory_space<vmem>> -> memref<128xi32, #tpu.memory_space<vmem>>
        %dma_start3A_201 = arith.constant 0 : i32
        %dma_start3A_202 = arith.constant 0 : i32
        %dma_start3A_203 = tpu.memref_slice %arg10[%dma_start3A_201, %dma_start3A_202] : memref<10112x128xf32, #tpu.memory_space<vmem_shared>> -> memref<10112x128xf32, #tpu.memory_space<vmem_shared>>
        tpu.enqueue_indirect_dma source(%dma_start3A_197 : memref<128x128xf32, #tpu.memory_space<vmem>>) target(%dma_start3A_203 : memref<10112x128xf32, #tpu.memory_space<vmem_shared>>) offsets(%dma_start3A_200 : memref<128xi32, #tpu.memory_space<vmem>>) semaphore(%run_scoped3A_193 : memref<!tpu.dma_semaphore, #tpu.memory_space<semaphore_mem>>) {add = true}
        %dma_wait3A_204 = arith.constant 0 : i32
        %dma_wait3A_205 = arith.constant 0 : i32
        %dma_wait3A_206 = tpu.memref_slice %arg9[%scan3A_103, %dma_wait3A_204, %dma_wait3A_205] : memref<2x128x128xf32, #tpu.memory_space<vmem>> -> memref<1x128x128xf32, #tpu.memory_space<vmem>>
        %dma_wait3A_207 = tpu.memref_squeeze %dma_wait3A_206 : memref<1x128x128xf32, #tpu.memory_space<vmem>> -> memref<128x128xf32, #tpu.memory_space<vmem>>
        %dma_wait3A_208 = arith.constant 0 : i32
        %dma_wait3A_209 = tpu.memref_slice %arg8[%add3A_180, %dma_wait3A_208] : memref<40x128xi32, #tpu.memory_space<vmem>> -> memref<1x128xi32, #tpu.memory_space<vmem>>
        %dma_wait3A_210 = tpu.memref_squeeze %dma_wait3A_209 : memref<1x128xi32, #tpu.memory_space<vmem>> -> memref<128xi32, #tpu.memory_space<vmem>>
        %dma_wait3A_211 = arith.constant 0 : i32
        %dma_wait3A_212 = arith.constant 0 : i32
        %dma_wait3A_213 = tpu.memref_slice %arg10[%dma_wait3A_211, %dma_wait3A_212] : memref<10112x128xf32, #tpu.memory_space<vmem_shared>> -> memref<10112x128xf32, #tpu.memory_space<vmem_shared>>
        tpu.wait_indirect_dma semaphore(%run_scoped3A_193 : memref<!tpu.dma_semaphore, #tpu.memory_space<semaphore_mem>>) src(%dma_wait3A_207 : memref<128x128xf32, #tpu.memory_space<vmem>>) dst(%dma_wait3A_213 : memref<10112x128xf32, #tpu.memory_space<vmem_shared>>)
        tpu.yield
      }) : () -> ()
      %add3A_181 = arith.constant 3 : i32
      %add3A_182 = arith.addi %mul3A_144, %add3A_181 : i32
      %dma_start3A_183 = arith.constant 0 : i32
      %dma_start3A_184 = arith.constant 0 : i32
      %dma_start3A_185 = tpu.memref_slice %arg9[%scan3A_103, %dma_start3A_183, %dma_start3A_184] : memref<2x128x128xf32, #tpu.memory_space<vmem>> -> memref<1x128x128xf32, #tpu.memory_space<vmem>>
      %dma_start3A_186 = tpu.memref_squeeze %dma_start3A_185 : memref<1x128x128xf32, #tpu.memory_space<vmem>> -> memref<128x128xf32, #tpu.memory_space<vmem>>
      %dma_start3A_187 = arith.constant 0 : i32
      %dma_start3A_188 = tpu.memref_slice %arg7[%add3A_182, %dma_start3A_187] : memref<40x128xi32, #tpu.memory_space<vmem>> -> memref<1x128xi32, #tpu.memory_space<vmem>>
      %dma_start3A_189 = tpu.memref_squeeze %dma_start3A_188 : memref<1x128xi32, #tpu.memory_space<vmem>> -> memref<128xi32, #tpu.memory_space<vmem>>
      %dma_start3A_190 = arith.constant 0 : i32
      %dma_start3A_191 = arith.constant 0 : i32
      %dma_start3A_192 = tpu.memref_slice %arg2[%dma_start3A_190, %dma_start3A_191] : memref<10000x128xf32, #tpu.memory_space<hbm>> -> memref<10000x128xf32, #tpu.memory_space<hbm>>
      tpu.enqueue_indirect_dma source(%dma_start3A_192 : memref<10000x128xf32, #tpu.memory_space<hbm>>) target(%dma_start3A_186 : memref<128x128xf32, #tpu.memory_space<vmem>>) offsets(%dma_start3A_189 : memref<128xi32, #tpu.memory_space<vmem>>) semaphore(%arg12 : memref<!tpu.dma_semaphore, #tpu.memory_space<semaphore_mem>>)
    }
    %scan3A_108 = arith.constant 19 : i32
    %dma_wait3A_109 = arith.constant 38 : i32
    %dma_wait3A_110 = arith.constant 0 : i32
    %dma_wait3A_111 = arith.constant 0 : i32
    %dma_wait3A_112 = arith.constant 0 : i32
    %dma_wait3A_113 = tpu.memref_slice %arg9[%dma_wait3A_110, %dma_wait3A_111, %dma_wait3A_112] : memref<2x128x128xf32, #tpu.memory_space<vmem>> -> memref<1x128x128xf32, #tpu.memory_space<vmem>>
    %dma_wait3A_114 = tpu.memref_squeeze %dma_wait3A_113 : memref<1x128x128xf32, #tpu.memory_space<vmem>> -> memref<128x128xf32, #tpu.memory_space<vmem>>
    %dma_wait3A_115 = arith.constant 0 : i32
    %dma_wait3A_116 = tpu.memref_slice %arg7[%dma_wait3A_109, %dma_wait3A_115] : memref<40x128xi32, #tpu.memory_space<vmem>> -> memref<1x128xi32, #tpu.memory_space<vmem>>
    %dma_wait3A_117 = tpu.memref_squeeze %dma_wait3A_116 : memref<1x128xi32, #tpu.memory_space<vmem>> -> memref<128xi32, #tpu.memory_space<vmem>>
    %dma_wait3A_118 = arith.constant 0 : i32
    %dma_wait3A_119 = arith.constant 0 : i32
    %dma_wait3A_120 = tpu.memref_slice %arg2[%dma_wait3A_118, %dma_wait3A_119] : memref<10000x128xf32, #tpu.memory_space<hbm>> -> memref<10000x128xf32, #tpu.memory_space<hbm>>
    tpu.wait_indirect_dma semaphore(%arg11 : memref<!tpu.dma_semaphore, #tpu.memory_space<semaphore_mem>>) src(%dma_wait3A_120 : memref<10000x128xf32, #tpu.memory_space<hbm>>) dst(%dma_wait3A_114 : memref<128x128xf32, #tpu.memory_space<vmem>>)
    %run_scoped3A_121 = arith.constant 0 : i32
    %run_scoped3A_122 = arith.constant 38 : i32
    "tpu.region"() ({
      %run_scoped3A_142 = tpu.sem_alloc : memref<!tpu.dma_semaphore, #tpu.memory_space<semaphore_mem>>
      %dma_start3A_143 = arith.constant 0 : i32
      %dma_start3A_144 = arith.constant 0 : i32
      %dma_start3A_145 = tpu.memref_slice %arg9[%run_scoped3A_121, %dma_start3A_143, %dma_start3A_144] : memref<2x128x128xf32, #tpu.memory_space<vmem>> -> memref<1x128x128xf32, #tpu.memory_space<vmem>>
      %dma_start3A_146 = tpu.memref_squeeze %dma_start3A_145 : memref<1x128x128xf32, #tpu.memory_space<vmem>> -> memref<128x128xf32, #tpu.memory_space<vmem>>
      %dma_start3A_147 = arith.constant 0 : i32
      %dma_start3A_148 = tpu.memref_slice %arg8[%run_scoped3A_122, %dma_start3A_147] : memref<40x128xi32, #tpu.memory_space<vmem>> -> memref<1x128xi32, #tpu.memory_space<vmem>>
      %dma_start3A_149 = tpu.memref_squeeze %dma_start3A_148 : memref<1x128xi32, #tpu.memory_space<vmem>> -> memref<128xi32, #tpu.memory_space<vmem>>
      %dma_start3A_150 = arith.constant 0 : i32
      %dma_start3A_151 = arith.constant 0 : i32
      %dma_start3A_152 = tpu.memref_slice %arg10[%dma_start3A_150, %dma_start3A_151] : memref<10112x128xf32, #tpu.memory_space<vmem_shared>> -> memref<10112x128xf32, #tpu.memory_space<vmem_shared>>
      tpu.enqueue_indirect_dma source(%dma_start3A_146 : memref<128x128xf32, #tpu.memory_space<vmem>>) target(%dma_start3A_152 : memref<10112x128xf32, #tpu.memory_space<vmem_shared>>) offsets(%dma_start3A_149 : memref<128xi32, #tpu.memory_space<vmem>>) semaphore(%run_scoped3A_142 : memref<!tpu.dma_semaphore, #tpu.memory_space<semaphore_mem>>) {add = true}
      %dma_wait3A_153 = arith.constant 0 : i32
      %dma_wait3A_154 = arith.constant 0 : i32
      %dma_wait3A_155 = tpu.memref_slice %arg9[%run_scoped3A_121, %dma_wait3A_153, %dma_wait3A_154] : memref<2x128x128xf32, #tpu.memory_space<vmem>> -> memref<1x128x128xf32, #tpu.memory_space<vmem>>
      %dma_wait3A_156 = tpu.memref_squeeze %dma_wait3A_155 : memref<1x128x128xf32, #tpu.memory_space<vmem>> -> memref<128x128xf32, #tpu.memory_space<vmem>>
      %dma_wait3A_157 = arith.constant 0 : i32
      %dma_wait3A_158 = tpu.memref_slice %arg8[%run_scoped3A_122, %dma_wait3A_157] : memref<40x128xi32, #tpu.memory_space<vmem>> -> memref<1x128xi32, #tpu.memory_space<vmem>>
      %dma_wait3A_159 = tpu.memref_squeeze %dma_wait3A_158 : memref<1x128xi32, #tpu.memory_space<vmem>> -> memref<128xi32, #tpu.memory_space<vmem>>
      %dma_wait3A_160 = arith.constant 0 : i32
      %dma_wait3A_161 = arith.constant 0 : i32
      %dma_wait3A_162 = tpu.memref_slice %arg10[%dma_wait3A_160, %dma_wait3A_161] : memref<10112x128xf32, #tpu.memory_space<vmem_shared>> -> memref<10112x128xf32, #tpu.memory_space<vmem_shared>>
      tpu.wait_indirect_dma semaphore(%run_scoped3A_142 : memref<!tpu.dma_semaphore, #tpu.memory_space<semaphore_mem>>) src(%dma_wait3A_156 : memref<128x128xf32, #tpu.memory_space<vmem>>) dst(%dma_wait3A_162 : memref<10112x128xf32, #tpu.memory_space<vmem_shared>>)
      tpu.yield
    }) : () -> ()
    %dma_wait3A_123 = arith.constant 39 : i32
    %dma_wait3A_124 = arith.constant 1 : i32
    %dma_wait3A_125 = arith.constant 0 : i32
    %dma_wait3A_126 = arith.constant 0 : i32
    %dma_wait3A_127 = tpu.memref_slice %arg9[%dma_wait3A_124, %dma_wait3A_125, %dma_wait3A_126] : memref<2x128x128xf32, #tpu.memory_space<vmem>> -> memref<1x128x128xf32, #tpu.memory_space<vmem>>
    %dma_wait3A_128 = tpu.memref_squeeze %dma_wait3A_127 : memref<1x128x128xf32, #tpu.memory_space<vmem>> -> memref<128x128xf32, #tpu.memory_space<vmem>>
    %dma_wait3A_129 = arith.constant 0 : i32
    %dma_wait3A_130 = tpu.memref_slice %arg7[%dma_wait3A_123, %dma_wait3A_129] : memref<40x128xi32, #tpu.memory_space<vmem>> -> memref<1x128xi32, #tpu.memory_space<vmem>>
    %dma_wait3A_131 = tpu.memref_squeeze %dma_wait3A_130 : memref<1x128xi32, #tpu.memory_space<vmem>> -> memref<128xi32, #tpu.memory_space<vmem>>
    %dma_wait3A_132 = arith.constant 0 : i32
    %dma_wait3A_133 = arith.constant 0 : i32
    %dma_wait3A_134 = tpu.memref_slice %arg2[%dma_wait3A_132, %dma_wait3A_133] : memref<10000x128xf32, #tpu.memory_space<hbm>> -> memref<10000x128xf32, #tpu.memory_space<hbm>>
    tpu.wait_indirect_dma semaphore(%arg12 : memref<!tpu.dma_semaphore, #tpu.memory_space<semaphore_mem>>) src(%dma_wait3A_134 : memref<10000x128xf32, #tpu.memory_space<hbm>>) dst(%dma_wait3A_128 : memref<128x128xf32, #tpu.memory_space<vmem>>)
    %run_scoped3A_135 = arith.constant 1 : i32
    %run_scoped3A_136 = arith.constant 39 : i32
    "tpu.region"() ({
      %run_scoped3A_142 = tpu.sem_alloc : memref<!tpu.dma_semaphore, #tpu.memory_space<semaphore_mem>>
      %dma_start3A_143 = arith.constant 0 : i32
      %dma_start3A_144 = arith.constant 0 : i32
      %dma_start3A_145 = tpu.memref_slice %arg9[%run_scoped3A_135, %dma_start3A_143, %dma_start3A_144] : memref<2x128x128xf32, #tpu.memory_space<vmem>> -> memref<1x128x128xf32, #tpu.memory_space<vmem>>
      %dma_start3A_146 = tpu.memref_squeeze %dma_start3A_145 : memref<1x128x128xf32, #tpu.memory_space<vmem>> -> memref<128x128xf32, #tpu.memory_space<vmem>>
      %dma_start3A_147 = arith.constant 0 : i32
      %dma_start3A_148 = tpu.memref_slice %arg8[%run_scoped3A_136, %dma_start3A_147] : memref<40x128xi32, #tpu.memory_space<vmem>> -> memref<1x128xi32, #tpu.memory_space<vmem>>
      %dma_start3A_149 = tpu.memref_squeeze %dma_start3A_148 : memref<1x128xi32, #tpu.memory_space<vmem>> -> memref<128xi32, #tpu.memory_space<vmem>>
      %dma_start3A_150 = arith.constant 0 : i32
      %dma_start3A_151 = arith.constant 0 : i32
      %dma_start3A_152 = tpu.memref_slice %arg10[%dma_start3A_150, %dma_start3A_151] : memref<10112x128xf32, #tpu.memory_space<vmem_shared>> -> memref<10112x128xf32, #tpu.memory_space<vmem_shared>>
      tpu.enqueue_indirect_dma source(%dma_start3A_146 : memref<128x128xf32, #tpu.memory_space<vmem>>) target(%dma_start3A_152 : memref<10112x128xf32, #tpu.memory_space<vmem_shared>>) offsets(%dma_start3A_149 : memref<128xi32, #tpu.memory_space<vmem>>) semaphore(%run_scoped3A_142 : memref<!tpu.dma_semaphore, #tpu.memory_space<semaphore_mem>>) {add = true}
      %dma_wait3A_153 = arith.constant 0 : i32
      %dma_wait3A_154 = arith.constant 0 : i32
      %dma_wait3A_155 = tpu.memref_slice %arg9[%run_scoped3A_135, %dma_wait3A_153, %dma_wait3A_154] : memref<2x128x128xf32, #tpu.memory_space<vmem>> -> memref<1x128x128xf32, #tpu.memory_space<vmem>>
      %dma_wait3A_156 = tpu.memref_squeeze %dma_wait3A_155 : memref<1x128x128xf32, #tpu.memory_space<vmem>> -> memref<128x128xf32, #tpu.memory_space<vmem>>
      %dma_wait3A_157 = arith.constant 0 : i32
      %dma_wait3A_158 = tpu.memref_slice %arg8[%run_scoped3A_136, %dma_wait3A_157] : memref<40x128xi32, #tpu.memory_space<vmem>> -> memref<1x128xi32, #tpu.memory_space<vmem>>
      %dma_wait3A_159 = tpu.memref_squeeze %dma_wait3A_158 : memref<1x128xi32, #tpu.memory_space<vmem>> -> memref<128xi32, #tpu.memory_space<vmem>>
      %dma_wait3A_160 = arith.constant 0 : i32
      %dma_wait3A_161 = arith.constant 0 : i32
      %dma_wait3A_162 = tpu.memref_slice %arg10[%dma_wait3A_160, %dma_wait3A_161] : memref<10112x128xf32, #tpu.memory_space<vmem_shared>> -> memref<10112x128xf32, #tpu.memory_space<vmem_shared>>
      tpu.wait_indirect_dma semaphore(%run_scoped3A_142 : memref<!tpu.dma_semaphore, #tpu.memory_space<semaphore_mem>>) src(%dma_wait3A_156 : memref<128x128xf32, #tpu.memory_space<vmem>>) dst(%dma_wait3A_162 : memref<10112x128xf32, #tpu.memory_space<vmem_shared>>)
      tpu.yield
    }) : () -> ()
    %barrier3A_137 = arith.constant 0 : index
    tpu.barrier barrier_id(%barrier3A_137)
    %mul3A_138 = arith.constant 632 : i32
    %mul3A_139 = arith.muli %arg1, %mul3A_138 : i32
    %mul3A_140 = arith.constant 632 : i32
    %mul3A_141 = arith.muli %arg1, %mul3A_140 : i32
    "tpu.region"() ({
      %run_scoped3A_142 = tpu.sem_alloc : memref<!tpu.dma_semaphore, #tpu.memory_space<semaphore_mem>>
      %dma_start3A_143 = arith.constant 0 : i32
      %dma_start3A_144 = tpu.memref_slice %arg6[%arg0, %mul3A_141, %dma_start3A_143] : memref<2x10112x128xf32, #tpu.memory_space<hbm>> -> memref<1x632x128xf32, #tpu.memory_space<hbm>>
      %dma_start3A_145 = tpu.memref_squeeze %dma_start3A_144 : memref<1x632x128xf32, #tpu.memory_space<hbm>> -> memref<632x128xf32, #tpu.memory_space<hbm>>
      %dma_start3A_146 = arith.constant 0 : i32
      %dma_start3A_147 = tpu.memref_slice %arg10[%mul3A_139, %dma_start3A_146] : memref<10112x128xf32, #tpu.memory_space<vmem_shared>> -> memref<632x128xf32, #tpu.memory_space<vmem_shared>>
      tpu.enqueue_dma source(%dma_start3A_147 : memref<632x128xf32, #tpu.memory_space<vmem_shared>>) target(%dma_start3A_145 : memref<632x128xf32, #tpu.memory_space<hbm>>) target_semaphore(%run_scoped3A_142 : memref<!tpu.dma_semaphore, #tpu.memory_space<semaphore_mem>>)
      %dma_wait3A_148 = arith.constant 0 : i32
      %dma_wait3A_149 = tpu.memref_slice %arg6[%arg0, %mul3A_141, %dma_wait3A_148] : memref<2x10112x128xf32, #tpu.memory_space<hbm>> -> memref<1x632x128xf32, #tpu.memory_space<hbm>>
      %dma_wait3A_150 = tpu.memref_squeeze %dma_wait3A_149 : memref<1x632x128xf32, #tpu.memory_space<hbm>> -> memref<632x128xf32, #tpu.memory_space<hbm>>
      %dma_wait3A_151 = arith.constant 0 : i32
      %dma_wait3A_152 = tpu.memref_slice %arg10[%mul3A_139, %dma_wait3A_151] : memref<10112x128xf32, #tpu.memory_space<vmem_shared>> -> memref<632x128xf32, #tpu.memory_space<vmem_shared>>
      tpu.wait_dma2 semaphore(%run_scoped3A_142 : memref<!tpu.dma_semaphore, #tpu.memory_space<semaphore_mem>>) src(%dma_wait3A_152 : memref<632x128xf32, #tpu.memory_space<vmem_shared>>) dst(%dma_wait3A_150 : memref<632x128xf32, #tpu.memory_space<hbm>>)
      tpu.yield
    }) : () -> ()
    return
  }
}

#map = affine_map<(d0, d1) -> (0, 0)>
#map1 = affine_map<(d0, d1) -> (0)>
module attributes {stable_mosaic.version = 14 : i64} {
  func.func @k(%arg0: i32, %arg1: i32, %arg2: memref<2560x128xi32, #tpu.memory_space<hbm>>, %arg3: memref<640xf32, #tpu.memory_space<hbm>>, %arg4: memref<20480xf32, #tpu.memory_space<hbm>>, %arg5: memref<80x128xi32, #tpu.memory_space<vmem>>, %arg6: memref<128xf32, #tpu.memory_space<vmem>>, %arg7: memref<10240xf32, #tpu.memory_space<vmem_shared>>, %arg8: memref<!tpu.dma_semaphore, #tpu.memory_space<semaphore_mem>>) attributes {dimension_semantics = [#tpu.dimension_semantics<core_parallel>, #tpu.dimension_semantics<subcore_parallel>], iteration_bounds = array<i64: 2, 16>, scalar_prefetch = 0 : i64, scratch_operands = 4 : i64, tpu.core_type = #tpu.core_type<sc_vector_subcore>, window_params = [{transform_indices = #map}, {transform_indices = #map1}, {transform_indices = #map1}]} {
    %mul3A = arith.constant 16 : i32
    %mul3A_0 = arith.muli %arg0, %mul3A : i32
    %add3A = arith.addi %mul3A_0, %arg1 : i32
    %mul3A_1 = arith.constant 640 : i32
    %mul3A_2 = arith.muli %arg1, %mul3A_1 : i32
    "tpu.region"() ({
      %run_scoped3A = tpu.sem_alloc : memref<!tpu.dma_semaphore, #tpu.memory_space<semaphore_mem>>
      %dma_start3A_74 = tpu.memref_slice %arg7[%mul3A_2] : memref<10240xf32, #tpu.memory_space<vmem_shared>> -> memref<640xf32, #tpu.memory_space<vmem_shared>>
      tpu.enqueue_dma source(%arg3 : memref<640xf32, #tpu.memory_space<hbm>>) target(%dma_start3A_74 : memref<640xf32, #tpu.memory_space<vmem_shared>>) target_semaphore(%run_scoped3A : memref<!tpu.dma_semaphore, #tpu.memory_space<semaphore_mem>>)
      %dma_wait3A_75 = tpu.memref_slice %arg7[%mul3A_2] : memref<10240xf32, #tpu.memory_space<vmem_shared>> -> memref<640xf32, #tpu.memory_space<vmem_shared>>
      tpu.wait_dma2 semaphore(%run_scoped3A : memref<!tpu.dma_semaphore, #tpu.memory_space<semaphore_mem>>) src(%arg3 : memref<640xf32, #tpu.memory_space<hbm>>) dst(%dma_wait3A_75 : memref<640xf32, #tpu.memory_space<vmem_shared>>)
      tpu.yield
    }) : () -> ()
    %broadcast_in_dim3A = arith.constant 1.000000e+00 : f32
    %broadcast_in_dim3A_3 = vector.broadcast %broadcast_in_dim3A : f32 to vector<16xf32>
    %swap3A = arith.constant 0 : index
    %swap3A_4 = tpu.vector_load %arg6[%swap3A] {strides = array<i32>} : memref<128xf32, #tpu.memory_space<vmem>>, vector<16xf32>,
    %swap3A_5 = vector.shape_cast %swap3A_4 : vector<16xf32> to vector<16xf32>
    %swap3A_6 = vector.shape_cast %broadcast_in_dim3A_3 : vector<16xf32> to vector<16xf32>
    tpu.vector_store %arg6[%swap3A], %swap3A_6 {strides = array<i32>} : memref<128xf32, #tpu.memory_space<vmem>>, vector<16xf32>,
    %broadcast_in_dim3A_7 = arith.constant 1.000000e+00 : f32
    %broadcast_in_dim3A_8 = vector.broadcast %broadcast_in_dim3A_7 : f32 to vector<16xf32>
    %swap3A_9 = arith.constant 16 : index
    %swap3A_10 = tpu.vector_load %arg6[%swap3A_9] {strides = array<i32>} : memref<128xf32, #tpu.memory_space<vmem>>, vector<16xf32>,
    %swap3A_11 = vector.shape_cast %swap3A_10 : vector<16xf32> to vector<16xf32>
    %swap3A_12 = vector.shape_cast %broadcast_in_dim3A_8 : vector<16xf32> to vector<16xf32>
    tpu.vector_store %arg6[%swap3A_9], %swap3A_12 {strides = array<i32>} : memref<128xf32, #tpu.memory_space<vmem>>, vector<16xf32>,
    %broadcast_in_dim3A_13 = arith.constant 1.000000e+00 : f32
    %broadcast_in_dim3A_14 = vector.broadcast %broadcast_in_dim3A_13 : f32 to vector<16xf32>
    %swap3A_15 = arith.constant 32 : index
    %swap3A_16 = tpu.vector_load %arg6[%swap3A_15] {strides = array<i32>} : memref<128xf32, #tpu.memory_space<vmem>>, vector<16xf32>,
    %swap3A_17 = vector.shape_cast %swap3A_16 : vector<16xf32> to vector<16xf32>
    %swap3A_18 = vector.shape_cast %broadcast_in_dim3A_14 : vector<16xf32> to vector<16xf32>
    tpu.vector_store %arg6[%swap3A_15], %swap3A_18 {strides = array<i32>} : memref<128xf32, #tpu.memory_space<vmem>>, vector<16xf32>,
    %broadcast_in_dim3A_19 = arith.constant 1.000000e+00 : f32
    %broadcast_in_dim3A_20 = vector.broadcast %broadcast_in_dim3A_19 : f32 to vector<16xf32>
    %swap3A_21 = arith.constant 48 : index
    %swap3A_22 = tpu.vector_load %arg6[%swap3A_21] {strides = array<i32>} : memref<128xf32, #tpu.memory_space<vmem>>, vector<16xf32>,
    %swap3A_23 = vector.shape_cast %swap3A_22 : vector<16xf32> to vector<16xf32>
    %swap3A_24 = vector.shape_cast %broadcast_in_dim3A_20 : vector<16xf32> to vector<16xf32>
    tpu.vector_store %arg6[%swap3A_21], %swap3A_24 {strides = array<i32>} : memref<128xf32, #tpu.memory_space<vmem>>, vector<16xf32>,
    %broadcast_in_dim3A_25 = arith.constant 1.000000e+00 : f32
    %broadcast_in_dim3A_26 = vector.broadcast %broadcast_in_dim3A_25 : f32 to vector<16xf32>
    %swap3A_27 = arith.constant 64 : index
    %swap3A_28 = tpu.vector_load %arg6[%swap3A_27] {strides = array<i32>} : memref<128xf32, #tpu.memory_space<vmem>>, vector<16xf32>,
    %swap3A_29 = vector.shape_cast %swap3A_28 : vector<16xf32> to vector<16xf32>
    %swap3A_30 = vector.shape_cast %broadcast_in_dim3A_26 : vector<16xf32> to vector<16xf32>
    tpu.vector_store %arg6[%swap3A_27], %swap3A_30 {strides = array<i32>} : memref<128xf32, #tpu.memory_space<vmem>>, vector<16xf32>,
    %broadcast_in_dim3A_31 = arith.constant 1.000000e+00 : f32
    %broadcast_in_dim3A_32 = vector.broadcast %broadcast_in_dim3A_31 : f32 to vector<16xf32>
    %swap3A_33 = arith.constant 80 : index
    %swap3A_34 = tpu.vector_load %arg6[%swap3A_33] {strides = array<i32>} : memref<128xf32, #tpu.memory_space<vmem>>, vector<16xf32>,
    %swap3A_35 = vector.shape_cast %swap3A_34 : vector<16xf32> to vector<16xf32>
    %swap3A_36 = vector.shape_cast %broadcast_in_dim3A_32 : vector<16xf32> to vector<16xf32>
    tpu.vector_store %arg6[%swap3A_33], %swap3A_36 {strides = array<i32>} : memref<128xf32, #tpu.memory_space<vmem>>, vector<16xf32>,
    %broadcast_in_dim3A_37 = arith.constant 1.000000e+00 : f32
    %broadcast_in_dim3A_38 = vector.broadcast %broadcast_in_dim3A_37 : f32 to vector<16xf32>
    %swap3A_39 = arith.constant 96 : index
    %swap3A_40 = tpu.vector_load %arg6[%swap3A_39] {strides = array<i32>} : memref<128xf32, #tpu.memory_space<vmem>>, vector<16xf32>,
    %swap3A_41 = vector.shape_cast %swap3A_40 : vector<16xf32> to vector<16xf32>
    %swap3A_42 = vector.shape_cast %broadcast_in_dim3A_38 : vector<16xf32> to vector<16xf32>
    tpu.vector_store %arg6[%swap3A_39], %swap3A_42 {strides = array<i32>} : memref<128xf32, #tpu.memory_space<vmem>>, vector<16xf32>,
    %broadcast_in_dim3A_43 = arith.constant 1.000000e+00 : f32
    %broadcast_in_dim3A_44 = vector.broadcast %broadcast_in_dim3A_43 : f32 to vector<16xf32>
    %swap3A_45 = arith.constant 112 : index
    %swap3A_46 = tpu.vector_load %arg6[%swap3A_45] {strides = array<i32>} : memref<128xf32, #tpu.memory_space<vmem>>, vector<16xf32>,
    %swap3A_47 = vector.shape_cast %swap3A_46 : vector<16xf32> to vector<16xf32>
    %swap3A_48 = vector.shape_cast %broadcast_in_dim3A_44 : vector<16xf32> to vector<16xf32>
    tpu.vector_store %arg6[%swap3A_45], %swap3A_48 {strides = array<i32>} : memref<128xf32, #tpu.memory_space<vmem>>, vector<16xf32>,
    %mul3A_49 = arith.constant 80 : i32
    %mul3A_50 = arith.muli %add3A, %mul3A_49 : i32
    "tpu.region"() ({
      %run_scoped3A = tpu.sem_alloc : memref<!tpu.dma_semaphore, #tpu.memory_space<semaphore_mem>>
      %dma_start3A_74 = arith.constant 0 : i32
      %dma_start3A_75 = tpu.memref_slice %arg2[%mul3A_50, %dma_start3A_74] : memref<2560x128xi32, #tpu.memory_space<hbm>> -> memref<80x128xi32, #tpu.memory_space<hbm>>
      %dma_start3A_76 = arith.constant 0 : i32
      %dma_start3A_77 = tpu.memref_slice %arg2[%mul3A_50, %dma_start3A_76] : memref<2560x128xi32, #tpu.memory_space<hbm>> -> memref<80x128xi32, #tpu.memory_space<hbm>>
      tpu.enqueue_dma source(%dma_start3A_77 : memref<80x128xi32, #tpu.memory_space<hbm>>) target(%arg5 : memref<80x128xi32, #tpu.memory_space<vmem>>) target_semaphore(%run_scoped3A : memref<!tpu.dma_semaphore, #tpu.memory_space<semaphore_mem>>)
      %dma_wait3A_78 = arith.constant 0 : i32
      %dma_wait3A_79 = tpu.memref_slice %arg2[%mul3A_50, %dma_wait3A_78] : memref<2560x128xi32, #tpu.memory_space<hbm>> -> memref<80x128xi32, #tpu.memory_space<hbm>>
      %dma_wait3A_80 = arith.constant 0 : i32
      %dma_wait3A_81 = tpu.memref_slice %arg2[%mul3A_50, %dma_wait3A_80] : memref<2560x128xi32, #tpu.memory_space<hbm>> -> memref<80x128xi32, #tpu.memory_space<hbm>>
      tpu.wait_dma2 semaphore(%run_scoped3A : memref<!tpu.dma_semaphore, #tpu.memory_space<semaphore_mem>>) src(%dma_wait3A_81 : memref<80x128xi32, #tpu.memory_space<hbm>>) dst(%arg5 : memref<80x128xi32, #tpu.memory_space<vmem>>)
      tpu.yield
    }) : () -> ()
    %barrier3A = arith.constant 0 : index
    tpu.barrier barrier_id(%barrier3A)
    %dma_start3A = arith.constant 0 : i32
    %dma_start3A_51 = arith.constant 0 : i32
    %dma_start3A_52 = tpu.memref_slice %arg5[%dma_start3A, %dma_start3A_51] : memref<80x128xi32, #tpu.memory_space<vmem>> -> memref<1x128xi32, #tpu.memory_space<vmem>>
    %dma_start3A_53 = tpu.memref_squeeze %dma_start3A_52 : memref<1x128xi32, #tpu.memory_space<vmem>> -> memref<128xi32, #tpu.memory_space<vmem>>
    %dma_start3A_54 = arith.constant 0 : i32
    %dma_start3A_55 = tpu.memref_slice %arg7[%dma_start3A_54] : memref<10240xf32, #tpu.memory_space<vmem_shared>> -> memref<10240xf32, #tpu.memory_space<vmem_shared>>
    tpu.enqueue_indirect_dma source(%arg6 : memref<128xf32, #tpu.memory_space<vmem>>) target(%dma_start3A_55 : memref<10240xf32, #tpu.memory_space<vmem_shared>>) offsets(%dma_start3A_53 : memref<128xi32, #tpu.memory_space<vmem>>) semaphore(%arg8 : memref<!tpu.dma_semaphore, #tpu.memory_space<semaphore_mem>>) {add = true}
    %scan3A = arith.constant 0 : i32
    %scan3A_56 = arith.constant 0 : i32
    %scan3A_57 = arith.constant 79 : i32
    %scan3A_58 = arith.addi %scan3A_56, %scan3A_57 : i32
    %scan3A_59 = arith.constant 1 : i32
    scf.for %scan3A_74 = %scan3A_56 to %scan3A_58 step %scan3A_59  : i32 {
      %add3A_75 = arith.constant 1 : i32
      %add3A_76 = arith.addi %scan3A_74, %add3A_75 : i32
      %dma_start3A_77 = arith.constant 0 : i32
      %dma_start3A_78 = tpu.memref_slice %arg5[%add3A_76, %dma_start3A_77] : memref<80x128xi32, #tpu.memory_space<vmem>> -> memref<1x128xi32, #tpu.memory_space<vmem>>
      %dma_start3A_79 = tpu.memref_squeeze %dma_start3A_78 : memref<1x128xi32, #tpu.memory_space<vmem>> -> memref<128xi32, #tpu.memory_space<vmem>>
      %dma_start3A_80 = arith.constant 0 : i32
      %dma_start3A_81 = tpu.memref_slice %arg7[%dma_start3A_80] : memref<10240xf32, #tpu.memory_space<vmem_shared>> -> memref<10240xf32, #tpu.memory_space<vmem_shared>>
      tpu.enqueue_indirect_dma source(%arg6 : memref<128xf32, #tpu.memory_space<vmem>>) target(%dma_start3A_81 : memref<10240xf32, #tpu.memory_space<vmem_shared>>) offsets(%dma_start3A_79 : memref<128xi32, #tpu.memory_space<vmem>>) semaphore(%arg8 : memref<!tpu.dma_semaphore, #tpu.memory_space<semaphore_mem>>) {add = true}
      %dma_wait3A_82 = arith.constant 0 : i32
      %dma_wait3A_83 = tpu.memref_slice %arg5[%scan3A_74, %dma_wait3A_82] : memref<80x128xi32, #tpu.memory_space<vmem>> -> memref<1x128xi32, #tpu.memory_space<vmem>>
      %dma_wait3A_84 = tpu.memref_squeeze %dma_wait3A_83 : memref<1x128xi32, #tpu.memory_space<vmem>> -> memref<128xi32, #tpu.memory_space<vmem>>
      %dma_wait3A_85 = arith.constant 0 : i32
      %dma_wait3A_86 = tpu.memref_slice %arg7[%dma_wait3A_85] : memref<10240xf32, #tpu.memory_space<vmem_shared>> -> memref<10240xf32, #tpu.memory_space<vmem_shared>>
      tpu.wait_indirect_dma semaphore(%arg8 : memref<!tpu.dma_semaphore, #tpu.memory_space<semaphore_mem>>) src(%arg6 : memref<128xf32, #tpu.memory_space<vmem>>) dst(%dma_wait3A_86 : memref<10240xf32, #tpu.memory_space<vmem_shared>>)
    }
    %scan3A_60 = arith.constant 79 : i32
    %dma_wait3A = arith.constant 79 : i32
    %dma_wait3A_61 = arith.constant 0 : i32
    %dma_wait3A_62 = tpu.memref_slice %arg5[%dma_wait3A, %dma_wait3A_61] : memref<80x128xi32, #tpu.memory_space<vmem>> -> memref<1x128xi32, #tpu.memory_space<vmem>>
    %dma_wait3A_63 = tpu.memref_squeeze %dma_wait3A_62 : memref<1x128xi32, #tpu.memory_space<vmem>> -> memref<128xi32, #tpu.memory_space<vmem>>
    %dma_wait3A_64 = arith.constant 0 : i32
    %dma_wait3A_65 = tpu.memref_slice %arg7[%dma_wait3A_64] : memref<10240xf32, #tpu.memory_space<vmem_shared>> -> memref<10240xf32, #tpu.memory_space<vmem_shared>>
    tpu.wait_indirect_dma semaphore(%arg8 : memref<!tpu.dma_semaphore, #tpu.memory_space<semaphore_mem>>) src(%arg6 : memref<128xf32, #tpu.memory_space<vmem>>) dst(%dma_wait3A_65 : memref<10240xf32, #tpu.memory_space<vmem_shared>>)
    %barrier3A_66 = arith.constant 0 : index
    tpu.barrier barrier_id(%barrier3A_66)
    %mul3A_67 = arith.constant 640 : i32
    %mul3A_68 = arith.muli %arg1, %mul3A_67 : i32
    %mul3A_69 = arith.constant 10240 : i32
    %mul3A_70 = arith.muli %arg0, %mul3A_69 : i32
    %mul3A_71 = arith.constant 640 : i32
    %mul3A_72 = arith.muli %arg1, %mul3A_71 : i32
    %add3A_73 = arith.addi %mul3A_70, %mul3A_72 : i32
    "tpu.region"() ({
      %run_scoped3A = tpu.sem_alloc : memref<!tpu.dma_semaphore, #tpu.memory_space<semaphore_mem>>
      %dma_start3A_74 = tpu.memref_slice %arg4[%add3A_73] : memref<20480xf32, #tpu.memory_space<hbm>> -> memref<640xf32, #tpu.memory_space<hbm>>
      %dma_start3A_75 = tpu.memref_slice %arg7[%mul3A_68] : memref<10240xf32, #tpu.memory_space<vmem_shared>> -> memref<640xf32, #tpu.memory_space<vmem_shared>>
      tpu.enqueue_dma source(%dma_start3A_75 : memref<640xf32, #tpu.memory_space<vmem_shared>>) target(%dma_start3A_74 : memref<640xf32, #tpu.memory_space<hbm>>) target_semaphore(%run_scoped3A : memref<!tpu.dma_semaphore, #tpu.memory_space<semaphore_mem>>)
      %dma_wait3A_76 = tpu.memref_slice %arg4[%add3A_73] : memref<20480xf32, #tpu.memory_space<hbm>> -> memref<640xf32, #tpu.memory_space<hbm>>
      %dma_wait3A_77 = tpu.memref_slice %arg7[%mul3A_68] : memref<10240xf32, #tpu.memory_space<vmem_shared>> -> memref<640xf32, #tpu.memory_space<vmem_shared>>
      tpu.wait_dma2 semaphore(%run_scoped3A : memref<!tpu.dma_semaphore, #tpu.memory_space<semaphore_mem>>) src(%dma_wait3A_77 : memref<640xf32, #tpu.memory_space<vmem_shared>>) dst(%dma_wait3A_76 : memref<640xf32, #tpu.memory_space<hbm>>)
      tpu.yield
    }) : () -> ()
    return
  }
}

#map = affine_map<(d0, d1) -> (0, 0)>
#map1 = affine_map<(d0, d1) -> (0, 0, 0)>
module attributes {stable_mosaic.version = 14 : i64} {
  func.func @k(%arg0: i32, %arg1: i32, %arg2: memref<10000x128xf32, #tpu.memory_space<hbm>>, %arg3: memref<2560x128xi32, #tpu.memory_space<hbm>>, %arg4: memref<2560x128xi32, #tpu.memory_space<hbm>>, %arg5: memref<632x128xf32, #tpu.memory_space<hbm>>, %arg6: memref<2x10112x128xf32, #tpu.memory_space<hbm>>, %arg7: memref<40x128xi32, #tpu.memory_space<vmem>>, %arg8: memref<40x128xi32, #tpu.memory_space<vmem>>, %arg9: memref<2x128x128xf32, #tpu.memory_space<vmem>>, %arg10: memref<10112x128xf32, #tpu.memory_space<vmem_shared>>, %arg11: memref<!tpu.dma_semaphore, #tpu.memory_space<semaphore_mem>>, %arg12: memref<!tpu.dma_semaphore, #tpu.memory_space<semaphore_mem>>, %arg13: memref<!tpu.dma_semaphore, #tpu.memory_space<semaphore_mem>>) attributes {dimension_semantics = [#tpu.dimension_semantics<core_parallel>, #tpu.dimension_semantics<subcore_parallel>], iteration_bounds = array<i64: 2, 16>, scalar_prefetch = 0 : i64, scratch_operands = 7 : i64, tpu.core_type = #tpu.core_type<sc_vector_subcore>, window_params = [{transform_indices = #map}, {transform_indices = #map}, {transform_indices = #map}, {transform_indices = #map}, {transform_indices = #map1}]} {
    %mul3A = arith.constant 16 : i32
    %mul3A_0 = arith.muli %arg0, %mul3A : i32
    %add3A = arith.addi %mul3A_0, %arg1 : i32
    %mul3A_1 = arith.constant 632 : i32
    %mul3A_2 = arith.muli %arg1, %mul3A_1 : i32
    %dma_start3A = arith.constant 0 : i32
    %dma_start3A_3 = tpu.memref_slice %arg10[%mul3A_2, %dma_start3A] : memref<10112x128xf32, #tpu.memory_space<vmem_shared>> -> memref<632x128xf32, #tpu.memory_space<vmem_shared>>
    %dma_start3A_4 = arith.constant 0 : i32
    %dma_start3A_5 = arith.constant 0 : i32
    %dma_start3A_6 = tpu.memref_slice %arg5[%dma_start3A_4, %dma_start3A_5] : memref<632x128xf32, #tpu.memory_space<hbm>> -> memref<632x128xf32, #tpu.memory_space<hbm>>
    tpu.enqueue_dma source(%dma_start3A_6 : memref<632x128xf32, #tpu.memory_space<hbm>>) target(%dma_start3A_3 : memref<632x128xf32, #tpu.memory_space<vmem_shared>>) target_semaphore(%arg13 : memref<!tpu.dma_semaphore, #tpu.memory_space<semaphore_mem>>)
    %mul3A_7 = arith.constant 80 : i32
    %mul3A_8 = arith.muli %add3A, %mul3A_7 : i32
    %add3A_9 = arith.constant 0 : i32
    %add3A_10 = arith.addi %mul3A_8, %add3A_9 : i32
    "tpu.region"() ({
      %run_scoped3A_142 = tpu.sem_alloc : memref<!tpu.dma_semaphore, #tpu.memory_space<semaphore_mem>>
      %dma_start3A_143 = arith.constant 0 : i32
      %dma_start3A_144 = tpu.memref_slice %arg3[%add3A_10, %dma_start3A_143] : memref<2560x128xi32, #tpu.memory_space<hbm>> -> memref<40x128xi32, #tpu.memory_space<hbm>>
      %dma_start3A_145 = arith.constant 0 : i32
      %dma_start3A_146 = tpu.memref_slice %arg3[%add3A_10, %dma_start3A_145] : memref<2560x128xi32, #tpu.memory_space<hbm>> -> memref<40x128xi32, #tpu.memory_space<hbm>>
      tpu.enqueue_dma source(%dma_start3A_146 : memref<40x128xi32, #tpu.memory_space<hbm>>) target(%arg7 : memref<40x128xi32, #tpu.memory_space<vmem>>) target_semaphore(%run_scoped3A_142 : memref<!tpu.dma_semaphore, #tpu.memory_space<semaphore_mem>>)
      %dma_wait3A_147 = arith.constant 0 : i32
      %dma_wait3A_148 = tpu.memref_slice %arg3[%add3A_10, %dma_wait3A_147] : memref<2560x128xi32, #tpu.memory_space<hbm>> -> memref<40x128xi32, #tpu.memory_space<hbm>>
      %dma_wait3A_149 = arith.constant 0 : i32
      %dma_wait3A_150 = tpu.memref_slice %arg3[%add3A_10, %dma_wait3A_149] : memref<2560x128xi32, #tpu.memory_space<hbm>> -> memref<40x128xi32, #tpu.memory_space<hbm>>
      tpu.wait_dma2 semaphore(%run_scoped3A_142 : memref<!tpu.dma_semaphore, #tpu.memory_space<semaphore_mem>>) src(%dma_wait3A_150 : memref<40x128xi32, #tpu.memory_space<hbm>>) dst(%arg7 : memref<40x128xi32, #tpu.memory_space<vmem>>)
      tpu.yield
    }) : () -> ()
    "tpu.region"() ({
      %run_scoped3A_142 = tpu.sem_alloc : memref<!tpu.dma_semaphore, #tpu.memory_space<semaphore_mem>>
      %dma_start3A_143 = arith.constant 0 : i32
      %dma_start3A_144 = tpu.memref_slice %arg4[%add3A_10, %dma_start3A_143] : memref<2560x128xi32, #tpu.memory_space<hbm>> -> memref<40x128xi32, #tpu.memory_space<hbm>>
      %dma_start3A_145 = arith.constant 0 : i32
      %dma_start3A_146 = tpu.memref_slice %arg4[%add3A_10, %dma_start3A_145] : memref<2560x128xi32, #tpu.memory_space<hbm>> -> memref<40x128xi32, #tpu.memory_space<hbm>>
      tpu.enqueue_dma source(%dma_start3A_146 : memref<40x128xi32, #tpu.memory_space<hbm>>) target(%arg8 : memref<40x128xi32, #tpu.memory_space<vmem>>) target_semaphore(%run_scoped3A_142 : memref<!tpu.dma_semaphore, #tpu.memory_space<semaphore_mem>>)
      %dma_wait3A_147 = arith.constant 0 : i32
      %dma_wait3A_148 = tpu.memref_slice %arg4[%add3A_10, %dma_wait3A_147] : memref<2560x128xi32, #tpu.memory_space<hbm>> -> memref<40x128xi32, #tpu.memory_space<hbm>>
      %dma_wait3A_149 = arith.constant 0 : i32
      %dma_wait3A_150 = tpu.memref_slice %arg4[%add3A_10, %dma_wait3A_149] : memref<2560x128xi32, #tpu.memory_space<hbm>> -> memref<40x128xi32, #tpu.memory_space<hbm>>
      tpu.wait_dma2 semaphore(%run_scoped3A_142 : memref<!tpu.dma_semaphore, #tpu.memory_space<semaphore_mem>>) src(%dma_wait3A_150 : memref<40x128xi32, #tpu.memory_space<hbm>>) dst(%arg8 : memref<40x128xi32, #tpu.memory_space<vmem>>)
      tpu.yield
    }) : () -> ()
    %dma_start3A_11 = arith.constant 0 : i32
    %dma_start3A_12 = arith.constant 0 : i32
    %dma_start3A_13 = arith.constant 0 : i32
    %dma_start3A_14 = arith.constant 0 : i32
    %dma_start3A_15 = tpu.memref_slice %arg9[%dma_start3A_12, %dma_start3A_13, %dma_start3A_14] : memref<2x128x128xf32, #tpu.memory_space<vmem>> -> memref<1x128x128xf32, #tpu.memory_space<vmem>>
    %dma_start3A_16 = tpu.memref_squeeze %dma_start3A_15 : memref<1x128x128xf32, #tpu.memory_space<vmem>> -> memref<128x128xf32, #tpu.memory_space<vmem>>
    %dma_start3A_17 = arith.constant 0 : i32
    %dma_start3A_18 = tpu.memref_slice %arg7[%dma_start3A_11, %dma_start3A_17] : memref<40x128xi32, #tpu.memory_space<vmem>> -> memref<1x128xi32, #tpu.memory_space<vmem>>
    %dma_start3A_19 = tpu.memref_squeeze %dma_start3A_18 : memref<1x128xi32, #tpu.memory_space<vmem>> -> memref<128xi32, #tpu.memory_space<vmem>>
    %dma_start3A_20 = arith.constant 0 : i32
    %dma_start3A_21 = arith.constant 0 : i32
    %dma_start3A_22 = tpu.memref_slice %arg2[%dma_start3A_20, %dma_start3A_21] : memref<10000x128xf32, #tpu.memory_space<hbm>> -> memref<10000x128xf32, #tpu.memory_space<hbm>>
    tpu.enqueue_indirect_dma source(%dma_start3A_22 : memref<10000x128xf32, #tpu.memory_space<hbm>>) target(%dma_start3A_16 : memref<128x128xf32, #tpu.memory_space<vmem>>) offsets(%dma_start3A_19 : memref<128xi32, #tpu.memory_space<vmem>>) semaphore(%arg11 : memref<!tpu.dma_semaphore, #tpu.memory_space<semaphore_mem>>)
    %dma_start3A_23 = arith.constant 1 : i32
    %dma_start3A_24 = arith.constant 1 : i32
    %dma_start3A_25 = arith.constant 0 : i32
    %dma_start3A_26 = arith.constant 0 : i32
    %dma_start3A_27 = tpu.memref_slice %arg9[%dma_start3A_24, %dma_start3A_25, %dma_start3A_26] : memref<2x128x128xf32, #tpu.memory_space<vmem>> -> memref<1x128x128xf32, #tpu.memory_space<vmem>>
    %dma_start3A_28 = tpu.memref_squeeze %dma_start3A_27 : memref<1x128x128xf32, #tpu.memory_space<vmem>> -> memref<128x128xf32, #tpu.memory_space<vmem>>
    %dma_start3A_29 = arith.constant 0 : i32
    %dma_start3A_30 = tpu.memref_slice %arg7[%dma_start3A_23, %dma_start3A_29] : memref<40x128xi32, #tpu.memory_space<vmem>> -> memref<1x128xi32, #tpu.memory_space<vmem>>
    %dma_start3A_31 = tpu.memref_squeeze %dma_start3A_30 : memref<1x128xi32, #tpu.memory_space<vmem>> -> memref<128xi32, #tpu.memory_space<vmem>>
    %dma_start3A_32 = arith.constant 0 : i32
    %dma_start3A_33 = arith.constant 0 : i32
    %dma_start3A_34 = tpu.memref_slice %arg2[%dma_start3A_32, %dma_start3A_33] : memref<10000x128xf32, #tpu.memory_space<hbm>> -> memref<10000x128xf32, #tpu.memory_space<hbm>>
    tpu.enqueue_indirect_dma source(%dma_start3A_34 : memref<10000x128xf32, #tpu.memory_space<hbm>>) target(%dma_start3A_28 : memref<128x128xf32, #tpu.memory_space<vmem>>) offsets(%dma_start3A_31 : memref<128xi32, #tpu.memory_space<vmem>>) semaphore(%arg12 : memref<!tpu.dma_semaphore, #tpu.memory_space<semaphore_mem>>)
    %dma_wait3A = arith.constant 0 : i32
    %dma_wait3A_35 = tpu.memref_slice %arg10[%mul3A_2, %dma_wait3A] : memref<10112x128xf32, #tpu.memory_space<vmem_shared>> -> memref<632x128xf32, #tpu.memory_space<vmem_shared>>
    %dma_wait3A_36 = arith.constant 0 : i32
    %dma_wait3A_37 = arith.constant 0 : i32
    %dma_wait3A_38 = tpu.memref_slice %arg5[%dma_wait3A_36, %dma_wait3A_37] : memref<632x128xf32, #tpu.memory_space<hbm>> -> memref<632x128xf32, #tpu.memory_space<hbm>>
    tpu.wait_dma2 semaphore(%arg13 : memref<!tpu.dma_semaphore, #tpu.memory_space<semaphore_mem>>) src(%dma_wait3A_38 : memref<632x128xf32, #tpu.memory_space<hbm>>) dst(%dma_wait3A_35 : memref<632x128xf32, #tpu.memory_space<vmem_shared>>)
    %barrier3A = arith.constant 0 : index
    tpu.barrier barrier_id(%barrier3A)
    %scan3A = arith.constant 0 : i32
    %scan3A_39 = arith.constant 0 : i32
    %scan3A_40 = arith.constant 1 : i32
    %scan3A_41 = arith.constant 0 : i32
    %scan3A_42 = arith.constant 19 : i32
    %scan3A_43 = arith.addi %scan3A_41, %scan3A_42 : i32
    %scan3A_44 = arith.constant 1 : i32
    scf.for %scan3A_142 = %scan3A_41 to %scan3A_43 step %scan3A_44  : i32 {
      %mul3A_143 = arith.constant 2 : i32
      %mul3A_144 = arith.muli %mul3A_143, %scan3A_142 : i32
      %dma_wait3A_145 = arith.constant 0 : i32
      %dma_wait3A_146 = arith.constant 0 : i32
      %dma_wait3A_147 = tpu.memref_slice %arg9[%scan3A_39, %dma_wait3A_145, %dma_wait3A_146] : memref<2x128x128xf32, #tpu.memory_space<vmem>> -> memref<1x128x128xf32, #tpu.memory_space<vmem>>
      %dma_wait3A_148 = tpu.memref_squeeze %dma_wait3A_147 : memref<1x128x128xf32, #tpu.memory_space<vmem>> -> memref<128x128xf32, #tpu.memory_space<vmem>>
      %dma_wait3A_149 = arith.constant 0 : i32
      %dma_wait3A_150 = tpu.memref_slice %arg7[%mul3A_144, %dma_wait3A_149] : memref<40x128xi32, #tpu.memory_space<vmem>> -> memref<1x128xi32, #tpu.memory_space<vmem>>
      %dma_wait3A_151 = tpu.memref_squeeze %dma_wait3A_150 : memref<1x128xi32, #tpu.memory_space<vmem>> -> memref<128xi32, #tpu.memory_space<vmem>>
      %dma_wait3A_152 = arith.constant 0 : i32
      %dma_wait3A_153 = arith.constant 0 : i32
      %dma_wait3A_154 = tpu.memref_slice %arg2[%dma_wait3A_152, %dma_wait3A_153] : memref<10000x128xf32, #tpu.memory_space<hbm>> -> memref<10000x128xf32, #tpu.memory_space<hbm>>
      tpu.wait_indirect_dma semaphore(%arg11 : memref<!tpu.dma_semaphore, #tpu.memory_space<semaphore_mem>>) src(%dma_wait3A_154 : memref<10000x128xf32, #tpu.memory_space<hbm>>) dst(%dma_wait3A_148 : memref<128x128xf32, #tpu.memory_space<vmem>>)
      "tpu.region"() ({
        %run_scoped3A_193 = tpu.sem_alloc : memref<!tpu.dma_semaphore, #tpu.memory_space<semaphore_mem>>
        %dma_start3A_194 = arith.constant 0 : i32
        %dma_start3A_195 = arith.constant 0 : i32
        %dma_start3A_196 = tpu.memref_slice %arg9[%scan3A_39, %dma_start3A_194, %dma_start3A_195] : memref<2x128x128xf32, #tpu.memory_space<vmem>> -> memref<1x128x128xf32, #tpu.memory_space<vmem>>
        %dma_start3A_197 = tpu.memref_squeeze %dma_start3A_196 : memref<1x128x128xf32, #tpu.memory_space<vmem>> -> memref<128x128xf32, #tpu.memory_space<vmem>>
        %dma_start3A_198 = arith.constant 0 : i32
        %dma_start3A_199 = tpu.memref_slice %arg8[%mul3A_144, %dma_start3A_198] : memref<40x128xi32, #tpu.memory_space<vmem>> -> memref<1x128xi32, #tpu.memory_space<vmem>>
        %dma_start3A_200 = tpu.memref_squeeze %dma_start3A_199 : memref<1x128xi32, #tpu.memory_space<vmem>> -> memref<128xi32, #tpu.memory_space<vmem>>
        %dma_start3A_201 = arith.constant 0 : i32
        %dma_start3A_202 = arith.constant 0 : i32
        %dma_start3A_203 = tpu.memref_slice %arg10[%dma_start3A_201, %dma_start3A_202] : memref<10112x128xf32, #tpu.memory_space<vmem_shared>> -> memref<10112x128xf32, #tpu.memory_space<vmem_shared>>
        tpu.enqueue_indirect_dma source(%dma_start3A_197 : memref<128x128xf32, #tpu.memory_space<vmem>>) target(%dma_start3A_203 : memref<10112x128xf32, #tpu.memory_space<vmem_shared>>) offsets(%dma_start3A_200 : memref<128xi32, #tpu.memory_space<vmem>>) semaphore(%run_scoped3A_193 : memref<!tpu.dma_semaphore, #tpu.memory_space<semaphore_mem>>) {add = true}
        %dma_wait3A_204 = arith.constant 0 : i32
        %dma_wait3A_205 = arith.constant 0 : i32
        %dma_wait3A_206 = tpu.memref_slice %arg9[%scan3A_39, %dma_wait3A_204, %dma_wait3A_205] : memref<2x128x128xf32, #tpu.memory_space<vmem>> -> memref<1x128x128xf32, #tpu.memory_space<vmem>>
        %dma_wait3A_207 = tpu.memref_squeeze %dma_wait3A_206 : memref<1x128x128xf32, #tpu.memory_space<vmem>> -> memref<128x128xf32, #tpu.memory_space<vmem>>
        %dma_wait3A_208 = arith.constant 0 : i32
        %dma_wait3A_209 = tpu.memref_slice %arg8[%mul3A_144, %dma_wait3A_208] : memref<40x128xi32, #tpu.memory_space<vmem>> -> memref<1x128xi32, #tpu.memory_space<vmem>>
        %dma_wait3A_210 = tpu.memref_squeeze %dma_wait3A_209 : memref<1x128xi32, #tpu.memory_space<vmem>> -> memref<128xi32, #tpu.memory_space<vmem>>
        %dma_wait3A_211 = arith.constant 0 : i32
        %dma_wait3A_212 = arith.constant 0 : i32
        %dma_wait3A_213 = tpu.memref_slice %arg10[%dma_wait3A_211, %dma_wait3A_212] : memref<10112x128xf32, #tpu.memory_space<vmem_shared>> -> memref<10112x128xf32, #tpu.memory_space<vmem_shared>>
        tpu.wait_indirect_dma semaphore(%run_scoped3A_193 : memref<!tpu.dma_semaphore, #tpu.memory_space<semaphore_mem>>) src(%dma_wait3A_207 : memref<128x128xf32, #tpu.memory_space<vmem>>) dst(%dma_wait3A_213 : memref<10112x128xf32, #tpu.memory_space<vmem_shared>>)
        tpu.yield
      }) : () -> ()
      %add3A_155 = arith.constant 2 : i32
      %add3A_156 = arith.addi %mul3A_144, %add3A_155 : i32
      %dma_start3A_157 = arith.constant 0 : i32
      %dma_start3A_158 = arith.constant 0 : i32
      %dma_start3A_159 = tpu.memref_slice %arg9[%scan3A_39, %dma_start3A_157, %dma_start3A_158] : memref<2x128x128xf32, #tpu.memory_space<vmem>> -> memref<1x128x128xf32, #tpu.memory_space<vmem>>
      %dma_start3A_160 = tpu.memref_squeeze %dma_start3A_159 : memref<1x128x128xf32, #tpu.memory_space<vmem>> -> memref<128x128xf32, #tpu.memory_space<vmem>>
      %dma_start3A_161 = arith.constant 0 : i32
      %dma_start3A_162 = tpu.memref_slice %arg7[%add3A_156, %dma_start3A_161] : memref<40x128xi32, #tpu.memory_space<vmem>> -> memref<1x128xi32, #tpu.memory_space<vmem>>
      %dma_start3A_163 = tpu.memref_squeeze %dma_start3A_162 : memref<1x128xi32, #tpu.memory_space<vmem>> -> memref<128xi32, #tpu.memory_space<vmem>>
      %dma_start3A_164 = arith.constant 0 : i32
      %dma_start3A_165 = arith.constant 0 : i32
      %dma_start3A_166 = tpu.memref_slice %arg2[%dma_start3A_164, %dma_start3A_165] : memref<10000x128xf32, #tpu.memory_space<hbm>> -> memref<10000x128xf32, #tpu.memory_space<hbm>>
      tpu.enqueue_indirect_dma source(%dma_start3A_166 : memref<10000x128xf32, #tpu.memory_space<hbm>>) target(%dma_start3A_160 : memref<128x128xf32, #tpu.memory_space<vmem>>) offsets(%dma_start3A_163 : memref<128xi32, #tpu.memory_space<vmem>>) semaphore(%arg11 : memref<!tpu.dma_semaphore, #tpu.memory_space<semaphore_mem>>)
      %add3A_167 = arith.constant 1 : i32
      %add3A_168 = arith.addi %mul3A_144, %add3A_167 : i32
      %dma_wait3A_169 = arith.constant 0 : i32
      %dma_wait3A_170 = arith.constant 0 : i32
      %dma_wait3A_171 = tpu.memref_slice %arg9[%scan3A_40, %dma_wait3A_169, %dma_wait3A_170] : memref<2x128x128xf32, #tpu.memory_space<vmem>> -> memref<1x128x128xf32, #tpu.memory_space<vmem>>
      %dma_wait3A_172 = tpu.memref_squeeze %dma_wait3A_171 : memref<1x128x128xf32, #tpu.memory_space<vmem>> -> memref<128x128xf32, #tpu.memory_space<vmem>>
      %dma_wait3A_173 = arith.constant 0 : i32
      %dma_wait3A_174 = tpu.memref_slice %arg7[%add3A_168, %dma_wait3A_173] : memref<40x128xi32, #tpu.memory_space<vmem>> -> memref<1x128xi32, #tpu.memory_space<vmem>>
      %dma_wait3A_175 = tpu.memref_squeeze %dma_wait3A_174 : memref<1x128xi32, #tpu.memory_space<vmem>> -> memref<128xi32, #tpu.memory_space<vmem>>
      %dma_wait3A_176 = arith.constant 0 : i32
      %dma_wait3A_177 = arith.constant 0 : i32
      %dma_wait3A_178 = tpu.memref_slice %arg2[%dma_wait3A_176, %dma_wait3A_177] : memref<10000x128xf32, #tpu.memory_space<hbm>> -> memref<10000x128xf32, #tpu.memory_space<hbm>>
      tpu.wait_indirect_dma semaphore(%arg12 : memref<!tpu.dma_semaphore, #tpu.memory_space<semaphore_mem>>) src(%dma_wait3A_178 : memref<10000x128xf32, #tpu.memory_space<hbm>>) dst(%dma_wait3A_172 : memref<128x128xf32, #tpu.memory_space<vmem>>)
      %add3A_179 = arith.constant 1 : i32
      %add3A_180 = arith.addi %mul3A_144, %add3A_179 : i32
      "tpu.region"() ({
        %run_scoped3A_193 = tpu.sem_alloc : memref<!tpu.dma_semaphore, #tpu.memory_space<semaphore_mem>>
        %dma_start3A_194 = arith.constant 0 : i32
        %dma_start3A_195 = arith.constant 0 : i32
        %dma_start3A_196 = tpu.memref_slice %arg9[%scan3A_40, %dma_start3A_194, %dma_start3A_195] : memref<2x128x128xf32, #tpu.memory_space<vmem>> -> memref<1x128x128xf32, #tpu.memory_space<vmem>>
        %dma_start3A_197 = tpu.memref_squeeze %dma_start3A_196 : memref<1x128x128xf32, #tpu.memory_space<vmem>> -> memref<128x128xf32, #tpu.memory_space<vmem>>
        %dma_start3A_198 = arith.constant 0 : i32
        %dma_start3A_199 = tpu.memref_slice %arg8[%add3A_180, %dma_start3A_198] : memref<40x128xi32, #tpu.memory_space<vmem>> -> memref<1x128xi32, #tpu.memory_space<vmem>>
        %dma_start3A_200 = tpu.memref_squeeze %dma_start3A_199 : memref<1x128xi32, #tpu.memory_space<vmem>> -> memref<128xi32, #tpu.memory_space<vmem>>
        %dma_start3A_201 = arith.constant 0 : i32
        %dma_start3A_202 = arith.constant 0 : i32
        %dma_start3A_203 = tpu.memref_slice %arg10[%dma_start3A_201, %dma_start3A_202] : memref<10112x128xf32, #tpu.memory_space<vmem_shared>> -> memref<10112x128xf32, #tpu.memory_space<vmem_shared>>
        tpu.enqueue_indirect_dma source(%dma_start3A_197 : memref<128x128xf32, #tpu.memory_space<vmem>>) target(%dma_start3A_203 : memref<10112x128xf32, #tpu.memory_space<vmem_shared>>) offsets(%dma_start3A_200 : memref<128xi32, #tpu.memory_space<vmem>>) semaphore(%run_scoped3A_193 : memref<!tpu.dma_semaphore, #tpu.memory_space<semaphore_mem>>) {add = true}
        %dma_wait3A_204 = arith.constant 0 : i32
        %dma_wait3A_205 = arith.constant 0 : i32
        %dma_wait3A_206 = tpu.memref_slice %arg9[%scan3A_40, %dma_wait3A_204, %dma_wait3A_205] : memref<2x128x128xf32, #tpu.memory_space<vmem>> -> memref<1x128x128xf32, #tpu.memory_space<vmem>>
        %dma_wait3A_207 = tpu.memref_squeeze %dma_wait3A_206 : memref<1x128x128xf32, #tpu.memory_space<vmem>> -> memref<128x128xf32, #tpu.memory_space<vmem>>
        %dma_wait3A_208 = arith.constant 0 : i32
        %dma_wait3A_209 = tpu.memref_slice %arg8[%add3A_180, %dma_wait3A_208] : memref<40x128xi32, #tpu.memory_space<vmem>> -> memref<1x128xi32, #tpu.memory_space<vmem>>
        %dma_wait3A_210 = tpu.memref_squeeze %dma_wait3A_209 : memref<1x128xi32, #tpu.memory_space<vmem>> -> memref<128xi32, #tpu.memory_space<vmem>>
        %dma_wait3A_211 = arith.constant 0 : i32
        %dma_wait3A_212 = arith.constant 0 : i32
        %dma_wait3A_213 = tpu.memref_slice %arg10[%dma_wait3A_211, %dma_wait3A_212] : memref<10112x128xf32, #tpu.memory_space<vmem_shared>> -> memref<10112x128xf32, #tpu.memory_space<vmem_shared>>
        tpu.wait_indirect_dma semaphore(%run_scoped3A_193 : memref<!tpu.dma_semaphore, #tpu.memory_space<semaphore_mem>>) src(%dma_wait3A_207 : memref<128x128xf32, #tpu.memory_space<vmem>>) dst(%dma_wait3A_213 : memref<10112x128xf32, #tpu.memory_space<vmem_shared>>)
        tpu.yield
      }) : () -> ()
      %add3A_181 = arith.constant 3 : i32
      %add3A_182 = arith.addi %mul3A_144, %add3A_181 : i32
      %dma_start3A_183 = arith.constant 0 : i32
      %dma_start3A_184 = arith.constant 0 : i32
      %dma_start3A_185 = tpu.memref_slice %arg9[%scan3A_40, %dma_start3A_183, %dma_start3A_184] : memref<2x128x128xf32, #tpu.memory_space<vmem>> -> memref<1x128x128xf32, #tpu.memory_space<vmem>>
      %dma_start3A_186 = tpu.memref_squeeze %dma_start3A_185 : memref<1x128x128xf32, #tpu.memory_space<vmem>> -> memref<128x128xf32, #tpu.memory_space<vmem>>
      %dma_start3A_187 = arith.constant 0 : i32
      %dma_start3A_188 = tpu.memref_slice %arg7[%add3A_182, %dma_start3A_187] : memref<40x128xi32, #tpu.memory_space<vmem>> -> memref<1x128xi32, #tpu.memory_space<vmem>>
      %dma_start3A_189 = tpu.memref_squeeze %dma_start3A_188 : memref<1x128xi32, #tpu.memory_space<vmem>> -> memref<128xi32, #tpu.memory_space<vmem>>
      %dma_start3A_190 = arith.constant 0 : i32
      %dma_start3A_191 = arith.constant 0 : i32
      %dma_start3A_192 = tpu.memref_slice %arg2[%dma_start3A_190, %dma_start3A_191] : memref<10000x128xf32, #tpu.memory_space<hbm>> -> memref<10000x128xf32, #tpu.memory_space<hbm>>
      tpu.enqueue_indirect_dma source(%dma_start3A_192 : memref<10000x128xf32, #tpu.memory_space<hbm>>) target(%dma_start3A_186 : memref<128x128xf32, #tpu.memory_space<vmem>>) offsets(%dma_start3A_189 : memref<128xi32, #tpu.memory_space<vmem>>) semaphore(%arg12 : memref<!tpu.dma_semaphore, #tpu.memory_space<semaphore_mem>>)
    }
    %scan3A_45 = arith.constant 19 : i32
    %dma_wait3A_46 = arith.constant 38 : i32
    %dma_wait3A_47 = arith.constant 0 : i32
    %dma_wait3A_48 = arith.constant 0 : i32
    %dma_wait3A_49 = arith.constant 0 : i32
    %dma_wait3A_50 = tpu.memref_slice %arg9[%dma_wait3A_47, %dma_wait3A_48, %dma_wait3A_49] : memref<2x128x128xf32, #tpu.memory_space<vmem>> -> memref<1x128x128xf32, #tpu.memory_space<vmem>>
    %dma_wait3A_51 = tpu.memref_squeeze %dma_wait3A_50 : memref<1x128x128xf32, #tpu.memory_space<vmem>> -> memref<128x128xf32, #tpu.memory_space<vmem>>
    %dma_wait3A_52 = arith.constant 0 : i32
    %dma_wait3A_53 = tpu.memref_slice %arg7[%dma_wait3A_46, %dma_wait3A_52] : memref<40x128xi32, #tpu.memory_space<vmem>> -> memref<1x128xi32, #tpu.memory_space<vmem>>
    %dma_wait3A_54 = tpu.memref_squeeze %dma_wait3A_53 : memref<1x128xi32, #tpu.memory_space<vmem>> -> memref<128xi32, #tpu.memory_space<vmem>>
    %dma_wait3A_55 = arith.constant 0 : i32
    %dma_wait3A_56 = arith.constant 0 : i32
    %dma_wait3A_57 = tpu.memref_slice %arg2[%dma_wait3A_55, %dma_wait3A_56] : memref<10000x128xf32, #tpu.memory_space<hbm>> -> memref<10000x128xf32, #tpu.memory_space<hbm>>
    tpu.wait_indirect_dma semaphore(%arg11 : memref<!tpu.dma_semaphore, #tpu.memory_space<semaphore_mem>>) src(%dma_wait3A_57 : memref<10000x128xf32, #tpu.memory_space<hbm>>) dst(%dma_wait3A_51 : memref<128x128xf32, #tpu.memory_space<vmem>>)
    %run_scoped3A = arith.constant 0 : i32
    %run_scoped3A_58 = arith.constant 38 : i32
    "tpu.region"() ({
      %run_scoped3A_142 = tpu.sem_alloc : memref<!tpu.dma_semaphore, #tpu.memory_space<semaphore_mem>>
      %dma_start3A_143 = arith.constant 0 : i32
      %dma_start3A_144 = arith.constant 0 : i32
      %dma_start3A_145 = tpu.memref_slice %arg9[%run_scoped3A, %dma_start3A_143, %dma_start3A_144] : memref<2x128x128xf32, #tpu.memory_space<vmem>> -> memref<1x128x128xf32, #tpu.memory_space<vmem>>
      %dma_start3A_146 = tpu.memref_squeeze %dma_start3A_145 : memref<1x128x128xf32, #tpu.memory_space<vmem>> -> memref<128x128xf32, #tpu.memory_space<vmem>>
      %dma_start3A_147 = arith.constant 0 : i32
      %dma_start3A_148 = tpu.memref_slice %arg8[%run_scoped3A_58, %dma_start3A_147] : memref<40x128xi32, #tpu.memory_space<vmem>> -> memref<1x128xi32, #tpu.memory_space<vmem>>
      %dma_start3A_149 = tpu.memref_squeeze %dma_start3A_148 : memref<1x128xi32, #tpu.memory_space<vmem>> -> memref<128xi32, #tpu.memory_space<vmem>>
      %dma_start3A_150 = arith.constant 0 : i32
      %dma_start3A_151 = arith.constant 0 : i32
      %dma_start3A_152 = tpu.memref_slice %arg10[%dma_start3A_150, %dma_start3A_151] : memref<10112x128xf32, #tpu.memory_space<vmem_shared>> -> memref<10112x128xf32, #tpu.memory_space<vmem_shared>>
      tpu.enqueue_indirect_dma source(%dma_start3A_146 : memref<128x128xf32, #tpu.memory_space<vmem>>) target(%dma_start3A_152 : memref<10112x128xf32, #tpu.memory_space<vmem_shared>>) offsets(%dma_start3A_149 : memref<128xi32, #tpu.memory_space<vmem>>) semaphore(%run_scoped3A_142 : memref<!tpu.dma_semaphore, #tpu.memory_space<semaphore_mem>>) {add = true}
      %dma_wait3A_153 = arith.constant 0 : i32
      %dma_wait3A_154 = arith.constant 0 : i32
      %dma_wait3A_155 = tpu.memref_slice %arg9[%run_scoped3A, %dma_wait3A_153, %dma_wait3A_154] : memref<2x128x128xf32, #tpu.memory_space<vmem>> -> memref<1x128x128xf32, #tpu.memory_space<vmem>>
      %dma_wait3A_156 = tpu.memref_squeeze %dma_wait3A_155 : memref<1x128x128xf32, #tpu.memory_space<vmem>> -> memref<128x128xf32, #tpu.memory_space<vmem>>
      %dma_wait3A_157 = arith.constant 0 : i32
      %dma_wait3A_158 = tpu.memref_slice %arg8[%run_scoped3A_58, %dma_wait3A_157] : memref<40x128xi32, #tpu.memory_space<vmem>> -> memref<1x128xi32, #tpu.memory_space<vmem>>
      %dma_wait3A_159 = tpu.memref_squeeze %dma_wait3A_158 : memref<1x128xi32, #tpu.memory_space<vmem>> -> memref<128xi32, #tpu.memory_space<vmem>>
      %dma_wait3A_160 = arith.constant 0 : i32
      %dma_wait3A_161 = arith.constant 0 : i32
      %dma_wait3A_162 = tpu.memref_slice %arg10[%dma_wait3A_160, %dma_wait3A_161] : memref<10112x128xf32, #tpu.memory_space<vmem_shared>> -> memref<10112x128xf32, #tpu.memory_space<vmem_shared>>
      tpu.wait_indirect_dma semaphore(%run_scoped3A_142 : memref<!tpu.dma_semaphore, #tpu.memory_space<semaphore_mem>>) src(%dma_wait3A_156 : memref<128x128xf32, #tpu.memory_space<vmem>>) dst(%dma_wait3A_162 : memref<10112x128xf32, #tpu.memory_space<vmem_shared>>)
      tpu.yield
    }) : () -> ()
    %dma_wait3A_59 = arith.constant 39 : i32
    %dma_wait3A_60 = arith.constant 1 : i32
    %dma_wait3A_61 = arith.constant 0 : i32
    %dma_wait3A_62 = arith.constant 0 : i32
    %dma_wait3A_63 = tpu.memref_slice %arg9[%dma_wait3A_60, %dma_wait3A_61, %dma_wait3A_62] : memref<2x128x128xf32, #tpu.memory_space<vmem>> -> memref<1x128x128xf32, #tpu.memory_space<vmem>>
    %dma_wait3A_64 = tpu.memref_squeeze %dma_wait3A_63 : memref<1x128x128xf32, #tpu.memory_space<vmem>> -> memref<128x128xf32, #tpu.memory_space<vmem>>
    %dma_wait3A_65 = arith.constant 0 : i32
    %dma_wait3A_66 = tpu.memref_slice %arg7[%dma_wait3A_59, %dma_wait3A_65] : memref<40x128xi32, #tpu.memory_space<vmem>> -> memref<1x128xi32, #tpu.memory_space<vmem>>
    %dma_wait3A_67 = tpu.memref_squeeze %dma_wait3A_66 : memref<1x128xi32, #tpu.memory_space<vmem>> -> memref<128xi32, #tpu.memory_space<vmem>>
    %dma_wait3A_68 = arith.constant 0 : i32
    %dma_wait3A_69 = arith.constant 0 : i32
    %dma_wait3A_70 = tpu.memref_slice %arg2[%dma_wait3A_68, %dma_wait3A_69] : memref<10000x128xf32, #tpu.memory_space<hbm>> -> memref<10000x128xf32, #tpu.memory_space<hbm>>
    tpu.wait_indirect_dma semaphore(%arg12 : memref<!tpu.dma_semaphore, #tpu.memory_space<semaphore_mem>>) src(%dma_wait3A_70 : memref<10000x128xf32, #tpu.memory_space<hbm>>) dst(%dma_wait3A_64 : memref<128x128xf32, #tpu.memory_space<vmem>>)
    %run_scoped3A_71 = arith.constant 1 : i32
    %run_scoped3A_72 = arith.constant 39 : i32
    "tpu.region"() ({
      %run_scoped3A_142 = tpu.sem_alloc : memref<!tpu.dma_semaphore, #tpu.memory_space<semaphore_mem>>
      %dma_start3A_143 = arith.constant 0 : i32
      %dma_start3A_144 = arith.constant 0 : i32
      %dma_start3A_145 = tpu.memref_slice %arg9[%run_scoped3A_71, %dma_start3A_143, %dma_start3A_144] : memref<2x128x128xf32, #tpu.memory_space<vmem>> -> memref<1x128x128xf32, #tpu.memory_space<vmem>>
      %dma_start3A_146 = tpu.memref_squeeze %dma_start3A_145 : memref<1x128x128xf32, #tpu.memory_space<vmem>> -> memref<128x128xf32, #tpu.memory_space<vmem>>
      %dma_start3A_147 = arith.constant 0 : i32
      %dma_start3A_148 = tpu.memref_slice %arg8[%run_scoped3A_72, %dma_start3A_147] : memref<40x128xi32, #tpu.memory_space<vmem>> -> memref<1x128xi32, #tpu.memory_space<vmem>>
      %dma_start3A_149 = tpu.memref_squeeze %dma_start3A_148 : memref<1x128xi32, #tpu.memory_space<vmem>> -> memref<128xi32, #tpu.memory_space<vmem>>
      %dma_start3A_150 = arith.constant 0 : i32
      %dma_start3A_151 = arith.constant 0 : i32
      %dma_start3A_152 = tpu.memref_slice %arg10[%dma_start3A_150, %dma_start3A_151] : memref<10112x128xf32, #tpu.memory_space<vmem_shared>> -> memref<10112x128xf32, #tpu.memory_space<vmem_shared>>
      tpu.enqueue_indirect_dma source(%dma_start3A_146 : memref<128x128xf32, #tpu.memory_space<vmem>>) target(%dma_start3A_152 : memref<10112x128xf32, #tpu.memory_space<vmem_shared>>) offsets(%dma_start3A_149 : memref<128xi32, #tpu.memory_space<vmem>>) semaphore(%run_scoped3A_142 : memref<!tpu.dma_semaphore, #tpu.memory_space<semaphore_mem>>) {add = true}
      %dma_wait3A_153 = arith.constant 0 : i32
      %dma_wait3A_154 = arith.constant 0 : i32
      %dma_wait3A_155 = tpu.memref_slice %arg9[%run_scoped3A_71, %dma_wait3A_153, %dma_wait3A_154] : memref<2x128x128xf32, #tpu.memory_space<vmem>> -> memref<1x128x128xf32, #tpu.memory_space<vmem>>
      %dma_wait3A_156 = tpu.memref_squeeze %dma_wait3A_155 : memref<1x128x128xf32, #tpu.memory_space<vmem>> -> memref<128x128xf32, #tpu.memory_space<vmem>>
      %dma_wait3A_157 = arith.constant 0 : i32
      %dma_wait3A_158 = tpu.memref_slice %arg8[%run_scoped3A_72, %dma_wait3A_157] : memref<40x128xi32, #tpu.memory_space<vmem>> -> memref<1x128xi32, #tpu.memory_space<vmem>>
      %dma_wait3A_159 = tpu.memref_squeeze %dma_wait3A_158 : memref<1x128xi32, #tpu.memory_space<vmem>> -> memref<128xi32, #tpu.memory_space<vmem>>
      %dma_wait3A_160 = arith.constant 0 : i32
      %dma_wait3A_161 = arith.constant 0 : i32
      %dma_wait3A_162 = tpu.memref_slice %arg10[%dma_wait3A_160, %dma_wait3A_161] : memref<10112x128xf32, #tpu.memory_space<vmem_shared>> -> memref<10112x128xf32, #tpu.memory_space<vmem_shared>>
      tpu.wait_indirect_dma semaphore(%run_scoped3A_142 : memref<!tpu.dma_semaphore, #tpu.memory_space<semaphore_mem>>) src(%dma_wait3A_156 : memref<128x128xf32, #tpu.memory_space<vmem>>) dst(%dma_wait3A_162 : memref<10112x128xf32, #tpu.memory_space<vmem_shared>>)
      tpu.yield
    }) : () -> ()
    %mul3A_73 = arith.constant 80 : i32
    %mul3A_74 = arith.muli %add3A, %mul3A_73 : i32
    %add3A_75 = arith.constant 40 : i32
    %add3A_76 = arith.addi %mul3A_74, %add3A_75 : i32
    "tpu.region"() ({
      %run_scoped3A_142 = tpu.sem_alloc : memref<!tpu.dma_semaphore, #tpu.memory_space<semaphore_mem>>
      %dma_start3A_143 = arith.constant 0 : i32
      %dma_start3A_144 = tpu.memref_slice %arg3[%add3A_76, %dma_start3A_143] : memref<2560x128xi32, #tpu.memory_space<hbm>> -> memref<40x128xi32, #tpu.memory_space<hbm>>
      %dma_start3A_145 = arith.constant 0 : i32
      %dma_start3A_146 = tpu.memref_slice %arg3[%add3A_76, %dma_start3A_145] : memref<2560x128xi32, #tpu.memory_space<hbm>> -> memref<40x128xi32, #tpu.memory_space<hbm>>
      tpu.enqueue_dma source(%dma_start3A_146 : memref<40x128xi32, #tpu.memory_space<hbm>>) target(%arg7 : memref<40x128xi32, #tpu.memory_space<vmem>>) target_semaphore(%run_scoped3A_142 : memref<!tpu.dma_semaphore, #tpu.memory_space<semaphore_mem>>)
      %dma_wait3A_147 = arith.constant 0 : i32
      %dma_wait3A_148 = tpu.memref_slice %arg3[%add3A_76, %dma_wait3A_147] : memref<2560x128xi32, #tpu.memory_space<hbm>> -> memref<40x128xi32, #tpu.memory_space<hbm>>
      %dma_wait3A_149 = arith.constant 0 : i32
      %dma_wait3A_150 = tpu.memref_slice %arg3[%add3A_76, %dma_wait3A_149] : memref<2560x128xi32, #tpu.memory_space<hbm>> -> memref<40x128xi32, #tpu.memory_space<hbm>>
      tpu.wait_dma2 semaphore(%run_scoped3A_142 : memref<!tpu.dma_semaphore, #tpu.memory_space<semaphore_mem>>) src(%dma_wait3A_150 : memref<40x128xi32, #tpu.memory_space<hbm>>) dst(%arg7 : memref<40x128xi32, #tpu.memory_space<vmem>>)
      tpu.yield
    }) : () -> ()
    "tpu.region"() ({
      %run_scoped3A_142 = tpu.sem_alloc : memref<!tpu.dma_semaphore, #tpu.memory_space<semaphore_mem>>
      %dma_start3A_143 = arith.constant 0 : i32
      %dma_start3A_144 = tpu.memref_slice %arg4[%add3A_76, %dma_start3A_143] : memref<2560x128xi32, #tpu.memory_space<hbm>> -> memref<40x128xi32, #tpu.memory_space<hbm>>
      %dma_start3A_145 = arith.constant 0 : i32
      %dma_start3A_146 = tpu.memref_slice %arg4[%add3A_76, %dma_start3A_145] : memref<2560x128xi32, #tpu.memory_space<hbm>> -> memref<40x128xi32, #tpu.memory_space<hbm>>
      tpu.enqueue_dma source(%dma_start3A_146 : memref<40x128xi32, #tpu.memory_space<hbm>>) target(%arg8 : memref<40x128xi32, #tpu.memory_space<vmem>>) target_semaphore(%run_scoped3A_142 : memref<!tpu.dma_semaphore, #tpu.memory_space<semaphore_mem>>)
      %dma_wait3A_147 = arith.constant 0 : i32
      %dma_wait3A_148 = tpu.memref_slice %arg4[%add3A_76, %dma_wait3A_147] : memref<2560x128xi32, #tpu.memory_space<hbm>> -> memref<40x128xi32, #tpu.memory_space<hbm>>
      %dma_wait3A_149 = arith.constant 0 : i32
      %dma_wait3A_150 = tpu.memref_slice %arg4[%add3A_76, %dma_wait3A_149] : memref<2560x128xi32, #tpu.memory_space<hbm>> -> memref<40x128xi32, #tpu.memory_space<hbm>>
      tpu.wait_dma2 semaphore(%run_scoped3A_142 : memref<!tpu.dma_semaphore, #tpu.memory_space<semaphore_mem>>) src(%dma_wait3A_150 : memref<40x128xi32, #tpu.memory_space<hbm>>) dst(%arg8 : memref<40x128xi32, #tpu.memory_space<vmem>>)
      tpu.yield
    }) : () -> ()
    %dma_start3A_77 = arith.constant 0 : i32
    %dma_start3A_78 = arith.constant 0 : i32
    %dma_start3A_79 = arith.constant 0 : i32
    %dma_start3A_80 = arith.constant 0 : i32
    %dma_start3A_81 = tpu.memref_slice %arg9[%dma_start3A_78, %dma_start3A_79, %dma_start3A_80] : memref<2x128x128xf32, #tpu.memory_space<vmem>> -> memref<1x128x128xf32, #tpu.memory_space<vmem>>
    %dma_start3A_82 = tpu.memref_squeeze %dma_start3A_81 : memref<1x128x128xf32, #tpu.memory_space<vmem>> -> memref<128x128xf32, #tpu.memory_space<vmem>>
    %dma_start3A_83 = arith.constant 0 : i32
    %dma_start3A_84 = tpu.memref_slice %arg7[%dma_start3A_77, %dma_start3A_83] : memref<40x128xi32, #tpu.memory_space<vmem>> -> memref<1x128xi32, #tpu.memory_space<vmem>>
    %dma_start3A_85 = tpu.memref_squeeze %dma_start3A_84 : memref<1x128xi32, #tpu.memory_space<vmem>> -> memref<128xi32, #tpu.memory_space<vmem>>
    %dma_start3A_86 = arith.constant 0 : i32
    %dma_start3A_87 = arith.constant 0 : i32
    %dma_start3A_88 = tpu.memref_slice %arg2[%dma_start3A_86, %dma_start3A_87] : memref<10000x128xf32, #tpu.memory_space<hbm>> -> memref<10000x128xf32, #tpu.memory_space<hbm>>
    tpu.enqueue_indirect_dma source(%dma_start3A_88 : memref<10000x128xf32, #tpu.memory_space<hbm>>) target(%dma_start3A_82 : memref<128x128xf32, #tpu.memory_space<vmem>>) offsets(%dma_start3A_85 : memref<128xi32, #tpu.memory_space<vmem>>) semaphore(%arg11 : memref<!tpu.dma_semaphore, #tpu.memory_space<semaphore_mem>>)
    %dma_start3A_89 = arith.constant 1 : i32
    %dma_start3A_90 = arith.constant 1 : i32
    %dma_start3A_91 = arith.constant 0 : i32
    %dma_start3A_92 = arith.constant 0 : i32
    %dma_start3A_93 = tpu.memref_slice %arg9[%dma_start3A_90, %dma_start3A_91, %dma_start3A_92] : memref<2x128x128xf32, #tpu.memory_space<vmem>> -> memref<1x128x128xf32, #tpu.memory_space<vmem>>
    %dma_start3A_94 = tpu.memref_squeeze %dma_start3A_93 : memref<1x128x128xf32, #tpu.memory_space<vmem>> -> memref<128x128xf32, #tpu.memory_space<vmem>>
    %dma_start3A_95 = arith.constant 0 : i32
    %dma_start3A_96 = tpu.memref_slice %arg7[%dma_start3A_89, %dma_start3A_95] : memref<40x128xi32, #tpu.memory_space<vmem>> -> memref<1x128xi32, #tpu.memory_space<vmem>>
    %dma_start3A_97 = tpu.memref_squeeze %dma_start3A_96 : memref<1x128xi32, #tpu.memory_space<vmem>> -> memref<128xi32, #tpu.memory_space<vmem>>
    %dma_start3A_98 = arith.constant 0 : i32
    %dma_start3A_99 = arith.constant 0 : i32
    %dma_start3A_100 = tpu.memref_slice %arg2[%dma_start3A_98, %dma_start3A_99] : memref<10000x128xf32, #tpu.memory_space<hbm>> -> memref<10000x128xf32, #tpu.memory_space<hbm>>
    tpu.enqueue_indirect_dma source(%dma_start3A_100 : memref<10000x128xf32, #tpu.memory_space<hbm>>) target(%dma_start3A_94 : memref<128x128xf32, #tpu.memory_space<vmem>>) offsets(%dma_start3A_97 : memref<128xi32, #tpu.memory_space<vmem>>) semaphore(%arg12 : memref<!tpu.dma_semaphore, #tpu.memory_space<semaphore_mem>>)
    %scan3A_101 = arith.constant 0 : i32
    %scan3A_102 = arith.constant 0 : i32
    %scan3A_103 = arith.constant 1 : i32
    %scan3A_104 = arith.constant 0 : i32
    %scan3A_105 = arith.constant 19 : i32
    %scan3A_106 = arith.addi %scan3A_104, %scan3A_105 : i32
    %scan3A_107 = arith.constant 1 : i32
    scf.for %scan3A_142 = %scan3A_104 to %scan3A_106 step %scan3A_107  : i32 {
      %mul3A_143 = arith.constant 2 : i32
      %mul3A_144 = arith.muli %mul3A_143, %scan3A_142 : i32
      %dma_wait3A_145 = arith.constant 0 : i32
      %dma_wait3A_146 = arith.constant 0 : i32
      %dma_wait3A_147 = tpu.memref_slice %arg9[%scan3A_102, %dma_wait3A_145, %dma_wait3A_146] : memref<2x128x128xf32, #tpu.memory_space<vmem>> -> memref<1x128x128xf32, #tpu.memory_space<vmem>>
      %dma_wait3A_148 = tpu.memref_squeeze %dma_wait3A_147 : memref<1x128x128xf32, #tpu.memory_space<vmem>> -> memref<128x128xf32, #tpu.memory_space<vmem>>
      %dma_wait3A_149 = arith.constant 0 : i32
      %dma_wait3A_150 = tpu.memref_slice %arg7[%mul3A_144, %dma_wait3A_149] : memref<40x128xi32, #tpu.memory_space<vmem>> -> memref<1x128xi32, #tpu.memory_space<vmem>>
      %dma_wait3A_151 = tpu.memref_squeeze %dma_wait3A_150 : memref<1x128xi32, #tpu.memory_space<vmem>> -> memref<128xi32, #tpu.memory_space<vmem>>
      %dma_wait3A_152 = arith.constant 0 : i32
      %dma_wait3A_153 = arith.constant 0 : i32
      %dma_wait3A_154 = tpu.memref_slice %arg2[%dma_wait3A_152, %dma_wait3A_153] : memref<10000x128xf32, #tpu.memory_space<hbm>> -> memref<10000x128xf32, #tpu.memory_space<hbm>>
      tpu.wait_indirect_dma semaphore(%arg11 : memref<!tpu.dma_semaphore, #tpu.memory_space<semaphore_mem>>) src(%dma_wait3A_154 : memref<10000x128xf32, #tpu.memory_space<hbm>>) dst(%dma_wait3A_148 : memref<128x128xf32, #tpu.memory_space<vmem>>)
      "tpu.region"() ({
        %run_scoped3A_193 = tpu.sem_alloc : memref<!tpu.dma_semaphore, #tpu.memory_space<semaphore_mem>>
        %dma_start3A_194 = arith.constant 0 : i32
        %dma_start3A_195 = arith.constant 0 : i32
        %dma_start3A_196 = tpu.memref_slice %arg9[%scan3A_102, %dma_start3A_194, %dma_start3A_195] : memref<2x128x128xf32, #tpu.memory_space<vmem>> -> memref<1x128x128xf32, #tpu.memory_space<vmem>>
        %dma_start3A_197 = tpu.memref_squeeze %dma_start3A_196 : memref<1x128x128xf32, #tpu.memory_space<vmem>> -> memref<128x128xf32, #tpu.memory_space<vmem>>
        %dma_start3A_198 = arith.constant 0 : i32
        %dma_start3A_199 = tpu.memref_slice %arg8[%mul3A_144, %dma_start3A_198] : memref<40x128xi32, #tpu.memory_space<vmem>> -> memref<1x128xi32, #tpu.memory_space<vmem>>
        %dma_start3A_200 = tpu.memref_squeeze %dma_start3A_199 : memref<1x128xi32, #tpu.memory_space<vmem>> -> memref<128xi32, #tpu.memory_space<vmem>>
        %dma_start3A_201 = arith.constant 0 : i32
        %dma_start3A_202 = arith.constant 0 : i32
        %dma_start3A_203 = tpu.memref_slice %arg10[%dma_start3A_201, %dma_start3A_202] : memref<10112x128xf32, #tpu.memory_space<vmem_shared>> -> memref<10112x128xf32, #tpu.memory_space<vmem_shared>>
        tpu.enqueue_indirect_dma source(%dma_start3A_197 : memref<128x128xf32, #tpu.memory_space<vmem>>) target(%dma_start3A_203 : memref<10112x128xf32, #tpu.memory_space<vmem_shared>>) offsets(%dma_start3A_200 : memref<128xi32, #tpu.memory_space<vmem>>) semaphore(%run_scoped3A_193 : memref<!tpu.dma_semaphore, #tpu.memory_space<semaphore_mem>>) {add = true}
        %dma_wait3A_204 = arith.constant 0 : i32
        %dma_wait3A_205 = arith.constant 0 : i32
        %dma_wait3A_206 = tpu.memref_slice %arg9[%scan3A_102, %dma_wait3A_204, %dma_wait3A_205] : memref<2x128x128xf32, #tpu.memory_space<vmem>> -> memref<1x128x128xf32, #tpu.memory_space<vmem>>
        %dma_wait3A_207 = tpu.memref_squeeze %dma_wait3A_206 : memref<1x128x128xf32, #tpu.memory_space<vmem>> -> memref<128x128xf32, #tpu.memory_space<vmem>>
        %dma_wait3A_208 = arith.constant 0 : i32
        %dma_wait3A_209 = tpu.memref_slice %arg8[%mul3A_144, %dma_wait3A_208] : memref<40x128xi32, #tpu.memory_space<vmem>> -> memref<1x128xi32, #tpu.memory_space<vmem>>
        %dma_wait3A_210 = tpu.memref_squeeze %dma_wait3A_209 : memref<1x128xi32, #tpu.memory_space<vmem>> -> memref<128xi32, #tpu.memory_space<vmem>>
        %dma_wait3A_211 = arith.constant 0 : i32
        %dma_wait3A_212 = arith.constant 0 : i32
        %dma_wait3A_213 = tpu.memref_slice %arg10[%dma_wait3A_211, %dma_wait3A_212] : memref<10112x128xf32, #tpu.memory_space<vmem_shared>> -> memref<10112x128xf32, #tpu.memory_space<vmem_shared>>
        tpu.wait_indirect_dma semaphore(%run_scoped3A_193 : memref<!tpu.dma_semaphore, #tpu.memory_space<semaphore_mem>>) src(%dma_wait3A_207 : memref<128x128xf32, #tpu.memory_space<vmem>>) dst(%dma_wait3A_213 : memref<10112x128xf32, #tpu.memory_space<vmem_shared>>)
        tpu.yield
      }) : () -> ()
      %add3A_155 = arith.constant 2 : i32
      %add3A_156 = arith.addi %mul3A_144, %add3A_155 : i32
      %dma_start3A_157 = arith.constant 0 : i32
      %dma_start3A_158 = arith.constant 0 : i32
      %dma_start3A_159 = tpu.memref_slice %arg9[%scan3A_102, %dma_start3A_157, %dma_start3A_158] : memref<2x128x128xf32, #tpu.memory_space<vmem>> -> memref<1x128x128xf32, #tpu.memory_space<vmem>>
      %dma_start3A_160 = tpu.memref_squeeze %dma_start3A_159 : memref<1x128x128xf32, #tpu.memory_space<vmem>> -> memref<128x128xf32, #tpu.memory_space<vmem>>
      %dma_start3A_161 = arith.constant 0 : i32
      %dma_start3A_162 = tpu.memref_slice %arg7[%add3A_156, %dma_start3A_161] : memref<40x128xi32, #tpu.memory_space<vmem>> -> memref<1x128xi32, #tpu.memory_space<vmem>>
      %dma_start3A_163 = tpu.memref_squeeze %dma_start3A_162 : memref<1x128xi32, #tpu.memory_space<vmem>> -> memref<128xi32, #tpu.memory_space<vmem>>
      %dma_start3A_164 = arith.constant 0 : i32
      %dma_start3A_165 = arith.constant 0 : i32
      %dma_start3A_166 = tpu.memref_slice %arg2[%dma_start3A_164, %dma_start3A_165] : memref<10000x128xf32, #tpu.memory_space<hbm>> -> memref<10000x128xf32, #tpu.memory_space<hbm>>
      tpu.enqueue_indirect_dma source(%dma_start3A_166 : memref<10000x128xf32, #tpu.memory_space<hbm>>) target(%dma_start3A_160 : memref<128x128xf32, #tpu.memory_space<vmem>>) offsets(%dma_start3A_163 : memref<128xi32, #tpu.memory_space<vmem>>) semaphore(%arg11 : memref<!tpu.dma_semaphore, #tpu.memory_space<semaphore_mem>>)
      %add3A_167 = arith.constant 1 : i32
      %add3A_168 = arith.addi %mul3A_144, %add3A_167 : i32
      %dma_wait3A_169 = arith.constant 0 : i32
      %dma_wait3A_170 = arith.constant 0 : i32
      %dma_wait3A_171 = tpu.memref_slice %arg9[%scan3A_103, %dma_wait3A_169, %dma_wait3A_170] : memref<2x128x128xf32, #tpu.memory_space<vmem>> -> memref<1x128x128xf32, #tpu.memory_space<vmem>>
      %dma_wait3A_172 = tpu.memref_squeeze %dma_wait3A_171 : memref<1x128x128xf32, #tpu.memory_space<vmem>> -> memref<128x128xf32, #tpu.memory_space<vmem>>
      %dma_wait3A_173 = arith.constant 0 : i32
      %dma_wait3A_174 = tpu.memref_slice %arg7[%add3A_168, %dma_wait3A_173] : memref<40x128xi32, #tpu.memory_space<vmem>> -> memref<1x128xi32, #tpu.memory_space<vmem>>
      %dma_wait3A_175 = tpu.memref_squeeze %dma_wait3A_174 : memref<1x128xi32, #tpu.memory_space<vmem>> -> memref<128xi32, #tpu.memory_space<vmem>>
      %dma_wait3A_176 = arith.constant 0 : i32
      %dma_wait3A_177 = arith.constant 0 : i32
      %dma_wait3A_178 = tpu.memref_slice %arg2[%dma_wait3A_176, %dma_wait3A_177] : memref<10000x128xf32, #tpu.memory_space<hbm>> -> memref<10000x128xf32, #tpu.memory_space<hbm>>
      tpu.wait_indirect_dma semaphore(%arg12 : memref<!tpu.dma_semaphore, #tpu.memory_space<semaphore_mem>>) src(%dma_wait3A_178 : memref<10000x128xf32, #tpu.memory_space<hbm>>) dst(%dma_wait3A_172 : memref<128x128xf32, #tpu.memory_space<vmem>>)
      %add3A_179 = arith.constant 1 : i32
      %add3A_180 = arith.addi %mul3A_144, %add3A_179 : i32
      "tpu.region"() ({
        %run_scoped3A_193 = tpu.sem_alloc : memref<!tpu.dma_semaphore, #tpu.memory_space<semaphore_mem>>
        %dma_start3A_194 = arith.constant 0 : i32
        %dma_start3A_195 = arith.constant 0 : i32
        %dma_start3A_196 = tpu.memref_slice %arg9[%scan3A_103, %dma_start3A_194, %dma_start3A_195] : memref<2x128x128xf32, #tpu.memory_space<vmem>> -> memref<1x128x128xf32, #tpu.memory_space<vmem>>
        %dma_start3A_197 = tpu.memref_squeeze %dma_start3A_196 : memref<1x128x128xf32, #tpu.memory_space<vmem>> -> memref<128x128xf32, #tpu.memory_space<vmem>>
        %dma_start3A_198 = arith.constant 0 : i32
        %dma_start3A_199 = tpu.memref_slice %arg8[%add3A_180, %dma_start3A_198] : memref<40x128xi32, #tpu.memory_space<vmem>> -> memref<1x128xi32, #tpu.memory_space<vmem>>
        %dma_start3A_200 = tpu.memref_squeeze %dma_start3A_199 : memref<1x128xi32, #tpu.memory_space<vmem>> -> memref<128xi32, #tpu.memory_space<vmem>>
        %dma_start3A_201 = arith.constant 0 : i32
        %dma_start3A_202 = arith.constant 0 : i32
        %dma_start3A_203 = tpu.memref_slice %arg10[%dma_start3A_201, %dma_start3A_202] : memref<10112x128xf32, #tpu.memory_space<vmem_shared>> -> memref<10112x128xf32, #tpu.memory_space<vmem_shared>>
        tpu.enqueue_indirect_dma source(%dma_start3A_197 : memref<128x128xf32, #tpu.memory_space<vmem>>) target(%dma_start3A_203 : memref<10112x128xf32, #tpu.memory_space<vmem_shared>>) offsets(%dma_start3A_200 : memref<128xi32, #tpu.memory_space<vmem>>) semaphore(%run_scoped3A_193 : memref<!tpu.dma_semaphore, #tpu.memory_space<semaphore_mem>>) {add = true}
        %dma_wait3A_204 = arith.constant 0 : i32
        %dma_wait3A_205 = arith.constant 0 : i32
        %dma_wait3A_206 = tpu.memref_slice %arg9[%scan3A_103, %dma_wait3A_204, %dma_wait3A_205] : memref<2x128x128xf32, #tpu.memory_space<vmem>> -> memref<1x128x128xf32, #tpu.memory_space<vmem>>
        %dma_wait3A_207 = tpu.memref_squeeze %dma_wait3A_206 : memref<1x128x128xf32, #tpu.memory_space<vmem>> -> memref<128x128xf32, #tpu.memory_space<vmem>>
        %dma_wait3A_208 = arith.constant 0 : i32
        %dma_wait3A_209 = tpu.memref_slice %arg8[%add3A_180, %dma_wait3A_208] : memref<40x128xi32, #tpu.memory_space<vmem>> -> memref<1x128xi32, #tpu.memory_space<vmem>>
        %dma_wait3A_210 = tpu.memref_squeeze %dma_wait3A_209 : memref<1x128xi32, #tpu.memory_space<vmem>> -> memref<128xi32, #tpu.memory_space<vmem>>
        %dma_wait3A_211 = arith.constant 0 : i32
        %dma_wait3A_212 = arith.constant 0 : i32
        %dma_wait3A_213 = tpu.memref_slice %arg10[%dma_wait3A_211, %dma_wait3A_212] : memref<10112x128xf32, #tpu.memory_space<vmem_shared>> -> memref<10112x128xf32, #tpu.memory_space<vmem_shared>>
        tpu.wait_indirect_dma semaphore(%run_scoped3A_193 : memref<!tpu.dma_semaphore, #tpu.memory_space<semaphore_mem>>) src(%dma_wait3A_207 : memref<128x128xf32, #tpu.memory_space<vmem>>) dst(%dma_wait3A_213 : memref<10112x128xf32, #tpu.memory_space<vmem_shared>>)
        tpu.yield
      }) : () -> ()
      %add3A_181 = arith.constant 3 : i32
      %add3A_182 = arith.addi %mul3A_144, %add3A_181 : i32
      %dma_start3A_183 = arith.constant 0 : i32
      %dma_start3A_184 = arith.constant 0 : i32
      %dma_start3A_185 = tpu.memref_slice %arg9[%scan3A_103, %dma_start3A_183, %dma_start3A_184] : memref<2x128x128xf32, #tpu.memory_space<vmem>> -> memref<1x128x128xf32, #tpu.memory_space<vmem>>
      %dma_start3A_186 = tpu.memref_squeeze %dma_start3A_185 : memref<1x128x128xf32, #tpu.memory_space<vmem>> -> memref<128x128xf32, #tpu.memory_space<vmem>>
      %dma_start3A_187 = arith.constant 0 : i32
      %dma_start3A_188 = tpu.memref_slice %arg7[%add3A_182, %dma_start3A_187] : memref<40x128xi32, #tpu.memory_space<vmem>> -> memref<1x128xi32, #tpu.memory_space<vmem>>
      %dma_start3A_189 = tpu.memref_squeeze %dma_start3A_188 : memref<1x128xi32, #tpu.memory_space<vmem>> -> memref<128xi32, #tpu.memory_space<vmem>>
      %dma_start3A_190 = arith.constant 0 : i32
      %dma_start3A_191 = arith.constant 0 : i32
      %dma_start3A_192 = tpu.memref_slice %arg2[%dma_start3A_190, %dma_start3A_191] : memref<10000x128xf32, #tpu.memory_space<hbm>> -> memref<10000x128xf32, #tpu.memory_space<hbm>>
      tpu.enqueue_indirect_dma source(%dma_start3A_192 : memref<10000x128xf32, #tpu.memory_space<hbm>>) target(%dma_start3A_186 : memref<128x128xf32, #tpu.memory_space<vmem>>) offsets(%dma_start3A_189 : memref<128xi32, #tpu.memory_space<vmem>>) semaphore(%arg12 : memref<!tpu.dma_semaphore, #tpu.memory_space<semaphore_mem>>)
    }
    %scan3A_108 = arith.constant 19 : i32
    %dma_wait3A_109 = arith.constant 38 : i32
    %dma_wait3A_110 = arith.constant 0 : i32
    %dma_wait3A_111 = arith.constant 0 : i32
    %dma_wait3A_112 = arith.constant 0 : i32
    %dma_wait3A_113 = tpu.memref_slice %arg9[%dma_wait3A_110, %dma_wait3A_111, %dma_wait3A_112] : memref<2x128x128xf32, #tpu.memory_space<vmem>> -> memref<1x128x128xf32, #tpu.memory_space<vmem>>
    %dma_wait3A_114 = tpu.memref_squeeze %dma_wait3A_113 : memref<1x128x128xf32, #tpu.memory_space<vmem>> -> memref<128x128xf32, #tpu.memory_space<vmem>>
    %dma_wait3A_115 = arith.constant 0 : i32
    %dma_wait3A_116 = tpu.memref_slice %arg7[%dma_wait3A_109, %dma_wait3A_115] : memref<40x128xi32, #tpu.memory_space<vmem>> -> memref<1x128xi32, #tpu.memory_space<vmem>>
    %dma_wait3A_117 = tpu.memref_squeeze %dma_wait3A_116 : memref<1x128xi32, #tpu.memory_space<vmem>> -> memref<128xi32, #tpu.memory_space<vmem>>
    %dma_wait3A_118 = arith.constant 0 : i32
    %dma_wait3A_119 = arith.constant 0 : i32
    %dma_wait3A_120 = tpu.memref_slice %arg2[%dma_wait3A_118, %dma_wait3A_119] : memref<10000x128xf32, #tpu.memory_space<hbm>> -> memref<10000x128xf32, #tpu.memory_space<hbm>>
    tpu.wait_indirect_dma semaphore(%arg11 : memref<!tpu.dma_semaphore, #tpu.memory_space<semaphore_mem>>) src(%dma_wait3A_120 : memref<10000x128xf32, #tpu.memory_space<hbm>>) dst(%dma_wait3A_114 : memref<128x128xf32, #tpu.memory_space<vmem>>)
    %run_scoped3A_121 = arith.constant 0 : i32
    %run_scoped3A_122 = arith.constant 38 : i32
    "tpu.region"() ({
      %run_scoped3A_142 = tpu.sem_alloc : memref<!tpu.dma_semaphore, #tpu.memory_space<semaphore_mem>>
      %dma_start3A_143 = arith.constant 0 : i32
      %dma_start3A_144 = arith.constant 0 : i32
      %dma_start3A_145 = tpu.memref_slice %arg9[%run_scoped3A_121, %dma_start3A_143, %dma_start3A_144] : memref<2x128x128xf32, #tpu.memory_space<vmem>> -> memref<1x128x128xf32, #tpu.memory_space<vmem>>
      %dma_start3A_146 = tpu.memref_squeeze %dma_start3A_145 : memref<1x128x128xf32, #tpu.memory_space<vmem>> -> memref<128x128xf32, #tpu.memory_space<vmem>>
      %dma_start3A_147 = arith.constant 0 : i32
      %dma_start3A_148 = tpu.memref_slice %arg8[%run_scoped3A_122, %dma_start3A_147] : memref<40x128xi32, #tpu.memory_space<vmem>> -> memref<1x128xi32, #tpu.memory_space<vmem>>
      %dma_start3A_149 = tpu.memref_squeeze %dma_start3A_148 : memref<1x128xi32, #tpu.memory_space<vmem>> -> memref<128xi32, #tpu.memory_space<vmem>>
      %dma_start3A_150 = arith.constant 0 : i32
      %dma_start3A_151 = arith.constant 0 : i32
      %dma_start3A_152 = tpu.memref_slice %arg10[%dma_start3A_150, %dma_start3A_151] : memref<10112x128xf32, #tpu.memory_space<vmem_shared>> -> memref<10112x128xf32, #tpu.memory_space<vmem_shared>>
      tpu.enqueue_indirect_dma source(%dma_start3A_146 : memref<128x128xf32, #tpu.memory_space<vmem>>) target(%dma_start3A_152 : memref<10112x128xf32, #tpu.memory_space<vmem_shared>>) offsets(%dma_start3A_149 : memref<128xi32, #tpu.memory_space<vmem>>) semaphore(%run_scoped3A_142 : memref<!tpu.dma_semaphore, #tpu.memory_space<semaphore_mem>>) {add = true}
      %dma_wait3A_153 = arith.constant 0 : i32
      %dma_wait3A_154 = arith.constant 0 : i32
      %dma_wait3A_155 = tpu.memref_slice %arg9[%run_scoped3A_121, %dma_wait3A_153, %dma_wait3A_154] : memref<2x128x128xf32, #tpu.memory_space<vmem>> -> memref<1x128x128xf32, #tpu.memory_space<vmem>>
      %dma_wait3A_156 = tpu.memref_squeeze %dma_wait3A_155 : memref<1x128x128xf32, #tpu.memory_space<vmem>> -> memref<128x128xf32, #tpu.memory_space<vmem>>
      %dma_wait3A_157 = arith.constant 0 : i32
      %dma_wait3A_158 = tpu.memref_slice %arg8[%run_scoped3A_122, %dma_wait3A_157] : memref<40x128xi32, #tpu.memory_space<vmem>> -> memref<1x128xi32, #tpu.memory_space<vmem>>
      %dma_wait3A_159 = tpu.memref_squeeze %dma_wait3A_158 : memref<1x128xi32, #tpu.memory_space<vmem>> -> memref<128xi32, #tpu.memory_space<vmem>>
      %dma_wait3A_160 = arith.constant 0 : i32
      %dma_wait3A_161 = arith.constant 0 : i32
      %dma_wait3A_162 = tpu.memref_slice %arg10[%dma_wait3A_160, %dma_wait3A_161] : memref<10112x128xf32, #tpu.memory_space<vmem_shared>> -> memref<10112x128xf32, #tpu.memory_space<vmem_shared>>
      tpu.wait_indirect_dma semaphore(%run_scoped3A_142 : memref<!tpu.dma_semaphore, #tpu.memory_space<semaphore_mem>>) src(%dma_wait3A_156 : memref<128x128xf32, #tpu.memory_space<vmem>>) dst(%dma_wait3A_162 : memref<10112x128xf32, #tpu.memory_space<vmem_shared>>)
      tpu.yield
    }) : () -> ()
    %dma_wait3A_123 = arith.constant 39 : i32
    %dma_wait3A_124 = arith.constant 1 : i32
    %dma_wait3A_125 = arith.constant 0 : i32
    %dma_wait3A_126 = arith.constant 0 : i32
    %dma_wait3A_127 = tpu.memref_slice %arg9[%dma_wait3A_124, %dma_wait3A_125, %dma_wait3A_126] : memref<2x128x128xf32, #tpu.memory_space<vmem>> -> memref<1x128x128xf32, #tpu.memory_space<vmem>>
    %dma_wait3A_128 = tpu.memref_squeeze %dma_wait3A_127 : memref<1x128x128xf32, #tpu.memory_space<vmem>> -> memref<128x128xf32, #tpu.memory_space<vmem>>
    %dma_wait3A_129 = arith.constant 0 : i32
    %dma_wait3A_130 = tpu.memref_slice %arg7[%dma_wait3A_123, %dma_wait3A_129] : memref<40x128xi32, #tpu.memory_space<vmem>> -> memref<1x128xi32, #tpu.memory_space<vmem>>
    %dma_wait3A_131 = tpu.memref_squeeze %dma_wait3A_130 : memref<1x128xi32, #tpu.memory_space<vmem>> -> memref<128xi32, #tpu.memory_space<vmem>>
    %dma_wait3A_132 = arith.constant 0 : i32
    %dma_wait3A_133 = arith.constant 0 : i32
    %dma_wait3A_134 = tpu.memref_slice %arg2[%dma_wait3A_132, %dma_wait3A_133] : memref<10000x128xf32, #tpu.memory_space<hbm>> -> memref<10000x128xf32, #tpu.memory_space<hbm>>
    tpu.wait_indirect_dma semaphore(%arg12 : memref<!tpu.dma_semaphore, #tpu.memory_space<semaphore_mem>>) src(%dma_wait3A_134 : memref<10000x128xf32, #tpu.memory_space<hbm>>) dst(%dma_wait3A_128 : memref<128x128xf32, #tpu.memory_space<vmem>>)
    %run_scoped3A_135 = arith.constant 1 : i32
    %run_scoped3A_136 = arith.constant 39 : i32
    "tpu.region"() ({
      %run_scoped3A_142 = tpu.sem_alloc : memref<!tpu.dma_semaphore, #tpu.memory_space<semaphore_mem>>
      %dma_start3A_143 = arith.constant 0 : i32
      %dma_start3A_144 = arith.constant 0 : i32
      %dma_start3A_145 = tpu.memref_slice %arg9[%run_scoped3A_135, %dma_start3A_143, %dma_start3A_144] : memref<2x128x128xf32, #tpu.memory_space<vmem>> -> memref<1x128x128xf32, #tpu.memory_space<vmem>>
      %dma_start3A_146 = tpu.memref_squeeze %dma_start3A_145 : memref<1x128x128xf32, #tpu.memory_space<vmem>> -> memref<128x128xf32, #tpu.memory_space<vmem>>
      %dma_start3A_147 = arith.constant 0 : i32
      %dma_start3A_148 = tpu.memref_slice %arg8[%run_scoped3A_136, %dma_start3A_147] : memref<40x128xi32, #tpu.memory_space<vmem>> -> memref<1x128xi32, #tpu.memory_space<vmem>>
      %dma_start3A_149 = tpu.memref_squeeze %dma_start3A_148 : memref<1x128xi32, #tpu.memory_space<vmem>> -> memref<128xi32, #tpu.memory_space<vmem>>
      %dma_start3A_150 = arith.constant 0 : i32
      %dma_start3A_151 = arith.constant 0 : i32
      %dma_start3A_152 = tpu.memref_slice %arg10[%dma_start3A_150, %dma_start3A_151] : memref<10112x128xf32, #tpu.memory_space<vmem_shared>> -> memref<10112x128xf32, #tpu.memory_space<vmem_shared>>
      tpu.enqueue_indirect_dma source(%dma_start3A_146 : memref<128x128xf32, #tpu.memory_space<vmem>>) target(%dma_start3A_152 : memref<10112x128xf32, #tpu.memory_space<vmem_shared>>) offsets(%dma_start3A_149 : memref<128xi32, #tpu.memory_space<vmem>>) semaphore(%run_scoped3A_142 : memref<!tpu.dma_semaphore, #tpu.memory_space<semaphore_mem>>) {add = true}
      %dma_wait3A_153 = arith.constant 0 : i32
      %dma_wait3A_154 = arith.constant 0 : i32
      %dma_wait3A_155 = tpu.memref_slice %arg9[%run_scoped3A_135, %dma_wait3A_153, %dma_wait3A_154] : memref<2x128x128xf32, #tpu.memory_space<vmem>> -> memref<1x128x128xf32, #tpu.memory_space<vmem>>
      %dma_wait3A_156 = tpu.memref_squeeze %dma_wait3A_155 : memref<1x128x128xf32, #tpu.memory_space<vmem>> -> memref<128x128xf32, #tpu.memory_space<vmem>>
      %dma_wait3A_157 = arith.constant 0 : i32
      %dma_wait3A_158 = tpu.memref_slice %arg8[%run_scoped3A_136, %dma_wait3A_157] : memref<40x128xi32, #tpu.memory_space<vmem>> -> memref<1x128xi32, #tpu.memory_space<vmem>>
      %dma_wait3A_159 = tpu.memref_squeeze %dma_wait3A_158 : memref<1x128xi32, #tpu.memory_space<vmem>> -> memref<128xi32, #tpu.memory_space<vmem>>
      %dma_wait3A_160 = arith.constant 0 : i32
      %dma_wait3A_161 = arith.constant 0 : i32
      %dma_wait3A_162 = tpu.memref_slice %arg10[%dma_wait3A_160, %dma_wait3A_161] : memref<10112x128xf32, #tpu.memory_space<vmem_shared>> -> memref<10112x128xf32, #tpu.memory_space<vmem_shared>>
      tpu.wait_indirect_dma semaphore(%run_scoped3A_142 : memref<!tpu.dma_semaphore, #tpu.memory_space<semaphore_mem>>) src(%dma_wait3A_156 : memref<128x128xf32, #tpu.memory_space<vmem>>) dst(%dma_wait3A_162 : memref<10112x128xf32, #tpu.memory_space<vmem_shared>>)
      tpu.yield
    }) : () -> ()
    %barrier3A_137 = arith.constant 0 : index
    tpu.barrier barrier_id(%barrier3A_137)
    %mul3A_138 = arith.constant 632 : i32
    %mul3A_139 = arith.muli %arg1, %mul3A_138 : i32
    %mul3A_140 = arith.constant 632 : i32
    %mul3A_141 = arith.muli %arg1, %mul3A_140 : i32
    "tpu.region"() ({
      %run_scoped3A_142 = tpu.sem_alloc : memref<!tpu.dma_semaphore, #tpu.memory_space<semaphore_mem>>
      %dma_start3A_143 = arith.constant 0 : i32
      %dma_start3A_144 = tpu.memref_slice %arg6[%arg0, %mul3A_141, %dma_start3A_143] : memref<2x10112x128xf32, #tpu.memory_space<hbm>> -> memref<1x632x128xf32, #tpu.memory_space<hbm>>
      %dma_start3A_145 = tpu.memref_squeeze %dma_start3A_144 : memref<1x632x128xf32, #tpu.memory_space<hbm>> -> memref<632x128xf32, #tpu.memory_space<hbm>>
      %dma_start3A_146 = arith.constant 0 : i32
      %dma_start3A_147 = tpu.memref_slice %arg10[%mul3A_139, %dma_start3A_146] : memref<10112x128xf32, #tpu.memory_space<vmem_shared>> -> memref<632x128xf32, #tpu.memory_space<vmem_shared>>
      tpu.enqueue_dma source(%dma_start3A_147 : memref<632x128xf32, #tpu.memory_space<vmem_shared>>) target(%dma_start3A_145 : memref<632x128xf32, #tpu.memory_space<hbm>>) target_semaphore(%run_scoped3A_142 : memref<!tpu.dma_semaphore, #tpu.memory_space<semaphore_mem>>)
      %dma_wait3A_148 = arith.constant 0 : i32
      %dma_wait3A_149 = tpu.memref_slice %arg6[%arg0, %mul3A_141, %dma_wait3A_148] : memref<2x10112x128xf32, #tpu.memory_space<hbm>> -> memref<1x632x128xf32, #tpu.memory_space<hbm>>
      %dma_wait3A_150 = tpu.memref_squeeze %dma_wait3A_149 : memref<1x632x128xf32, #tpu.memory_space<hbm>> -> memref<632x128xf32, #tpu.memory_space<hbm>>
      %dma_wait3A_151 = arith.constant 0 : i32
      %dma_wait3A_152 = tpu.memref_slice %arg10[%mul3A_139, %dma_wait3A_151] : memref<10112x128xf32, #tpu.memory_space<vmem_shared>> -> memref<632x128xf32, #tpu.memory_space<vmem_shared>>
      tpu.wait_dma2 semaphore(%run_scoped3A_142 : memref<!tpu.dma_semaphore, #tpu.memory_space<semaphore_mem>>) src(%dma_wait3A_152 : memref<632x128xf32, #tpu.memory_space<vmem_shared>>) dst(%dma_wait3A_150 : memref<632x128xf32, #tpu.memory_space<hbm>>)
      tpu.yield
    }) : () -> ()
    return
  }
}

module attributes {stable_mosaic.version = 14 : i64} {
  func.func @body(%arg0: i32, %arg1: memref<2000x1xf32, #tpu.memory_space<vmem>>, %arg2: memref<2000x1xf32, #tpu.memory_space<vmem>>, %arg3: memref<2000x128xf32, #tpu.memory_space<vmem>>, %arg4: memref<128x128xf32, #tpu.memory_space<vmem>>, %arg5: memref<2000x1xf32, #tpu.memory_space<vmem>>, %arg6: memref<2000x128xf32, #tpu.memory_space<vmem>>) attributes {dimension_semantics = [#tpu.dimension_semantics<arbitrary>], iteration_bounds = array<i64: 5>, scalar_prefetch = 0 : i64, scratch_operands = 0 : i64, tpu.core_type = #tpu.core_type<tc>, window_params = [{transform_indices = @transform_0, window_bounds = array<i64: 2000, 1>}, {transform_indices = @transform_1, window_bounds = array<i64: 2000, 1>}, {transform_indices = @transform_2, window_bounds = array<i64: 2000, 128>}, {pipeline_mode = #tpu.pipeline_mode<synchronous>, transform_indices = @transform_3, window_bounds = array<i64: 128, 128>}, {transform_indices = @transform_4, window_bounds = array<i64: 2000, 1>}, {transform_indices = @transform_5, window_bounds = array<i64: 2000, 128>}]} {
    %get3A = arith.constant 0 : index
    %get3A_0 = arith.constant 0 : index
    %get3A_1 = vector.load %arg1[%get3A, %get3A_0] : memref<2000x1xf32, #tpu.memory_space<vmem>>, vector<2000x1xf32>
    %get3A_2 = arith.constant 0 : index
    %get3A_3 = arith.constant 0 : index
    %get3A_4 = vector.load %arg2[%get3A_2, %get3A_3] : memref<2000x1xf32, #tpu.memory_space<vmem>>, vector<2000x1xf32>
    %add3A = arith.addf %get3A_1, %get3A_4 : vector<2000x1xf32>
    %add3A_5 = arith.constant 1.000000e+00 : f32
    %add3A_6 = vector.broadcast %add3A_5 : f32 to vector<2000x1xf32>
    %add3A_7 = arith.addf %add3A, %add3A_6 : vector<2000x1xf32>
    %rsqrt3A = math.rsqrt %add3A_7 : vector<2000x1xf32>
    %mul3A = arith.constant 5.000000e-01 : f32
    %mul3A_8 = vector.broadcast %mul3A : f32 to vector<2000x1xf32>
    %mul3A_9 = arith.mulf %mul3A_8, %rsqrt3A : vector<2000x1xf32>
    %mul3A_10 = arith.mulf %add3A_7, %rsqrt3A : vector<2000x1xf32>
    %mul3A_11 = arith.mulf %mul3A_10, %rsqrt3A : vector<2000x1xf32>
    %sub3A = arith.constant 3.000000e+00 : f32
    %sub3A_12 = vector.broadcast %sub3A : f32 to vector<2000x1xf32>
    %sub3A_13 = arith.subf %sub3A_12, %mul3A_11 : vector<2000x1xf32>
    %mul3A_14 = arith.mulf %mul3A_9, %sub3A_13 : vector<2000x1xf32>
    %mul3A_15 = arith.constant 5.000000e-01 : f32
    %mul3A_16 = vector.broadcast %mul3A_15 : f32 to vector<2000x1xf32>
    %mul3A_17 = arith.mulf %mul3A_16, %mul3A_14 : vector<2000x1xf32>
    %mul3A_18 = arith.mulf %add3A_7, %mul3A_14 : vector<2000x1xf32>
    %mul3A_19 = arith.mulf %mul3A_18, %mul3A_14 : vector<2000x1xf32>
    %sub3A_20 = arith.constant 3.000000e+00 : f32
    %sub3A_21 = vector.broadcast %sub3A_20 : f32 to vector<2000x1xf32>
    %sub3A_22 = arith.subf %sub3A_21, %mul3A_19 : vector<2000x1xf32>
    %mul3A_23 = arith.mulf %mul3A_17, %sub3A_22 : vector<2000x1xf32>
    %swap3A = arith.constant 0 : index
    %swap3A_24 = arith.constant 0 : index
    %swap3A_25 = vector.load %arg5[%swap3A, %swap3A_24] : memref<2000x1xf32, #tpu.memory_space<vmem>>, vector<2000x1xf32>
    tpu.vector_store %arg5[%swap3A, %swap3A_24], %mul3A_23 {strides = array<i32>} : memref<2000x1xf32, #tpu.memory_space<vmem>>, vector<2000x1xf32>,
    %get3A_26 = arith.constant 0 : index
    %get3A_27 = arith.constant 0 : index
    %get3A_28 = vector.load %arg3[%get3A_26, %get3A_27] : memref<2000x128xf32, #tpu.memory_space<vmem>>, vector<2000x128xf32>
    %get3A_29 = arith.constant 0 : index
    %get3A_30 = arith.constant 0 : index
    %get3A_31 = vector.load %arg4[%get3A_29, %get3A_30] : memref<128x128xf32, #tpu.memory_space<vmem>>, vector<128x128xf32>
    %dot_general3A = arith.constant dense<0.000000e+00> : vector<2000x128xf32>
    %dot_general3A_32 = tpu.matmul %get3A_28, %get3A_31, %dot_general3A {dimension_numbers = #tpu.dot_dimension_numbers<[1], [0], [0], [1], [0, 0, 1, 1], [], []>, transpose_lhs_hint = false} : vector<2000x128xf32>, vector<128x128xf32>, vector<2000x128xf32> -> vector<2000x128xf32>
    %mul3A_33 = vector.broadcast %mul3A_23 : vector<2000x1xf32> to vector<2000x128xf32>
    %mul3A_34 = arith.mulf %mul3A_33, %dot_general3A_32 : vector<2000x128xf32>
    %swap3A_35 = arith.constant 0 : index
    %swap3A_36 = arith.constant 0 : index
    %swap3A_37 = vector.load %arg6[%swap3A_35, %swap3A_36] : memref<2000x128xf32, #tpu.memory_space<vmem>>, vector<2000x128xf32>
    tpu.vector_store %arg6[%swap3A_35, %swap3A_36], %mul3A_34 {strides = array<i32>} : memref<2000x128xf32, #tpu.memory_space<vmem>>, vector<2000x128xf32>,
    return
  }
  func.func @transform_0(%arg0: i32) -> (i32, i32) {
    %c0_i32 = arith.constant 0 : i32
    %c0_i32_0 = arith.constant 0 : i32
    return %arg0, %c0_i32 : i32, i32
  }
  func.func @transform_1(%arg0: i32) -> (i32, i32) {
    %c0_i32 = arith.constant 0 : i32
    %c0_i32_0 = arith.constant 0 : i32
    return %arg0, %c0_i32 : i32, i32
  }
  func.func @transform_2(%arg0: i32) -> (i32, i32) {
    %c0_i32 = arith.constant 0 : i32
    %c0_i32_0 = arith.constant 0 : i32
    return %arg0, %c0_i32 : i32, i32
  }
  func.func @transform_3(%arg0: i32) -> (i32, i32) {
    %c0_i32 = arith.constant 0 : i32
    %c0_i32_0 = arith.constant 0 : i32
    %c0_i32_1 = arith.constant 0 : i32
    return %c0_i32, %c0_i32_0 : i32, i32
  }
  func.func @transform_4(%arg0: i32) -> (i32, i32) {
    %c0_i32 = arith.constant 0 : i32
    %c0_i32_0 = arith.constant 0 : i32
    return %arg0, %c0_i32 : i32, i32
  }
  func.func @transform_5(%arg0: i32) -> (i32, i32) {
    %c0_i32 = arith.constant 0 : i32
    %c0_i32_0 = arith.constant 0 : i32
    return %arg0, %c0_i32 : i32, i32
  }
}

module attributes {stable_mosaic.version = 14 : i64} {
  func.func @body(%arg0: i32, %arg1: memref<2x2000x128xf32, #tpu.memory_space<vmem>>, %arg2: memref<2000x128xf32, #tpu.memory_space<vmem>>, %arg3: memref<2000x1xf32, #tpu.memory_space<vmem>>, %arg4: memref<1x128xf32, #tpu.memory_space<vmem>>, %arg5: memref<128x128xf32, #tpu.memory_space<vmem>>, %arg6: memref<2000x128xf32, #tpu.memory_space<vmem>>) attributes {dimension_semantics = [#tpu.dimension_semantics<arbitrary>], iteration_bounds = array<i64: 5>, scalar_prefetch = 0 : i64, scratch_operands = 0 : i64, tpu.core_type = #tpu.core_type<tc>, window_params = [{transform_indices = @transform_0, window_bounds = array<i64: 2, 2000, 128>}, {transform_indices = @transform_1, window_bounds = array<i64: 2000, 128>}, {transform_indices = @transform_2, window_bounds = array<i64: 2000, 1>}, {pipeline_mode = #tpu.pipeline_mode<synchronous>, transform_indices = @transform_3, window_bounds = array<i64: 1, 128>}, {pipeline_mode = #tpu.pipeline_mode<synchronous>, transform_indices = @transform_4, window_bounds = array<i64: 128, 128>}, {transform_indices = @transform_5, window_bounds = array<i64: 2000, 128>}]} {
    %get3A = arith.constant 0 : index
    %get3A_0 = arith.constant 0 : index
    %get3A_1 = arith.constant 0 : index
    %get3A_2 = vector.load %arg1[%get3A, %get3A_0, %get3A_1] : memref<2x2000x128xf32, #tpu.memory_space<vmem>>, vector<1x2000x128xf32>
    %get3A_3 = vector.shape_cast %get3A_2 : vector<1x2000x128xf32> to vector<2000x128xf32>
    %get3A_4 = arith.constant 1 : index
    %get3A_5 = arith.constant 0 : index
    %get3A_6 = arith.constant 0 : index
    %get3A_7 = vector.load %arg1[%get3A_4, %get3A_5, %get3A_6] : memref<2x2000x128xf32, #tpu.memory_space<vmem>>, vector<1x2000x128xf32>
    %get3A_8 = vector.shape_cast %get3A_7 : vector<1x2000x128xf32> to vector<2000x128xf32>
    %add3A = arith.addf %get3A_3, %get3A_8 : vector<2000x128xf32>
    %get3A_9 = arith.constant 0 : index
    %get3A_10 = arith.constant 0 : index
    %get3A_11 = vector.load %arg2[%get3A_9, %get3A_10] : memref<2000x128xf32, #tpu.memory_space<vmem>>, vector<2000x128xf32>
    %add3A_12 = arith.addf %add3A, %get3A_11 : vector<2000x128xf32>
    %get3A_13 = arith.constant 0 : index
    %get3A_14 = arith.constant 0 : index
    %get3A_15 = vector.load %arg3[%get3A_13, %get3A_14] : memref<2000x1xf32, #tpu.memory_space<vmem>>, vector<2000x1xf32>
    %mul3A = vector.broadcast %get3A_15 : vector<2000x1xf32> to vector<2000x128xf32>
    %mul3A_16 = arith.mulf %mul3A, %add3A_12 : vector<2000x128xf32>
    %get3A_17 = arith.constant 0 : index
    %get3A_18 = arith.constant 0 : index
    %get3A_19 = vector.load %arg4[%get3A_17, %get3A_18] : memref<1x128xf32, #tpu.memory_space<vmem>>, vector<1x128xf32>
    %add3A_20 = vector.broadcast %get3A_19 : vector<1x128xf32> to vector<2000x128xf32>
    %add3A_21 = arith.addf %mul3A_16, %add3A_20 : vector<2000x128xf32>
    %max3A = arith.constant 0.000000e+00 : f32
    %max3A_22 = vector.broadcast %max3A : f32 to vector<2000x128xf32>
    %max3A_23 = arith.maximumf %add3A_21, %max3A_22 : vector<2000x128xf32>
    %get3A_24 = arith.constant 0 : index
    %get3A_25 = arith.constant 0 : index
    %get3A_26 = vector.load %arg3[%get3A_24, %get3A_25] : memref<2000x1xf32, #tpu.memory_space<vmem>>, vector<2000x1xf32>
    %get3A_27 = arith.constant 0 : index
    %get3A_28 = arith.constant 0 : index
    %get3A_29 = vector.load %arg5[%get3A_27, %get3A_28] : memref<128x128xf32, #tpu.memory_space<vmem>>, vector<128x128xf32>
    %dot_general3A = arith.constant dense<0.000000e+00> : vector<2000x128xf32>
    %dot_general3A_30 = tpu.matmul %max3A_23, %get3A_29, %dot_general3A {dimension_numbers = #tpu.dot_dimension_numbers<[1], [0], [0], [1], [0, 0, 1, 1], [], []>, transpose_lhs_hint = false} : vector<2000x128xf32>, vector<128x128xf32>, vector<2000x128xf32> -> vector<2000x128xf32>
    %mul3A_31 = vector.broadcast %get3A_26 : vector<2000x1xf32> to vector<2000x128xf32>
    %mul3A_32 = arith.mulf %mul3A_31, %dot_general3A_30 : vector<2000x128xf32>
    %swap3A = arith.constant 0 : index
    %swap3A_33 = arith.constant 0 : index
    %swap3A_34 = vector.load %arg6[%swap3A, %swap3A_33] : memref<2000x128xf32, #tpu.memory_space<vmem>>, vector<2000x128xf32>
    tpu.vector_store %arg6[%swap3A, %swap3A_33], %mul3A_32 {strides = array<i32>} : memref<2000x128xf32, #tpu.memory_space<vmem>>, vector<2000x128xf32>,
    return
  }
  func.func @transform_0(%arg0: i32) -> (i32, i32, i32) {
    %c0_i32 = arith.constant 0 : i32
    %c0_i32_0 = arith.constant 0 : i32
    %c0_i32_1 = arith.constant 0 : i32
    return %c0_i32, %arg0, %c0_i32_0 : i32, i32, i32
  }
  func.func @transform_1(%arg0: i32) -> (i32, i32) {
    %c0_i32 = arith.constant 0 : i32
    %c0_i32_0 = arith.constant 0 : i32
    return %arg0, %c0_i32 : i32, i32
  }
  func.func @transform_2(%arg0: i32) -> (i32, i32) {
    %c0_i32 = arith.constant 0 : i32
    %c0_i32_0 = arith.constant 0 : i32
    return %arg0, %c0_i32 : i32, i32
  }
  func.func @transform_3(%arg0: i32) -> (i32, i32) {
    %c0_i32 = arith.constant 0 : i32
    %c0_i32_0 = arith.constant 0 : i32
    %c0_i32_1 = arith.constant 0 : i32
    return %c0_i32, %c0_i32_0 : i32, i32
  }
  func.func @transform_4(%arg0: i32) -> (i32, i32) {
    %c0_i32 = arith.constant 0 : i32
    %c0_i32_0 = arith.constant 0 : i32
    %c0_i32_1 = arith.constant 0 : i32
    return %c0_i32, %c0_i32_0 : i32, i32
  }
  func.func @transform_5(%arg0: i32) -> (i32, i32) {
    %c0_i32 = arith.constant 0 : i32
    %c0_i32_0 = arith.constant 0 : i32
    return %arg0, %c0_i32 : i32, i32
  }
}

module attributes {stable_mosaic.version = 14 : i64} {
  func.func @body(%arg0: i32, %arg1: memref<2x2000x128xf32, #tpu.memory_space<vmem>>, %arg2: memref<2000x128xf32, #tpu.memory_space<vmem>>, %arg3: memref<2000x1xf32, #tpu.memory_space<vmem>>, %arg4: memref<1x128xf32, #tpu.memory_space<vmem>>, %arg5: memref<1x1x2000xi32, #tpu.memory_space<vmem>>, %arg6: memref<1x128xf32, #tpu.memory_space<vmem>>, %arg7: memref<1x128xf32, #tpu.memory_space<vmem>>, %arg8: memref<1x128xf32, #tpu.memory_space<vmem>>, %arg9: memref<1x128xf32, #tpu.memory_space<vmem>>, %arg10: memref<128x64xf32, #tpu.memory_space<vmem>>, %arg11: memref<1x64xf32, #tpu.memory_space<vmem>>, %arg12: memref<64x2xf32, #tpu.memory_space<vmem>>, %arg13: memref<1x2xf32, #tpu.memory_space<vmem>>, %arg14: memref<64x128xf32, #tpu.memory_space<vmem>>, %arg15: memref<64x2xf32, #tpu.memory_space<vmem>>, %arg16: memref<64x128xf32, #tpu.memory_space<vmem>>, %arg17: memref<64x1xf32, #tpu.memory_space<vmem>>) attributes {dimension_semantics = [#tpu.dimension_semantics<arbitrary>], iteration_bounds = array<i64: 5>, scalar_prefetch = 0 : i64, scratch_operands = 2 : i64, tpu.core_type = #tpu.core_type<tc>, window_params = [{transform_indices = @transform_0, window_bounds = array<i64: 2, 2000, 128>}, {transform_indices = @transform_1, window_bounds = array<i64: 2000, 128>}, {transform_indices = @transform_2, window_bounds = array<i64: 2000, 1>}, {pipeline_mode = #tpu.pipeline_mode<synchronous>, transform_indices = @transform_3, window_bounds = array<i64: 1, 128>}, {transform_indices = @transform_4, window_bounds = array<i64: 1, 1, 2000>}, {pipeline_mode = #tpu.pipeline_mode<synchronous>, transform_indices = @transform_5, window_bounds = array<i64: 1, 128>}, {pipeline_mode = #tpu.pipeline_mode<synchronous>, transform_indices = @transform_6, window_bounds = array<i64: 1, 128>}, {pipeline_mode = #tpu.pipeline_mode<synchronous>, transform_indices = @transform_7, window_bounds = array<i64: 1, 128>}, {pipeline_mode = #tpu.pipeline_mode<synchronous>, transform_indices = @transform_8, window_bounds = array<i64: 1, 128>}, {pipeline_mode = #tpu.pipeline_mode<synchronous>, transform_indices = @transform_9, window_bounds = array<i64: 128, 64>}, {pipeline_mode = #tpu.pipeline_mode<synchronous>, transform_indices = @transform_10, window_bounds = array<i64: 1, 64>}, {pipeline_mode = #tpu.pipeline_mode<synchronous>, transform_indices = @transform_11, window_bounds = array<i64: 64, 2>}, {pipeline_mode = #tpu.pipeline_mode<synchronous>, transform_indices = @transform_12, window_bounds = array<i64: 1, 2>}, {pipeline_mode = #tpu.pipeline_mode<synchronous>, transform_indices = @transform_13, window_bounds = array<i64: 64, 128>}, {pipeline_mode = #tpu.pipeline_mode<synchronous>, transform_indices = @transform_14, window_bounds = array<i64: 64, 2>}]} {
    %eq3A = arith.constant 0 : i32
    %eq3A_0 = arith.cmpi eq, %arg0, %eq3A : i32
    %convert_element_type3A = arith.extui %eq3A_0 : i1 to i32
    %cond3A = arith.constant 0 : i32
    %cond3A_1 = arith.cmpi ne, %convert_element_type3A, %cond3A : i32
    scf.if %cond3A_1 {
      %broadcast_in_dim3A_56 = arith.constant 0.000000e+00 : f32
      %broadcast_in_dim3A_57 = vector.broadcast %broadcast_in_dim3A_56 : f32 to vector<64x128xf32>
      %swap3A_58 = arith.constant 0 : index
      %swap3A_59 = arith.constant 0 : index
      %swap3A_60 = vector.load %arg16[%swap3A_58, %swap3A_59] : memref<64x128xf32, #tpu.memory_space<vmem>>, vector<64x128xf32>
      tpu.vector_store %arg16[%swap3A_58, %swap3A_59], %broadcast_in_dim3A_57 {strides = array<i32>} : memref<64x128xf32, #tpu.memory_space<vmem>>, vector<64x128xf32>,
      %broadcast_in_dim3A_61 = arith.constant 0.000000e+00 : f32
      %broadcast_in_dim3A_62 = vector.broadcast %broadcast_in_dim3A_61 : f32 to vector<64x1xf32>
      %swap3A_63 = arith.constant 0 : index
      %swap3A_64 = arith.constant 0 : index
      %swap3A_65 = vector.load %arg17[%swap3A_63, %swap3A_64] : memref<64x1xf32, #tpu.memory_space<vmem>>, vector<64x1xf32>
      tpu.vector_store %arg17[%swap3A_63, %swap3A_64], %broadcast_in_dim3A_62 {strides = array<i32>} : memref<64x1xf32, #tpu.memory_space<vmem>>, vector<64x1xf32>,
    } else {
    }
    %get3A = arith.constant 0 : index
    %get3A_2 = arith.constant 0 : index
    %get3A_3 = vector.load %arg3[%get3A, %get3A_2] : memref<2000x1xf32, #tpu.memory_space<vmem>>, vector<2000x1xf32>
    %get3A_4 = arith.constant 0 : index
    %get3A_5 = arith.constant 0 : index
    %get3A_6 = arith.constant 0 : index
    %get3A_7 = vector.load %arg1[%get3A_4, %get3A_5, %get3A_6] : memref<2x2000x128xf32, #tpu.memory_space<vmem>>, vector<1x2000x128xf32>
    %get3A_8 = vector.shape_cast %get3A_7 : vector<1x2000x128xf32> to vector<2000x128xf32>
    %get3A_9 = arith.constant 1 : index
    %get3A_10 = arith.constant 0 : index
    %get3A_11 = arith.constant 0 : index
    %get3A_12 = vector.load %arg1[%get3A_9, %get3A_10, %get3A_11] : memref<2x2000x128xf32, #tpu.memory_space<vmem>>, vector<1x2000x128xf32>
    %get3A_13 = vector.shape_cast %get3A_12 : vector<1x2000x128xf32> to vector<2000x128xf32>
    %add3A = arith.addf %get3A_8, %get3A_13 : vector<2000x128xf32>
    %get3A_14 = arith.constant 0 : index
    %get3A_15 = arith.constant 0 : index
    %get3A_16 = vector.load %arg2[%get3A_14, %get3A_15] : memref<2000x128xf32, #tpu.memory_space<vmem>>, vector<2000x128xf32>
    %add3A_17 = arith.addf %add3A, %get3A_16 : vector<2000x128xf32>
    %mul3A = vector.broadcast %get3A_3 : vector<2000x1xf32> to vector<2000x128xf32>
    %mul3A_18 = arith.mulf %mul3A, %add3A_17 : vector<2000x128xf32>
    %get3A_19 = arith.constant 0 : index
    %get3A_20 = arith.constant 0 : index
    %get3A_21 = vector.load %arg4[%get3A_19, %get3A_20] : memref<1x128xf32, #tpu.memory_space<vmem>>, vector<1x128xf32>
    %add3A_22 = vector.broadcast %get3A_21 : vector<1x128xf32> to vector<2000x128xf32>
    %add3A_23 = arith.addf %mul3A_18, %add3A_22 : vector<2000x128xf32>
    %max3A = arith.constant 0.000000e+00 : f32
    %max3A_24 = vector.broadcast %max3A : f32 to vector<2000x128xf32>
    %max3A_25 = arith.maximumf %add3A_23, %max3A_24 : vector<2000x128xf32>
    %get3A_26 = arith.constant 0 : index
    %get3A_27 = arith.constant 0 : index
    %get3A_28 = arith.constant 0 : index
    %get3A_29 = vector.load %arg5[%get3A_26, %get3A_27, %get3A_28] : memref<1x1x2000xi32, #tpu.memory_space<vmem>>, vector<1x1x2000xi32>
    %get3A_30 = vector.shape_cast %get3A_29 : vector<1x1x2000xi32> to vector<2000xi32>
    %broadcast_in_dim3A = vector.shape_cast %get3A_30 : vector<2000xi32> to vector<1x2000xi32>
    %iota3A = tpu.iota {dimensions = array<i32: 0>} : vector<64x2000xi32>
    %eq3A_31 = vector.broadcast %broadcast_in_dim3A : vector<1x2000xi32> to vector<64x2000xi32>
    %eq3A_32 = arith.cmpi eq, %eq3A_31, %iota3A : vector<64x2000xi32>
    %convert_element_type3A_33 = arith.extui %eq3A_32 : vector<64x2000xi1> to vector<64x2000xi32>
    %convert_element_type3A_34 = arith.sitofp %convert_element_type3A_33 : vector<64x2000xi32> to vector<64x2000xf32>
    %get3A_35 = arith.constant 0 : index
    %get3A_36 = arith.constant 0 : index
    %get3A_37 = vector.load %arg16[%get3A_35, %get3A_36] : memref<64x128xf32, #tpu.memory_space<vmem>>, vector<64x128xf32>
    %dot_general3A = arith.constant dense<0.000000e+00> : vector<64x128xf32>
    %dot_general3A_38 = tpu.matmul %convert_element_type3A_34, %max3A_25, %dot_general3A {dimension_numbers = #tpu.dot_dimension_numbers<[1], [0], [0], [1], [0, 0, 1, 1], [], []>, precision = #tpu.contract_precision<fp32>, transpose_lhs_hint = false} : vector<64x2000xf32>, vector<2000x128xf32>, vector<64x128xf32> -> vector<64x128xf32>
    %add3A_39 = arith.addf %get3A_37, %dot_general3A_38 : vector<64x128xf32>
    %swap3A = arith.constant 0 : index
    %swap3A_40 = arith.constant 0 : index
    %swap3A_41 = vector.load %arg16[%swap3A, %swap3A_40] : memref<64x128xf32, #tpu.memory_space<vmem>>, vector<64x128xf32>
    tpu.vector_store %arg16[%swap3A, %swap3A_40], %add3A_39 {strides = array<i32>} : memref<64x128xf32, #tpu.memory_space<vmem>>, vector<64x128xf32>,
    %get3A_42 = arith.constant 0 : index
    %get3A_43 = arith.constant 0 : index
    %get3A_44 = vector.load %arg17[%get3A_42, %get3A_43] : memref<64x1xf32, #tpu.memory_space<vmem>>, vector<64x1xf32>
    %reduce_sum3A = arith.constant dense<0.000000e+00> : vector<64xf32>
    %reduce_sum3A_45 = vector.multi_reduction <add>, %convert_element_type3A_34, %reduce_sum3A [1] : vector<64x2000xf32> to vector<64xf32>
    %broadcast_in_dim3A_46 = vector.shape_cast %reduce_sum3A_45 : vector<64xf32> to vector<64x1xf32>
    %add3A_47 = arith.addf %get3A_44, %broadcast_in_dim3A_46 : vector<64x1xf32>
    %swap3A_48 = arith.constant 0 : index
    %swap3A_49 = arith.constant 0 : index
    %swap3A_50 = vector.load %arg17[%swap3A_48, %swap3A_49] : memref<64x1xf32, #tpu.memory_space<vmem>>, vector<64x1xf32>
    tpu.vector_store %arg17[%swap3A_48, %swap3A_49], %add3A_47 {strides = array<i32>} : memref<64x1xf32, #tpu.memory_space<vmem>>, vector<64x1xf32>,
    %eq3A_51 = arith.constant 4 : i32
    %eq3A_52 = arith.cmpi eq, %arg0, %eq3A_51 : i32
    %convert_element_type3A_53 = arith.extui %eq3A_52 : i1 to i32
    %cond3A_54 = arith.constant 0 : i32
    %cond3A_55 = arith.cmpi ne, %convert_element_type3A_53, %cond3A_54 : i32
    scf.if %cond3A_55 {
      %get3A_56 = arith.constant 0 : index
      %get3A_57 = arith.constant 0 : index
      %get3A_58 = vector.load %arg16[%get3A_56, %get3A_57] : memref<64x128xf32, #tpu.memory_space<vmem>>, vector<64x128xf32>
      %get3A_59 = arith.constant 0 : index
      %get3A_60 = arith.constant 0 : index
      %get3A_61 = vector.load %arg17[%get3A_59, %get3A_60] : memref<64x1xf32, #tpu.memory_space<vmem>>, vector<64x1xf32>
      %max3A_62 = arith.constant 1.000000e+00 : f32
      %max3A_63 = vector.broadcast %max3A_62 : f32 to vector<64x1xf32>
      %max3A_64 = arith.maximumf %get3A_61, %max3A_63 : vector<64x1xf32>
      %rsqrt3A = math.rsqrt %max3A_64 : vector<64x1xf32>
      %mul3A_65 = arith.constant 5.000000e-01 : f32
      %mul3A_66 = vector.broadcast %mul3A_65 : f32 to vector<64x1xf32>
      %mul3A_67 = arith.mulf %mul3A_66, %rsqrt3A : vector<64x1xf32>
      %mul3A_68 = arith.mulf %max3A_64, %rsqrt3A : vector<64x1xf32>
      %mul3A_69 = arith.mulf %mul3A_68, %rsqrt3A : vector<64x1xf32>
      %sub3A = arith.constant 3.000000e+00 : f32
      %sub3A_70 = vector.broadcast %sub3A : f32 to vector<64x1xf32>
      %sub3A_71 = arith.subf %sub3A_70, %mul3A_69 : vector<64x1xf32>
      %mul3A_72 = arith.mulf %mul3A_67, %sub3A_71 : vector<64x1xf32>
      %mul3A_73 = arith.constant 5.000000e-01 : f32
      %mul3A_74 = vector.broadcast %mul3A_73 : f32 to vector<64x1xf32>
      %mul3A_75 = arith.mulf %mul3A_74, %mul3A_72 : vector<64x1xf32>
      %mul3A_76 = arith.mulf %max3A_64, %mul3A_72 : vector<64x1xf32>
      %mul3A_77 = arith.mulf %mul3A_76, %mul3A_72 : vector<64x1xf32>
      %sub3A_78 = arith.constant 3.000000e+00 : f32
      %sub3A_79 = vector.broadcast %sub3A_78 : f32 to vector<64x1xf32>
      %sub3A_80 = arith.subf %sub3A_79, %mul3A_77 : vector<64x1xf32>
      %mul3A_81 = arith.mulf %mul3A_75, %sub3A_80 : vector<64x1xf32>
      %mul3A_82 = arith.mulf %mul3A_81, %mul3A_81 : vector<64x1xf32>
      %mul3A_83 = vector.broadcast %mul3A_82 : vector<64x1xf32> to vector<64x128xf32>
      %mul3A_84 = arith.mulf %get3A_58, %mul3A_83 : vector<64x128xf32>
      %get3A_85 = arith.constant 0 : index
      %get3A_86 = arith.constant 0 : index
      %get3A_87 = vector.load %arg8[%get3A_85, %get3A_86] : memref<1x128xf32, #tpu.memory_space<vmem>>, vector<1x128xf32>
      %sub3A_88 = vector.broadcast %get3A_87 : vector<1x128xf32> to vector<64x128xf32>
      %sub3A_89 = arith.subf %mul3A_84, %sub3A_88 : vector<64x128xf32>
      %get3A_90 = arith.constant 0 : index
      %get3A_91 = arith.constant 0 : index
      %get3A_92 = vector.load %arg9[%get3A_90, %get3A_91] : memref<1x128xf32, #tpu.memory_space<vmem>>, vector<1x128xf32>
      %add3A_93 = arith.constant 9.99999974E-6 : f32
      %add3A_94 = vector.broadcast %add3A_93 : f32 to vector<1x128xf32>
      %add3A_95 = arith.addf %get3A_92, %add3A_94 : vector<1x128xf32>
      %rsqrt3A_96 = math.rsqrt %add3A_95 : vector<1x128xf32>
      %mul3A_97 = arith.constant 5.000000e-01 : f32
      %mul3A_98 = vector.broadcast %mul3A_97 : f32 to vector<1x128xf32>
      %mul3A_99 = arith.mulf %mul3A_98, %rsqrt3A_96 : vector<1x128xf32>
      %mul3A_100 = arith.mulf %add3A_95, %rsqrt3A_96 : vector<1x128xf32>
      %mul3A_101 = arith.mulf %mul3A_100, %rsqrt3A_96 : vector<1x128xf32>
      %sub3A_102 = arith.constant 3.000000e+00 : f32
      %sub3A_103 = vector.broadcast %sub3A_102 : f32 to vector<1x128xf32>
      %sub3A_104 = arith.subf %sub3A_103, %mul3A_101 : vector<1x128xf32>
      %mul3A_105 = arith.mulf %mul3A_99, %sub3A_104 : vector<1x128xf32>
      %mul3A_106 = arith.constant 5.000000e-01 : f32
      %mul3A_107 = vector.broadcast %mul3A_106 : f32 to vector<1x128xf32>
      %mul3A_108 = arith.mulf %mul3A_107, %mul3A_105 : vector<1x128xf32>
      %mul3A_109 = arith.mulf %add3A_95, %mul3A_105 : vector<1x128xf32>
      %mul3A_110 = arith.mulf %mul3A_109, %mul3A_105 : vector<1x128xf32>
      %sub3A_111 = arith.constant 3.000000e+00 : f32
      %sub3A_112 = vector.broadcast %sub3A_111 : f32 to vector<1x128xf32>
      %sub3A_113 = arith.subf %sub3A_112, %mul3A_110 : vector<1x128xf32>
      %mul3A_114 = arith.mulf %mul3A_108, %sub3A_113 : vector<1x128xf32>
      %mul3A_115 = vector.broadcast %mul3A_114 : vector<1x128xf32> to vector<64x128xf32>
      %mul3A_116 = arith.mulf %sub3A_89, %mul3A_115 : vector<64x128xf32>
      %get3A_117 = arith.constant 0 : index
      %get3A_118 = arith.constant 0 : index
      %get3A_119 = vector.load %arg6[%get3A_117, %get3A_118] : memref<1x128xf32, #tpu.memory_space<vmem>>, vector<1x128xf32>
      %mul3A_120 = vector.broadcast %get3A_119 : vector<1x128xf32> to vector<64x128xf32>
      %mul3A_121 = arith.mulf %mul3A_116, %mul3A_120 : vector<64x128xf32>
      %get3A_122 = arith.constant 0 : index
      %get3A_123 = arith.constant 0 : index
      %get3A_124 = vector.load %arg7[%get3A_122, %get3A_123] : memref<1x128xf32, #tpu.memory_space<vmem>>, vector<1x128xf32>
      %add3A_125 = vector.broadcast %get3A_124 : vector<1x128xf32> to vector<64x128xf32>
      %add3A_126 = arith.addf %mul3A_121, %add3A_125 : vector<64x128xf32>
      %swap3A_127 = arith.constant 0 : index
      %swap3A_128 = arith.constant 0 : index
      %swap3A_129 = vector.load %arg14[%swap3A_127, %swap3A_128] : memref<64x128xf32, #tpu.memory_space<vmem>>, vector<64x128xf32>
      tpu.vector_store %arg14[%swap3A_127, %swap3A_128], %add3A_126 {strides = array<i32>} : memref<64x128xf32, #tpu.memory_space<vmem>>, vector<64x128xf32>,
      %get3A_130 = arith.constant 0 : index
      %get3A_131 = arith.constant 0 : index
      %get3A_132 = vector.load %arg10[%get3A_130, %get3A_131] : memref<128x64xf32, #tpu.memory_space<vmem>>, vector<128x64xf32>
      %dot_general3A_133 = arith.constant dense<0.000000e+00> : vector<64x64xf32>
      %dot_general3A_134 = tpu.matmul %add3A_126, %get3A_132, %dot_general3A_133 {dimension_numbers = #tpu.dot_dimension_numbers<[1], [0], [0], [1], [0, 0, 1, 1], [], []>, transpose_lhs_hint = false} : vector<64x128xf32>, vector<128x64xf32>, vector<64x64xf32> -> vector<64x64xf32>
      %get3A_135 = arith.constant 0 : index
      %get3A_136 = arith.constant 0 : index
      %get3A_137 = vector.load %arg11[%get3A_135, %get3A_136] : memref<1x64xf32, #tpu.memory_space<vmem>>, vector<1x64xf32>
      %add3A_138 = vector.broadcast %get3A_137 : vector<1x64xf32> to vector<64x64xf32>
      %add3A_139 = arith.addf %dot_general3A_134, %add3A_138 : vector<64x64xf32>
      %max3A_140 = arith.constant 0.000000e+00 : f32
      %max3A_141 = vector.broadcast %max3A_140 : f32 to vector<64x64xf32>
      %max3A_142 = arith.maximumf %add3A_139, %max3A_141 : vector<64x64xf32>
      %get3A_143 = arith.constant 0 : index
      %get3A_144 = arith.constant 0 : index
      %get3A_145 = vector.load %arg12[%get3A_143, %get3A_144] : memref<64x2xf32, #tpu.memory_space<vmem>>, vector<64x2xf32>
      %dot_general3A_146 = arith.constant dense<0.000000e+00> : vector<64x2xf32>
      %dot_general3A_147 = tpu.matmul %max3A_142, %get3A_145, %dot_general3A_146 {dimension_numbers = #tpu.dot_dimension_numbers<[1], [0], [0], [1], [0, 0, 1, 1], [], []>, transpose_lhs_hint = false} : vector<64x64xf32>, vector<64x2xf32>, vector<64x2xf32> -> vector<64x2xf32>
      %get3A_148 = arith.constant 0 : index
      %get3A_149 = arith.constant 0 : index
      %get3A_150 = vector.load %arg13[%get3A_148, %get3A_149] : memref<1x2xf32, #tpu.memory_space<vmem>>, vector<1x2xf32>
      %add3A_151 = vector.broadcast %get3A_150 : vector<1x2xf32> to vector<64x2xf32>
      %add3A_152 = arith.addf %dot_general3A_147, %add3A_151 : vector<64x2xf32>
      %max3A_153 = arith.constant 0.000000e+00 : f32
      %max3A_154 = vector.broadcast %max3A_153 : f32 to vector<64x2xf32>
      %max3A_155 = arith.maximumf %add3A_152, %max3A_154 : vector<64x2xf32>
      %swap3A_156 = arith.constant 0 : index
      %swap3A_157 = arith.constant 0 : index
      %swap3A_158 = vector.load %arg15[%swap3A_156, %swap3A_157] : memref<64x2xf32, #tpu.memory_space<vmem>>, vector<64x2xf32>
      tpu.vector_store %arg15[%swap3A_156, %swap3A_157], %max3A_155 {strides = array<i32>} : memref<64x2xf32, #tpu.memory_space<vmem>>, vector<64x2xf32>,
    } else {
    }
    return
  }
  func.func @transform_0(%arg0: i32) -> (i32, i32, i32) {
    %c0_i32 = arith.constant 0 : i32
    %c0_i32_0 = arith.constant 0 : i32
    %c0_i32_1 = arith.constant 0 : i32
    return %c0_i32, %arg0, %c0_i32_0 : i32, i32, i32
  }
  func.func @transform_1(%arg0: i32) -> (i32, i32) {
    %c0_i32 = arith.constant 0 : i32
    %c0_i32_0 = arith.constant 0 : i32
    return %arg0, %c0_i32 : i32, i32
  }
  func.func @transform_2(%arg0: i32) -> (i32, i32) {
    %c0_i32 = arith.constant 0 : i32
    %c0_i32_0 = arith.constant 0 : i32
    return %arg0, %c0_i32 : i32, i32
  }
  func.func @transform_3(%arg0: i32) -> (i32, i32) {
    %c0_i32 = arith.constant 0 : i32
    %c0_i32_0 = arith.constant 0 : i32
    %c0_i32_1 = arith.constant 0 : i32
    return %c0_i32, %c0_i32_0 : i32, i32
  }
  func.func @transform_4(%arg0: i32) -> (i32, i32, i32) {
    %c0_i32 = arith.constant 0 : i32
    %c0_i32_0 = arith.constant 0 : i32
    %c0_i32_1 = arith.constant 0 : i32
    return %arg0, %c0_i32, %c0_i32_0 : i32, i32, i32
  }
  func.func @transform_5(%arg0: i32) -> (i32, i32) {
    %c0_i32 = arith.constant 0 : i32
    %c0_i32_0 = arith.constant 0 : i32
    %c0_i32_1 = arith.constant 0 : i32
    return %c0_i32, %c0_i32_0 : i32, i32
  }
  func.func @transform_6(%arg0: i32) -> (i32, i32) {
    %c0_i32 = arith.constant 0 : i32
    %c0_i32_0 = arith.constant 0 : i32
    %c0_i32_1 = arith.constant 0 : i32
    return %c0_i32, %c0_i32_0 : i32, i32
  }
  func.func @transform_7(%arg0: i32) -> (i32, i32) {
    %c0_i32 = arith.constant 0 : i32
    %c0_i32_0 = arith.constant 0 : i32
    %c0_i32_1 = arith.constant 0 : i32
    return %c0_i32, %c0_i32_0 : i32, i32
  }
  func.func @transform_8(%arg0: i32) -> (i32, i32) {
    %c0_i32 = arith.constant 0 : i32
    %c0_i32_0 = arith.constant 0 : i32
    %c0_i32_1 = arith.constant 0 : i32
    return %c0_i32, %c0_i32_0 : i32, i32
  }
  func.func @transform_9(%arg0: i32) -> (i32, i32) {
    %c0_i32 = arith.constant 0 : i32
    %c0_i32_0 = arith.constant 0 : i32
    %c0_i32_1 = arith.constant 0 : i32
    return %c0_i32, %c0_i32_0 : i32, i32
  }
  func.func @transform_10(%arg0: i32) -> (i32, i32) {
    %c0_i32 = arith.constant 0 : i32
    %c0_i32_0 = arith.constant 0 : i32
    %c0_i32_1 = arith.constant 0 : i32
    return %c0_i32, %c0_i32_0 : i32, i32
  }
  func.func @transform_11(%arg0: i32) -> (i32, i32) {
    %c0_i32 = arith.constant 0 : i32
    %c0_i32_0 = arith.constant 0 : i32
    %c0_i32_1 = arith.constant 0 : i32
    return %c0_i32, %c0_i32_0 : i32, i32
  }
  func.func @transform_12(%arg0: i32) -> (i32, i32) {
    %c0_i32 = arith.constant 0 : i32
    %c0_i32_0 = arith.constant 0 : i32
    %c0_i32_1 = arith.constant 0 : i32
    return %c0_i32, %c0_i32_0 : i32, i32
  }
  func.func @transform_13(%arg0: i32) -> (i32, i32) {
    %c0_i32 = arith.constant 0 : i32
    %c0_i32_0 = arith.constant 0 : i32
    %c0_i32_1 = arith.constant 0 : i32
    return %c0_i32, %c0_i32_0 : i32, i32
  }
  func.func @transform_14(%arg0: i32) -> (i32, i32) {
    %c0_i32 = arith.constant 0 : i32
    %c0_i32_0 = arith.constant 0 : i32
    %c0_i32_1 = arith.constant 0 : i32
    return %c0_i32, %c0_i32_0 : i32, i32
  }
}

</mosaic_0001>

<sc_bundles>
// kernel: kernel.10.cloned.1.call-start
scs
__scs_entry_jumppad:
0x0: {  	(pc) =	sbr.rel $0x88, $3  }
0x1: {  	(tag) =	ssettag $0x0;
	lr =	simm.s32 $0x1  }
0x2: {  	[smem:$0x3F90] =	sst lr;
	_ =	strace $0xD0000000  }
0x3: {  	_ = 	snop  }
0x4: {  	_ = 	snop  }
0x5: {  	_ = 	snop  }
0x6: {  	_ = 	snop  }
0x7: {  	_ = 	snop  }
__scs_overlays_trampoline_lowered:
0x8: {  	[smem:$0x3F9F] =	sst s0  }
0x9: {  	[smem:$0x3FA0] =	sst s1  }
0xa: {  	[smem:$0x3FA1] =	sst s2  }
0xb: {  	[smem:$0x3FA2] =	sst s3  }
0xc: {  	[smem:$0x3FA3] =	sst s4  }
0xd: {  	[smem:$0x3FA4] =	sst s5  }
0xe: {  	[smem:$0x3FA5] =	sst s6  }
0xf: {  	[smem:$0x3FA6] =	sst s7  }
0x10: {  	[smem:$0x3FA7] =	sst s8  }
0x11: {  	[smem:$0x3FA8] =	sst s9;
	s0 =	simm.s32 @!p0 $0x0  }
0x12: {  	s1 =	sld [smem:$0x3F8E];
	s0 =	simm.s32 @p0 $0x1  }
0x13: {  	[smem:$0x3FA9] =	sst s0;
	s0 =	simm.s32 @!p1 $0x0  }
0x14: {  	s2 =	sld [smem:$0x3F8D];
	s0 =	simm.s32 @p1 $0x1  }
0x15: {  	[smem:$0x3FAA] =	sst s0;
	s0 =	simm.s32 @!p2 $0x0  }
0x16: {  	s3 =	sld [smem:$0x3FDB];
	s0 =	simm.s32 @p2 $0x1  }
0x17: {  	s4 =	simm.s32 $0x1BF5;
	[smem:$0x3FAC] =	sst s0  }
0x18: {  	s0 =	sld [smem:$0x3F8F];
	_ =	swait.ge [sflag:s4], $0x0  }
0x19: {  	s7 =	sld [smem:$0x3F90]  }
0x1a: {  	s8 =	sadd.s32 $0xFFFFE003, lr  }
0x1b: {  	s9 =	sadd.s32 $0xFFFFFEF7, lr;
	s5 =	simm.s32 $0xFFFFFFFF;
	p2 =	slt.u32 s8, $0xFFFFF086  }
0x1c: {  	p1 =	slt.u32 s9, $0xF7A;
	s5 =	simm.s32 @!p2 $0x0  }
0x1d: {  	s5 =	simm.s32 @p1 $0x1;
	p0 =	seq.s32 s7, s2  }
0x1e: {  	s7 =	smul.u32 @!p0 $0xF7A, s2;
	p2 =	seq.s32 @!p0 s5, $0x0  }
0x1f: {  	s9 =	smul.u32 $0xF7A, s1;
	s8 =	simm.s32 @!p0 $0x1BF5;
	p2 =	por !p2, p0  }
0x20: {  	[sflag:s8] =	ssyncset.s32 @!p0 $0xFFFFF086;
	s6 =	sadd.s32 @!p0 s3, s7;
	s7 =	simm.s32 @!p0 $0x108  }
0x21: {  	s3 =	sadd.s32 s3, s9;
	s6 =	sadd.s32 @!p0 $0x88, s6;
	s7 =	simm.s32 @p2 $0x1082  }
0x22: {  	[simem:s7], [sflag:s8] =	dma.local @!p0 [hbm:s6], $0xF7A  }
0x23: {  	s9 =	sor.u32 $0xD0000000, s2;
	s6 =	simm.s32 $0x108;
	_ =	swait.ge @!p0 [sflag:s8], $0x0  }
0x24: {  	s3 =	sadd.s32 $0x88, s3;
	s6 =	simm.s32 @!p1 $0x1082;
	[sflag:s4] =	ssyncset.s32 $0xFFFFF086  }
0x25: {  	[simem:s6], [sflag:s4] =	dma.local [hbm:s3], $0xF7A  }
0x26: {  	[smem:$0x3F90] =	sst s1;
	(tag) =	ssettag s2;
	_ =	strace s9  }
0x27: {  	s1 =	sld [smem:$0x3FA0]  }
0x28: {  	s2 =	sld [smem:$0x3FA1]  }
0x29: {  	s4 =	sld [smem:$0x3FA3]  }
0x2a: {  	p0 =	seq.s32 s5, $0x0;
	s5 =	sld [smem:$0x3FA4]  }
0x2b: {  	s6 =	sld [smem:$0x3FA5]  }
0x2c: {  	s7 =	sld [smem:$0x3FA6]  }
0x2d: {  	s3 =	simm.s32 $0x108;
	s8 =	sld [smem:$0x3FA7]  }
0x2e: {  	s3 =	simm.s32 @!p0 $0x1082;
	s9 =	sld [smem:$0x3FA8]  }
0x2f: {  	lr =	sadd.s32 s0, s3;
	s0 =	sld [smem:$0x3F9F]  }
0x30: {  	s3 =	sld [smem:$0x3FA2]  }
0x31: {  	[smem:$0x3FAB] =	sst s10  }
0x32: {  	s10 =	sld [smem:$0x3FA9];
	_ =	sdelay $0x3  }
0x33: {  	p0 =	seq.s32 s10, $0x1;
	s10 =	sld [smem:$0x3FAB];
	_ =	sdelay $0x3  }
0x34: {  	[smem:$0x3FAB] =	sst s10  }
0x35: {  	s10 =	sld [smem:$0x3FAA];
	_ =	sdelay $0x3  }
0x36: {  	p1 =	seq.s32 s10, $0x1;
	s10 =	sld [smem:$0x3FAB];
	_ =	sdelay $0x3  }
0x37: {  	[smem:$0x3FAB] =	sst s10  }
0x38: {  	s10 =	sld [smem:$0x3FAC]  }
0x39: {  	_ = 	snop;
	(pc) =	sbr.ind lr, $3  }
0x3a: {  	_ = 	snop  }
0x3b: {  	_ = 	snop  }
0x3c: {  	p2 =	seq.s32 s10, $0x1;
	s10 =	sld [smem:$0x3FAB]  }
0x3d: {  	_ =	shalt  }
0x3e: {  	_ =	shalt  }
0x3f: {  	_ =	shalt  }
0x40: {  	_ =	shalt  }
0x41: {  	_ =	shalt  }
0x42: {  	_ =	shalt  }
0x43: {  	_ =	shalt  }
0x44: {  	_ =	shalt  }
0x45: {  	_ =	shalt  }
0x46: {  	_ =	shalt  }
0x47: {  	_ =	shalt  }
0x48: {  	_ =	shalt  }
0x49: {  	_ =	shalt  }
0x4a: {  	_ =	shalt  }
0x4b: {  	_ =	shalt  }
0x4c: {  	_ =	shalt  }
0x4d: {  	_ =	shalt  }
0x4e: {  	_ =	shalt  }
0x4f: {  	_ =	shalt  }
0x50: {  	_ =	shalt  }
0x51: {  	_ =	shalt  }
0x52: {  	_ =	shalt  }
0x53: {  	_ =	shalt  }
0x54: {  	_ =	shalt  }
0x55: {  	_ =	shalt  }
0x56: {  	_ =	shalt  }
0x57: {  	_ =	shalt  }
0x58: {  	_ =	shalt  }
0x59: {  	_ =	shalt  }
0x5a: {  	_ =	shalt  }
0x5b: {  	_ =	shalt  }
0x5c: {  	_ =	shalt  }
0x5d: {  	_ =	shalt  }
0x5e: {  	_ =	shalt  }
0x5f: {  	_ =	shalt  }
0x60: {  	_ =	shalt  }
0x61: {  	_ =	shalt  }
0x62: {  	_ =	shalt  }
0x63: {  	_ =	shalt  }
0x64: {  	_ =	shalt  }
0x65: {  	_ =	shalt  }
0x66: {  	_ =	shalt  }
0x67: {  	_ =	shalt  }
0x68: {  	_ =	shalt  }
0x69: {  	_ =	shalt  }
0x6a: {  	_ =	shalt  }
0x6b: {  	_ =	shalt  }
0x6c: {  	_ =	shalt  }
0x6d: {  	_ =	shalt  }
0x6e: {  	_ =	shalt  }
0x6f: {  	_ =	shalt  }
0x70: {  	_ =	shalt  }
0x71: {  	_ =	shalt  }
0x72: {  	_ =	shalt  }
0x73: {  	_ =	shalt  }
0x74: {  	_ =	shalt  }
0x75: {  	_ =	shalt  }
0x76: {  	_ =	shalt  }
0x77: {  	_ =	shalt  }
0x78: {  	_ =	shalt  }
0x79: {  	_ =	shalt  }
0x7a: {  	_ =	shalt  }
0x7b: {  	_ =	shalt  }
0x7c: {  	_ =	shalt  }
0x7d: {  	_ =	shalt  }
0x7e: {  	_ =	shalt  }
0x7f: {  	_ =	shalt  }
0x80: {  	_ =	shalt  }
0x81: {  	_ =	shalt  }
0x82: {  	_ =	shalt  }
0x83: {  	_ =	shalt  }
0x84: {  	_ =	shalt  }
0x85: {  	_ =	shalt  }
0x86: {  	_ =	shalt  }
0x87: {  	_ =	shalt  }
.Lfunc_end0:
.L_simem_size_0:
called_computation_lowered:
.L_overlay_start_0:
0x88: {  	s2 =	sld [smem:$0x3FD9]  }
0x89: {  	s3 =	sld [smem:$0x3FFE];
	_ =	sdelay $0x1  }
0x8a: {  	s1 =	srdreg.scid  }
0x8b: {  	s0 =	sand.u32 $0x1, s1  }
0x8c: {  	s14 =	sshll.u32 s0, $0xA;
	s2 =	sadd.s32 s3, s2  }
0x8d: {  	s2 =	sadd.s32 s2, s14  }
0x8e: {  	[smem:$0x3FB7] =	sst s2  }
0x8f: {  	_ = 	snop  }
0x90: {  	s2 =	sld [smem:$0x3FD0];
	_ =	sdelay $0x2  }
0x91: {  	s15 =	simm.s32 $0xA;
	s4 =	simm.s32 $0x10  }
0x92: {  	[smem:s4], [sflag:s15] =	dma.local [hbm:s2], $0x1  }
0x93: {  	_ =	swait.eq [sflag:s15], $0x1  }
0x94: {  	[sflag:s15] =	ssyncset.done $0x0  }
0x95: {  	[sflag:s15] =	ssyncadd.s32 $0xFFFFFFFF  }
0x96: {  	s16 =	sld [smem:$0x10];
	(tm) =	ssettm $0x1  }
0x97: {  	s17 =	sld [smem:$0x3FFB];
	_ =	sdelay $0x3  }
0x98: {  	_ =	strace s17  }
0x99: {  	s3 =	sld [smem:$0x3FFC];
	_ =	sdelay $0x3  }
0x9a: {  	_ =	strace s3  }
0x9b: {  	s3 =	sld [smem:$0x3FFD];
	_ =	sdelay $0x3  }
0x9c: {  	_ =	strace s3  }
0x9d: {  	_ =	strace $0x8FFFFFFF  }
0x9e: {  	s18 =	sld [smem:$0x3FDB];
	_ =	sdelay $0x1  }
0x9f: {  	s19 =	simm.s32 $_scs_section_size  }
0xa0: {  	s5 =	simm.s32 $_size__tile_overlayer_lowered;
	s6 =	simm.s32 $_tile_overlayer_lowered  }
0xa1: {  	s22 =	simm.s32 $0x1BFF;
	s21 =	sshll.u32 s6, $0x1;
	s3 =	sadd.s32 s19, s18  }
0xa2: {  	s7 =	simm.s32 $0x0;
	s20 =	sshll.u32 s5, $0x1;
	s5 =	sadd.s32 s21, s3  }
0xa3: {  	[timem:s7], [sflag:s22] =	dma.local [hbm:s5], s20  }
0xa4: {  	_ =	swait.ge [sflag:s22], s20  }
0xa5: {  	s4 =	ssub.s32 $0x0, s20;
	[sflag:s22] =	ssyncset.done $0x0  }
0xa6: {  	[sflag:s22] =	ssyncadd.s32 s4;
	_ =	sdelay $0x1  }
0xa7: {  	s23 =	simm.s32 $0x1B8B  }
0xa8: {  	_ =	swait.ge [sflag:s23], $0x1  }
0xa9: {  	[sflag:s23] =	ssyncset.done $0x0  }
0xaa: {  	s25 =	simm.s32 $0x1B8E;
	s24 =	sld [smem:$0x3FFE];
	[sflag:s23] =	ssyncadd.s32 $0xFFFFFFFF  }
0xab: {  	s26 =	simm.s32 $execute0_lowered;
	[smem:$0x3FD2] =	sst s25  }
0xac: {  	s5 =	sshll.u32 s26, $0x1;
	_ =	strace $0x80000046;
	[dreg:$0x1] =	wrdreg $0xFFFFFFFF  }
0xad: {  	s28 =	simm.s32 $_size_execute0_lowered;
	s3 =	sadd.s32 s3, s5;
	[dreg:$0x0] =	wrdreg $0x0  }
0xae: {  	s5 =	sshll.u32 s28, $0x1;
	[dreg:$0x2] =	wrdreg s3  }
0xaf: {  	[dreg:$0x3] =	wrdreg s5  }
0xb0: {  	[dreg:$0x4] =	wrdreg $0xC0  }
0xb1: {  	_ =	task [dreg:s7], $0x5FFFF  }
0xb2: {  	[dreg:$0x1] =	wrdreg $0xFFFFFFFF  }
0xb3: {  	[dreg:$0x0] =	wrdreg $0x60  }
0xb4: {  	[dreg:$0x2] =	wrdreg s24  }
0xb5: {  	[dreg:$0x3] =	wrdreg s16  }
0xb6: {  	[dreg:$0x4] =	wrdreg $0x28800  }
0xb7: {  	[dreg:$0x5] =	wrdreg $0x9  }
0xb8: {  	_ =	task.clear_ibuf [dreg:s7], $0x6FFFF;
	_ =	strace $0x90000046  }
0xb9: {  	s29 =	simm.s32 $0x9;
	_ =	strace $0x80000048  }
0xba: {  	_ =	swait.ge [sflag:s29], $0x1  }
0xbb: {  	[sflag:s29] =	ssyncadd.s32 $0xFFFFFFFF  }
0xbc: {  	_ =	strace $0x90000048  }
0xbd: {  	_ =	sfence  }
0xbe: {  	s30 =	sld [smem:$0x0];
	_ =	sdelay $0x2  }
0xbf: {  	s31 =	sshll.u32 s1, $0xD;
	s1 =	sshrl.u32 s1, $0x2  }
0xc0: {  	s3 =	sand.u32 $0x4000, s31;
	s1 =	sadd.s32 s1, s30  }
0xc1: {  	s0 =	sor.u32 s3, s0;
	s1 =	sshll.u32 s1, $0x11  }
0xc2: {  	s0 =	sor.u32 s1, s0  }
0xc3: {  	s0 =	sadd.s32 $0x8F2B, s0  }
0xc4: {  	[sflag:s0] =	ssyncadd.remote.s32 $0x1  }
0xc5: {  	_ =	sfence.sel $0xFFFF  }
0xc6: {  	[dreg:$0x0] =	wrdreg $0xFFFFFFFF;
	(pc) =	sbr.abs _section_cstart, $3  }
0xc7: {  	[dreg:$0x1] =	wrdreg $0xFFFFFFFF  }
0xc8: {  	_ =	task.clear_ibuf [dreg:s7], $0x2FFFF;
	_ =	strace $0x9FFFFFFF  }
0xc9: {  	(tm) =	ssettm $0x7FFFFFFF  }
tec
execute0_lowered:
.L_overlay_start_1:
0x0: {  	(tag) =	ssettag $0x1  }
0x1: {  	s5 =	rddreg [dreg:$0x0]  }
0x2: {  	s2 =	rddreg [dreg:$0x1]  }
0x3: {  	s0 =	srdreg.scid;
	s3 =	rddreg [dreg:$0x2]  }
0x4: {  	s1 =	stileid.u32;
	s4 =	simm.s32 $0x0;
	s13 =	simm.s32 $0x1  }
0x5: {  	s14 =	simm.s32 $0x0;
	s6 =	sand.u32 $0x1, s0;
	s0 =	rddreg [dreg:$0x3]  }
0x6: {  	s8 =	smul.u32 $0x280, s1;
	[smem:$0x7FF] =	sst s4;
	s10 =	sshll.u32 s1, $0x6  }
0x7: {  	s7 =	sshll.u32 s6, $0x4;
	s9 =	smul.u32 $0x2800, s6;
	s6 =	ssub.s32 $0x2, s6  }
0x8: {  	_ =	strace $0x80000047;
	s7 =	sor.u32 s1, s7;
	s31 =	sshrl.u32 s6, $0x1  }
0x9: {  	s7 =	smul.u32 $0x500, s7;
	s9 =	sadd.s32 s8, s9;
	s11 =	ssub.s32 s6, s31  }
0xa: {  	s12 =	sadd.s32 s8, s3;
	s9 =	sshrl.u32 s9, $0x3;
	s8 =	smax.u32 s11, $0x1  }
0xb: {  	s11 =	simm.s32 $0x80;
	s7 =	sadd.s32 s7, s5;
	s9 =	sadd.s32 s9, s5  }
0xc: {  	s5 =	sor.u32 $0x1C02, s10;
	s10 =	simm.s32 $0x2;
	s6 =	sadd.s32 $0x4200, s7  }
0xd: {  	v0 =	vimm.f32 $1.000000000e+00;
	s7 =	sadd.s32 $0x18200, s9;
	s9 =	sshrl.u32 s12, $0x3;
	s12 =	simm.s32 $0x2800  }
.LBB2_1:
0xe: {  	[spmem:s9], [sflag:s5] =	dma.local [hbm:s2], $0x50  }
0xf: {  	_ =	swait.ge [sflag:s10], $0x50  }
0x10: {  	[sflag:s10] =	ssyncset.done $0x0  }
0x11: {  	[sflag:s10] =	ssyncadd.s32 $0xFFFFFFB0  }
0x12: {  	[tilespmem:$0x2800] =	vst v0  }
0x13: {  	[tilespmem:$0x2810] =	vst v0  }
0x14: {  	[tilespmem:$0x2820] =	vst v0  }
0x15: {  	[tilespmem:$0x2830] =	vst v0  }
0x16: {  	[tilespmem:$0x2840] =	vst v0  }
0x17: {  	[tilespmem:$0x2850] =	vst v0  }
0x18: {  	[tilespmem:$0x2860] =	vst v0  }
0x19: {  	[tilespmem:$0x2870] =	vst v0  }
0x1a: {  	[tilespmem:s4], [sflag:$0x2] =	stream.linear.gather [hbm4b:s6+s4], $0x2800, $0x38;
	[tilespmem:$0x2B00] =	vst v63  }
0x1b: {  	_ =	swait.ge [sflag:s10], $0x2800  }
0x1c: {  	[sflag:s10] =	ssyncset.done $0x0  }
0x1d: {  	[sflag:s10] =	ssyncadd.s32 $0xFFFFD800  }
0x1e: {  	[bflag:$0x0] =	sbarrier.arrive $0xFFFF  }
0x1f: {  	[spmem:s3] =	stream.indirect.scatter.add.f32 [tilespmem:s12], [sflag:$0x1], $0x1, s4, s11, $0xb8;
	[tilespmem:$0x2B00] =	vst v63  }
0x20: {  	s15 =	simm.s32 $0x80  }
0x21: {  	[spmem:s3] =	stream.indirect.scatter.add.f32 [tilespmem:s12], [sflag:$0x1], $0x1, s15, s11, $0xb8;
	[tilespmem:$0x2B00] =	vst v63  }
0x22: {  	_ =	swait.ge [sflag:s13], $0x80  }
0x23: {  	s15 =	simm.s32 $0x400;
	[sflag:s13] =	ssyncset.done $0x0  }
.LBB2_2:
0x24: {  	s16 =	sshra.s32 s15, $0x2;
	[sflag:s13] =	ssyncadd.s32 $0xFFFFFF80;
	p0 =	sne.s32 s15, $0x9E00  }
0x25: {  	[spmem:s3] =	stream.indirect.scatter.add.f32 [tilespmem:s12], [sflag:$0x1], $0x1, s16, s11, $0xb8;
	[tilespmem:$0x2B00] =	vst v63  }
.Ltmp0:
0x26: {  	_ = 	snop;
	(pc) =	sbr.rel @p0 .LBB2_2-.Ltmp0, $4  }
0x27: {  	_ = 	snop  }
0x28: {  	s15 =	sadd.s32 $0x200, s15  }
0x29: {  	_ =	swait.ge [sflag:s13], $0x80  }
0x2a: {  	[sflag:s13] =	ssyncset.done $0x0  }
0x2b: {  	[sflag:s13] =	ssyncadd.s32 $0xFFFFFF80  }
0x2c: {  	_ =	swait.ge [sflag:s13], $0x80  }
0x2d: {  	s14 =	sadd.s32 $0x1, s14;
	[sflag:s13] =	ssyncset.done $0x0  }
0x2e: {  	p0 =	sne.s32 s14, s8;
	[sflag:s13] =	ssyncadd.s32 $0xFFFFFF80  }
.Ltmp1:
0x2f: {  	[bflag:$0x0] =	sbarrier.arrive $0xFFFF;
	(pc) =	sbr.rel @p0 .LBB2_1-.Ltmp1, $4  }
0x30: {  	[hbm:s7], [sflag:s5] =	dma.local [spmem:s9], $0x50  }
0x31: {  	_ =	swait.ge [sflag:s10], $0x50  }
0x32: {  	[sflag:s10] =	ssyncset.done $0x0  }
0x33: {  	[sflag:s10] =	ssyncadd.s32 $0xFFFFFFB0  }
0x34: {  	_ =	sfence.sel $0x180000  }
0x35: {  	[bflag:$0x0] =	sbarrier.arrive $0xFFFF  }
0x36: {  	p0 =	sne.s32 s1, $0x0;
	_ =	strace $0x90000047  }
0x37: {  	s0 =	sadd.s32 @!p0 $0x100000, s0;
	[bflag:$0x2] =	sbarrier.arrive $0xFFFF  }
0x38: {  	[sflag:s0] =	ssyncadd.tile.s32 @!p0 $0x1;
	_ =	shalt  }
.Lfunc_end2:
_tile_overlayer_lowered:
.L_overlay_start_2:
0x39: {  	(tag) =	ssettag $0x2  }
0x3a: {  	s0 =	rddreg [dreg:$0x0];
	s2 =	stileid.u32  }
0x3b: {  	s1 =	rddreg [dreg:$0x1];
	p0 =	sne.s32 s2, $0x0  }
0x3c: {  	s3 =	rddreg [dreg:$0x2];
	[bflag:$0x3] =	sbarrier.arrive $0xFFFF;
	s2 =	simm.s32 @!p0 $0x1C02  }
0x3d: {  	[timem:s3], [sflag:s2] =	dma.local @!p0 [hbm:s0], s1  }
0x3e: {  	s0 =	simm.s32 @!p0 $0x2  }
0x3f: {  	_ =	swait.ge @!p0 [sflag:s0], s1  }
0x40: {  	s1 =	ssub.s32 @!p0 $0x0, s1;
	[sflag:s0] =	ssyncset.done @!p0 $0x0  }
0x41: {  	[sflag:s0] =	ssyncadd.s32 @!p0 s1  }
0x42: {  	[bflag:$0x3] =	sbarrier.arrive $0xFFFF  }
0x43: {  	_ =	shalt  }

// kernel: kernel.13.cloned.1.call-start
scs
__scs_entry_jumppad:
0x0: {  	(pc) =	sbr.rel $0x88, $3  }
0x1: {  	(tag) =	ssettag $0x0;
	lr =	simm.s32 $0x1  }
0x2: {  	[smem:$0x3F90] =	sst lr;
	_ =	strace $0xD0000000  }
0x3: {  	_ = 	snop  }
0x4: {  	_ = 	snop  }
0x5: {  	_ = 	snop  }
0x6: {  	_ = 	snop  }
0x7: {  	_ = 	snop  }
__scs_overlays_trampoline_lowered:
0x8: {  	[smem:$0x3F9F] =	sst s0  }
0x9: {  	[smem:$0x3FA0] =	sst s1  }
0xa: {  	[smem:$0x3FA1] =	sst s2  }
0xb: {  	[smem:$0x3FA2] =	sst s3  }
0xc: {  	[smem:$0x3FA3] =	sst s4  }
0xd: {  	[smem:$0x3FA4] =	sst s5  }
0xe: {  	[smem:$0x3FA5] =	sst s6  }
0xf: {  	[smem:$0x3FA6] =	sst s7  }
0x10: {  	[smem:$0x3FA7] =	sst s8  }
0x11: {  	[smem:$0x3FA8] =	sst s9;
	s0 =	simm.s32 @!p0 $0x0  }
0x12: {  	s1 =	sld [smem:$0x3F8E];
	s0 =	simm.s32 @p0 $0x1  }
0x13: {  	[smem:$0x3FA9] =	sst s0;
	s0 =	simm.s32 @!p1 $0x0  }
0x14: {  	s2 =	sld [smem:$0x3F8D];
	s0 =	simm.s32 @p1 $0x1  }
0x15: {  	[smem:$0x3FAA] =	sst s0;
	s0 =	simm.s32 @!p2 $0x0  }
0x16: {  	s3 =	sld [smem:$0x3FDB];
	s0 =	simm.s32 @p2 $0x1  }
0x17: {  	s4 =	simm.s32 $0x1BF5;
	[smem:$0x3FAC] =	sst s0  }
0x18: {  	s0 =	sld [smem:$0x3F8F];
	_ =	swait.ge [sflag:s4], $0x0  }
0x19: {  	s7 =	sld [smem:$0x3F90]  }
0x1a: {  	s8 =	sadd.s32 $0xFFFFE003, lr  }
0x1b: {  	s9 =	sadd.s32 $0xFFFFFEF7, lr;
	s5 =	simm.s32 $0xFFFFFFFF;
	p2 =	slt.u32 s8, $0xFFFFF086  }
0x1c: {  	p1 =	slt.u32 s9, $0xF7A;
	s5 =	simm.s32 @!p2 $0x0  }
0x1d: {  	s5 =	simm.s32 @p1 $0x1;
	p0 =	seq.s32 s7, s2  }
0x1e: {  	s7 =	smul.u32 @!p0 $0xF7A, s2;
	p2 =	seq.s32 @!p0 s5, $0x0  }
0x1f: {  	s9 =	smul.u32 $0xF7A, s1;
	s8 =	simm.s32 @!p0 $0x1BF5;
	p2 =	por !p2, p0  }
0x20: {  	[sflag:s8] =	ssyncset.s32 @!p0 $0xFFFFF086;
	s6 =	sadd.s32 @!p0 s3, s7;
	s7 =	simm.s32 @!p0 $0x108  }
0x21: {  	s3 =	sadd.s32 s3, s9;
	s6 =	sadd.s32 @!p0 $0x88, s6;
	s7 =	simm.s32 @p2 $0x1082  }
0x22: {  	[simem:s7], [sflag:s8] =	dma.local @!p0 [hbm:s6], $0xF7A  }
0x23: {  	s9 =	sor.u32 $0xD0000000, s2;
	s6 =	simm.s32 $0x108;
	_ =	swait.ge @!p0 [sflag:s8], $0x0  }
0x24: {  	s3 =	sadd.s32 $0x88, s3;
	s6 =	simm.s32 @!p1 $0x1082;
	[sflag:s4] =	ssyncset.s32 $0xFFFFF086  }
0x25: {  	[simem:s6], [sflag:s4] =	dma.local [hbm:s3], $0xF7A  }
0x26: {  	[smem:$0x3F90] =	sst s1;
	(tag) =	ssettag s2;
	_ =	strace s9  }
0x27: {  	s1 =	sld [smem:$0x3FA0]  }
0x28: {  	s2 =	sld [smem:$0x3FA1]  }
0x29: {  	s4 =	sld [smem:$0x3FA3]  }
0x2a: {  	p0 =	seq.s32 s5, $0x0;
	s5 =	sld [smem:$0x3FA4]  }
0x2b: {  	s6 =	sld [smem:$0x3FA5]  }
0x2c: {  	s7 =	sld [smem:$0x3FA6]  }
0x2d: {  	s3 =	simm.s32 $0x108;
	s8 =	sld [smem:$0x3FA7]  }
0x2e: {  	s3 =	simm.s32 @!p0 $0x1082;
	s9 =	sld [smem:$0x3FA8]  }
0x2f: {  	lr =	sadd.s32 s0, s3;
	s0 =	sld [smem:$0x3F9F]  }
0x30: {  	s3 =	sld [smem:$0x3FA2]  }
0x31: {  	[smem:$0x3FAB] =	sst s10  }
0x32: {  	s10 =	sld [smem:$0x3FA9];
	_ =	sdelay $0x3  }
0x33: {  	p0 =	seq.s32 s10, $0x1;
	s10 =	sld [smem:$0x3FAB];
	_ =	sdelay $0x3  }
0x34: {  	[smem:$0x3FAB] =	sst s10  }
0x35: {  	s10 =	sld [smem:$0x3FAA];
	_ =	sdelay $0x3  }
0x36: {  	p1 =	seq.s32 s10, $0x1;
	s10 =	sld [smem:$0x3FAB];
	_ =	sdelay $0x3  }
0x37: {  	[smem:$0x3FAB] =	sst s10  }
0x38: {  	s10 =	sld [smem:$0x3FAC]  }
0x39: {  	_ = 	snop;
	(pc) =	sbr.ind lr, $3  }
0x3a: {  	_ = 	snop  }
0x3b: {  	_ = 	snop  }
0x3c: {  	p2 =	seq.s32 s10, $0x1;
	s10 =	sld [smem:$0x3FAB]  }
0x3d: {  	_ =	shalt  }
0x3e: {  	_ =	shalt  }
0x3f: {  	_ =	shalt  }
0x40: {  	_ =	shalt  }
0x41: {  	_ =	shalt  }
0x42: {  	_ =	shalt  }
0x43: {  	_ =	shalt  }
0x44: {  	_ =	shalt  }
0x45: {  	_ =	shalt  }
0x46: {  	_ =	shalt  }
0x47: {  	_ =	shalt  }
0x48: {  	_ =	shalt  }
0x49: {  	_ =	shalt  }
0x4a: {  	_ =	shalt  }
0x4b: {  	_ =	shalt  }
0x4c: {  	_ =	shalt  }
0x4d: {  	_ =	shalt  }
0x4e: {  	_ =	shalt  }
0x4f: {  	_ =	shalt  }
0x50: {  	_ =	shalt  }
0x51: {  	_ =	shalt  }
0x52: {  	_ =	shalt  }
0x53: {  	_ =	shalt  }
0x54: {  	_ =	shalt  }
0x55: {  	_ =	shalt  }
0x56: {  	_ =	shalt  }
0x57: {  	_ =	shalt  }
0x58: {  	_ =	shalt  }
0x59: {  	_ =	shalt  }
0x5a: {  	_ =	shalt  }
0x5b: {  	_ =	shalt  }
0x5c: {  	_ =	shalt  }
0x5d: {  	_ =	shalt  }
0x5e: {  	_ =	shalt  }
0x5f: {  	_ =	shalt  }
0x60: {  	_ =	shalt  }
0x61: {  	_ =	shalt  }
0x62: {  	_ =	shalt  }
0x63: {  	_ =	shalt  }
0x64: {  	_ =	shalt  }
0x65: {  	_ =	shalt  }
0x66: {  	_ =	shalt  }
0x67: {  	_ =	shalt  }
0x68: {  	_ =	shalt  }
0x69: {  	_ =	shalt  }
0x6a: {  	_ =	shalt  }
0x6b: {  	_ =	shalt  }
0x6c: {  	_ =	shalt  }
0x6d: {  	_ =	shalt  }
0x6e: {  	_ =	shalt  }
0x6f: {  	_ =	shalt  }
0x70: {  	_ =	shalt  }
0x71: {  	_ =	shalt  }
0x72: {  	_ =	shalt  }
0x73: {  	_ =	shalt  }
0x74: {  	_ =	shalt  }
0x75: {  	_ =	shalt  }
0x76: {  	_ =	shalt  }
0x77: {  	_ =	shalt  }
0x78: {  	_ =	shalt  }
0x79: {  	_ =	shalt  }
0x7a: {  	_ =	shalt  }
0x7b: {  	_ =	shalt  }
0x7c: {  	_ =	shalt  }
0x7d: {  	_ =	shalt  }
0x7e: {  	_ =	shalt  }
0x7f: {  	_ =	shalt  }
0x80: {  	_ =	shalt  }
0x81: {  	_ =	shalt  }
0x82: {  	_ =	shalt  }
0x83: {  	_ =	shalt  }
0x84: {  	_ =	shalt  }
0x85: {  	_ =	shalt  }
0x86: {  	_ =	shalt  }
0x87: {  	_ =	shalt  }
.Lfunc_end0:
.L_simem_size_0:
called_computation.1_lowered:
.L_overlay_start_0:
0x88: {  	s2 =	sld [smem:$0x3FD9]  }
0x89: {  	s3 =	sld [smem:$0x3FFE];
	_ =	sdelay $0x1  }
0x8a: {  	s1 =	srdreg.scid  }
0x8b: {  	s0 =	sand.u32 $0x1, s1  }
0x8c: {  	s16 =	sshll.u32 s0, $0xA;
	s2 =	sadd.s32 s3, s2  }
0x8d: {  	s2 =	sadd.s32 s2, s16  }
0x8e: {  	[smem:$0x3FB7] =	sst s2  }
0x8f: {  	_ = 	snop  }
0x90: {  	(tm) =	ssettm $0x1  }
0x91: {  	s17 =	sld [smem:$0x3FFB];
	_ =	sdelay $0x3  }
0x92: {  	_ =	strace s17  }
0x93: {  	s2 =	sld [smem:$0x3FFC];
	_ =	sdelay $0x3  }
0x94: {  	_ =	strace s2  }
0x95: {  	s2 =	sld [smem:$0x3FFD];
	_ =	sdelay $0x3  }
0x96: {  	_ =	strace s2  }
0x97: {  	_ =	strace $0x8FFFFFFF  }
0x98: {  	s18 =	sld [smem:$0x3FDB];
	_ =	sdelay $0x1  }
0x99: {  	s19 =	simm.s32 $_scs_section_size  }
0x9a: {  	s4 =	simm.s32 $_size__tile_overlayer_lowered;
	s5 =	simm.s32 $_tile_overlayer_lowered  }
0x9b: {  	s22 =	simm.s32 $0x1BFF;
	s21 =	sshll.u32 s5, $0x1;
	s2 =	sadd.s32 s19, s18  }
0x9c: {  	s6 =	simm.s32 $0x0;
	s20 =	sshll.u32 s4, $0x1;
	s4 =	sadd.s32 s21, s2  }
0x9d: {  	[timem:s6], [sflag:s22] =	dma.local [hbm:s4], s20  }
0x9e: {  	_ =	swait.ge [sflag:s22], s20  }
0x9f: {  	s3 =	ssub.s32 $0x0, s20;
	[sflag:s22] =	ssyncset.done $0x0  }
0xa0: {  	[sflag:s22] =	ssyncadd.s32 s3;
	_ =	sdelay $0x1  }
0xa1: {  	s23 =	simm.s32 $0x1B8B  }
0xa2: {  	_ =	swait.ge [sflag:s23], $0x1  }
0xa3: {  	[sflag:s23] =	ssyncset.done $0x0  }
0xa4: {  	s25 =	simm.s32 $0x1B8E;
	s24 =	sld [smem:$0x3FFE];
	[sflag:s23] =	ssyncadd.s32 $0xFFFFFFFF  }
0xa5: {  	s26 =	simm.s32 $execute0_lowered;
	[smem:$0x3FD2] =	sst s25  }
0xa6: {  	s4 =	sshll.u32 s26, $0x1;
	_ =	strace $0x80000049;
	[dreg:$0x1] =	wrdreg $0xFFFFFFFF  }
0xa7: {  	s28 =	simm.s32 $_size_execute0_lowered;
	s2 =	sadd.s32 s2, s4;
	[dreg:$0x0] =	wrdreg $0x0  }
0xa8: {  	s4 =	sshll.u32 s28, $0x1;
	[dreg:$0x2] =	wrdreg s2  }
0xa9: {  	[dreg:$0x3] =	wrdreg s4  }
0xaa: {  	[dreg:$0x4] =	wrdreg $0xC0  }
0xab: {  	_ =	task [dreg:s6], $0x5FFFF  }
0xac: {  	[dreg:$0x1] =	wrdreg $0xFFFFFFFF  }
0xad: {  	[dreg:$0x0] =	wrdreg $0x60  }
0xae: {  	[dreg:$0x2] =	wrdreg s24  }
0xaf: {  	[dreg:$0x3] =	wrdreg $0xA8000  }
0xb0: {  	[dreg:$0x4] =	wrdreg $0x9  }
0xb1: {  	_ =	task.clear_ibuf [dreg:s6], $0x5FFFF;
	_ =	strace $0x90000049  }
0xb2: {  	s29 =	simm.s32 $0x9;
	_ =	strace $0x8000004B  }
0xb3: {  	_ =	swait.ge [sflag:s29], $0x1  }
0xb4: {  	[sflag:s29] =	ssyncadd.s32 $0xFFFFFFFF  }
0xb5: {  	_ =	strace $0x9000004B  }
0xb6: {  	_ =	sfence  }
0xb7: {  	s30 =	sld [smem:$0x0];
	_ =	sdelay $0x2  }
0xb8: {  	s31 =	sshll.u32 s1, $0xD;
	s1 =	sshrl.u32 s1, $0x2  }
0xb9: {  	s3 =	sand.u32 $0x4000, s31;
	s1 =	sadd.s32 s1, s30  }
0xba: {  	s0 =	sor.u32 s3, s0;
	s1 =	sshll.u32 s1, $0x11  }
0xbb: {  	s0 =	sor.u32 s1, s0  }
0xbc: {  	s0 =	sadd.s32 $0x8F2B, s0  }
0xbd: {  	[sflag:s0] =	ssyncadd.remote.s32 $0x1  }
0xbe: {  	_ =	sfence.sel $0xFFFF  }
0xbf: {  	[dreg:$0x0] =	wrdreg $0xFFFFFFFF;
	(pc) =	sbr.abs _section_cstart, $3  }
0xc0: {  	[dreg:$0x1] =	wrdreg $0xFFFFFFFF  }
0xc1: {  	_ =	task.clear_ibuf [dreg:s6], $0x2FFFF;
	_ =	strace $0x9FFFFFFF  }
0xc2: {  	(tm) =	ssettm $0x7FFFFFFF  }
0xc3: {  	_ =	shalt  }
tec
execute0_lowered:
.L_overlay_start_1:
0x0: {  	(tag) =	ssettag $0x1  }
0x1: {  	s6 =	rddreg [dreg:$0x0]  }
0x2: {  	s1 =	rddreg [dreg:$0x1]  }
0x3: {  	s0 =	rddreg [dreg:$0x2];
	s3 =	simm.s32 $0x0;
	s2 =	srdreg.scid  }
0x4: {  	s16 =	simm.s32 $0x1400;
	s17 =	simm.s32 $0x80;
	s18 =	simm.s32 $0x2800  }
0x5: {  	s19 =	simm.s32 $0x6800;
	s20 =	simm.s32 $0x3;
	s21 =	simm.s32 $0x1  }
0x6: {  	s22 =	simm.s32 $0x2;
	s23 =	simm.s32 $0x2700;
	s24 =	simm.s32 $0x2780  }
0x7: {  	s25 =	simm.s32 $0x0;
	[smem:$0x7FF] =	sst s3;
	s7 =	sand.u32 $0x1, s2  }
0x8: {  	s2 =	stileid.u32;
	s4 =	sadd.s32 $0x18200, s6;
	s10 =	sadd.s32 $0xE200, s6  }
0x9: {  	s11 =	sadd.s32 $0x4200, s6;
	s5 =	sadd.s32 $0x3F400, s6;
	s8 =	smul.u32 $0x13C000, s7  }
0xa: {  	s9 =	smul.u32 $0x13C00, s2;
	s26 =	sshll.u32 s7, $0x4;
	s7 =	ssub.s32 $0x2, s7  }
0xb: {  	_ =	strace $0x8000004A;
	s12 =	smul.u32 $0x4F000, s2;
	s13 =	sshrl.u32 s7, $0x1  }
0xc: {  	s8 =	sadd.s32 s9, s8;
	s9 =	sor.u32 s2, s26;
	s13 =	ssub.s32 s7, s13  }
0xd: {  	s28 =	sshrl.u32 s12, $0x2;
	s8 =	sshrl.u32 s8, $0x3;
	s14 =	smul.u32 $0x2800, s9  }
0xe: {  	s9 =	smul.u32 $0x500, s9;
	s30 =	sadd.s32 s28, s1;
	s13 =	smax.u32 s13, $0x1  }
0xf: {  	s15 =	sadd.s32 s8, s6;
	s6 =	sshll.u32 s2, $0x6;
	s29 =	sshrl.u32 s14, $0x3  }
0x10: {  	s7 =	sor.u32 $0x1C03, s6;
	s8 =	sadd.s32 s10, s9;
	s9 =	sadd.s32 s11, s9  }
0x11: {  	s12 =	sadd.s32 $0x41C00, s15;
	s14 =	sshrl.u32 s30, $0x3;
	s31 =	sadd.s32 $0x280, s29  }
0x12: {  	s15 =	simm.s32 $0x4;
	s10 =	sadd.s32 s10, s31;
	s11 =	sadd.s32 s11, s31  }
.LBB2_1:
0x13: {  	[spmem:s14], [sflag:s7] =	dma.local [hbm:s5], $0x2780  }
0x14: {  	[tilespmem:s3], [sflag:$0x4] =	stream.linear.gather [hbm4b:s8+s3], $0x1400, $0x38;
	[tilespmem:$0x1E400] =	vst v63  }
0x15: {  	_ =	swait.ge [sflag:s15], $0x1400  }
0x16: {  	[sflag:s15] =	ssyncset.done $0x0  }
0x17: {  	[sflag:s15] =	ssyncadd.s32 $0xFFFFEC00  }
0x18: {  	[tilespmem:s16], [sflag:$0x4] =	stream.linear.gather [hbm4b:s9+s3], $0x1400, $0x38;
	[tilespmem:$0x1E400] =	vst v63  }
0x19: {  	_ =	swait.ge [sflag:s15], $0x1400  }
0x1a: {  	[sflag:s15] =	ssyncset.done $0x0  }
0x1b: {  	[sflag:s15] =	ssyncadd.s32 $0xFFFFEC00  }
0x1c: {  	[tilespmem:s18], [sflag:$0x1] =	stream.indirect.gather [hbm4b:s4+s17], $0x80, s3, s17, $0xb8;
	[tilespmem:$0x1E400] =	vst v63  }
0x1d: {  	_ = 	snop  }
0x1e: {  	[tilespmem:s19], [sflag:$0x2] =	stream.indirect.gather [hbm4b:s4+s17], $0x80, s17, s17, $0xb8;
	[tilespmem:$0x1E400] =	vst v63  }
0x1f: {  	_ =	swait.ge [sflag:s20], $0x2780  }
0x20: {  	[sflag:s20] =	ssyncset.done $0x0  }
0x21: {  	[sflag:s20] =	ssyncadd.s32 $0xFFFFD880  }
0x22: {  	[bflag:$0x0] =	sbarrier.arrive $0xFFFF  }
0x23: {  	_ =	swait.ge [sflag:s21], $0x4000  }
0x24: {  	[sflag:s21] =	ssyncset.done $0x0  }
0x25: {  	s26 =	simm.s32 $0x1400;
	[sflag:s21] =	ssyncadd.s32 $0xFFFFC000  }
0x26: {  	[spmem:s1] =	stream.indirect.scatter.add.f32 [tilespmem:s18], [sflag:$0x4], $0x80, s26, s17, $0xb8;
	[tilespmem:$0x1E400] =	vst v63  }
0x27: {  	_ =	swait.ge [sflag:s15], $0x4000  }
0x28: {  	[sflag:s15] =	ssyncset.done $0x0  }
0x29: {  	s30 =	simm.s32 $0x100;
	[sflag:s15] =	ssyncadd.s32 $0xFFFFC000  }
0x2a: {  	[tilespmem:s18], [sflag:$0x1] =	stream.indirect.gather [hbm4b:s4+s17], $0x80, s30, s17, $0xb8;
	[tilespmem:$0x1E400] =	vst v63  }
0x2b: {  	_ =	swait.ge [sflag:s22], $0x4000  }
0x2c: {  	[sflag:s22] =	ssyncset.done $0x0  }
0x2d: {  	s31 =	simm.s32 $0x1480;
	[sflag:s22] =	ssyncadd.s32 $0xFFFFC000  }
0x2e: {  	[spmem:s1] =	stream.indirect.scatter.add.f32 [tilespmem:s19], [sflag:$0x4], $0x80, s31, s17, $0xb8;
	[tilespmem:$0x1E400] =	vst v63  }
0x2f: {  	_ =	swait.ge [sflag:s15], $0x4000  }
0x30: {  	[sflag:s15] =	ssyncset.done $0x0  }
0x31: {  	s28 =	simm.s32 $0x180;
	s26 =	simm.s32 $0x400;
	[sflag:s15] =	ssyncadd.s32 $0xFFFFC000  }
.LBB2_2:
0x32: {  	[tilespmem:s19], [sflag:$0x2] =	stream.indirect.gather [hbm4b:s4+s17], $0x80, s28, s17, $0xb8;
	[tilespmem:$0x1E400] =	vst v63  }
0x33: {  	s28 =	smov.u32 s26  }
0x34: {  	p0 =	sne.s32 s26, $0x4800;
	s26 =	sadd.s32 $0x400, s26;
	_ =	swait.ge [sflag:s21], $0x4000  }
0x35: {  	s28 =	sshra.s32 s28, $0x2;
	[sflag:s21] =	ssyncset.done $0x0  }
0x36: {  	s29 =	sadd.s32 $0x1400, s28;
	[sflag:s21] =	ssyncadd.s32 $0xFFFFC000  }
0x37: {  	[spmem:s1] =	stream.indirect.scatter.add.f32 [tilespmem:s18], [sflag:$0x4], $0x80, s29, s17, $0xb8;
	[tilespmem:$0x1E400] =	vst v63  }
0x38: {  	_ =	swait.ge [sflag:s15], $0x4000  }
0x39: {  	[sflag:s15] =	ssyncset.done $0x0  }
0x3a: {  	s29 =	sadd.s32 $0x100, s28;
	[sflag:s15] =	ssyncadd.s32 $0xFFFFC000  }
0x3b: {  	[tilespmem:s18], [sflag:$0x1] =	stream.indirect.gather [hbm4b:s4+s17], $0x80, s29, s17, $0xb8;
	[tilespmem:$0x1E400] =	vst v63  }
0x3c: {  	_ =	swait.ge [sflag:s22], $0x4000  }
0x3d: {  	[sflag:s22] =	ssyncset.done $0x0  }
.Ltmp0:
0x3e: {  	s29 =	sadd.s32 $0x1480, s28;
	[sflag:s22] =	ssyncadd.s32 $0xFFFFC000;
	(pc) =	sbr.rel @p0 .LBB2_2-.Ltmp0, $4  }
0x3f: {  	[spmem:s1] =	stream.indirect.scatter.add.f32 [tilespmem:s19], [sflag:$0x4], $0x80, s29, s17, $0xb8;
	[tilespmem:$0x1E400] =	vst v63  }
0x40: {  	_ =	swait.ge [sflag:s15], $0x4000  }
0x41: {  	[sflag:s15] =	ssyncset.done $0x0  }
0x42: {  	s28 =	sadd.s32 $0x180, s28;
	[sflag:s15] =	ssyncadd.s32 $0xFFFFC000  }
0x43: {  	[tilespmem:s19], [sflag:$0x2] =	stream.indirect.gather [hbm4b:s4+s17], $0x80, s28, s17, $0xb8;
	[tilespmem:$0x1E400] =	vst v63  }
0x44: {  	_ =	swait.ge [sflag:s21], $0x4000  }
0x45: {  	[sflag:s21] =	ssyncset.done $0x0  }
0x46: {  	[sflag:s21] =	ssyncadd.s32 $0xFFFFC000  }
0x47: {  	[spmem:s1] =	stream.indirect.scatter.add.f32 [tilespmem:s18], [sflag:$0x4], $0x80, s23, s17, $0xb8;
	[tilespmem:$0x1E400] =	vst v63  }
0x48: {  	_ =	swait.ge [sflag:s15], $0x4000  }
0x49: {  	[sflag:s15] =	ssyncset.done $0x0  }
0x4a: {  	[sflag:s15] =	ssyncadd.s32 $0xFFFFC000  }
0x4b: {  	_ =	swait.ge [sflag:s22], $0x4000  }
0x4c: {  	[sflag:s22] =	ssyncset.done $0x0  }
0x4d: {  	[sflag:s22] =	ssyncadd.s32 $0xFFFFC000  }
0x4e: {  	[spmem:s1] =	stream.indirect.scatter.add.f32 [tilespmem:s19], [sflag:$0x4], $0x80, s24, s17, $0xb8;
	[tilespmem:$0x1E400] =	vst v63  }
0x4f: {  	_ =	swait.ge [sflag:s15], $0x4000  }
0x50: {  	[sflag:s15] =	ssyncset.done $0x0  }
0x51: {  	s26 =	simm.s32 $0x0;
	[sflag:s15] =	ssyncadd.s32 $0xFFFFC000  }
0x52: {  	[tilespmem:s26], [sflag:$0x4] =	stream.linear.gather [hbm4b:s10+s26], $0x1400, $0x38;
	[tilespmem:$0x1E400] =	vst v63  }
0x53: {  	_ =	swait.ge [sflag:s15], $0x1400  }
0x54: {  	[sflag:s15] =	ssyncset.done $0x0  }
0x55: {  	[sflag:s15] =	ssyncadd.s32 $0xFFFFEC00  }
0x56: {  	[tilespmem:s16], [sflag:$0x4] =	stream.linear.gather [hbm4b:s11+s26], $0x1400, $0x38;
	[tilespmem:$0x1E400] =	vst v63  }
0x57: {  	_ =	swait.ge [sflag:s15], $0x1400  }
0x58: {  	[sflag:s15] =	ssyncset.done $0x0  }
0x59: {  	[sflag:s15] =	ssyncadd.s32 $0xFFFFEC00  }
0x5a: {  	[tilespmem:s18], [sflag:$0x1] =	stream.indirect.gather [hbm4b:s4+s17], $0x80, s26, s17, $0xb8;
	[tilespmem:$0x1E400] =	vst v63  }
0x5b: {  	_ = 	snop  }
0x5c: {  	[tilespmem:s19], [sflag:$0x2] =	stream.indirect.gather [hbm4b:s4+s17], $0x80, s17, s17, $0xb8;
	[tilespmem:$0x1E400] =	vst v63  }
0x5d: {  	_ =	swait.ge [sflag:s21], $0x4000  }
0x5e: {  	[sflag:s21] =	ssyncset.done $0x0  }
0x5f: {  	s29 =	simm.s32 $0x1400;
	[sflag:s21] =	ssyncadd.s32 $0xFFFFC000  }
0x60: {  	[spmem:s1] =	stream.indirect.scatter.add.f32 [tilespmem:s18], [sflag:$0x4], $0x80, s29, s17, $0xb8;
	[tilespmem:$0x1E400] =	vst v63  }
0x61: {  	_ =	swait.ge [sflag:s15], $0x4000  }
0x62: {  	[sflag:s15] =	ssyncset.done $0x0  }
0x63: {  	s30 =	simm.s32 $0x100;
	[sflag:s15] =	ssyncadd.s32 $0xFFFFC000  }
0x64: {  	[tilespmem:s18], [sflag:$0x1] =	stream.indirect.gather [hbm4b:s4+s17], $0x80, s30, s17, $0xb8;
	[tilespmem:$0x1E400] =	vst v63  }
0x65: {  	_ =	swait.ge [sflag:s22], $0x4000  }
0x66: {  	[sflag:s22] =	ssyncset.done $0x0  }
0x67: {  	s31 =	simm.s32 $0x1480;
	[sflag:s22] =	ssyncadd.s32 $0xFFFFC000  }
0x68: {  	[spmem:s1] =	stream.indirect.scatter.add.f32 [tilespmem:s19], [sflag:$0x4], $0x80, s31, s17, $0xb8;
	[tilespmem:$0x1E400] =	vst v63  }
0x69: {  	_ =	swait.ge [sflag:s15], $0x4000  }
0x6a: {  	[sflag:s15] =	ssyncset.done $0x0  }
0x6b: {  	s28 =	simm.s32 $0x180;
	s26 =	simm.s32 $0x400;
	[sflag:s15] =	ssyncadd.s32 $0xFFFFC000  }
.LBB2_4:
0x6c: {  	[tilespmem:s19], [sflag:$0x2] =	stream.indirect.gather [hbm4b:s4+s17], $0x80, s28, s17, $0xb8;
	[tilespmem:$0x1E400] =	vst v63  }
0x6d: {  	s28 =	smov.u32 s26  }
0x6e: {  	p0 =	sne.s32 s26, $0x4800;
	s26 =	sadd.s32 $0x400, s26;
	_ =	swait.ge [sflag:s21], $0x4000  }
0x6f: {  	s28 =	sshra.s32 s28, $0x2;
	[sflag:s21] =	ssyncset.done $0x0  }
0x70: {  	s29 =	sadd.s32 $0x1400, s28;
	[sflag:s21] =	ssyncadd.s32 $0xFFFFC000  }
0x71: {  	[spmem:s1] =	stream.indirect.scatter.add.f32 [tilespmem:s18], [sflag:$0x4], $0x80, s29, s17, $0xb8;
	[tilespmem:$0x1E400] =	vst v63  }
0x72: {  	_ =	swait.ge [sflag:s15], $0x4000  }
0x73: {  	[sflag:s15] =	ssyncset.done $0x0  }
0x74: {  	s29 =	sadd.s32 $0x100, s28;
	[sflag:s15] =	ssyncadd.s32 $0xFFFFC000  }
0x75: {  	[tilespmem:s18], [sflag:$0x1] =	stream.indirect.gather [hbm4b:s4+s17], $0x80, s29, s17, $0xb8;
	[tilespmem:$0x1E400] =	vst v63  }
0x76: {  	_ =	swait.ge [sflag:s22], $0x4000  }
0x77: {  	[sflag:s22] =	ssyncset.done $0x0  }
.Ltmp1:
0x78: {  	s29 =	sadd.s32 $0x1480, s28;
	[sflag:s22] =	ssyncadd.s32 $0xFFFFC000;
	(pc) =	sbr.rel @p0 .LBB2_4-.Ltmp1, $4  }
0x79: {  	[spmem:s1] =	stream.indirect.scatter.add.f32 [tilespmem:s19], [sflag:$0x4], $0x80, s29, s17, $0xb8;
	[tilespmem:$0x1E400] =	vst v63  }
0x7a: {  	_ =	swait.ge [sflag:s15], $0x4000  }
0x7b: {  	[sflag:s15] =	ssyncset.done $0x0  }
0x7c: {  	s28 =	sadd.s32 $0x180, s28;
	[sflag:s15] =	ssyncadd.s32 $0xFFFFC000  }
0x7d: {  	[tilespmem:s19], [sflag:$0x2] =	stream.indirect.gather [hbm4b:s4+s17], $0x80, s28, s17, $0xb8;
	[tilespmem:$0x1E400] =	vst v63  }
0x7e: {  	_ =	swait.ge [sflag:s21], $0x4000  }
0x7f: {  	[sflag:s21] =	ssyncset.done $0x0  }
0x80: {  	[sflag:s21] =	ssyncadd.s32 $0xFFFFC000  }
0x81: {  	[spmem:s1] =	stream.indirect.scatter.add.f32 [tilespmem:s18], [sflag:$0x4], $0x80, s23, s17, $0xb8;
	[tilespmem:$0x1E400] =	vst v63  }
0x82: {  	_ =	swait.ge [sflag:s15], $0x4000  }
0x83: {  	[sflag:s15] =	ssyncset.done $0x0  }
0x84: {  	[sflag:s15] =	ssyncadd.s32 $0xFFFFC000  }
0x85: {  	_ =	swait.ge [sflag:s22], $0x4000  }
0x86: {  	[sflag:s22] =	ssyncset.done $0x0  }
0x87: {  	[sflag:s22] =	ssyncadd.s32 $0xFFFFC000  }
0x88: {  	[spmem:s1] =	stream.indirect.scatter.add.f32 [tilespmem:s19], [sflag:$0x4], $0x80, s24, s17, $0xb8;
	[tilespmem:$0x1E400] =	vst v63  }
0x89: {  	_ =	swait.ge [sflag:s15], $0x4000  }
0x8a: {  	s25 =	sadd.s32 $0x1, s25;
	[sflag:s15] =	ssyncset.done $0x0  }
0x8b: {  	p0 =	sne.s32 s25, s13;
	[sflag:s15] =	ssyncadd.s32 $0xFFFFC000  }
.Ltmp2:
0x8c: {  	s26 =	sor.u32 $0x1C04, s6;
	[bflag:$0x0] =	sbarrier.arrive $0xFFFF;
	(pc) =	sbr.rel @p0 .LBB2_1-.Ltmp2, $4  }
0x8d: {  	[hbm:s12], [sflag:s26] =	dma.local [spmem:s14], $0x2780  }
0x8e: {  	_ =	swait.ge [sflag:s15], $0x2780  }
0x8f: {  	[sflag:s15] =	ssyncset.done $0x0  }
0x90: {  	[sflag:s15] =	ssyncadd.s32 $0xFFFFD880  }
0x91: {  	_ =	sfence.sel $0x180000  }
0x92: {  	[bflag:$0x0] =	sbarrier.arrive $0xFFFF  }
0x93: {  	p0 =	sne.s32 s2, $0x0;
	_ =	strace $0x9000004A  }
0x94: {  	s0 =	sadd.s32 @!p0 $0x100000, s0;
	[bflag:$0x2] =	sbarrier.arrive $0xFFFF  }
0x95: {  	[sflag:s0] =	ssyncadd.tile.s32 @!p0 $0x1;
	_ =	shalt  }
.Lfunc_end2:
_tile_overlayer_lowered:
.L_overlay_start_2:
0x96: {  	(tag) =	ssettag $0x2  }
0x97: {  	s0 =	rddreg [dreg:$0x0];
	s2 =	stileid.u32  }
0x98: {  	s1 =	rddreg [dreg:$0x1];
	p0 =	sne.s32 s2, $0x0  }
0x99: {  	s3 =	rddreg [dreg:$0x2];
	[bflag:$0x3] =	sbarrier.arrive $0xFFFF;
	s2 =	simm.s32 @!p0 $0x1C04  }
0x9a: {  	[timem:s3], [sflag:s2] =	dma.local @!p0 [hbm:s0], s1  }
0x9b: {  	s0 =	simm.s32 @!p0 $0x4  }
0x9c: {  	_ =	swait.ge @!p0 [sflag:s0], s1  }
0x9d: {  	s1 =	ssub.s32 @!p0 $0x0, s1;
	[sflag:s0] =	ssyncset.done @!p0 $0x0  }
0x9e: {  	[sflag:s0] =	ssyncadd.s32 @!p0 s1  }
0x9f: {  	[bflag:$0x3] =	sbarrier.arrive $0xFFFF  }
0xa0: {  	_ =	shalt  }

// kernel: kernel.16.cloned.1.call-start
scs
__scs_entry_jumppad:
0x0: {  	(pc) =	sbr.rel $0x88, $3  }
0x1: {  	(tag) =	ssettag $0x0;
	lr =	simm.s32 $0x1  }
0x2: {  	[smem:$0x3F90] =	sst lr;
	_ =	strace $0xD0000000  }
0x3: {  	_ = 	snop  }
0x4: {  	_ = 	snop  }
0x5: {  	_ = 	snop  }
0x6: {  	_ = 	snop  }
0x7: {  	_ = 	snop  }
__scs_overlays_trampoline_lowered:
0x8: {  	[smem:$0x3F9F] =	sst s0  }
0x9: {  	[smem:$0x3FA0] =	sst s1  }
0xa: {  	[smem:$0x3FA1] =	sst s2  }
0xb: {  	[smem:$0x3FA2] =	sst s3  }
0xc: {  	[smem:$0x3FA3] =	sst s4  }
0xd: {  	[smem:$0x3FA4] =	sst s5  }
0xe: {  	[smem:$0x3FA5] =	sst s6  }
0xf: {  	[smem:$0x3FA6] =	sst s7  }
0x10: {  	[smem:$0x3FA7] =	sst s8  }
0x11: {  	[smem:$0x3FA8] =	sst s9;
	s0 =	simm.s32 @!p0 $0x0  }
0x12: {  	s1 =	sld [smem:$0x3F8E];
	s0 =	simm.s32 @p0 $0x1  }
0x13: {  	[smem:$0x3FA9] =	sst s0;
	s0 =	simm.s32 @!p1 $0x0  }
0x14: {  	s2 =	sld [smem:$0x3F8D];
	s0 =	simm.s32 @p1 $0x1  }
0x15: {  	[smem:$0x3FAA] =	sst s0;
	s0 =	simm.s32 @!p2 $0x0  }
0x16: {  	s3 =	sld [smem:$0x3FDB];
	s0 =	simm.s32 @p2 $0x1  }
0x17: {  	s4 =	simm.s32 $0x1BF5;
	[smem:$0x3FAC] =	sst s0  }
0x18: {  	s0 =	sld [smem:$0x3F8F];
	_ =	swait.ge [sflag:s4], $0x0  }
0x19: {  	s7 =	sld [smem:$0x3F90]  }
0x1a: {  	s8 =	sadd.s32 $0xFFFFE003, lr  }
0x1b: {  	s9 =	sadd.s32 $0xFFFFFEF7, lr;
	s5 =	simm.s32 $0xFFFFFFFF;
	p2 =	slt.u32 s8, $0xFFFFF086  }
0x1c: {  	p1 =	slt.u32 s9, $0xF7A;
	s5 =	simm.s32 @!p2 $0x0  }
0x1d: {  	s5 =	simm.s32 @p1 $0x1;
	p0 =	seq.s32 s7, s2  }
0x1e: {  	s7 =	smul.u32 @!p0 $0xF7A, s2;
	p2 =	seq.s32 @!p0 s5, $0x0  }
0x1f: {  	s9 =	smul.u32 $0xF7A, s1;
	s8 =	simm.s32 @!p0 $0x1BF5;
	p2 =	por !p2, p0  }
0x20: {  	[sflag:s8] =	ssyncset.s32 @!p0 $0xFFFFF086;
	s6 =	sadd.s32 @!p0 s3, s7;
	s7 =	simm.s32 @!p0 $0x108  }
0x21: {  	s3 =	sadd.s32 s3, s9;
	s6 =	sadd.s32 @!p0 $0x88, s6;
	s7 =	simm.s32 @p2 $0x1082  }
0x22: {  	[simem:s7], [sflag:s8] =	dma.local @!p0 [hbm:s6], $0xF7A  }
0x23: {  	s9 =	sor.u32 $0xD0000000, s2;
	s6 =	simm.s32 $0x108;
	_ =	swait.ge @!p0 [sflag:s8], $0x0  }
0x24: {  	s3 =	sadd.s32 $0x88, s3;
	s6 =	simm.s32 @!p1 $0x1082;
	[sflag:s4] =	ssyncset.s32 $0xFFFFF086  }
0x25: {  	[simem:s6], [sflag:s4] =	dma.local [hbm:s3], $0xF7A  }
0x26: {  	[smem:$0x3F90] =	sst s1;
	(tag) =	ssettag s2;
	_ =	strace s9  }
0x27: {  	s1 =	sld [smem:$0x3FA0]  }
0x28: {  	s2 =	sld [smem:$0x3FA1]  }
0x29: {  	s4 =	sld [smem:$0x3FA3]  }
0x2a: {  	p0 =	seq.s32 s5, $0x0;
	s5 =	sld [smem:$0x3FA4]  }
0x2b: {  	s6 =	sld [smem:$0x3FA5]  }
0x2c: {  	s7 =	sld [smem:$0x3FA6]  }
0x2d: {  	s3 =	simm.s32 $0x108;
	s8 =	sld [smem:$0x3FA7]  }
0x2e: {  	s3 =	simm.s32 @!p0 $0x1082;
	s9 =	sld [smem:$0x3FA8]  }
0x2f: {  	lr =	sadd.s32 s0, s3;
	s0 =	sld [smem:$0x3F9F]  }
0x30: {  	s3 =	sld [smem:$0x3FA2]  }
0x31: {  	[smem:$0x3FAB] =	sst s10  }
0x32: {  	s10 =	sld [smem:$0x3FA9];
	_ =	sdelay $0x3  }
0x33: {  	p0 =	seq.s32 s10, $0x1;
	s10 =	sld [smem:$0x3FAB];
	_ =	sdelay $0x3  }
0x34: {  	[smem:$0x3FAB] =	sst s10  }
0x35: {  	s10 =	sld [smem:$0x3FAA];
	_ =	sdelay $0x3  }
0x36: {  	p1 =	seq.s32 s10, $0x1;
	s10 =	sld [smem:$0x3FAB];
	_ =	sdelay $0x3  }
0x37: {  	[smem:$0x3FAB] =	sst s10  }
0x38: {  	s10 =	sld [smem:$0x3FAC]  }
0x39: {  	_ = 	snop;
	(pc) =	sbr.ind lr, $3  }
0x3a: {  	_ = 	snop  }
0x3b: {  	_ = 	snop  }
0x3c: {  	p2 =	seq.s32 s10, $0x1;
	s10 =	sld [smem:$0x3FAB]  }
0x3d: {  	_ =	shalt  }
0x3e: {  	_ =	shalt  }
0x3f: {  	_ =	shalt  }
0x40: {  	_ =	shalt  }
0x41: {  	_ =	shalt  }
0x42: {  	_ =	shalt  }
0x43: {  	_ =	shalt  }
0x44: {  	_ =	shalt  }
0x45: {  	_ =	shalt  }
0x46: {  	_ =	shalt  }
0x47: {  	_ =	shalt  }
0x48: {  	_ =	shalt  }
0x49: {  	_ =	shalt  }
0x4a: {  	_ =	shalt  }
0x4b: {  	_ =	shalt  }
0x4c: {  	_ =	shalt  }
0x4d: {  	_ =	shalt  }
0x4e: {  	_ =	shalt  }
0x4f: {  	_ =	shalt  }
0x50: {  	_ =	shalt  }
0x51: {  	_ =	shalt  }
0x52: {  	_ =	shalt  }
0x53: {  	_ =	shalt  }
0x54: {  	_ =	shalt  }
0x55: {  	_ =	shalt  }
0x56: {  	_ =	shalt  }
0x57: {  	_ =	shalt  }
0x58: {  	_ =	shalt  }
0x59: {  	_ =	shalt  }
0x5a: {  	_ =	shalt  }
0x5b: {  	_ =	shalt  }
0x5c: {  	_ =	shalt  }
0x5d: {  	_ =	shalt  }
0x5e: {  	_ =	shalt  }
0x5f: {  	_ =	shalt  }
0x60: {  	_ =	shalt  }
0x61: {  	_ =	shalt  }
0x62: {  	_ =	shalt  }
0x63: {  	_ =	shalt  }
0x64: {  	_ =	shalt  }
0x65: {  	_ =	shalt  }
0x66: {  	_ =	shalt  }
0x67: {  	_ =	shalt  }
0x68: {  	_ =	shalt  }
0x69: {  	_ =	shalt  }
0x6a: {  	_ =	shalt  }
0x6b: {  	_ =	shalt  }
0x6c: {  	_ =	shalt  }
0x6d: {  	_ =	shalt  }
0x6e: {  	_ =	shalt  }
0x6f: {  	_ =	shalt  }
0x70: {  	_ =	shalt  }
0x71: {  	_ =	shalt  }
0x72: {  	_ =	shalt  }
0x73: {  	_ =	shalt  }
0x74: {  	_ =	shalt  }
0x75: {  	_ =	shalt  }
0x76: {  	_ =	shalt  }
0x77: {  	_ =	shalt  }
0x78: {  	_ =	shalt  }
0x79: {  	_ =	shalt  }
0x7a: {  	_ =	shalt  }
0x7b: {  	_ =	shalt  }
0x7c: {  	_ =	shalt  }
0x7d: {  	_ =	shalt  }
0x7e: {  	_ =	shalt  }
0x7f: {  	_ =	shalt  }
0x80: {  	_ =	shalt  }
0x81: {  	_ =	shalt  }
0x82: {  	_ =	shalt  }
0x83: {  	_ =	shalt  }
0x84: {  	_ =	shalt  }
0x85: {  	_ =	shalt  }
0x86: {  	_ =	shalt  }
0x87: {  	_ =	shalt  }
.Lfunc_end0:
.L_simem_size_0:
called_computation.2_lowered:
.L_overlay_start_0:
0x88: {  	s2 =	sld [smem:$0x3FD9]  }
0x89: {  	s3 =	sld [smem:$0x3FFE];
	_ =	sdelay $0x1  }
0x8a: {  	s1 =	srdreg.scid  }
0x8b: {  	s0 =	sand.u32 $0x1, s1  }
0x8c: {  	s16 =	sshll.u32 s0, $0xA;
	s2 =	sadd.s32 s3, s2  }
0x8d: {  	s2 =	sadd.s32 s2, s16  }
0x8e: {  	[smem:$0x3FB7] =	sst s2  }
0x8f: {  	_ = 	snop  }
0x90: {  	(tm) =	ssettm $0x1  }
0x91: {  	s17 =	sld [smem:$0x3FFB];
	_ =	sdelay $0x3  }
0x92: {  	_ =	strace s17  }
0x93: {  	s2 =	sld [smem:$0x3FFC];
	_ =	sdelay $0x3  }
0x94: {  	_ =	strace s2  }
0x95: {  	s2 =	sld [smem:$0x3FFD];
	_ =	sdelay $0x3  }
0x96: {  	_ =	strace s2  }
0x97: {  	_ =	strace $0x8FFFFFFF  }
0x98: {  	s18 =	sld [smem:$0x3FDB];
	_ =	sdelay $0x1  }
0x99: {  	s19 =	simm.s32 $_scs_section_size  }
0x9a: {  	s4 =	simm.s32 $_size__tile_overlayer_lowered;
	s5 =	simm.s32 $_tile_overlayer_lowered  }
0x9b: {  	s22 =	simm.s32 $0x1BFF;
	s21 =	sshll.u32 s5, $0x1;
	s2 =	sadd.s32 s19, s18  }
0x9c: {  	s6 =	simm.s32 $0x0;
	s20 =	sshll.u32 s4, $0x1;
	s4 =	sadd.s32 s21, s2  }
0x9d: {  	[timem:s6], [sflag:s22] =	dma.local [hbm:s4], s20  }
0x9e: {  	_ =	swait.ge [sflag:s22], s20  }
0x9f: {  	s3 =	ssub.s32 $0x0, s20;
	[sflag:s22] =	ssyncset.done $0x0  }
0xa0: {  	[sflag:s22] =	ssyncadd.s32 s3;
	_ =	sdelay $0x1  }
0xa1: {  	s23 =	simm.s32 $0x1B8B  }
0xa2: {  	_ =	swait.ge [sflag:s23], $0x1  }
0xa3: {  	[sflag:s23] =	ssyncset.done $0x0  }
0xa4: {  	s25 =	simm.s32 $0x1B8E;
	s24 =	sld [smem:$0x3FFE];
	[sflag:s23] =	ssyncadd.s32 $0xFFFFFFFF  }
0xa5: {  	s26 =	simm.s32 $execute0_lowered;
	[smem:$0x3FD2] =	sst s25  }
0xa6: {  	s4 =	sshll.u32 s26, $0x1;
	_ =	strace $0x8000004C;
	[dreg:$0x1] =	wrdreg $0xFFFFFFFF  }
0xa7: {  	s28 =	simm.s32 $_size_execute0_lowered;
	s2 =	sadd.s32 s2, s4;
	[dreg:$0x0] =	wrdreg $0x0  }
0xa8: {  	s4 =	sshll.u32 s28, $0x1;
	[dreg:$0x2] =	wrdreg s2  }
0xa9: {  	[dreg:$0x3] =	wrdreg s4  }
0xaa: {  	[dreg:$0x4] =	wrdreg $0xC0  }
0xab: {  	_ =	task [dreg:s6], $0x5FFFF  }
0xac: {  	[dreg:$0x1] =	wrdreg $0xFFFFFFFF  }
0xad: {  	[dreg:$0x0] =	wrdreg $0x60  }
0xae: {  	[dreg:$0x2] =	wrdreg s24  }
0xaf: {  	[dreg:$0x3] =	wrdreg $0xA8000  }
0xb0: {  	[dreg:$0x4] =	wrdreg $0x9  }
0xb1: {  	_ =	task.clear_ibuf [dreg:s6], $0x5FFFF;
	_ =	strace $0x9000004C  }
0xb2: {  	s29 =	simm.s32 $0x9;
	_ =	strace $0x8000004E  }
0xb3: {  	_ =	swait.ge [sflag:s29], $0x1  }
0xb4: {  	[sflag:s29] =	ssyncadd.s32 $0xFFFFFFFF  }
0xb5: {  	_ =	strace $0x9000004E  }
0xb6: {  	_ =	sfence  }
0xb7: {  	s30 =	sld [smem:$0x0];
	_ =	sdelay $0x2  }
0xb8: {  	s31 =	sshll.u32 s1, $0xD;
	s1 =	sshrl.u32 s1, $0x2  }
0xb9: {  	s3 =	sand.u32 $0x4000, s31;
	s1 =	sadd.s32 s1, s30  }
0xba: {  	s0 =	sor.u32 s3, s0;
	s1 =	sshll.u32 s1, $0x11  }
0xbb: {  	s0 =	sor.u32 s1, s0  }
0xbc: {  	s0 =	sadd.s32 $0x8F2B, s0  }
0xbd: {  	[sflag:s0] =	ssyncadd.remote.s32 $0x1  }
0xbe: {  	_ =	sfence.sel $0xFFFF  }
0xbf: {  	[dreg:$0x0] =	wrdreg $0xFFFFFFFF;
	(pc) =	sbr.abs _section_cstart, $3  }
0xc0: {  	[dreg:$0x1] =	wrdreg $0xFFFFFFFF  }
0xc1: {  	_ =	task.clear_ibuf [dreg:s6], $0x2FFFF;
	_ =	strace $0x9FFFFFFF  }
0xc2: {  	(tm) =	ssettm $0x7FFFFFFF  }
0xc3: {  	_ =	shalt  }
tec
execute0_lowered:
.L_overlay_start_1:
0x0: {  	(tag) =	ssettag $0x1  }
0x1: {  	s6 =	rddreg [dreg:$0x0]  }
0x2: {  	s1 =	rddreg [dreg:$0x1]  }
0x3: {  	s0 =	rddreg [dreg:$0x2];
	s3 =	simm.s32 $0x0;
	s2 =	srdreg.scid  }
0x4: {  	s16 =	simm.s32 $0x1400;
	s17 =	simm.s32 $0x80;
	s18 =	simm.s32 $0x2800  }
0x5: {  	s19 =	simm.s32 $0x6800;
	s20 =	simm.s32 $0x3;
	s21 =	simm.s32 $0x1  }
0x6: {  	s22 =	simm.s32 $0x2;
	s23 =	simm.s32 $0x2700;
	s24 =	simm.s32 $0x2780  }
0x7: {  	s25 =	simm.s32 $0x0;
	[smem:$0x7FF] =	sst s3;
	s7 =	sand.u32 $0x1, s2  }
0x8: {  	s2 =	stileid.u32;
	s4 =	sadd.s32 $0x18200, s6;
	s10 =	sadd.s32 $0xE200, s6  }
0x9: {  	s11 =	sadd.s32 $0x4200, s6;
	s5 =	sadd.s32 $0x3F400, s6;
	s8 =	smul.u32 $0x13C000, s7  }
0xa: {  	s9 =	smul.u32 $0x13C00, s2;
	s26 =	sshll.u32 s7, $0x4;
	s7 =	ssub.s32 $0x2, s7  }
0xb: {  	_ =	strace $0x8000004D;
	s12 =	smul.u32 $0x4F000, s2;
	s13 =	sshrl.u32 s7, $0x1  }
0xc: {  	s8 =	sadd.s32 s9, s8;
	s9 =	sor.u32 s2, s26;
	s13 =	ssub.s32 s7, s13  }
0xd: {  	s28 =	sshrl.u32 s12, $0x2;
	s8 =	sshrl.u32 s8, $0x3;
	s14 =	smul.u32 $0x2800, s9  }
0xe: {  	s9 =	smul.u32 $0x500, s9;
	s30 =	sadd.s32 s28, s1;
	s13 =	smax.u32 s13, $0x1  }
0xf: {  	s15 =	sadd.s32 s8, s6;
	s6 =	sshll.u32 s2, $0x6;
	s29 =	sshrl.u32 s14, $0x3  }
0x10: {  	s7 =	sor.u32 $0x1C03, s6;
	s8 =	sadd.s32 s10, s9;
	s9 =	sadd.s32 s11, s9  }
0x11: {  	s12 =	sadd.s32 $0x41C00, s15;
	s14 =	sshrl.u32 s30, $0x3;
	s31 =	sadd.s32 $0x280, s29  }
0x12: {  	s15 =	simm.s32 $0x4;
	s10 =	sadd.s32 s10, s31;
	s11 =	sadd.s32 s11, s31  }
.LBB2_1:
0x13: {  	[spmem:s14], [sflag:s7] =	dma.local [hbm:s5], $0x2780  }
0x14: {  	[tilespmem:s3], [sflag:$0x4] =	stream.linear.gather [hbm4b:s8+s3], $0x1400, $0x38;
	[tilespmem:$0x1E400] =	vst v63  }
0x15: {  	_ =	swait.ge [sflag:s15], $0x1400  }
0x16: {  	[sflag:s15] =	ssyncset.done $0x0  }
0x17: {  	[sflag:s15] =	ssyncadd.s32 $0xFFFFEC00  }
0x18: {  	[tilespmem:s16], [sflag:$0x4] =	stream.linear.gather [hbm4b:s9+s3], $0x1400, $0x38;
	[tilespmem:$0x1E400] =	vst v63  }
0x19: {  	_ =	swait.ge [sflag:s15], $0x1400  }
0x1a: {  	[sflag:s15] =	ssyncset.done $0x0  }
0x1b: {  	[sflag:s15] =	ssyncadd.s32 $0xFFFFEC00  }
0x1c: {  	[tilespmem:s18], [sflag:$0x1] =	stream.indirect.gather [hbm4b:s4+s17], $0x80, s3, s17, $0xb8;
	[tilespmem:$0x1E400] =	vst v63  }
0x1d: {  	_ = 	snop  }
0x1e: {  	[tilespmem:s19], [sflag:$0x2] =	stream.indirect.gather [hbm4b:s4+s17], $0x80, s17, s17, $0xb8;
	[tilespmem:$0x1E400] =	vst v63  }
0x1f: {  	_ =	swait.ge [sflag:s20], $0x2780  }
0x20: {  	[sflag:s20] =	ssyncset.done $0x0  }
0x21: {  	[sflag:s20] =	ssyncadd.s32 $0xFFFFD880  }
0x22: {  	[bflag:$0x0] =	sbarrier.arrive $0xFFFF  }
0x23: {  	_ =	swait.ge [sflag:s21], $0x4000  }
0x24: {  	[sflag:s21] =	ssyncset.done $0x0  }
0x25: {  	s26 =	simm.s32 $0x1400;
	[sflag:s21] =	ssyncadd.s32 $0xFFFFC000  }
0x26: {  	[spmem:s1] =	stream.indirect.scatter.add.f32 [tilespmem:s18], [sflag:$0x4], $0x80, s26, s17, $0xb8;
	[tilespmem:$0x1E400] =	vst v63  }
0x27: {  	_ =	swait.ge [sflag:s15], $0x4000  }
0x28: {  	[sflag:s15] =	ssyncset.done $0x0  }
0x29: {  	s30 =	simm.s32 $0x100;
	[sflag:s15] =	ssyncadd.s32 $0xFFFFC000  }
0x2a: {  	[tilespmem:s18], [sflag:$0x1] =	stream.indirect.gather [hbm4b:s4+s17], $0x80, s30, s17, $0xb8;
	[tilespmem:$0x1E400] =	vst v63  }
0x2b: {  	_ =	swait.ge [sflag:s22], $0x4000  }
0x2c: {  	[sflag:s22] =	ssyncset.done $0x0  }
0x2d: {  	s31 =	simm.s32 $0x1480;
	[sflag:s22] =	ssyncadd.s32 $0xFFFFC000  }
0x2e: {  	[spmem:s1] =	stream.indirect.scatter.add.f32 [tilespmem:s19], [sflag:$0x4], $0x80, s31, s17, $0xb8;
	[tilespmem:$0x1E400] =	vst v63  }
0x2f: {  	_ =	swait.ge [sflag:s15], $0x4000  }
0x30: {  	[sflag:s15] =	ssyncset.done $0x0  }
0x31: {  	s28 =	simm.s32 $0x180;
	s26 =	simm.s32 $0x400;
	[sflag:s15] =	ssyncadd.s32 $0xFFFFC000  }
.LBB2_2:
0x32: {  	[tilespmem:s19], [sflag:$0x2] =	stream.indirect.gather [hbm4b:s4+s17], $0x80, s28, s17, $0xb8;
	[tilespmem:$0x1E400] =	vst v63  }
0x33: {  	s28 =	smov.u32 s26  }
0x34: {  	p0 =	sne.s32 s26, $0x4800;
	s26 =	sadd.s32 $0x400, s26;
	_ =	swait.ge [sflag:s21], $0x4000  }
0x35: {  	s28 =	sshra.s32 s28, $0x2;
	[sflag:s21] =	ssyncset.done $0x0  }
0x36: {  	s29 =	sadd.s32 $0x1400, s28;
	[sflag:s21] =	ssyncadd.s32 $0xFFFFC000  }
0x37: {  	[spmem:s1] =	stream.indirect.scatter.add.f32 [tilespmem:s18], [sflag:$0x4], $0x80, s29, s17, $0xb8;
	[tilespmem:$0x1E400] =	vst v63  }
0x38: {  	_ =	swait.ge [sflag:s15], $0x4000  }
0x39: {  	[sflag:s15] =	ssyncset.done $0x0  }
0x3a: {  	s29 =	sadd.s32 $0x100, s28;
	[sflag:s15] =	ssyncadd.s32 $0xFFFFC000  }
0x3b: {  	[tilespmem:s18], [sflag:$0x1] =	stream.indirect.gather [hbm4b:s4+s17], $0x80, s29, s17, $0xb8;
	[tilespmem:$0x1E400] =	vst v63  }
0x3c: {  	_ =	swait.ge [sflag:s22], $0x4000  }
0x3d: {  	[sflag:s22] =	ssyncset.done $0x0  }
.Ltmp0:
0x3e: {  	s29 =	sadd.s32 $0x1480, s28;
	[sflag:s22] =	ssyncadd.s32 $0xFFFFC000;
	(pc) =	sbr.rel @p0 .LBB2_2-.Ltmp0, $4  }
0x3f: {  	[spmem:s1] =	stream.indirect.scatter.add.f32 [tilespmem:s19], [sflag:$0x4], $0x80, s29, s17, $0xb8;
	[tilespmem:$0x1E400] =	vst v63  }
0x40: {  	_ =	swait.ge [sflag:s15], $0x4000  }
0x41: {  	[sflag:s15] =	ssyncset.done $0x0  }
0x42: {  	s28 =	sadd.s32 $0x180, s28;
	[sflag:s15] =	ssyncadd.s32 $0xFFFFC000  }
0x43: {  	[tilespmem:s19], [sflag:$0x2] =	stream.indirect.gather [hbm4b:s4+s17], $0x80, s28, s17, $0xb8;
	[tilespmem:$0x1E400] =	vst v63  }
0x44: {  	_ =	swait.ge [sflag:s21], $0x4000  }
0x45: {  	[sflag:s21] =	ssyncset.done $0x0  }
0x46: {  	[sflag:s21] =	ssyncadd.s32 $0xFFFFC000  }
0x47: {  	[spmem:s1] =	stream.indirect.scatter.add.f32 [tilespmem:s18], [sflag:$0x4], $0x80, s23, s17, $0xb8;
	[tilespmem:$0x1E400] =	vst v63  }
0x48: {  	_ =	swait.ge [sflag:s15], $0x4000  }
0x49: {  	[sflag:s15] =	ssyncset.done $0x0  }
0x4a: {  	[sflag:s15] =	ssyncadd.s32 $0xFFFFC000  }
0x4b: {  	_ =	swait.ge [sflag:s22], $0x4000  }
0x4c: {  	[sflag:s22] =	ssyncset.done $0x0  }
0x4d: {  	[sflag:s22] =	ssyncadd.s32 $0xFFFFC000  }
0x4e: {  	[spmem:s1] =	stream.indirect.scatter.add.f32 [tilespmem:s19], [sflag:$0x4], $0x80, s24, s17, $0xb8;
	[tilespmem:$0x1E400] =	vst v63  }
0x4f: {  	_ =	swait.ge [sflag:s15], $0x4000  }
0x50: {  	[sflag:s15] =	ssyncset.done $0x0  }
0x51: {  	s26 =	simm.s32 $0x0;
	[sflag:s15] =	ssyncadd.s32 $0xFFFFC000  }
0x52: {  	[tilespmem:s26], [sflag:$0x4] =	stream.linear.gather [hbm4b:s10+s26], $0x1400, $0x38;
	[tilespmem:$0x1E400] =	vst v63  }
0x53: {  	_ =	swait.ge [sflag:s15], $0x1400  }
0x54: {  	[sflag:s15] =	ssyncset.done $0x0  }
0x55: {  	[sflag:s15] =	ssyncadd.s32 $0xFFFFEC00  }
0x56: {  	[tilespmem:s16], [sflag:$0x4] =	stream.linear.gather [hbm4b:s11+s26], $0x1400, $0x38;
	[tilespmem:$0x1E400] =	vst v63  }
0x57: {  	_ =	swait.ge [sflag:s15], $0x1400  }
0x58: {  	[sflag:s15] =	ssyncset.done $0x0  }
0x59: {  	[sflag:s15] =	ssyncadd.s32 $0xFFFFEC00  }
0x5a: {  	[tilespmem:s18], [sflag:$0x1] =	stream.indirect.gather [hbm4b:s4+s17], $0x80, s26, s17, $0xb8;
	[tilespmem:$0x1E400] =	vst v63  }
0x5b: {  	_ = 	snop  }
0x5c: {  	[tilespmem:s19], [sflag:$0x2] =	stream.indirect.gather [hbm4b:s4+s17], $0x80, s17, s17, $0xb8;
	[tilespmem:$0x1E400] =	vst v63  }
0x5d: {  	_ =	swait.ge [sflag:s21], $0x4000  }
0x5e: {  	[sflag:s21] =	ssyncset.done $0x0  }
0x5f: {  	s29 =	simm.s32 $0x1400;
	[sflag:s21] =	ssyncadd.s32 $0xFFFFC000  }
0x60: {  	[spmem:s1] =	stream.indirect.scatter.add.f32 [tilespmem:s18], [sflag:$0x4], $0x80, s29, s17, $0xb8;
	[tilespmem:$0x1E400] =	vst v63  }
0x61: {  	_ =	swait.ge [sflag:s15], $0x4000  }
0x62: {  	[sflag:s15] =	ssyncset.done $0x0  }
0x63: {  	s30 =	simm.s32 $0x100;
	[sflag:s15] =	ssyncadd.s32 $0xFFFFC000  }
0x64: {  	[tilespmem:s18], [sflag:$0x1] =	stream.indirect.gather [hbm4b:s4+s17], $0x80, s30, s17, $0xb8;
	[tilespmem:$0x1E400] =	vst v63  }
0x65: {  	_ =	swait.ge [sflag:s22], $0x4000  }
0x66: {  	[sflag:s22] =	ssyncset.done $0x0  }
0x67: {  	s31 =	simm.s32 $0x1480;
	[sflag:s22] =	ssyncadd.s32 $0xFFFFC000  }
0x68: {  	[spmem:s1] =	stream.indirect.scatter.add.f32 [tilespmem:s19], [sflag:$0x4], $0x80, s31, s17, $0xb8;
	[tilespmem:$0x1E400] =	vst v63  }
0x69: {  	_ =	swait.ge [sflag:s15], $0x4000  }
0x6a: {  	[sflag:s15] =	ssyncset.done $0x0  }
0x6b: {  	s28 =	simm.s32 $0x180;
	s26 =	simm.s32 $0x400;
	[sflag:s15] =	ssyncadd.s32 $0xFFFFC000  }
.LBB2_4:
0x6c: {  	[tilespmem:s19], [sflag:$0x2] =	stream.indirect.gather [hbm4b:s4+s17], $0x80, s28, s17, $0xb8;
	[tilespmem:$0x1E400] =	vst v63  }
0x6d: {  	s28 =	smov.u32 s26  }
0x6e: {  	p0 =	sne.s32 s26, $0x4800;
	s26 =	sadd.s32 $0x400, s26;
	_ =	swait.ge [sflag:s21], $0x4000  }
0x6f: {  	s28 =	sshra.s32 s28, $0x2;
	[sflag:s21] =	ssyncset.done $0x0  }
0x70: {  	s29 =	sadd.s32 $0x1400, s28;
	[sflag:s21] =	ssyncadd.s32 $0xFFFFC000  }
0x71: {  	[spmem:s1] =	stream.indirect.scatter.add.f32 [tilespmem:s18], [sflag:$0x4], $0x80, s29, s17, $0xb8;
	[tilespmem:$0x1E400] =	vst v63  }
0x72: {  	_ =	swait.ge [sflag:s15], $0x4000  }
0x73: {  	[sflag:s15] =	ssyncset.done $0x0  }
0x74: {  	s29 =	sadd.s32 $0x100, s28;
	[sflag:s15] =	ssyncadd.s32 $0xFFFFC000  }
0x75: {  	[tilespmem:s18], [sflag:$0x1] =	stream.indirect.gather [hbm4b:s4+s17], $0x80, s29, s17, $0xb8;
	[tilespmem:$0x1E400] =	vst v63  }
0x76: {  	_ =	swait.ge [sflag:s22], $0x4000  }
0x77: {  	[sflag:s22] =	ssyncset.done $0x0  }
.Ltmp1:
0x78: {  	s29 =	sadd.s32 $0x1480, s28;
	[sflag:s22] =	ssyncadd.s32 $0xFFFFC000;
	(pc) =	sbr.rel @p0 .LBB2_4-.Ltmp1, $4  }
0x79: {  	[spmem:s1] =	stream.indirect.scatter.add.f32 [tilespmem:s19], [sflag:$0x4], $0x80, s29, s17, $0xb8;
	[tilespmem:$0x1E400] =	vst v63  }
0x7a: {  	_ =	swait.ge [sflag:s15], $0x4000  }
0x7b: {  	[sflag:s15] =	ssyncset.done $0x0  }
0x7c: {  	s28 =	sadd.s32 $0x180, s28;
	[sflag:s15] =	ssyncadd.s32 $0xFFFFC000  }
0x7d: {  	[tilespmem:s19], [sflag:$0x2] =	stream.indirect.gather [hbm4b:s4+s17], $0x80, s28, s17, $0xb8;
	[tilespmem:$0x1E400] =	vst v63  }
0x7e: {  	_ =	swait.ge [sflag:s21], $0x4000  }
0x7f: {  	[sflag:s21] =	ssyncset.done $0x0  }
0x80: {  	[sflag:s21] =	ssyncadd.s32 $0xFFFFC000  }
0x81: {  	[spmem:s1] =	stream.indirect.scatter.add.f32 [tilespmem:s18], [sflag:$0x4], $0x80, s23, s17, $0xb8;
	[tilespmem:$0x1E400] =	vst v63  }
0x82: {  	_ =	swait.ge [sflag:s15], $0x4000  }
0x83: {  	[sflag:s15] =	ssyncset.done $0x0  }
0x84: {  	[sflag:s15] =	ssyncadd.s32 $0xFFFFC000  }
0x85: {  	_ =	swait.ge [sflag:s22], $0x4000  }
0x86: {  	[sflag:s22] =	ssyncset.done $0x0  }
0x87: {  	[sflag:s22] =	ssyncadd.s32 $0xFFFFC000  }
0x88: {  	[spmem:s1] =	stream.indirect.scatter.add.f32 [tilespmem:s19], [sflag:$0x4], $0x80, s24, s17, $0xb8;
	[tilespmem:$0x1E400] =	vst v63  }
0x89: {  	_ =	swait.ge [sflag:s15], $0x4000  }
0x8a: {  	s25 =	sadd.s32 $0x1, s25;
	[sflag:s15] =	ssyncset.done $0x0  }
0x8b: {  	p0 =	sne.s32 s25, s13;
	[sflag:s15] =	ssyncadd.s32 $0xFFFFC000  }
.Ltmp2:
0x8c: {  	s26 =	sor.u32 $0x1C04, s6;
	[bflag:$0x0] =	sbarrier.arrive $0xFFFF;
	(pc) =	sbr.rel @p0 .LBB2_1-.Ltmp2, $4  }
0x8d: {  	[hbm:s12], [sflag:s26] =	dma.local [spmem:s14], $0x2780  }
0x8e: {  	_ =	swait.ge [sflag:s15], $0x2780  }
0x8f: {  	[sflag:s15] =	ssyncset.done $0x0  }
0x90: {  	[sflag:s15] =	ssyncadd.s32 $0xFFFFD880  }
0x91: {  	_ =	sfence.sel $0x180000  }
0x92: {  	[bflag:$0x0] =	sbarrier.arrive $0xFFFF  }
0x93: {  	p0 =	sne.s32 s2, $0x0;
	_ =	strace $0x9000004D  }
0x94: {  	s0 =	sadd.s32 @!p0 $0x100000, s0;
	[bflag:$0x2] =	sbarrier.arrive $0xFFFF  }
0x95: {  	[sflag:s0] =	ssyncadd.tile.s32 @!p0 $0x1;
	_ =	shalt  }
.Lfunc_end2:
_tile_overlayer_lowered:
.L_overlay_start_2:
0x96: {  	(tag) =	ssettag $0x2  }
0x97: {  	s0 =	rddreg [dreg:$0x0];
	s2 =	stileid.u32  }
0x98: {  	s1 =	rddreg [dreg:$0x1];
	p0 =	sne.s32 s2, $0x0  }
0x99: {  	s3 =	rddreg [dreg:$0x2];
	[bflag:$0x3] =	sbarrier.arrive $0xFFFF;
	s2 =	simm.s32 @!p0 $0x1C04  }
0x9a: {  	[timem:s3], [sflag:s2] =	dma.local @!p0 [hbm:s0], s1  }
0x9b: {  	s0 =	simm.s32 @!p0 $0x4  }
0x9c: {  	_ =	swait.ge @!p0 [sflag:s0], s1  }
0x9d: {  	s1 =	ssub.s32 @!p0 $0x0, s1;
	[sflag:s0] =	ssyncset.done @!p0 $0x0  }
0x9e: {  	[sflag:s0] =	ssyncadd.s32 @!p0 s1  }
0x9f: {  	[bflag:$0x3] =	sbarrier.arrive $0xFFFF  }
0xa0: {  	_ =	shalt  }

// kernel: kernel.19.cloned.1.call-start
scs
__scs_entry_jumppad:
0x0: {  	(pc) =	sbr.rel $0x88, $3  }
0x1: {  	(tag) =	ssettag $0x0;
	lr =	simm.s32 $0x1  }
0x2: {  	[smem:$0x3F90] =	sst lr;
	_ =	strace $0xD0000000  }
0x3: {  	_ = 	snop  }
0x4: {  	_ = 	snop  }
0x5: {  	_ = 	snop  }
0x6: {  	_ = 	snop  }
0x7: {  	_ = 	snop  }
__scs_overlays_trampoline_lowered:
0x8: {  	[smem:$0x3F9F] =	sst s0  }
0x9: {  	[smem:$0x3FA0] =	sst s1  }
0xa: {  	[smem:$0x3FA1] =	sst s2  }
0xb: {  	[smem:$0x3FA2] =	sst s3  }
0xc: {  	[smem:$0x3FA3] =	sst s4  }
0xd: {  	[smem:$0x3FA4] =	sst s5  }
0xe: {  	[smem:$0x3FA5] =	sst s6  }
0xf: {  	[smem:$0x3FA6] =	sst s7  }
0x10: {  	[smem:$0x3FA7] =	sst s8  }
0x11: {  	[smem:$0x3FA8] =	sst s9;
	s0 =	simm.s32 @!p0 $0x0  }
0x12: {  	s1 =	sld [smem:$0x3F8E];
	s0 =	simm.s32 @p0 $0x1  }
0x13: {  	[smem:$0x3FA9] =	sst s0;
	s0 =	simm.s32 @!p1 $0x0  }
0x14: {  	s2 =	sld [smem:$0x3F8D];
	s0 =	simm.s32 @p1 $0x1  }
0x15: {  	[smem:$0x3FAA] =	sst s0;
	s0 =	simm.s32 @!p2 $0x0  }
0x16: {  	s3 =	sld [smem:$0x3FDB];
	s0 =	simm.s32 @p2 $0x1  }
0x17: {  	s4 =	simm.s32 $0x1BF5;
	[smem:$0x3FAC] =	sst s0  }
0x18: {  	s0 =	sld [smem:$0x3F8F];
	_ =	swait.ge [sflag:s4], $0x0  }
0x19: {  	s7 =	sld [smem:$0x3F90]  }
0x1a: {  	s8 =	sadd.s32 $0xFFFFE003, lr  }
0x1b: {  	s9 =	sadd.s32 $0xFFFFFEF7, lr;
	s5 =	simm.s32 $0xFFFFFFFF;
	p2 =	slt.u32 s8, $0xFFFFF086  }
0x1c: {  	p1 =	slt.u32 s9, $0xF7A;
	s5 =	simm.s32 @!p2 $0x0  }
0x1d: {  	s5 =	simm.s32 @p1 $0x1;
	p0 =	seq.s32 s7, s2  }
0x1e: {  	s7 =	smul.u32 @!p0 $0xF7A, s2;
	p2 =	seq.s32 @!p0 s5, $0x0  }
0x1f: {  	s9 =	smul.u32 $0xF7A, s1;
	s8 =	simm.s32 @!p0 $0x1BF5;
	p2 =	por !p2, p0  }
0x20: {  	[sflag:s8] =	ssyncset.s32 @!p0 $0xFFFFF086;
	s6 =	sadd.s32 @!p0 s3, s7;
	s7 =	simm.s32 @!p0 $0x108  }
0x21: {  	s3 =	sadd.s32 s3, s9;
	s6 =	sadd.s32 @!p0 $0x88, s6;
	s7 =	simm.s32 @p2 $0x1082  }
0x22: {  	[simem:s7], [sflag:s8] =	dma.local @!p0 [hbm:s6], $0xF7A  }
0x23: {  	s9 =	sor.u32 $0xD0000000, s2;
	s6 =	simm.s32 $0x108;
	_ =	swait.ge @!p0 [sflag:s8], $0x0  }
0x24: {  	s3 =	sadd.s32 $0x88, s3;
	s6 =	simm.s32 @!p1 $0x1082;
	[sflag:s4] =	ssyncset.s32 $0xFFFFF086  }
0x25: {  	[simem:s6], [sflag:s4] =	dma.local [hbm:s3], $0xF7A  }
0x26: {  	[smem:$0x3F90] =	sst s1;
	(tag) =	ssettag s2;
	_ =	strace s9  }
0x27: {  	s1 =	sld [smem:$0x3FA0]  }
0x28: {  	s2 =	sld [smem:$0x3FA1]  }
0x29: {  	s4 =	sld [smem:$0x3FA3]  }
0x2a: {  	p0 =	seq.s32 s5, $0x0;
	s5 =	sld [smem:$0x3FA4]  }
0x2b: {  	s6 =	sld [smem:$0x3FA5]  }
0x2c: {  	s7 =	sld [smem:$0x3FA6]  }
0x2d: {  	s3 =	simm.s32 $0x108;
	s8 =	sld [smem:$0x3FA7]  }
0x2e: {  	s3 =	simm.s32 @!p0 $0x1082;
	s9 =	sld [smem:$0x3FA8]  }
0x2f: {  	lr =	sadd.s32 s0, s3;
	s0 =	sld [smem:$0x3F9F]  }
0x30: {  	s3 =	sld [smem:$0x3FA2]  }
0x31: {  	[smem:$0x3FAB] =	sst s10  }
0x32: {  	s10 =	sld [smem:$0x3FA9];
	_ =	sdelay $0x3  }
0x33: {  	p0 =	seq.s32 s10, $0x1;
	s10 =	sld [smem:$0x3FAB];
	_ =	sdelay $0x3  }
0x34: {  	[smem:$0x3FAB] =	sst s10  }
0x35: {  	s10 =	sld [smem:$0x3FAA];
	_ =	sdelay $0x3  }
0x36: {  	p1 =	seq.s32 s10, $0x1;
	s10 =	sld [smem:$0x3FAB];
	_ =	sdelay $0x3  }
0x37: {  	[smem:$0x3FAB] =	sst s10  }
0x38: {  	s10 =	sld [smem:$0x3FAC]  }
0x39: {  	_ = 	snop;
	(pc) =	sbr.ind lr, $3  }
0x3a: {  	_ = 	snop  }
0x3b: {  	_ = 	snop  }
0x3c: {  	p2 =	seq.s32 s10, $0x1;
	s10 =	sld [smem:$0x3FAB]  }
0x3d: {  	_ =	shalt  }
0x3e: {  	_ =	shalt  }
0x3f: {  	_ =	shalt  }
0x40: {  	_ =	shalt  }
0x41: {  	_ =	shalt  }
0x42: {  	_ =	shalt  }
0x43: {  	_ =	shalt  }
0x44: {  	_ =	shalt  }
0x45: {  	_ =	shalt  }
0x46: {  	_ =	shalt  }
0x47: {  	_ =	shalt  }
0x48: {  	_ =	shalt  }
0x49: {  	_ =	shalt  }
0x4a: {  	_ =	shalt  }
0x4b: {  	_ =	shalt  }
0x4c: {  	_ =	shalt  }
0x4d: {  	_ =	shalt  }
0x4e: {  	_ =	shalt  }
0x4f: {  	_ =	shalt  }
0x50: {  	_ =	shalt  }
0x51: {  	_ =	shalt  }
0x52: {  	_ =	shalt  }
0x53: {  	_ =	shalt  }
0x54: {  	_ =	shalt  }
0x55: {  	_ =	shalt  }
0x56: {  	_ =	shalt  }
0x57: {  	_ =	shalt  }
0x58: {  	_ =	shalt  }
0x59: {  	_ =	shalt  }
0x5a: {  	_ =	shalt  }
0x5b: {  	_ =	shalt  }
0x5c: {  	_ =	shalt  }
0x5d: {  	_ =	shalt  }
0x5e: {  	_ =	shalt  }
0x5f: {  	_ =	shalt  }
0x60: {  	_ =	shalt  }
0x61: {  	_ =	shalt  }
0x62: {  	_ =	shalt  }
0x63: {  	_ =	shalt  }
0x64: {  	_ =	shalt  }
0x65: {  	_ =	shalt  }
0x66: {  	_ =	shalt  }
0x67: {  	_ =	shalt  }
0x68: {  	_ =	shalt  }
0x69: {  	_ =	shalt  }
0x6a: {  	_ =	shalt  }
0x6b: {  	_ =	shalt  }
0x6c: {  	_ =	shalt  }
0x6d: {  	_ =	shalt  }
0x6e: {  	_ =	shalt  }
0x6f: {  	_ =	shalt  }
0x70: {  	_ =	shalt  }
0x71: {  	_ =	shalt  }
0x72: {  	_ =	shalt  }
0x73: {  	_ =	shalt  }
0x74: {  	_ =	shalt  }
0x75: {  	_ =	shalt  }
0x76: {  	_ =	shalt  }
0x77: {  	_ =	shalt  }
0x78: {  	_ =	shalt  }
0x79: {  	_ =	shalt  }
0x7a: {  	_ =	shalt  }
0x7b: {  	_ =	shalt  }
0x7c: {  	_ =	shalt  }
0x7d: {  	_ =	shalt  }
0x7e: {  	_ =	shalt  }
0x7f: {  	_ =	shalt  }
0x80: {  	_ =	shalt  }
0x81: {  	_ =	shalt  }
0x82: {  	_ =	shalt  }
0x83: {  	_ =	shalt  }
0x84: {  	_ =	shalt  }
0x85: {  	_ =	shalt  }
0x86: {  	_ =	shalt  }
0x87: {  	_ =	shalt  }
.Lfunc_end0:
.L_simem_size_0:
called_computation.3_lowered:
.L_overlay_start_0:
0x88: {  	s2 =	sld [smem:$0x3FD9]  }
0x89: {  	s3 =	sld [smem:$0x3FFE];
	_ =	sdelay $0x1  }
0x8a: {  	s1 =	srdreg.scid  }
0x8b: {  	s0 =	sand.u32 $0x1, s1  }
0x8c: {  	s16 =	sshll.u32 s0, $0xA;
	s2 =	sadd.s32 s3, s2  }
0x8d: {  	s2 =	sadd.s32 s2, s16  }
0x8e: {  	[smem:$0x3FB7] =	sst s2  }
0x8f: {  	_ = 	snop  }
0x90: {  	(tm) =	ssettm $0x1  }
0x91: {  	s17 =	sld [smem:$0x3FFB];
	_ =	sdelay $0x3  }
0x92: {  	_ =	strace s17  }
0x93: {  	s2 =	sld [smem:$0x3FFC];
	_ =	sdelay $0x3  }
0x94: {  	_ =	strace s2  }
0x95: {  	s2 =	sld [smem:$0x3FFD];
	_ =	sdelay $0x3  }
0x96: {  	_ =	strace s2  }
0x97: {  	_ =	strace $0x8FFFFFFF  }
0x98: {  	s18 =	sld [smem:$0x3FDB];
	_ =	sdelay $0x1  }
0x99: {  	s19 =	simm.s32 $_scs_section_size  }
0x9a: {  	s4 =	simm.s32 $_size__tile_overlayer_lowered;
	s5 =	simm.s32 $_tile_overlayer_lowered  }
0x9b: {  	s22 =	simm.s32 $0x1BFF;
	s21 =	sshll.u32 s5, $0x1;
	s2 =	sadd.s32 s19, s18  }
0x9c: {  	s6 =	simm.s32 $0x0;
	s20 =	sshll.u32 s4, $0x1;
	s4 =	sadd.s32 s21, s2  }
0x9d: {  	[timem:s6], [sflag:s22] =	dma.local [hbm:s4], s20  }
0x9e: {  	_ =	swait.ge [sflag:s22], s20  }
0x9f: {  	s3 =	ssub.s32 $0x0, s20;
	[sflag:s22] =	ssyncset.done $0x0  }
0xa0: {  	[sflag:s22] =	ssyncadd.s32 s3;
	_ =	sdelay $0x1  }
0xa1: {  	s23 =	simm.s32 $0x1B8B  }
0xa2: {  	_ =	swait.ge [sflag:s23], $0x1  }
0xa3: {  	[sflag:s23] =	ssyncset.done $0x0  }
0xa4: {  	s25 =	simm.s32 $0x1B8E;
	s24 =	sld [smem:$0x3FFE];
	[sflag:s23] =	ssyncadd.s32 $0xFFFFFFFF  }
0xa5: {  	s26 =	simm.s32 $execute0_lowered;
	[smem:$0x3FD2] =	sst s25  }
0xa6: {  	s4 =	sshll.u32 s26, $0x1;
	_ =	strace $0x8000004F;
	[dreg:$0x1] =	wrdreg $0xFFFFFFFF  }
0xa7: {  	s28 =	simm.s32 $_size_execute0_lowered;
	s2 =	sadd.s32 s2, s4;
	[dreg:$0x0] =	wrdreg $0x0  }
0xa8: {  	s4 =	sshll.u32 s28, $0x1;
	[dreg:$0x2] =	wrdreg s2  }
0xa9: {  	[dreg:$0x3] =	wrdreg s4  }
0xaa: {  	[dreg:$0x4] =	wrdreg $0xC0  }
0xab: {  	_ =	task [dreg:s6], $0x5FFFF  }
0xac: {  	[dreg:$0x1] =	wrdreg $0xFFFFFFFF  }
0xad: {  	[dreg:$0x0] =	wrdreg $0x60  }
0xae: {  	[dreg:$0x2] =	wrdreg s24  }
0xaf: {  	[dreg:$0x3] =	wrdreg $0xA8000  }
0xb0: {  	[dreg:$0x4] =	wrdreg $0x9  }
0xb1: {  	_ =	task.clear_ibuf [dreg:s6], $0x5FFFF;
	_ =	strace $0x9000004F  }
0xb2: {  	s29 =	simm.s32 $0x9;
	_ =	strace $0x80000051  }
0xb3: {  	_ =	swait.ge [sflag:s29], $0x1  }
0xb4: {  	[sflag:s29] =	ssyncadd.s32 $0xFFFFFFFF  }
0xb5: {  	_ =	strace $0x90000051  }
0xb6: {  	_ =	sfence  }
0xb7: {  	s30 =	sld [smem:$0x0];
	_ =	sdelay $0x2  }
0xb8: {  	s31 =	sshll.u32 s1, $0xD;
	s1 =	sshrl.u32 s1, $0x2  }
0xb9: {  	s3 =	sand.u32 $0x4000, s31;
	s1 =	sadd.s32 s1, s30  }
0xba: {  	s0 =	sor.u32 s3, s0;
	s1 =	sshll.u32 s1, $0x11  }
0xbb: {  	s0 =	sor.u32 s1, s0  }
0xbc: {  	s0 =	sadd.s32 $0x8F2B, s0  }
0xbd: {  	[sflag:s0] =	ssyncadd.remote.s32 $0x1  }
0xbe: {  	_ =	sfence.sel $0xFFFF  }
0xbf: {  	[dreg:$0x0] =	wrdreg $0xFFFFFFFF;
	(pc) =	sbr.abs _section_cstart, $3  }
0xc0: {  	[dreg:$0x1] =	wrdreg $0xFFFFFFFF  }
0xc1: {  	_ =	task.clear_ibuf [dreg:s6], $0x2FFFF;
	_ =	strace $0x9FFFFFFF  }
0xc2: {  	(tm) =	ssettm $0x7FFFFFFF  }
0xc3: {  	_ =	shalt  }
tec
execute0_lowered:
.L_overlay_start_1:
0x0: {  	(tag) =	ssettag $0x1  }
0x1: {  	s6 =	rddreg [dreg:$0x0]  }
0x2: {  	s1 =	rddreg [dreg:$0x1]  }
0x3: {  	s0 =	rddreg [dreg:$0x2];
	s3 =	simm.s32 $0x0;
	s2 =	srdreg.scid  }
0x4: {  	s16 =	simm.s32 $0x1400;
	s17 =	simm.s32 $0x80;
	s18 =	simm.s32 $0x2800  }
0x5: {  	s19 =	simm.s32 $0x6800;
	s20 =	simm.s32 $0x3;
	s21 =	simm.s32 $0x1  }
0x6: {  	s22 =	simm.s32 $0x2;
	s23 =	simm.s32 $0x2700;
	s24 =	simm.s32 $0x2780  }
0x7: {  	s25 =	simm.s32 $0x0;
	[smem:$0x7FF] =	sst s3;
	s7 =	sand.u32 $0x1, s2  }
0x8: {  	s2 =	stileid.u32;
	s4 =	sadd.s32 $0x18200, s6;
	s10 =	sadd.s32 $0xE200, s6  }
0x9: {  	s11 =	sadd.s32 $0x4200, s6;
	s5 =	sadd.s32 $0x3F400, s6;
	s8 =	smul.u32 $0x13C000, s7  }
0xa: {  	s9 =	smul.u32 $0x13C00, s2;
	s26 =	sshll.u32 s7, $0x4;
	s7 =	ssub.s32 $0x2, s7  }
0xb: {  	_ =	strace $0x80000050;
	s12 =	smul.u32 $0x4F000, s2;
	s13 =	sshrl.u32 s7, $0x1  }
0xc: {  	s8 =	sadd.s32 s9, s8;
	s9 =	sor.u32 s2, s26;
	s13 =	ssub.s32 s7, s13  }
0xd: {  	s28 =	sshrl.u32 s12, $0x2;
	s8 =	sshrl.u32 s8, $0x3;
	s14 =	smul.u32 $0x2800, s9  }
0xe: {  	s9 =	smul.u32 $0x500, s9;
	s30 =	sadd.s32 s28, s1;
	s13 =	smax.u32 s13, $0x1  }
0xf: {  	s15 =	sadd.s32 s8, s6;
	s6 =	sshll.u32 s2, $0x6;
	s29 =	sshrl.u32 s14, $0x3  }
0x10: {  	s7 =	sor.u32 $0x1C03, s6;
	s8 =	sadd.s32 s10, s9;
	s9 =	sadd.s32 s11, s9  }
0x11: {  	s12 =	sadd.s32 $0x41C00, s15;
	s14 =	sshrl.u32 s30, $0x3;
	s31 =	sadd.s32 $0x280, s29  }
0x12: {  	s15 =	simm.s32 $0x4;
	s10 =	sadd.s32 s10, s31;
	s11 =	sadd.s32 s11, s31  }
.LBB2_1:
0x13: {  	[spmem:s14], [sflag:s7] =	dma.local [hbm:s5], $0x2780  }
0x14: {  	[tilespmem:s3], [sflag:$0x4] =	stream.linear.gather [hbm4b:s8+s3], $0x1400, $0x38;
	[tilespmem:$0x1E400] =	vst v63  }
0x15: {  	_ =	swait.ge [sflag:s15], $0x1400  }
0x16: {  	[sflag:s15] =	ssyncset.done $0x0  }
0x17: {  	[sflag:s15] =	ssyncadd.s32 $0xFFFFEC00  }
0x18: {  	[tilespmem:s16], [sflag:$0x4] =	stream.linear.gather [hbm4b:s9+s3], $0x1400, $0x38;
	[tilespmem:$0x1E400] =	vst v63  }
0x19: {  	_ =	swait.ge [sflag:s15], $0x1400  }
0x1a: {  	[sflag:s15] =	ssyncset.done $0x0  }
0x1b: {  	[sflag:s15] =	ssyncadd.s32 $0xFFFFEC00  }
0x1c: {  	[tilespmem:s18], [sflag:$0x1] =	stream.indirect.gather [hbm4b:s4+s17], $0x80, s3, s17, $0xb8;
	[tilespmem:$0x1E400] =	vst v63  }
0x1d: {  	_ = 	snop  }
0x1e: {  	[tilespmem:s19], [sflag:$0x2] =	stream.indirect.gather [hbm4b:s4+s17], $0x80, s17, s17, $0xb8;
	[tilespmem:$0x1E400] =	vst v63  }
0x1f: {  	_ =	swait.ge [sflag:s20], $0x2780  }
0x20: {  	[sflag:s20] =	ssyncset.done $0x0  }
0x21: {  	[sflag:s20] =	ssyncadd.s32 $0xFFFFD880  }
0x22: {  	[bflag:$0x0] =	sbarrier.arrive $0xFFFF  }
0x23: {  	_ =	swait.ge [sflag:s21], $0x4000  }
0x24: {  	[sflag:s21] =	ssyncset.done $0x0  }
0x25: {  	s26 =	simm.s32 $0x1400;
	[sflag:s21] =	ssyncadd.s32 $0xFFFFC000  }
0x26: {  	[spmem:s1] =	stream.indirect.scatter.add.f32 [tilespmem:s18], [sflag:$0x4], $0x80, s26, s17, $0xb8;
	[tilespmem:$0x1E400] =	vst v63  }
0x27: {  	_ =	swait.ge [sflag:s15], $0x4000  }
0x28: {  	[sflag:s15] =	ssyncset.done $0x0  }
0x29: {  	s30 =	simm.s32 $0x100;
	[sflag:s15] =	ssyncadd.s32 $0xFFFFC000  }
0x2a: {  	[tilespmem:s18], [sflag:$0x1] =	stream.indirect.gather [hbm4b:s4+s17], $0x80, s30, s17, $0xb8;
	[tilespmem:$0x1E400] =	vst v63  }
0x2b: {  	_ =	swait.ge [sflag:s22], $0x4000  }
0x2c: {  	[sflag:s22] =	ssyncset.done $0x0  }
0x2d: {  	s31 =	simm.s32 $0x1480;
	[sflag:s22] =	ssyncadd.s32 $0xFFFFC000  }
0x2e: {  	[spmem:s1] =	stream.indirect.scatter.add.f32 [tilespmem:s19], [sflag:$0x4], $0x80, s31, s17, $0xb8;
	[tilespmem:$0x1E400] =	vst v63  }
0x2f: {  	_ =	swait.ge [sflag:s15], $0x4000  }
0x30: {  	[sflag:s15] =	ssyncset.done $0x0  }
0x31: {  	s28 =	simm.s32 $0x180;
	s26 =	simm.s32 $0x400;
	[sflag:s15] =	ssyncadd.s32 $0xFFFFC000  }
.LBB2_2:
0x32: {  	[tilespmem:s19], [sflag:$0x2] =	stream.indirect.gather [hbm4b:s4+s17], $0x80, s28, s17, $0xb8;
	[tilespmem:$0x1E400] =	vst v63  }
0x33: {  	s28 =	smov.u32 s26  }
0x34: {  	p0 =	sne.s32 s26, $0x4800;
	s26 =	sadd.s32 $0x400, s26;
	_ =	swait.ge [sflag:s21], $0x4000  }
0x35: {  	s28 =	sshra.s32 s28, $0x2;
	[sflag:s21] =	ssyncset.done $0x0  }
0x36: {  	s29 =	sadd.s32 $0x1400, s28;
	[sflag:s21] =	ssyncadd.s32 $0xFFFFC000  }
0x37: {  	[spmem:s1] =	stream.indirect.scatter.add.f32 [tilespmem:s18], [sflag:$0x4], $0x80, s29, s17, $0xb8;
	[tilespmem:$0x1E400] =	vst v63  }
0x38: {  	_ =	swait.ge [sflag:s15], $0x4000  }
0x39: {  	[sflag:s15] =	ssyncset.done $0x0  }
0x3a: {  	s29 =	sadd.s32 $0x100, s28;
	[sflag:s15] =	ssyncadd.s32 $0xFFFFC000  }
0x3b: {  	[tilespmem:s18], [sflag:$0x1] =	stream.indirect.gather [hbm4b:s4+s17], $0x80, s29, s17, $0xb8;
	[tilespmem:$0x1E400] =	vst v63  }
0x3c: {  	_ =	swait.ge [sflag:s22], $0x4000  }
0x3d: {  	[sflag:s22] =	ssyncset.done $0x0  }
.Ltmp0:
0x3e: {  	s29 =	sadd.s32 $0x1480, s28;
	[sflag:s22] =	ssyncadd.s32 $0xFFFFC000;
	(pc) =	sbr.rel @p0 .LBB2_2-.Ltmp0, $4  }
0x3f: {  	[spmem:s1] =	stream.indirect.scatter.add.f32 [tilespmem:s19], [sflag:$0x4], $0x80, s29, s17, $0xb8;
	[tilespmem:$0x1E400] =	vst v63  }
0x40: {  	_ =	swait.ge [sflag:s15], $0x4000  }
0x41: {  	[sflag:s15] =	ssyncset.done $0x0  }
0x42: {  	s28 =	sadd.s32 $0x180, s28;
	[sflag:s15] =	ssyncadd.s32 $0xFFFFC000  }
0x43: {  	[tilespmem:s19], [sflag:$0x2] =	stream.indirect.gather [hbm4b:s4+s17], $0x80, s28, s17, $0xb8;
	[tilespmem:$0x1E400] =	vst v63  }
0x44: {  	_ =	swait.ge [sflag:s21], $0x4000  }
0x45: {  	[sflag:s21] =	ssyncset.done $0x0  }
0x46: {  	[sflag:s21] =	ssyncadd.s32 $0xFFFFC000  }
0x47: {  	[spmem:s1] =	stream.indirect.scatter.add.f32 [tilespmem:s18], [sflag:$0x4], $0x80, s23, s17, $0xb8;
	[tilespmem:$0x1E400] =	vst v63  }
0x48: {  	_ =	swait.ge [sflag:s15], $0x4000  }
0x49: {  	[sflag:s15] =	ssyncset.done $0x0  }
0x4a: {  	[sflag:s15] =	ssyncadd.s32 $0xFFFFC000  }
0x4b: {  	_ =	swait.ge [sflag:s22], $0x4000  }
0x4c: {  	[sflag:s22] =	ssyncset.done $0x0  }
0x4d: {  	[sflag:s22] =	ssyncadd.s32 $0xFFFFC000  }
0x4e: {  	[spmem:s1] =	stream.indirect.scatter.add.f32 [tilespmem:s19], [sflag:$0x4], $0x80, s24, s17, $0xb8;
	[tilespmem:$0x1E400] =	vst v63  }
0x4f: {  	_ =	swait.ge [sflag:s15], $0x4000  }
0x50: {  	[sflag:s15] =	ssyncset.done $0x0  }
0x51: {  	s26 =	simm.s32 $0x0;
	[sflag:s15] =	ssyncadd.s32 $0xFFFFC000  }
0x52: {  	[tilespmem:s26], [sflag:$0x4] =	stream.linear.gather [hbm4b:s10+s26], $0x1400, $0x38;
	[tilespmem:$0x1E400] =	vst v63  }
0x53: {  	_ =	swait.ge [sflag:s15], $0x1400  }
0x54: {  	[sflag:s15] =	ssyncset.done $0x0  }
0x55: {  	[sflag:s15] =	ssyncadd.s32 $0xFFFFEC00  }
0x56: {  	[tilespmem:s16], [sflag:$0x4] =	stream.linear.gather [hbm4b:s11+s26], $0x1400, $0x38;
	[tilespmem:$0x1E400] =	vst v63  }
0x57: {  	_ =	swait.ge [sflag:s15], $0x1400  }
0x58: {  	[sflag:s15] =	ssyncset.done $0x0  }
0x59: {  	[sflag:s15] =	ssyncadd.s32 $0xFFFFEC00  }
0x5a: {  	[tilespmem:s18], [sflag:$0x1] =	stream.indirect.gather [hbm4b:s4+s17], $0x80, s26, s17, $0xb8;
	[tilespmem:$0x1E400] =	vst v63  }
0x5b: {  	_ = 	snop  }
0x5c: {  	[tilespmem:s19], [sflag:$0x2] =	stream.indirect.gather [hbm4b:s4+s17], $0x80, s17, s17, $0xb8;
	[tilespmem:$0x1E400] =	vst v63  }
0x5d: {  	_ =	swait.ge [sflag:s21], $0x4000  }
0x5e: {  	[sflag:s21] =	ssyncset.done $0x0  }
0x5f: {  	s29 =	simm.s32 $0x1400;
	[sflag:s21] =	ssyncadd.s32 $0xFFFFC000  }
0x60: {  	[spmem:s1] =	stream.indirect.scatter.add.f32 [tilespmem:s18], [sflag:$0x4], $0x80, s29, s17, $0xb8;
	[tilespmem:$0x1E400] =	vst v63  }
0x61: {  	_ =	swait.ge [sflag:s15], $0x4000  }
0x62: {  	[sflag:s15] =	ssyncset.done $0x0  }
0x63: {  	s30 =	simm.s32 $0x100;
	[sflag:s15] =	ssyncadd.s32 $0xFFFFC000  }
0x64: {  	[tilespmem:s18], [sflag:$0x1] =	stream.indirect.gather [hbm4b:s4+s17], $0x80, s30, s17, $0xb8;
	[tilespmem:$0x1E400] =	vst v63  }
0x65: {  	_ =	swait.ge [sflag:s22], $0x4000  }
0x66: {  	[sflag:s22] =	ssyncset.done $0x0  }
0x67: {  	s31 =	simm.s32 $0x1480;
	[sflag:s22] =	ssyncadd.s32 $0xFFFFC000  }
0x68: {  	[spmem:s1] =	stream.indirect.scatter.add.f32 [tilespmem:s19], [sflag:$0x4], $0x80, s31, s17, $0xb8;
	[tilespmem:$0x1E400] =	vst v63  }
0x69: {  	_ =	swait.ge [sflag:s15], $0x4000  }
0x6a: {  	[sflag:s15] =	ssyncset.done $0x0  }
0x6b: {  	s28 =	simm.s32 $0x180;
	s26 =	simm.s32 $0x400;
	[sflag:s15] =	ssyncadd.s32 $0xFFFFC000  }
.LBB2_4:
0x6c: {  	[tilespmem:s19], [sflag:$0x2] =	stream.indirect.gather [hbm4b:s4+s17], $0x80, s28, s17, $0xb8;
	[tilespmem:$0x1E400] =	vst v63  }
0x6d: {  	s28 =	smov.u32 s26  }
0x6e: {  	p0 =	sne.s32 s26, $0x4800;
	s26 =	sadd.s32 $0x400, s26;
	_ =	swait.ge [sflag:s21], $0x4000  }
0x6f: {  	s28 =	sshra.s32 s28, $0x2;
	[sflag:s21] =	ssyncset.done $0x0  }
0x70: {  	s29 =	sadd.s32 $0x1400, s28;
	[sflag:s21] =	ssyncadd.s32 $0xFFFFC000  }
0x71: {  	[spmem:s1] =	stream.indirect.scatter.add.f32 [tilespmem:s18], [sflag:$0x4], $0x80, s29, s17, $0xb8;
	[tilespmem:$0x1E400] =	vst v63  }
0x72: {  	_ =	swait.ge [sflag:s15], $0x4000  }
0x73: {  	[sflag:s15] =	ssyncset.done $0x0  }
0x74: {  	s29 =	sadd.s32 $0x100, s28;
	[sflag:s15] =	ssyncadd.s32 $0xFFFFC000  }
0x75: {  	[tilespmem:s18], [sflag:$0x1] =	stream.indirect.gather [hbm4b:s4+s17], $0x80, s29, s17, $0xb8;
	[tilespmem:$0x1E400] =	vst v63  }
0x76: {  	_ =	swait.ge [sflag:s22], $0x4000  }
0x77: {  	[sflag:s22] =	ssyncset.done $0x0  }
.Ltmp1:
0x78: {  	s29 =	sadd.s32 $0x1480, s28;
	[sflag:s22] =	ssyncadd.s32 $0xFFFFC000;
	(pc) =	sbr.rel @p0 .LBB2_4-.Ltmp1, $4  }
0x79: {  	[spmem:s1] =	stream.indirect.scatter.add.f32 [tilespmem:s19], [sflag:$0x4], $0x80, s29, s17, $0xb8;
	[tilespmem:$0x1E400] =	vst v63  }
0x7a: {  	_ =	swait.ge [sflag:s15], $0x4000  }
0x7b: {  	[sflag:s15] =	ssyncset.done $0x0  }
0x7c: {  	s28 =	sadd.s32 $0x180, s28;
	[sflag:s15] =	ssyncadd.s32 $0xFFFFC000  }
0x7d: {  	[tilespmem:s19], [sflag:$0x2] =	stream.indirect.gather [hbm4b:s4+s17], $0x80, s28, s17, $0xb8;
	[tilespmem:$0x1E400] =	vst v63  }
0x7e: {  	_ =	swait.ge [sflag:s21], $0x4000  }
0x7f: {  	[sflag:s21] =	ssyncset.done $0x0  }
0x80: {  	[sflag:s21] =	ssyncadd.s32 $0xFFFFC000  }
0x81: {  	[spmem:s1] =	stream.indirect.scatter.add.f32 [tilespmem:s18], [sflag:$0x4], $0x80, s23, s17, $0xb8;
	[tilespmem:$0x1E400] =	vst v63  }
0x82: {  	_ =	swait.ge [sflag:s15], $0x4000  }
0x83: {  	[sflag:s15] =	ssyncset.done $0x0  }
0x84: {  	[sflag:s15] =	ssyncadd.s32 $0xFFFFC000  }
0x85: {  	_ =	swait.ge [sflag:s22], $0x4000  }
0x86: {  	[sflag:s22] =	ssyncset.done $0x0  }
0x87: {  	[sflag:s22] =	ssyncadd.s32 $0xFFFFC000  }
0x88: {  	[spmem:s1] =	stream.indirect.scatter.add.f32 [tilespmem:s19], [sflag:$0x4], $0x80, s24, s17, $0xb8;
	[tilespmem:$0x1E400] =	vst v63  }
0x89: {  	_ =	swait.ge [sflag:s15], $0x4000  }
0x8a: {  	s25 =	sadd.s32 $0x1, s25;
	[sflag:s15] =	ssyncset.done $0x0  }
0x8b: {  	p0 =	sne.s32 s25, s13;
	[sflag:s15] =	ssyncadd.s32 $0xFFFFC000  }
.Ltmp2:
0x8c: {  	s26 =	sor.u32 $0x1C04, s6;
	[bflag:$0x0] =	sbarrier.arrive $0xFFFF;
	(pc) =	sbr.rel @p0 .LBB2_1-.Ltmp2, $4  }
0x8d: {  	[hbm:s12], [sflag:s26] =	dma.local [spmem:s14], $0x2780  }
0x8e: {  	_ =	swait.ge [sflag:s15], $0x2780  }
0x8f: {  	[sflag:s15] =	ssyncset.done $0x0  }
0x90: {  	[sflag:s15] =	ssyncadd.s32 $0xFFFFD880  }
0x91: {  	_ =	sfence.sel $0x180000  }
0x92: {  	[bflag:$0x0] =	sbarrier.arrive $0xFFFF  }
0x93: {  	p0 =	sne.s32 s2, $0x0;
	_ =	strace $0x90000050  }
0x94: {  	s0 =	sadd.s32 @!p0 $0x100000, s0;
	[bflag:$0x2] =	sbarrier.arrive $0xFFFF  }
0x95: {  	[sflag:s0] =	ssyncadd.tile.s32 @!p0 $0x1;
	_ =	shalt  }
.Lfunc_end2:
_tile_overlayer_lowered:
.L_overlay_start_2:
0x96: {  	(tag) =	ssettag $0x2  }
0x97: {  	s0 =	rddreg [dreg:$0x0];
	s2 =	stileid.u32  }
0x98: {  	s1 =	rddreg [dreg:$0x1];
	p0 =	sne.s32 s2, $0x0  }
0x99: {  	s3 =	rddreg [dreg:$0x2];
	[bflag:$0x3] =	sbarrier.arrive $0xFFFF;
	s2 =	simm.s32 @!p0 $0x1C04  }
0x9a: {  	[timem:s3], [sflag:s2] =	dma.local @!p0 [hbm:s0], s1  }
0x9b: {  	s0 =	simm.s32 @!p0 $0x4  }
0x9c: {  	_ =	swait.ge @!p0 [sflag:s0], s1  }
0x9d: {  	s1 =	ssub.s32 @!p0 $0x0, s1;
	[sflag:s0] =	ssyncset.done @!p0 $0x0  }
0x9e: {  	[sflag:s0] =	ssyncadd.s32 @!p0 s1  }
0x9f: {  	[bflag:$0x3] =	sbarrier.arrive $0xFFFF  }
0xa0: {  	_ =	shalt  }

</sc_bundles>
